<compile_context>
chip_gen: v7x
topology: tpu7x:2x2x1
jax: 0.10.2.dev20260603
libtpu: 0.0.44.dev20260713+nightly
codegen_flags: <defaults>
</compile_context>

<pallas_src>
import functools

import jax
import jax.numpy as jnp
from jax import lax
from jax.experimental import pallas as pl
from jax.experimental.pallas import tpu as pltpu
from jax.experimental.pallas import tpu_sc as plsc

B, N, D = 2, 512, 128
R_SC = 512
N_TC = N - R_SC
NWB = 16
RW = R_SC // NWB
DV = D // 16


def _tc_body(adj_ref, feats16_ref, feats32_ref, out_ref):
    adj = adj_ref[...]
    feats = feats16_ref[...]
    masked = adj[:, :, None] * feats[None, :, :]
    mins = jnp.min(masked, axis=1)
    maxs = jnp.max(masked, axis=1)
    out_ref[:, 0:D] = feats32_ref[pl.ds(0, N_TC), :]
    out_ref[:, D:2 * D] = mins.astype(jnp.float32)
    out_ref[:, 2 * D:3 * D] = maxs.astype(jnp.float32)


def _tc_call(adj16, feats16, feats):
    return pl.pallas_call(
        _tc_body,
        grid=(B,),
        in_specs=[
            pl.BlockSpec((None, N_TC, N), lambda b: (b, 0, 0)),
            pl.BlockSpec((None, N, D), lambda b: (b, 0, 0)),
            pl.BlockSpec((None, N, D), lambda b: (b, 0, 0)),
        ],
        out_specs=pl.BlockSpec((None, N_TC, 3 * D), lambda b: (b, 0, 0)),
        out_shape=jax.ShapeDtypeStruct((B, N_TC, 3 * D), jnp.float32),
        compiler_params=pltpu.CompilerParams(
            dimension_semantics=("parallel",)),
    )(adj16[:, :N_TC, :], feats16, feats)


@functools.partial(
    pl.kernel,
    out_type=jax.ShapeDtypeStruct((B, R_SC, 3 * D), jnp.float32),
    mesh=plsc.VectorSubcoreMesh(core_axis_name="c", subcore_axis_name="s"),
    scratch_types=[
        pltpu.VMEM((N, D), jnp.float32),
        pltpu.VMEM((RW, N), jnp.float32),
        pltpu.VMEM((RW, 3 * D), jnp.float32),
    ],
)
def _sc_minmax(adj_hbm, feats_hbm, out_hbm, feats_v, adj_v, out_v):
    c = lax.axis_index("c")
    s = lax.axis_index("s")
    wid = s * 2 + c
    b = wid // NWB
    r0 = (N - R_SC) + (wid % NWB) * RW
    o0 = (wid % NWB) * RW
    pltpu.sync_copy(feats_hbm.at[b], feats_v)
    pltpu.sync_copy(adj_hbm.at[b, pl.ds(r0, RW)], adj_v)

    DH = DV // 2

    def pair_body(rp, _):
        for dh in range(2):
            def j16_body(jv, accs):
                mins0, maxs0, mins1, maxs1 = accs
                a0 = adj_v[2 * rp, pl.ds(jv * 16, 16)]
                a1 = adj_v[2 * rp + 1, pl.ds(jv * 16, 16)]
                mins0, maxs0 = list(mins0), list(maxs0)
                mins1, maxs1 = list(mins1), list(maxs1)
                for k in range(16):
                    j = jv * 16 + k
                    s0 = a0[k]
                    s1 = a1[k]
                    for dv in range(DH):
                        f = feats_v[j, pl.ds((dh * DH + dv) * 16, 16)]
                        p0 = s0 * f
                        p1 = s1 * f
                        mins0[dv] = jnp.minimum(mins0[dv], p0)
                        maxs0[dv] = jnp.maximum(maxs0[dv], p0)
                        mins1[dv] = jnp.minimum(mins1[dv], p1)
                        maxs1[dv] = jnp.maximum(maxs1[dv], p1)
                return (tuple(mins0), tuple(maxs0),
                        tuple(mins1), tuple(maxs1))

            pinf = tuple(jnp.full((16,), jnp.inf, jnp.float32)
                         for _ in range(DH))
            ninf = tuple(jnp.full((16,), -jnp.inf, jnp.float32)
                         for _ in range(DH))
            mins0, maxs0, mins1, maxs1 = lax.fori_loop(
                0, N // 16, j16_body, (pinf, ninf, pinf, ninf))
            for dv in range(DH):
                d0 = (dh * DH + dv) * 16
                sl = pl.ds(d0, 16)
                out_v[2 * rp, sl] = feats_v[r0 + 2 * rp, sl]
                out_v[2 * rp + 1, sl] = feats_v[r0 + 2 * rp + 1, sl]
                out_v[2 * rp, pl.ds(D + d0, 16)] = mins0[dv]
                out_v[2 * rp, pl.ds(2 * D + d0, 16)] = maxs0[dv]
                out_v[2 * rp + 1, pl.ds(D + d0, 16)] = mins1[dv]
                out_v[2 * rp + 1, pl.ds(2 * D + d0, 16)] = maxs1[dv]
        return 0

    lax.fori_loop(0, RW // 2, pair_body, 0)
    pltpu.sync_copy(out_v, out_hbm.at[b, pl.ds(o0, RW)])


def kernel(adjMs, feats):
    parts = []
    if R_SC > 0:
        sc_out = _sc_minmax(adjMs, feats)
    if N_TC > 0:
        adj16 = adjMs.astype(jnp.bfloat16)
        feats16 = feats.astype(jnp.bfloat16)
        parts.append(_tc_call(adj16, feats16, feats))
    if R_SC > 0:
        parts.append(sc_out)
    out = parts[0] if len(parts) == 1 else jnp.concatenate(parts, axis=1)
    return (adjMs, out)

# --- scband reference (transcript-rebuilt; emitter-appended) ---
"""Pipeline reference for scband-min-and-max-50345606644187 (READ-ONLY COPY).

The authoritative reference and input builder live on the scoring server;
editing this copy changes nothing except your own understanding.
"""

import jax, jax.numpy as jnp
import numpy as np


def featurized_adjacency(adjMs, feats):
    # [B, N, N, 1] * [B, 1, N, d] -> [B, N, N, d]
    return adjMs[..., None] * feats[:, None, :, :]


def setup_inputs(seed: int = 0) -> dict:
    key = jax.random.key(seed)
    k1, k2 = jax.random.split(key)
    adjMs = jax.random.randint(k1, (2, 512, 512), 0, 2).astype(jnp.float32)
    feats = jax.random.normal(k2, (2, 512, 128), dtype=jnp.float32)
    return {"adjMs": adjMs, "feats": feats}


def reference(adjMs, feats):
    featMat = featurized_adjacency(adjMs, feats)
    mins = jnp.min(featMat, axis=2)
    maxs = jnp.max(featMat, axis=2)
    out = jnp.concatenate([mins, maxs], axis=-1)
    # keepOriginals=True
    out = jnp.concatenate([feats, out], axis=-1)
    return (adjMs, out)

if __name__ == "__main__":
    import jax
    _d = setup_inputs()
    print(jax.jit(kernel)(*tuple(_d.values())))

</pallas_src>

<mosaic_0001>
#map = affine_map<(d0, d1) -> (0, 0, 0)>
module attributes {stable_mosaic.version = 14 : i64} {
  func.func @_sc_minmax(%arg0: i32, %arg1: i32, %arg2: memref<2x512x512xf32, #tpu.memory_space<hbm>>, %arg3: memref<2x512x128xf32, #tpu.memory_space<hbm>>, %arg4: memref<2x512x384xf32, #tpu.memory_space<hbm>>, %arg5: memref<512x128xf32, #tpu.memory_space<vmem>>, %arg6: memref<32x512xf32, #tpu.memory_space<vmem>>, %arg7: memref<32x384xf32, #tpu.memory_space<vmem>>) attributes {dimension_semantics = [#tpu.dimension_semantics<core_parallel>, #tpu.dimension_semantics<subcore_parallel>], iteration_bounds = array<i64: 2, 16>, scalar_prefetch = 0 : i64, scratch_operands = 3 : i64, tpu.core_type = #tpu.core_type<sc_vector_subcore>, window_params = [{transform_indices = #map}, {transform_indices = #map}, {transform_indices = #map}]} {
    %mul3A = arith.constant 2 : i32
    %mul3A_0 = arith.muli %arg1, %mul3A : i32
    %add3A = arith.addi %mul3A_0, %arg0 : i32
    %jit3A = arith.constant 16 : i32
    %div3A = arith.divsi %add3A, %jit3A : i32
    %sign3A = arith.constant 0 : i32
    %sign3A_1 = arith.cmpi sgt, %add3A, %sign3A : i32
    %sign3A_2 = arith.extui %sign3A_1 : i1 to i32
    %sign3A_3 = arith.constant 0 : i32
    %sign3A_4 = arith.cmpi slt, %add3A, %sign3A_3 : i32
    %sign3A_5 = arith.extui %sign3A_4 : i1 to i32
    %sign3A_6 = arith.subi %sign3A_2, %sign3A_5 : i32
    %sign3A_7 = arith.constant 0 : i32
    %sign3A_8 = arith.cmpi sgt, %jit3A, %sign3A_7 : i32
    %sign3A_9 = arith.extui %sign3A_8 : i1 to i32
    %sign3A_10 = arith.constant 0 : i32
    %sign3A_11 = arith.cmpi slt, %jit3A, %sign3A_10 : i32
    %sign3A_12 = arith.extui %sign3A_11 : i1 to i32
    %sign3A_13 = arith.subi %sign3A_9, %sign3A_12 : i32
    %ne3A = arith.cmpi ne, %sign3A_6, %sign3A_13 : i32
    %rem3A = arith.remsi %add3A, %jit3A : i32
    %ne3A_14 = arith.constant 0 : i32
    %ne3A_15 = arith.cmpi ne, %rem3A, %ne3A_14 : i32
    %and3A = arith.andi %ne3A, %ne3A_15 : i1
    %sub3A = arith.constant 1 : i32
    %sub3A_16 = arith.subi %div3A, %sub3A : i32
    %select_n3A = arith.select %and3A, %sub3A_16, %div3A : i32
    %jit3A_17 = arith.constant 16 : i32
    %eq3A = arith.constant 0 : i32
    %eq3A_18 = arith.cmpi eq, %jit3A_17, %eq3A : i32
    %jit3A_19 = arith.constant 1 : i32
    %select_n3A_20 = arith.select %eq3A_18, %jit3A_19, %jit3A_17 : i32
    %rem3A_21 = arith.remsi %add3A, %select_n3A_20 : i32
    %ne3A_22 = arith.constant 0 : i32
    %ne3A_23 = arith.cmpi ne, %rem3A_21, %ne3A_22 : i32
    %lt3A = arith.constant 0 : i32
    %lt3A_24 = arith.cmpi slt, %rem3A_21, %lt3A : i32
    %lt3A_25 = arith.constant 0 : i32
    %lt3A_26 = arith.cmpi slt, %select_n3A_20, %lt3A_25 : i32
    %ne3A_27 = arith.xori %lt3A_24, %lt3A_26 : i1
    %and3A_28 = arith.andi %ne3A_27, %ne3A_23 : i1
    %add3A_29 = arith.addi %rem3A_21, %select_n3A_20 : i32
    %select_n3A_30 = arith.select %and3A_28, %add3A_29, %rem3A_21 : i32
    %mul3A_31 = arith.constant 32 : i32
    %mul3A_32 = arith.muli %select_n3A_30, %mul3A_31 : i32
    %add3A_33 = arith.constant 0 : i32
    %add3A_34 = arith.addi %add3A_33, %mul3A_32 : i32
    %jit3A_35 = arith.constant 16 : i32
    %eq3A_36 = arith.constant 0 : i32
    %eq3A_37 = arith.cmpi eq, %jit3A_35, %eq3A_36 : i32
    %jit3A_38 = arith.constant 1 : i32
    %select_n3A_39 = arith.select %eq3A_37, %jit3A_38, %jit3A_35 : i32
    %rem3A_40 = arith.remsi %add3A, %select_n3A_39 : i32
    %ne3A_41 = arith.constant 0 : i32
    %ne3A_42 = arith.cmpi ne, %rem3A_40, %ne3A_41 : i32
    %lt3A_43 = arith.constant 0 : i32
    %lt3A_44 = arith.cmpi slt, %rem3A_40, %lt3A_43 : i32
    %lt3A_45 = arith.constant 0 : i32
    %lt3A_46 = arith.cmpi slt, %select_n3A_39, %lt3A_45 : i32
    %ne3A_47 = arith.xori %lt3A_44, %lt3A_46 : i1
    %and3A_48 = arith.andi %ne3A_47, %ne3A_42 : i1
    %add3A_49 = arith.addi %rem3A_40, %select_n3A_39 : i32
    %select_n3A_50 = arith.select %and3A_48, %add3A_49, %rem3A_40 : i32
    %mul3A_51 = arith.constant 32 : i32
    %mul3A_52 = arith.muli %select_n3A_50, %mul3A_51 : i32
    "tpu.region"() ({
      %run_scoped3A = tpu.sem_alloc : memref<!tpu.dma_semaphore, #tpu.memory_space<semaphore_mem>>
      %dma_start3A = arith.constant 0 : i32
      %dma_start3A_59 = arith.constant 0 : i32
      %dma_start3A_60 = tpu.memref_slice %arg3[%select_n3A, %dma_start3A, %dma_start3A_59] : memref<2x512x128xf32, #tpu.memory_space<hbm>> -> memref<1x512x128xf32, #tpu.memory_space<hbm>>
      %dma_start3A_61 = tpu.memref_squeeze %dma_start3A_60 : memref<1x512x128xf32, #tpu.memory_space<hbm>> -> memref<512x128xf32, #tpu.memory_space<hbm>>
      %dma_start3A_62 = arith.constant 0 : i32
      %dma_start3A_63 = arith.constant 0 : i32
      %dma_start3A_64 = tpu.memref_slice %arg3[%select_n3A, %dma_start3A_62, %dma_start3A_63] : memref<2x512x128xf32, #tpu.memory_space<hbm>> -> memref<1x512x128xf32, #tpu.memory_space<hbm>>
      %dma_start3A_65 = tpu.memref_squeeze %dma_start3A_64 : memref<1x512x128xf32, #tpu.memory_space<hbm>> -> memref<512x128xf32, #tpu.memory_space<hbm>>
      tpu.enqueue_dma source(%dma_start3A_65 : memref<512x128xf32, #tpu.memory_space<hbm>>) target(%arg5 : memref<512x128xf32, #tpu.memory_space<vmem>>) target_semaphore(%run_scoped3A : memref<!tpu.dma_semaphore, #tpu.memory_space<semaphore_mem>>)
      %dma_wait3A = arith.constant 0 : i32
      %dma_wait3A_66 = arith.constant 0 : i32
      %dma_wait3A_67 = tpu.memref_slice %arg3[%select_n3A, %dma_wait3A, %dma_wait3A_66] : memref<2x512x128xf32, #tpu.memory_space<hbm>> -> memref<1x512x128xf32, #tpu.memory_space<hbm>>
      %dma_wait3A_68 = tpu.memref_squeeze %dma_wait3A_67 : memref<1x512x128xf32, #tpu.memory_space<hbm>> -> memref<512x128xf32, #tpu.memory_space<hbm>>
      %dma_wait3A_69 = arith.constant 0 : i32
      %dma_wait3A_70 = arith.constant 0 : i32
      %dma_wait3A_71 = tpu.memref_slice %arg3[%select_n3A, %dma_wait3A_69, %dma_wait3A_70] : memref<2x512x128xf32, #tpu.memory_space<hbm>> -> memref<1x512x128xf32, #tpu.memory_space<hbm>>
      %dma_wait3A_72 = tpu.memref_squeeze %dma_wait3A_71 : memref<1x512x128xf32, #tpu.memory_space<hbm>> -> memref<512x128xf32, #tpu.memory_space<hbm>>
      tpu.wait_dma2 semaphore(%run_scoped3A : memref<!tpu.dma_semaphore, #tpu.memory_space<semaphore_mem>>) src(%dma_wait3A_72 : memref<512x128xf32, #tpu.memory_space<hbm>>) dst(%arg5 : memref<512x128xf32, #tpu.memory_space<vmem>>)
      tpu.yield
    }) : () -> ()
    "tpu.region"() ({
      %run_scoped3A = tpu.sem_alloc : memref<!tpu.dma_semaphore, #tpu.memory_space<semaphore_mem>>
      %dma_start3A = arith.constant 0 : i32
      %dma_start3A_59 = tpu.memref_slice %arg2[%select_n3A, %add3A_34, %dma_start3A] : memref<2x512x512xf32, #tpu.memory_space<hbm>> -> memref<1x32x512xf32, #tpu.memory_space<hbm>>
      %dma_start3A_60 = tpu.memref_squeeze %dma_start3A_59 : memref<1x32x512xf32, #tpu.memory_space<hbm>> -> memref<32x512xf32, #tpu.memory_space<hbm>>
      %dma_start3A_61 = arith.constant 0 : i32
      %dma_start3A_62 = tpu.memref_slice %arg2[%select_n3A, %add3A_34, %dma_start3A_61] : memref<2x512x512xf32, #tpu.memory_space<hbm>> -> memref<1x32x512xf32, #tpu.memory_space<hbm>>
      %dma_start3A_63 = tpu.memref_squeeze %dma_start3A_62 : memref<1x32x512xf32, #tpu.memory_space<hbm>> -> memref<32x512xf32, #tpu.memory_space<hbm>>
      tpu.enqueue_dma source(%dma_start3A_63 : memref<32x512xf32, #tpu.memory_space<hbm>>) target(%arg6 : memref<32x512xf32, #tpu.memory_space<vmem>>) target_semaphore(%run_scoped3A : memref<!tpu.dma_semaphore, #tpu.memory_space<semaphore_mem>>)
      %dma_wait3A = arith.constant 0 : i32
      %dma_wait3A_64 = tpu.memref_slice %arg2[%select_n3A, %add3A_34, %dma_wait3A] : memref<2x512x512xf32, #tpu.memory_space<hbm>> -> memref<1x32x512xf32, #tpu.memory_space<hbm>>
      %dma_wait3A_65 = tpu.memref_squeeze %dma_wait3A_64 : memref<1x32x512xf32, #tpu.memory_space<hbm>> -> memref<32x512xf32, #tpu.memory_space<hbm>>
      %dma_wait3A_66 = arith.constant 0 : i32
      %dma_wait3A_67 = tpu.memref_slice %arg2[%select_n3A, %add3A_34, %dma_wait3A_66] : memref<2x512x512xf32, #tpu.memory_space<hbm>> -> memref<1x32x512xf32, #tpu.memory_space<hbm>>
      %dma_wait3A_68 = tpu.memref_squeeze %dma_wait3A_67 : memref<1x32x512xf32, #tpu.memory_space<hbm>> -> memref<32x512xf32, #tpu.memory_space<hbm>>
      tpu.wait_dma2 semaphore(%run_scoped3A : memref<!tpu.dma_semaphore, #tpu.memory_space<semaphore_mem>>) src(%dma_wait3A_68 : memref<32x512xf32, #tpu.memory_space<hbm>>) dst(%arg6 : memref<32x512xf32, #tpu.memory_space<vmem>>)
      tpu.yield
    }) : () -> ()
    %scan3A = arith.constant 0 : i32
    %scan3A_53 = arith.constant 0 : i32
    %scan3A_54 = arith.constant 16 : i32
    %scan3A_55 = arith.addi %scan3A_53, %scan3A_54 : i32
    %scan3A_56 = arith.constant 1 : i32
    %scan3A_57 = scf.for %scan3A_59 = %scan3A_53 to %scan3A_55 step %scan3A_56 iter_args(%scan3A_60 = %scan3A) -> (i32)  : i32 {
      %broadcast_in_dim3A = arith.constant 0x7F800000 : f32
      %broadcast_in_dim3A_61 = vector.broadcast %broadcast_in_dim3A : f32 to vector<16xf32>
      %broadcast_in_dim3A_62 = arith.constant 0x7F800000 : f32
      %broadcast_in_dim3A_63 = vector.broadcast %broadcast_in_dim3A_62 : f32 to vector<16xf32>
      %broadcast_in_dim3A_64 = arith.constant 0x7F800000 : f32
      %broadcast_in_dim3A_65 = vector.broadcast %broadcast_in_dim3A_64 : f32 to vector<16xf32>
      %broadcast_in_dim3A_66 = arith.constant 0x7F800000 : f32
      %broadcast_in_dim3A_67 = vector.broadcast %broadcast_in_dim3A_66 : f32 to vector<16xf32>
      %broadcast_in_dim3A_68 = arith.constant 0xFF800000 : f32
      %broadcast_in_dim3A_69 = vector.broadcast %broadcast_in_dim3A_68 : f32 to vector<16xf32>
      %broadcast_in_dim3A_70 = arith.constant 0xFF800000 : f32
      %broadcast_in_dim3A_71 = vector.broadcast %broadcast_in_dim3A_70 : f32 to vector<16xf32>
      %broadcast_in_dim3A_72 = arith.constant 0xFF800000 : f32
      %broadcast_in_dim3A_73 = vector.broadcast %broadcast_in_dim3A_72 : f32 to vector<16xf32>
      %broadcast_in_dim3A_74 = arith.constant 0xFF800000 : f32
      %broadcast_in_dim3A_75 = vector.broadcast %broadcast_in_dim3A_74 : f32 to vector<16xf32>
      %scan3A_76 = arith.constant 0 : i32
      %scan3A_77 = arith.constant 32 : i32
      %scan3A_78 = arith.addi %scan3A_76, %scan3A_77 : i32
      %scan3A_79 = arith.constant 1 : i32
      %scan3A_80:16 = scf.for %scan3A_615 = %scan3A_76 to %scan3A_78 step %scan3A_79 iter_args(%scan3A_616 = %broadcast_in_dim3A_61, %scan3A_617 = %broadcast_in_dim3A_63, %scan3A_618 = %broadcast_in_dim3A_65, %scan3A_619 = %broadcast_in_dim3A_67, %scan3A_620 = %broadcast_in_dim3A_69, %scan3A_621 = %broadcast_in_dim3A_71, %scan3A_622 = %broadcast_in_dim3A_73, %scan3A_623 = %broadcast_in_dim3A_75, %scan3A_624 = %broadcast_in_dim3A_61, %scan3A_625 = %broadcast_in_dim3A_63, %scan3A_626 = %broadcast_in_dim3A_65, %scan3A_627 = %broadcast_in_dim3A_67, %scan3A_628 = %broadcast_in_dim3A_69, %scan3A_629 = %broadcast_in_dim3A_71, %scan3A_630 = %broadcast_in_dim3A_73, %scan3A_631 = %broadcast_in_dim3A_75) -> (vector<16xf32>, vector<16xf32>, vector<16xf32>, vector<16xf32>, vector<16xf32>, vector<16xf32>, vector<16xf32>, vector<16xf32>, vector<16xf32>, vector<16xf32>, vector<16xf32>, vector<16xf32>, vector<16xf32>, vector<16xf32>, vector<16xf32>, vector<16xf32>)  : i32 {
        %mul3A_632 = arith.constant 2 : i32
        %mul3A_633 = arith.muli %mul3A_632, %scan3A_59 : i32
        %mul3A_634 = arith.constant 16 : i32
        %mul3A_635 = arith.muli %scan3A_615, %mul3A_634 : i32
        %get3A_636 = arith.index_cast %mul3A_633 : i32 to index
        %get3A_637 = arith.index_cast %mul3A_635 : i32 to index
        %get3A_638 = tpu.vector_load %arg6[%get3A_636, %get3A_637] {strides = array<i32>} : memref<32x512xf32, #tpu.memory_space<vmem>>, vector<1x16xf32>,
        %get3A_639 = vector.shape_cast %get3A_638 : vector<1x16xf32> to vector<16xf32>
        %mul3A_640 = arith.constant 2 : i32
        %mul3A_641 = arith.muli %mul3A_640, %scan3A_59 : i32
        %add3A_642 = arith.constant 1 : i32
        %add3A_643 = arith.addi %mul3A_641, %add3A_642 : i32
        %mul3A_644 = arith.constant 16 : i32
        %mul3A_645 = arith.muli %scan3A_615, %mul3A_644 : i32
        %get3A_646 = arith.index_cast %add3A_643 : i32 to index
        %get3A_647 = arith.index_cast %mul3A_645 : i32 to index
        %get3A_648 = tpu.vector_load %arg6[%get3A_646, %get3A_647] {strides = array<i32>} : memref<32x512xf32, #tpu.memory_space<vmem>>, vector<1x16xf32>,
        %get3A_649 = vector.shape_cast %get3A_648 : vector<1x16xf32> to vector<16xf32>
        %mul3A_650 = arith.constant 16 : i32
        %mul3A_651 = arith.muli %scan3A_615, %mul3A_650 : i32
        %add3A_652 = arith.constant 0 : i32
        %add3A_653 = arith.addi %mul3A_651, %add3A_652 : i32
        %slice3A = vector.extract_strided_slice %get3A_639 {offsets = [0], sizes = [1], strides = [1]} : vector<16xf32> to vector<1xf32>
        %squeeze3A = vector.extract %slice3A[0] : f32 from vector<1xf32>
        %slice3A_654 = vector.extract_strided_slice %get3A_649 {offsets = [0], sizes = [1], strides = [1]} : vector<16xf32> to vector<1xf32>
        %squeeze3A_655 = vector.extract %slice3A_654[0] : f32 from vector<1xf32>
        %get3A_656 = arith.index_cast %add3A_653 : i32 to index
        %get3A_657 = arith.constant 0 : index
        %get3A_658 = tpu.vector_load %arg5[%get3A_656, %get3A_657] {strides = array<i32>} : memref<512x128xf32, #tpu.memory_space<vmem>>, vector<1x16xf32>,
        %get3A_659 = vector.shape_cast %get3A_658 : vector<1x16xf32> to vector<16xf32>
        %mul3A_660 = vector.broadcast %squeeze3A : f32 to vector<16xf32>
        %mul3A_661 = arith.mulf %mul3A_660, %get3A_659 : vector<16xf32>
        %mul3A_662 = vector.broadcast %squeeze3A_655 : f32 to vector<16xf32>
        %mul3A_663 = arith.mulf %mul3A_662, %get3A_659 : vector<16xf32>
        %min3A = arith.minimumf %scan3A_616, %mul3A_661 : vector<16xf32>
        %max3A = arith.maximumf %scan3A_620, %mul3A_661 : vector<16xf32>
        %min3A_664 = arith.minimumf %scan3A_624, %mul3A_663 : vector<16xf32>
        %max3A_665 = arith.maximumf %scan3A_628, %mul3A_663 : vector<16xf32>
        %get3A_666 = arith.index_cast %add3A_653 : i32 to index
        %get3A_667 = arith.constant 16 : index
        %get3A_668 = tpu.vector_load %arg5[%get3A_666, %get3A_667] {strides = array<i32>} : memref<512x128xf32, #tpu.memory_space<vmem>>, vector<1x16xf32>,
        %get3A_669 = vector.shape_cast %get3A_668 : vector<1x16xf32> to vector<16xf32>
        %mul3A_670 = vector.broadcast %squeeze3A : f32 to vector<16xf32>
        %mul3A_671 = arith.mulf %mul3A_670, %get3A_669 : vector<16xf32>
        %mul3A_672 = vector.broadcast %squeeze3A_655 : f32 to vector<16xf32>
        %mul3A_673 = arith.mulf %mul3A_672, %get3A_669 : vector<16xf32>
        %min3A_674 = arith.minimumf %scan3A_617, %mul3A_671 : vector<16xf32>
        %max3A_675 = arith.maximumf %scan3A_621, %mul3A_671 : vector<16xf32>
        %min3A_676 = arith.minimumf %scan3A_625, %mul3A_673 : vector<16xf32>
        %max3A_677 = arith.maximumf %scan3A_629, %mul3A_673 : vector<16xf32>
        %get3A_678 = arith.index_cast %add3A_653 : i32 to index
        %get3A_679 = arith.constant 32 : index
        %get3A_680 = tpu.vector_load %arg5[%get3A_678, %get3A_679] {strides = array<i32>} : memref<512x128xf32, #tpu.memory_space<vmem>>, vector<1x16xf32>,
        %get3A_681 = vector.shape_cast %get3A_680 : vector<1x16xf32> to vector<16xf32>
        %mul3A_682 = vector.broadcast %squeeze3A : f32 to vector<16xf32>
        %mul3A_683 = arith.mulf %mul3A_682, %get3A_681 : vector<16xf32>
        %mul3A_684 = vector.broadcast %squeeze3A_655 : f32 to vector<16xf32>
        %mul3A_685 = arith.mulf %mul3A_684, %get3A_681 : vector<16xf32>
        %min3A_686 = arith.minimumf %scan3A_618, %mul3A_683 : vector<16xf32>
        %max3A_687 = arith.maximumf %scan3A_622, %mul3A_683 : vector<16xf32>
        %min3A_688 = arith.minimumf %scan3A_626, %mul3A_685 : vector<16xf32>
        %max3A_689 = arith.maximumf %scan3A_630, %mul3A_685 : vector<16xf32>
        %get3A_690 = arith.index_cast %add3A_653 : i32 to index
        %get3A_691 = arith.constant 48 : index
        %get3A_692 = tpu.vector_load %arg5[%get3A_690, %get3A_691] {strides = array<i32>} : memref<512x128xf32, #tpu.memory_space<vmem>>, vector<1x16xf32>,
        %get3A_693 = vector.shape_cast %get3A_692 : vector<1x16xf32> to vector<16xf32>
        %mul3A_694 = vector.broadcast %squeeze3A : f32 to vector<16xf32>
        %mul3A_695 = arith.mulf %mul3A_694, %get3A_693 : vector<16xf32>
        %mul3A_696 = vector.broadcast %squeeze3A_655 : f32 to vector<16xf32>
        %mul3A_697 = arith.mulf %mul3A_696, %get3A_693 : vector<16xf32>
        %min3A_698 = arith.minimumf %scan3A_619, %mul3A_695 : vector<16xf32>
        %max3A_699 = arith.maximumf %scan3A_623, %mul3A_695 : vector<16xf32>
        %min3A_700 = arith.minimumf %scan3A_627, %mul3A_697 : vector<16xf32>
        %max3A_701 = arith.maximumf %scan3A_631, %mul3A_697 : vector<16xf32>
        %mul3A_702 = arith.constant 16 : i32
        %mul3A_703 = arith.muli %scan3A_615, %mul3A_702 : i32
        %add3A_704 = arith.constant 1 : i32
        %add3A_705 = arith.addi %mul3A_703, %add3A_704 : i32
        %slice3A_706 = vector.extract_strided_slice %get3A_639 {offsets = [1], sizes = [1], strides = [1]} : vector<16xf32> to vector<1xf32>
        %squeeze3A_707 = vector.extract %slice3A_706[0] : f32 from vector<1xf32>
        %slice3A_708 = vector.extract_strided_slice %get3A_649 {offsets = [1], sizes = [1], strides = [1]} : vector<16xf32> to vector<1xf32>
        %squeeze3A_709 = vector.extract %slice3A_708[0] : f32 from vector<1xf32>
        %get3A_710 = arith.index_cast %add3A_705 : i32 to index
        %get3A_711 = arith.constant 0 : index
        %get3A_712 = tpu.vector_load %arg5[%get3A_710, %get3A_711] {strides = array<i32>} : memref<512x128xf32, #tpu.memory_space<vmem>>, vector<1x16xf32>,
        %get3A_713 = vector.shape_cast %get3A_712 : vector<1x16xf32> to vector<16xf32>
        %mul3A_714 = vector.broadcast %squeeze3A_707 : f32 to vector<16xf32>
        %mul3A_715 = arith.mulf %mul3A_714, %get3A_713 : vector<16xf32>
        %mul3A_716 = vector.broadcast %squeeze3A_709 : f32 to vector<16xf32>
        %mul3A_717 = arith.mulf %mul3A_716, %get3A_713 : vector<16xf32>
        %min3A_718 = arith.minimumf %min3A, %mul3A_715 : vector<16xf32>
        %max3A_719 = arith.maximumf %max3A, %mul3A_715 : vector<16xf32>
        %min3A_720 = arith.minimumf %min3A_664, %mul3A_717 : vector<16xf32>
        %max3A_721 = arith.maximumf %max3A_665, %mul3A_717 : vector<16xf32>
        %get3A_722 = arith.index_cast %add3A_705 : i32 to index
        %get3A_723 = arith.constant 16 : index
        %get3A_724 = tpu.vector_load %arg5[%get3A_722, %get3A_723] {strides = array<i32>} : memref<512x128xf32, #tpu.memory_space<vmem>>, vector<1x16xf32>,
        %get3A_725 = vector.shape_cast %get3A_724 : vector<1x16xf32> to vector<16xf32>
        %mul3A_726 = vector.broadcast %squeeze3A_707 : f32 to vector<16xf32>
        %mul3A_727 = arith.mulf %mul3A_726, %get3A_725 : vector<16xf32>
        %mul3A_728 = vector.broadcast %squeeze3A_709 : f32 to vector<16xf32>
        %mul3A_729 = arith.mulf %mul3A_728, %get3A_725 : vector<16xf32>
        %min3A_730 = arith.minimumf %min3A_674, %mul3A_727 : vector<16xf32>
        %max3A_731 = arith.maximumf %max3A_675, %mul3A_727 : vector<16xf32>
        %min3A_732 = arith.minimumf %min3A_676, %mul3A_729 : vector<16xf32>
        %max3A_733 = arith.maximumf %max3A_677, %mul3A_729 : vector<16xf32>
        %get3A_734 = arith.index_cast %add3A_705 : i32 to index
        %get3A_735 = arith.constant 32 : index
        %get3A_736 = tpu.vector_load %arg5[%get3A_734, %get3A_735] {strides = array<i32>} : memref<512x128xf32, #tpu.memory_space<vmem>>, vector<1x16xf32>,
        %get3A_737 = vector.shape_cast %get3A_736 : vector<1x16xf32> to vector<16xf32>
        %mul3A_738 = vector.broadcast %squeeze3A_707 : f32 to vector<16xf32>
        %mul3A_739 = arith.mulf %mul3A_738, %get3A_737 : vector<16xf32>
        %mul3A_740 = vector.broadcast %squeeze3A_709 : f32 to vector<16xf32>
        %mul3A_741 = arith.mulf %mul3A_740, %get3A_737 : vector<16xf32>
        %min3A_742 = arith.minimumf %min3A_686, %mul3A_739 : vector<16xf32>
        %max3A_743 = arith.maximumf %max3A_687, %mul3A_739 : vector<16xf32>
        %min3A_744 = arith.minimumf %min3A_688, %mul3A_741 : vector<16xf32>
        %max3A_745 = arith.maximumf %max3A_689, %mul3A_741 : vector<16xf32>
        %get3A_746 = arith.index_cast %add3A_705 : i32 to index
        %get3A_747 = arith.constant 48 : index
        %get3A_748 = tpu.vector_load %arg5[%get3A_746, %get3A_747] {strides = array<i32>} : memref<512x128xf32, #tpu.memory_space<vmem>>, vector<1x16xf32>,
        %get3A_749 = vector.shape_cast %get3A_748 : vector<1x16xf32> to vector<16xf32>
        %mul3A_750 = vector.broadcast %squeeze3A_707 : f32 to vector<16xf32>
        %mul3A_751 = arith.mulf %mul3A_750, %get3A_749 : vector<16xf32>
        %mul3A_752 = vector.broadcast %squeeze3A_709 : f32 to vector<16xf32>
        %mul3A_753 = arith.mulf %mul3A_752, %get3A_749 : vector<16xf32>
        %min3A_754 = arith.minimumf %min3A_698, %mul3A_751 : vector<16xf32>
        %max3A_755 = arith.maximumf %max3A_699, %mul3A_751 : vector<16xf32>
        %min3A_756 = arith.minimumf %min3A_700, %mul3A_753 : vector<16xf32>
        %max3A_757 = arith.maximumf %max3A_701, %mul3A_753 : vector<16xf32>
        %mul3A_758 = arith.constant 16 : i32
        %mul3A_759 = arith.muli %scan3A_615, %mul3A_758 : i32
        %add3A_760 = arith.constant 2 : i32
        %add3A_761 = arith.addi %mul3A_759, %add3A_760 : i32
        %slice3A_762 = vector.extract_strided_slice %get3A_639 {offsets = [2], sizes = [1], strides = [1]} : vector<16xf32> to vector<1xf32>
        %squeeze3A_763 = vector.extract %slice3A_762[0] : f32 from vector<1xf32>
        %slice3A_764 = vector.extract_strided_slice %get3A_649 {offsets = [2], sizes = [1], strides = [1]} : vector<16xf32> to vector<1xf32>
        %squeeze3A_765 = vector.extract %slice3A_764[0] : f32 from vector<1xf32>
        %get3A_766 = arith.index_cast %add3A_761 : i32 to index
        %get3A_767 = arith.constant 0 : index
        %get3A_768 = tpu.vector_load %arg5[%get3A_766, %get3A_767] {strides = array<i32>} : memref<512x128xf32, #tpu.memory_space<vmem>>, vector<1x16xf32>,
        %get3A_769 = vector.shape_cast %get3A_768 : vector<1x16xf32> to vector<16xf32>
        %mul3A_770 = vector.broadcast %squeeze3A_763 : f32 to vector<16xf32>
        %mul3A_771 = arith.mulf %mul3A_770, %get3A_769 : vector<16xf32>
        %mul3A_772 = vector.broadcast %squeeze3A_765 : f32 to vector<16xf32>
        %mul3A_773 = arith.mulf %mul3A_772, %get3A_769 : vector<16xf32>
        %min3A_774 = arith.minimumf %min3A_718, %mul3A_771 : vector<16xf32>
        %max3A_775 = arith.maximumf %max3A_719, %mul3A_771 : vector<16xf32>
        %min3A_776 = arith.minimumf %min3A_720, %mul3A_773 : vector<16xf32>
        %max3A_777 = arith.maximumf %max3A_721, %mul3A_773 : vector<16xf32>
        %get3A_778 = arith.index_cast %add3A_761 : i32 to index
        %get3A_779 = arith.constant 16 : index
        %get3A_780 = tpu.vector_load %arg5[%get3A_778, %get3A_779] {strides = array<i32>} : memref<512x128xf32, #tpu.memory_space<vmem>>, vector<1x16xf32>,
        %get3A_781 = vector.shape_cast %get3A_780 : vector<1x16xf32> to vector<16xf32>
        %mul3A_782 = vector.broadcast %squeeze3A_763 : f32 to vector<16xf32>
        %mul3A_783 = arith.mulf %mul3A_782, %get3A_781 : vector<16xf32>
        %mul3A_784 = vector.broadcast %squeeze3A_765 : f32 to vector<16xf32>
        %mul3A_785 = arith.mulf %mul3A_784, %get3A_781 : vector<16xf32>
        %min3A_786 = arith.minimumf %min3A_730, %mul3A_783 : vector<16xf32>
        %max3A_787 = arith.maximumf %max3A_731, %mul3A_783 : vector<16xf32>
        %min3A_788 = arith.minimumf %min3A_732, %mul3A_785 : vector<16xf32>
        %max3A_789 = arith.maximumf %max3A_733, %mul3A_785 : vector<16xf32>
        %get3A_790 = arith.index_cast %add3A_761 : i32 to index
        %get3A_791 = arith.constant 32 : index
        %get3A_792 = tpu.vector_load %arg5[%get3A_790, %get3A_791] {strides = array<i32>} : memref<512x128xf32, #tpu.memory_space<vmem>>, vector<1x16xf32>,
        %get3A_793 = vector.shape_cast %get3A_792 : vector<1x16xf32> to vector<16xf32>
        %mul3A_794 = vector.broadcast %squeeze3A_763 : f32 to vector<16xf32>
        %mul3A_795 = arith.mulf %mul3A_794, %get3A_793 : vector<16xf32>
        %mul3A_796 = vector.broadcast %squeeze3A_765 : f32 to vector<16xf32>
        %mul3A_797 = arith.mulf %mul3A_796, %get3A_793 : vector<16xf32>
        %min3A_798 = arith.minimumf %min3A_742, %mul3A_795 : vector<16xf32>
        %max3A_799 = arith.maximumf %max3A_743, %mul3A_795 : vector<16xf32>
        %min3A_800 = arith.minimumf %min3A_744, %mul3A_797 : vector<16xf32>
        %max3A_801 = arith.maximumf %max3A_745, %mul3A_797 : vector<16xf32>
        %get3A_802 = arith.index_cast %add3A_761 : i32 to index
        %get3A_803 = arith.constant 48 : index
        %get3A_804 = tpu.vector_load %arg5[%get3A_802, %get3A_803] {strides = array<i32>} : memref<512x128xf32, #tpu.memory_space<vmem>>, vector<1x16xf32>,
        %get3A_805 = vector.shape_cast %get3A_804 : vector<1x16xf32> to vector<16xf32>
        %mul3A_806 = vector.broadcast %squeeze3A_763 : f32 to vector<16xf32>
        %mul3A_807 = arith.mulf %mul3A_806, %get3A_805 : vector<16xf32>
        %mul3A_808 = vector.broadcast %squeeze3A_765 : f32 to vector<16xf32>
        %mul3A_809 = arith.mulf %mul3A_808, %get3A_805 : vector<16xf32>
        %min3A_810 = arith.minimumf %min3A_754, %mul3A_807 : vector<16xf32>
        %max3A_811 = arith.maximumf %max3A_755, %mul3A_807 : vector<16xf32>
        %min3A_812 = arith.minimumf %min3A_756, %mul3A_809 : vector<16xf32>
        %max3A_813 = arith.maximumf %max3A_757, %mul3A_809 : vector<16xf32>
        %mul3A_814 = arith.constant 16 : i32
        %mul3A_815 = arith.muli %scan3A_615, %mul3A_814 : i32
        %add3A_816 = arith.constant 3 : i32
        %add3A_817 = arith.addi %mul3A_815, %add3A_816 : i32
        %slice3A_818 = vector.extract_strided_slice %get3A_639 {offsets = [3], sizes = [1], strides = [1]} : vector<16xf32> to vector<1xf32>
        %squeeze3A_819 = vector.extract %slice3A_818[0] : f32 from vector<1xf32>
        %slice3A_820 = vector.extract_strided_slice %get3A_649 {offsets = [3], sizes = [1], strides = [1]} : vector<16xf32> to vector<1xf32>
        %squeeze3A_821 = vector.extract %slice3A_820[0] : f32 from vector<1xf32>
        %get3A_822 = arith.index_cast %add3A_817 : i32 to index
        %get3A_823 = arith.constant 0 : index
        %get3A_824 = tpu.vector_load %arg5[%get3A_822, %get3A_823] {strides = array<i32>} : memref<512x128xf32, #tpu.memory_space<vmem>>, vector<1x16xf32>,
        %get3A_825 = vector.shape_cast %get3A_824 : vector<1x16xf32> to vector<16xf32>
        %mul3A_826 = vector.broadcast %squeeze3A_819 : f32 to vector<16xf32>
        %mul3A_827 = arith.mulf %mul3A_826, %get3A_825 : vector<16xf32>
        %mul3A_828 = vector.broadcast %squeeze3A_821 : f32 to vector<16xf32>
        %mul3A_829 = arith.mulf %mul3A_828, %get3A_825 : vector<16xf32>
        %min3A_830 = arith.minimumf %min3A_774, %mul3A_827 : vector<16xf32>
        %max3A_831 = arith.maximumf %max3A_775, %mul3A_827 : vector<16xf32>
        %min3A_832 = arith.minimumf %min3A_776, %mul3A_829 : vector<16xf32>
        %max3A_833 = arith.maximumf %max3A_777, %mul3A_829 : vector<16xf32>
        %get3A_834 = arith.index_cast %add3A_817 : i32 to index
        %get3A_835 = arith.constant 16 : index
        %get3A_836 = tpu.vector_load %arg5[%get3A_834, %get3A_835] {strides = array<i32>} : memref<512x128xf32, #tpu.memory_space<vmem>>, vector<1x16xf32>,
        %get3A_837 = vector.shape_cast %get3A_836 : vector<1x16xf32> to vector<16xf32>
        %mul3A_838 = vector.broadcast %squeeze3A_819 : f32 to vector<16xf32>
        %mul3A_839 = arith.mulf %mul3A_838, %get3A_837 : vector<16xf32>
        %mul3A_840 = vector.broadcast %squeeze3A_821 : f32 to vector<16xf32>
        %mul3A_841 = arith.mulf %mul3A_840, %get3A_837 : vector<16xf32>
        %min3A_842 = arith.minimumf %min3A_786, %mul3A_839 : vector<16xf32>
        %max3A_843 = arith.maximumf %max3A_787, %mul3A_839 : vector<16xf32>
        %min3A_844 = arith.minimumf %min3A_788, %mul3A_841 : vector<16xf32>
        %max3A_845 = arith.maximumf %max3A_789, %mul3A_841 : vector<16xf32>
        %get3A_846 = arith.index_cast %add3A_817 : i32 to index
        %get3A_847 = arith.constant 32 : index
        %get3A_848 = tpu.vector_load %arg5[%get3A_846, %get3A_847] {strides = array<i32>} : memref<512x128xf32, #tpu.memory_space<vmem>>, vector<1x16xf32>,
        %get3A_849 = vector.shape_cast %get3A_848 : vector<1x16xf32> to vector<16xf32>
        %mul3A_850 = vector.broadcast %squeeze3A_819 : f32 to vector<16xf32>
        %mul3A_851 = arith.mulf %mul3A_850, %get3A_849 : vector<16xf32>
        %mul3A_852 = vector.broadcast %squeeze3A_821 : f32 to vector<16xf32>
        %mul3A_853 = arith.mulf %mul3A_852, %get3A_849 : vector<16xf32>
        %min3A_854 = arith.minimumf %min3A_798, %mul3A_851 : vector<16xf32>
        %max3A_855 = arith.maximumf %max3A_799, %mul3A_851 : vector<16xf32>
        %min3A_856 = arith.minimumf %min3A_800, %mul3A_853 : vector<16xf32>
        %max3A_857 = arith.maximumf %max3A_801, %mul3A_853 : vector<16xf32>
        %get3A_858 = arith.index_cast %add3A_817 : i32 to index
        %get3A_859 = arith.constant 48 : index
        %get3A_860 = tpu.vector_load %arg5[%get3A_858, %get3A_859] {strides = array<i32>} : memref<512x128xf32, #tpu.memory_space<vmem>>, vector<1x16xf32>,
        %get3A_861 = vector.shape_cast %get3A_860 : vector<1x16xf32> to vector<16xf32>
        %mul3A_862 = vector.broadcast %squeeze3A_819 : f32 to vector<16xf32>
        %mul3A_863 = arith.mulf %mul3A_862, %get3A_861 : vector<16xf32>
        %mul3A_864 = vector.broadcast %squeeze3A_821 : f32 to vector<16xf32>
        %mul3A_865 = arith.mulf %mul3A_864, %get3A_861 : vector<16xf32>
        %min3A_866 = arith.minimumf %min3A_810, %mul3A_863 : vector<16xf32>
        %max3A_867 = arith.maximumf %max3A_811, %mul3A_863 : vector<16xf32>
        %min3A_868 = arith.minimumf %min3A_812, %mul3A_865 : vector<16xf32>
        %max3A_869 = arith.maximumf %max3A_813, %mul3A_865 : vector<16xf32>
        %mul3A_870 = arith.constant 16 : i32
        %mul3A_871 = arith.muli %scan3A_615, %mul3A_870 : i32
        %add3A_872 = arith.constant 4 : i32
        %add3A_873 = arith.addi %mul3A_871, %add3A_872 : i32
        %slice3A_874 = vector.extract_strided_slice %get3A_639 {offsets = [4], sizes = [1], strides = [1]} : vector<16xf32> to vector<1xf32>
        %squeeze3A_875 = vector.extract %slice3A_874[0] : f32 from vector<1xf32>
        %slice3A_876 = vector.extract_strided_slice %get3A_649 {offsets = [4], sizes = [1], strides = [1]} : vector<16xf32> to vector<1xf32>
        %squeeze3A_877 = vector.extract %slice3A_876[0] : f32 from vector<1xf32>
        %get3A_878 = arith.index_cast %add3A_873 : i32 to index
        %get3A_879 = arith.constant 0 : index
        %get3A_880 = tpu.vector_load %arg5[%get3A_878, %get3A_879] {strides = array<i32>} : memref<512x128xf32, #tpu.memory_space<vmem>>, vector<1x16xf32>,
        %get3A_881 = vector.shape_cast %get3A_880 : vector<1x16xf32> to vector<16xf32>
        %mul3A_882 = vector.broadcast %squeeze3A_875 : f32 to vector<16xf32>
        %mul3A_883 = arith.mulf %mul3A_882, %get3A_881 : vector<16xf32>
        %mul3A_884 = vector.broadcast %squeeze3A_877 : f32 to vector<16xf32>
        %mul3A_885 = arith.mulf %mul3A_884, %get3A_881 : vector<16xf32>
        %min3A_886 = arith.minimumf %min3A_830, %mul3A_883 : vector<16xf32>
        %max3A_887 = arith.maximumf %max3A_831, %mul3A_883 : vector<16xf32>
        %min3A_888 = arith.minimumf %min3A_832, %mul3A_885 : vector<16xf32>
        %max3A_889 = arith.maximumf %max3A_833, %mul3A_885 : vector<16xf32>
        %get3A_890 = arith.index_cast %add3A_873 : i32 to index
        %get3A_891 = arith.constant 16 : index
        %get3A_892 = tpu.vector_load %arg5[%get3A_890, %get3A_891] {strides = array<i32>} : memref<512x128xf32, #tpu.memory_space<vmem>>, vector<1x16xf32>,
        %get3A_893 = vector.shape_cast %get3A_892 : vector<1x16xf32> to vector<16xf32>
        %mul3A_894 = vector.broadcast %squeeze3A_875 : f32 to vector<16xf32>
        %mul3A_895 = arith.mulf %mul3A_894, %get3A_893 : vector<16xf32>
        %mul3A_896 = vector.broadcast %squeeze3A_877 : f32 to vector<16xf32>
        %mul3A_897 = arith.mulf %mul3A_896, %get3A_893 : vector<16xf32>
        %min3A_898 = arith.minimumf %min3A_842, %mul3A_895 : vector<16xf32>
        %max3A_899 = arith.maximumf %max3A_843, %mul3A_895 : vector<16xf32>
        %min3A_900 = arith.minimumf %min3A_844, %mul3A_897 : vector<16xf32>
        %max3A_901 = arith.maximumf %max3A_845, %mul3A_897 : vector<16xf32>
        %get3A_902 = arith.index_cast %add3A_873 : i32 to index
        %get3A_903 = arith.constant 32 : index
        %get3A_904 = tpu.vector_load %arg5[%get3A_902, %get3A_903] {strides = array<i32>} : memref<512x128xf32, #tpu.memory_space<vmem>>, vector<1x16xf32>,
        %get3A_905 = vector.shape_cast %get3A_904 : vector<1x16xf32> to vector<16xf32>
        %mul3A_906 = vector.broadcast %squeeze3A_875 : f32 to vector<16xf32>
        %mul3A_907 = arith.mulf %mul3A_906, %get3A_905 : vector<16xf32>
        %mul3A_908 = vector.broadcast %squeeze3A_877 : f32 to vector<16xf32>
        %mul3A_909 = arith.mulf %mul3A_908, %get3A_905 : vector<16xf32>
        %min3A_910 = arith.minimumf %min3A_854, %mul3A_907 : vector<16xf32>
        %max3A_911 = arith.maximumf %max3A_855, %mul3A_907 : vector<16xf32>
        %min3A_912 = arith.minimumf %min3A_856, %mul3A_909 : vector<16xf32>
        %max3A_913 = arith.maximumf %max3A_857, %mul3A_909 : vector<16xf32>
        %get3A_914 = arith.index_cast %add3A_873 : i32 to index
        %get3A_915 = arith.constant 48 : index
        %get3A_916 = tpu.vector_load %arg5[%get3A_914, %get3A_915] {strides = array<i32>} : memref<512x128xf32, #tpu.memory_space<vmem>>, vector<1x16xf32>,
        %get3A_917 = vector.shape_cast %get3A_916 : vector<1x16xf32> to vector<16xf32>
        %mul3A_918 = vector.broadcast %squeeze3A_875 : f32 to vector<16xf32>
        %mul3A_919 = arith.mulf %mul3A_918, %get3A_917 : vector<16xf32>
        %mul3A_920 = vector.broadcast %squeeze3A_877 : f32 to vector<16xf32>
        %mul3A_921 = arith.mulf %mul3A_920, %get3A_917 : vector<16xf32>
        %min3A_922 = arith.minimumf %min3A_866, %mul3A_919 : vector<16xf32>
        %max3A_923 = arith.maximumf %max3A_867, %mul3A_919 : vector<16xf32>
        %min3A_924 = arith.minimumf %min3A_868, %mul3A_921 : vector<16xf32>
        %max3A_925 = arith.maximumf %max3A_869, %mul3A_921 : vector<16xf32>
        %mul3A_926 = arith.constant 16 : i32
        %mul3A_927 = arith.muli %scan3A_615, %mul3A_926 : i32
        %add3A_928 = arith.constant 5 : i32
        %add3A_929 = arith.addi %mul3A_927, %add3A_928 : i32
        %slice3A_930 = vector.extract_strided_slice %get3A_639 {offsets = [5], sizes = [1], strides = [1]} : vector<16xf32> to vector<1xf32>
        %squeeze3A_931 = vector.extract %slice3A_930[0] : f32 from vector<1xf32>
        %slice3A_932 = vector.extract_strided_slice %get3A_649 {offsets = [5], sizes = [1], strides = [1]} : vector<16xf32> to vector<1xf32>
        %squeeze3A_933 = vector.extract %slice3A_932[0] : f32 from vector<1xf32>
        %get3A_934 = arith.index_cast %add3A_929 : i32 to index
        %get3A_935 = arith.constant 0 : index
        %get3A_936 = tpu.vector_load %arg5[%get3A_934, %get3A_935] {strides = array<i32>} : memref<512x128xf32, #tpu.memory_space<vmem>>, vector<1x16xf32>,
        %get3A_937 = vector.shape_cast %get3A_936 : vector<1x16xf32> to vector<16xf32>
        %mul3A_938 = vector.broadcast %squeeze3A_931 : f32 to vector<16xf32>
        %mul3A_939 = arith.mulf %mul3A_938, %get3A_937 : vector<16xf32>
        %mul3A_940 = vector.broadcast %squeeze3A_933 : f32 to vector<16xf32>
        %mul3A_941 = arith.mulf %mul3A_940, %get3A_937 : vector<16xf32>
        %min3A_942 = arith.minimumf %min3A_886, %mul3A_939 : vector<16xf32>
        %max3A_943 = arith.maximumf %max3A_887, %mul3A_939 : vector<16xf32>
        %min3A_944 = arith.minimumf %min3A_888, %mul3A_941 : vector<16xf32>
        %max3A_945 = arith.maximumf %max3A_889, %mul3A_941 : vector<16xf32>
        %get3A_946 = arith.index_cast %add3A_929 : i32 to index
        %get3A_947 = arith.constant 16 : index
        %get3A_948 = tpu.vector_load %arg5[%get3A_946, %get3A_947] {strides = array<i32>} : memref<512x128xf32, #tpu.memory_space<vmem>>, vector<1x16xf32>,
        %get3A_949 = vector.shape_cast %get3A_948 : vector<1x16xf32> to vector<16xf32>
        %mul3A_950 = vector.broadcast %squeeze3A_931 : f32 to vector<16xf32>
        %mul3A_951 = arith.mulf %mul3A_950, %get3A_949 : vector<16xf32>
        %mul3A_952 = vector.broadcast %squeeze3A_933 : f32 to vector<16xf32>
        %mul3A_953 = arith.mulf %mul3A_952, %get3A_949 : vector<16xf32>
        %min3A_954 = arith.minimumf %min3A_898, %mul3A_951 : vector<16xf32>
        %max3A_955 = arith.maximumf %max3A_899, %mul3A_951 : vector<16xf32>
        %min3A_956 = arith.minimumf %min3A_900, %mul3A_953 : vector<16xf32>
        %max3A_957 = arith.maximumf %max3A_901, %mul3A_953 : vector<16xf32>
        %get3A_958 = arith.index_cast %add3A_929 : i32 to index
        %get3A_959 = arith.constant 32 : index
        %get3A_960 = tpu.vector_load %arg5[%get3A_958, %get3A_959] {strides = array<i32>} : memref<512x128xf32, #tpu.memory_space<vmem>>, vector<1x16xf32>,
        %get3A_961 = vector.shape_cast %get3A_960 : vector<1x16xf32> to vector<16xf32>
        %mul3A_962 = vector.broadcast %squeeze3A_931 : f32 to vector<16xf32>
        %mul3A_963 = arith.mulf %mul3A_962, %get3A_961 : vector<16xf32>
        %mul3A_964 = vector.broadcast %squeeze3A_933 : f32 to vector<16xf32>
        %mul3A_965 = arith.mulf %mul3A_964, %get3A_961 : vector<16xf32>
        %min3A_966 = arith.minimumf %min3A_910, %mul3A_963 : vector<16xf32>
        %max3A_967 = arith.maximumf %max3A_911, %mul3A_963 : vector<16xf32>
        %min3A_968 = arith.minimumf %min3A_912, %mul3A_965 : vector<16xf32>
        %max3A_969 = arith.maximumf %max3A_913, %mul3A_965 : vector<16xf32>
        %get3A_970 = arith.index_cast %add3A_929 : i32 to index
        %get3A_971 = arith.constant 48 : index
        %get3A_972 = tpu.vector_load %arg5[%get3A_970, %get3A_971] {strides = array<i32>} : memref<512x128xf32, #tpu.memory_space<vmem>>, vector<1x16xf32>,
        %get3A_973 = vector.shape_cast %get3A_972 : vector<1x16xf32> to vector<16xf32>
        %mul3A_974 = vector.broadcast %squeeze3A_931 : f32 to vector<16xf32>
        %mul3A_975 = arith.mulf %mul3A_974, %get3A_973 : vector<16xf32>
        %mul3A_976 = vector.broadcast %squeeze3A_933 : f32 to vector<16xf32>
        %mul3A_977 = arith.mulf %mul3A_976, %get3A_973 : vector<16xf32>
        %min3A_978 = arith.minimumf %min3A_922, %mul3A_975 : vector<16xf32>
        %max3A_979 = arith.maximumf %max3A_923, %mul3A_975 : vector<16xf32>
        %min3A_980 = arith.minimumf %min3A_924, %mul3A_977 : vector<16xf32>
        %max3A_981 = arith.maximumf %max3A_925, %mul3A_977 : vector<16xf32>
        %mul3A_982 = arith.constant 16 : i32
        %mul3A_983 = arith.muli %scan3A_615, %mul3A_982 : i32
        %add3A_984 = arith.constant 6 : i32
        %add3A_985 = arith.addi %mul3A_983, %add3A_984 : i32
        %slice3A_986 = vector.extract_strided_slice %get3A_639 {offsets = [6], sizes = [1], strides = [1]} : vector<16xf32> to vector<1xf32>
        %squeeze3A_987 = vector.extract %slice3A_986[0] : f32 from vector<1xf32>
        %slice3A_988 = vector.extract_strided_slice %get3A_649 {offsets = [6], sizes = [1], strides = [1]} : vector<16xf32> to vector<1xf32>
        %squeeze3A_989 = vector.extract %slice3A_988[0] : f32 from vector<1xf32>
        %get3A_990 = arith.index_cast %add3A_985 : i32 to index
        %get3A_991 = arith.constant 0 : index
        %get3A_992 = tpu.vector_load %arg5[%get3A_990, %get3A_991] {strides = array<i32>} : memref<512x128xf32, #tpu.memory_space<vmem>>, vector<1x16xf32>,
        %get3A_993 = vector.shape_cast %get3A_992 : vector<1x16xf32> to vector<16xf32>
        %mul3A_994 = vector.broadcast %squeeze3A_987 : f32 to vector<16xf32>
        %mul3A_995 = arith.mulf %mul3A_994, %get3A_993 : vector<16xf32>
        %mul3A_996 = vector.broadcast %squeeze3A_989 : f32 to vector<16xf32>
        %mul3A_997 = arith.mulf %mul3A_996, %get3A_993 : vector<16xf32>
        %min3A_998 = arith.minimumf %min3A_942, %mul3A_995 : vector<16xf32>
        %max3A_999 = arith.maximumf %max3A_943, %mul3A_995 : vector<16xf32>
        %min3A_1000 = arith.minimumf %min3A_944, %mul3A_997 : vector<16xf32>
        %max3A_1001 = arith.maximumf %max3A_945, %mul3A_997 : vector<16xf32>
        %get3A_1002 = arith.index_cast %add3A_985 : i32 to index
        %get3A_1003 = arith.constant 16 : index
        %get3A_1004 = tpu.vector_load %arg5[%get3A_1002, %get3A_1003] {strides = array<i32>} : memref<512x128xf32, #tpu.memory_space<vmem>>, vector<1x16xf32>,
        %get3A_1005 = vector.shape_cast %get3A_1004 : vector<1x16xf32> to vector<16xf32>
        %mul3A_1006 = vector.broadcast %squeeze3A_987 : f32 to vector<16xf32>
        %mul3A_1007 = arith.mulf %mul3A_1006, %get3A_1005 : vector<16xf32>
        %mul3A_1008 = vector.broadcast %squeeze3A_989 : f32 to vector<16xf32>
        %mul3A_1009 = arith.mulf %mul3A_1008, %get3A_1005 : vector<16xf32>
        %min3A_1010 = arith.minimumf %min3A_954, %mul3A_1007 : vector<16xf32>
        %max3A_1011 = arith.maximumf %max3A_955, %mul3A_1007 : vector<16xf32>
        %min3A_1012 = arith.minimumf %min3A_956, %mul3A_1009 : vector<16xf32>
        %max3A_1013 = arith.maximumf %max3A_957, %mul3A_1009 : vector<16xf32>
        %get3A_1014 = arith.index_cast %add3A_985 : i32 to index
        %get3A_1015 = arith.constant 32 : index
        %get3A_1016 = tpu.vector_load %arg5[%get3A_1014, %get3A_1015] {strides = array<i32>} : memref<512x128xf32, #tpu.memory_space<vmem>>, vector<1x16xf32>,
        %get3A_1017 = vector.shape_cast %get3A_1016 : vector<1x16xf32> to vector<16xf32>
        %mul3A_1018 = vector.broadcast %squeeze3A_987 : f32 to vector<16xf32>
        %mul3A_1019 = arith.mulf %mul3A_1018, %get3A_1017 : vector<16xf32>
        %mul3A_1020 = vector.broadcast %squeeze3A_989 : f32 to vector<16xf32>
        %mul3A_1021 = arith.mulf %mul3A_1020, %get3A_1017 : vector<16xf32>
        %min3A_1022 = arith.minimumf %min3A_966, %mul3A_1019 : vector<16xf32>
        %max3A_1023 = arith.maximumf %max3A_967, %mul3A_1019 : vector<16xf32>
        %min3A_1024 = arith.minimumf %min3A_968, %mul3A_1021 : vector<16xf32>
        %max3A_1025 = arith.maximumf %max3A_969, %mul3A_1021 : vector<16xf32>
        %get3A_1026 = arith.index_cast %add3A_985 : i32 to index
        %get3A_1027 = arith.constant 48 : index
        %get3A_1028 = tpu.vector_load %arg5[%get3A_1026, %get3A_1027] {strides = array<i32>} : memref<512x128xf32, #tpu.memory_space<vmem>>, vector<1x16xf32>,
        %get3A_1029 = vector.shape_cast %get3A_1028 : vector<1x16xf32> to vector<16xf32>
        %mul3A_1030 = vector.broadcast %squeeze3A_987 : f32 to vector<16xf32>
        %mul3A_1031 = arith.mulf %mul3A_1030, %get3A_1029 : vector<16xf32>
        %mul3A_1032 = vector.broadcast %squeeze3A_989 : f32 to vector<16xf32>
        %mul3A_1033 = arith.mulf %mul3A_1032, %get3A_1029 : vector<16xf32>
        %min3A_1034 = arith.minimumf %min3A_978, %mul3A_1031 : vector<16xf32>
        %max3A_1035 = arith.maximumf %max3A_979, %mul3A_1031 : vector<16xf32>
        %min3A_1036 = arith.minimumf %min3A_980, %mul3A_1033 : vector<16xf32>
        %max3A_1037 = arith.maximumf %max3A_981, %mul3A_1033 : vector<16xf32>
        %mul3A_1038 = arith.constant 16 : i32
        %mul3A_1039 = arith.muli %scan3A_615, %mul3A_1038 : i32
        %add3A_1040 = arith.constant 7 : i32
        %add3A_1041 = arith.addi %mul3A_1039, %add3A_1040 : i32
        %slice3A_1042 = vector.extract_strided_slice %get3A_639 {offsets = [7], sizes = [1], strides = [1]} : vector<16xf32> to vector<1xf32>
        %squeeze3A_1043 = vector.extract %slice3A_1042[0] : f32 from vector<1xf32>
        %slice3A_1044 = vector.extract_strided_slice %get3A_649 {offsets = [7], sizes = [1], strides = [1]} : vector<16xf32> to vector<1xf32>
        %squeeze3A_1045 = vector.extract %slice3A_1044[0] : f32 from vector<1xf32>
        %get3A_1046 = arith.index_cast %add3A_1041 : i32 to index
        %get3A_1047 = arith.constant 0 : index
        %get3A_1048 = tpu.vector_load %arg5[%get3A_1046, %get3A_1047] {strides = array<i32>} : memref<512x128xf32, #tpu.memory_space<vmem>>, vector<1x16xf32>,
        %get3A_1049 = vector.shape_cast %get3A_1048 : vector<1x16xf32> to vector<16xf32>
        %mul3A_1050 = vector.broadcast %squeeze3A_1043 : f32 to vector<16xf32>
        %mul3A_1051 = arith.mulf %mul3A_1050, %get3A_1049 : vector<16xf32>
        %mul3A_1052 = vector.broadcast %squeeze3A_1045 : f32 to vector<16xf32>
        %mul3A_1053 = arith.mulf %mul3A_1052, %get3A_1049 : vector<16xf32>
        %min3A_1054 = arith.minimumf %min3A_998, %mul3A_1051 : vector<16xf32>
        %max3A_1055 = arith.maximumf %max3A_999, %mul3A_1051 : vector<16xf32>
        %min3A_1056 = arith.minimumf %min3A_1000, %mul3A_1053 : vector<16xf32>
        %max3A_1057 = arith.maximumf %max3A_1001, %mul3A_1053 : vector<16xf32>
        %get3A_1058 = arith.index_cast %add3A_1041 : i32 to index
        %get3A_1059 = arith.constant 16 : index
        %get3A_1060 = tpu.vector_load %arg5[%get3A_1058, %get3A_1059] {strides = array<i32>} : memref<512x128xf32, #tpu.memory_space<vmem>>, vector<1x16xf32>,
        %get3A_1061 = vector.shape_cast %get3A_1060 : vector<1x16xf32> to vector<16xf32>
        %mul3A_1062 = vector.broadcast %squeeze3A_1043 : f32 to vector<16xf32>
        %mul3A_1063 = arith.mulf %mul3A_1062, %get3A_1061 : vector<16xf32>
        %mul3A_1064 = vector.broadcast %squeeze3A_1045 : f32 to vector<16xf32>
        %mul3A_1065 = arith.mulf %mul3A_1064, %get3A_1061 : vector<16xf32>
        %min3A_1066 = arith.minimumf %min3A_1010, %mul3A_1063 : vector<16xf32>
        %max3A_1067 = arith.maximumf %max3A_1011, %mul3A_1063 : vector<16xf32>
        %min3A_1068 = arith.minimumf %min3A_1012, %mul3A_1065 : vector<16xf32>
        %max3A_1069 = arith.maximumf %max3A_1013, %mul3A_1065 : vector<16xf32>
        %get3A_1070 = arith.index_cast %add3A_1041 : i32 to index
        %get3A_1071 = arith.constant 32 : index
        %get3A_1072 = tpu.vector_load %arg5[%get3A_1070, %get3A_1071] {strides = array<i32>} : memref<512x128xf32, #tpu.memory_space<vmem>>, vector<1x16xf32>,
        %get3A_1073 = vector.shape_cast %get3A_1072 : vector<1x16xf32> to vector<16xf32>
        %mul3A_1074 = vector.broadcast %squeeze3A_1043 : f32 to vector<16xf32>
        %mul3A_1075 = arith.mulf %mul3A_1074, %get3A_1073 : vector<16xf32>
        %mul3A_1076 = vector.broadcast %squeeze3A_1045 : f32 to vector<16xf32>
        %mul3A_1077 = arith.mulf %mul3A_1076, %get3A_1073 : vector<16xf32>
        %min3A_1078 = arith.minimumf %min3A_1022, %mul3A_1075 : vector<16xf32>
        %max3A_1079 = arith.maximumf %max3A_1023, %mul3A_1075 : vector<16xf32>
        %min3A_1080 = arith.minimumf %min3A_1024, %mul3A_1077 : vector<16xf32>
        %max3A_1081 = arith.maximumf %max3A_1025, %mul3A_1077 : vector<16xf32>
        %get3A_1082 = arith.index_cast %add3A_1041 : i32 to index
        %get3A_1083 = arith.constant 48 : index
        %get3A_1084 = tpu.vector_load %arg5[%get3A_1082, %get3A_1083] {strides = array<i32>} : memref<512x128xf32, #tpu.memory_space<vmem>>, vector<1x16xf32>,
        %get3A_1085 = vector.shape_cast %get3A_1084 : vector<1x16xf32> to vector<16xf32>
        %mul3A_1086 = vector.broadcast %squeeze3A_1043 : f32 to vector<16xf32>
        %mul3A_1087 = arith.mulf %mul3A_1086, %get3A_1085 : vector<16xf32>
        %mul3A_1088 = vector.broadcast %squeeze3A_1045 : f32 to vector<16xf32>
        %mul3A_1089 = arith.mulf %mul3A_1088, %get3A_1085 : vector<16xf32>
        %min3A_1090 = arith.minimumf %min3A_1034, %mul3A_1087 : vector<16xf32>
        %max3A_1091 = arith.maximumf %max3A_1035, %mul3A_1087 : vector<16xf32>
        %min3A_1092 = arith.minimumf %min3A_1036, %mul3A_1089 : vector<16xf32>
        %max3A_1093 = arith.maximumf %max3A_1037, %mul3A_1089 : vector<16xf32>
        %mul3A_1094 = arith.constant 16 : i32
        %mul3A_1095 = arith.muli %scan3A_615, %mul3A_1094 : i32
        %add3A_1096 = arith.constant 8 : i32
        %add3A_1097 = arith.addi %mul3A_1095, %add3A_1096 : i32
        %slice3A_1098 = vector.extract_strided_slice %get3A_639 {offsets = [8], sizes = [1], strides = [1]} : vector<16xf32> to vector<1xf32>
        %squeeze3A_1099 = vector.extract %slice3A_1098[0] : f32 from vector<1xf32>
        %slice3A_1100 = vector.extract_strided_slice %get3A_649 {offsets = [8], sizes = [1], strides = [1]} : vector<16xf32> to vector<1xf32>
        %squeeze3A_1101 = vector.extract %slice3A_1100[0] : f32 from vector<1xf32>
        %get3A_1102 = arith.index_cast %add3A_1097 : i32 to index
        %get3A_1103 = arith.constant 0 : index
        %get3A_1104 = tpu.vector_load %arg5[%get3A_1102, %get3A_1103] {strides = array<i32>} : memref<512x128xf32, #tpu.memory_space<vmem>>, vector<1x16xf32>,
        %get3A_1105 = vector.shape_cast %get3A_1104 : vector<1x16xf32> to vector<16xf32>
        %mul3A_1106 = vector.broadcast %squeeze3A_1099 : f32 to vector<16xf32>
        %mul3A_1107 = arith.mulf %mul3A_1106, %get3A_1105 : vector<16xf32>
        %mul3A_1108 = vector.broadcast %squeeze3A_1101 : f32 to vector<16xf32>
        %mul3A_1109 = arith.mulf %mul3A_1108, %get3A_1105 : vector<16xf32>
        %min3A_1110 = arith.minimumf %min3A_1054, %mul3A_1107 : vector<16xf32>
        %max3A_1111 = arith.maximumf %max3A_1055, %mul3A_1107 : vector<16xf32>
        %min3A_1112 = arith.minimumf %min3A_1056, %mul3A_1109 : vector<16xf32>
        %max3A_1113 = arith.maximumf %max3A_1057, %mul3A_1109 : vector<16xf32>
        %get3A_1114 = arith.index_cast %add3A_1097 : i32 to index
        %get3A_1115 = arith.constant 16 : index
        %get3A_1116 = tpu.vector_load %arg5[%get3A_1114, %get3A_1115] {strides = array<i32>} : memref<512x128xf32, #tpu.memory_space<vmem>>, vector<1x16xf32>,
        %get3A_1117 = vector.shape_cast %get3A_1116 : vector<1x16xf32> to vector<16xf32>
        %mul3A_1118 = vector.broadcast %squeeze3A_1099 : f32 to vector<16xf32>
        %mul3A_1119 = arith.mulf %mul3A_1118, %get3A_1117 : vector<16xf32>
        %mul3A_1120 = vector.broadcast %squeeze3A_1101 : f32 to vector<16xf32>
        %mul3A_1121 = arith.mulf %mul3A_1120, %get3A_1117 : vector<16xf32>
        %min3A_1122 = arith.minimumf %min3A_1066, %mul3A_1119 : vector<16xf32>
        %max3A_1123 = arith.maximumf %max3A_1067, %mul3A_1119 : vector<16xf32>
        %min3A_1124 = arith.minimumf %min3A_1068, %mul3A_1121 : vector<16xf32>
        %max3A_1125 = arith.maximumf %max3A_1069, %mul3A_1121 : vector<16xf32>
        %get3A_1126 = arith.index_cast %add3A_1097 : i32 to index
        %get3A_1127 = arith.constant 32 : index
        %get3A_1128 = tpu.vector_load %arg5[%get3A_1126, %get3A_1127] {strides = array<i32>} : memref<512x128xf32, #tpu.memory_space<vmem>>, vector<1x16xf32>,
        %get3A_1129 = vector.shape_cast %get3A_1128 : vector<1x16xf32> to vector<16xf32>
        %mul3A_1130 = vector.broadcast %squeeze3A_1099 : f32 to vector<16xf32>
        %mul3A_1131 = arith.mulf %mul3A_1130, %get3A_1129 : vector<16xf32>
        %mul3A_1132 = vector.broadcast %squeeze3A_1101 : f32 to vector<16xf32>
        %mul3A_1133 = arith.mulf %mul3A_1132, %get3A_1129 : vector<16xf32>
        %min3A_1134 = arith.minimumf %min3A_1078, %mul3A_1131 : vector<16xf32>
        %max3A_1135 = arith.maximumf %max3A_1079, %mul3A_1131 : vector<16xf32>
        %min3A_1136 = arith.minimumf %min3A_1080, %mul3A_1133 : vector<16xf32>
        %max3A_1137 = arith.maximumf %max3A_1081, %mul3A_1133 : vector<16xf32>
        %get3A_1138 = arith.index_cast %add3A_1097 : i32 to index
        %get3A_1139 = arith.constant 48 : index
        %get3A_1140 = tpu.vector_load %arg5[%get3A_1138, %get3A_1139] {strides = array<i32>} : memref<512x128xf32, #tpu.memory_space<vmem>>, vector<1x16xf32>,
        %get3A_1141 = vector.shape_cast %get3A_1140 : vector<1x16xf32> to vector<16xf32>
        %mul3A_1142 = vector.broadcast %squeeze3A_1099 : f32 to vector<16xf32>
        %mul3A_1143 = arith.mulf %mul3A_1142, %get3A_1141 : vector<16xf32>
        %mul3A_1144 = vector.broadcast %squeeze3A_1101 : f32 to vector<16xf32>
        %mul3A_1145 = arith.mulf %mul3A_1144, %get3A_1141 : vector<16xf32>
        %min3A_1146 = arith.minimumf %min3A_1090, %mul3A_1143 : vector<16xf32>
        %max3A_1147 = arith.maximumf %max3A_1091, %mul3A_1143 : vector<16xf32>
        %min3A_1148 = arith.minimumf %min3A_1092, %mul3A_1145 : vector<16xf32>
        %max3A_1149 = arith.maximumf %max3A_1093, %mul3A_1145 : vector<16xf32>
        %mul3A_1150 = arith.constant 16 : i32
        %mul3A_1151 = arith.muli %scan3A_615, %mul3A_1150 : i32
        %add3A_1152 = arith.constant 9 : i32
        %add3A_1153 = arith.addi %mul3A_1151, %add3A_1152 : i32
        %slice3A_1154 = vector.extract_strided_slice %get3A_639 {offsets = [9], sizes = [1], strides = [1]} : vector<16xf32> to vector<1xf32>
        %squeeze3A_1155 = vector.extract %slice3A_1154[0] : f32 from vector<1xf32>
        %slice3A_1156 = vector.extract_strided_slice %get3A_649 {offsets = [9], sizes = [1], strides = [1]} : vector<16xf32> to vector<1xf32>
        %squeeze3A_1157 = vector.extract %slice3A_1156[0] : f32 from vector<1xf32>
        %get3A_1158 = arith.index_cast %add3A_1153 : i32 to index
        %get3A_1159 = arith.constant 0 : index
        %get3A_1160 = tpu.vector_load %arg5[%get3A_1158, %get3A_1159] {strides = array<i32>} : memref<512x128xf32, #tpu.memory_space<vmem>>, vector<1x16xf32>,
        %get3A_1161 = vector.shape_cast %get3A_1160 : vector<1x16xf32> to vector<16xf32>
        %mul3A_1162 = vector.broadcast %squeeze3A_1155 : f32 to vector<16xf32>
        %mul3A_1163 = arith.mulf %mul3A_1162, %get3A_1161 : vector<16xf32>
        %mul3A_1164 = vector.broadcast %squeeze3A_1157 : f32 to vector<16xf32>
        %mul3A_1165 = arith.mulf %mul3A_1164, %get3A_1161 : vector<16xf32>
        %min3A_1166 = arith.minimumf %min3A_1110, %mul3A_1163 : vector<16xf32>
        %max3A_1167 = arith.maximumf %max3A_1111, %mul3A_1163 : vector<16xf32>
        %min3A_1168 = arith.minimumf %min3A_1112, %mul3A_1165 : vector<16xf32>
        %max3A_1169 = arith.maximumf %max3A_1113, %mul3A_1165 : vector<16xf32>
        %get3A_1170 = arith.index_cast %add3A_1153 : i32 to index
        %get3A_1171 = arith.constant 16 : index
        %get3A_1172 = tpu.vector_load %arg5[%get3A_1170, %get3A_1171] {strides = array<i32>} : memref<512x128xf32, #tpu.memory_space<vmem>>, vector<1x16xf32>,
        %get3A_1173 = vector.shape_cast %get3A_1172 : vector<1x16xf32> to vector<16xf32>
        %mul3A_1174 = vector.broadcast %squeeze3A_1155 : f32 to vector<16xf32>
        %mul3A_1175 = arith.mulf %mul3A_1174, %get3A_1173 : vector<16xf32>
        %mul3A_1176 = vector.broadcast %squeeze3A_1157 : f32 to vector<16xf32>
        %mul3A_1177 = arith.mulf %mul3A_1176, %get3A_1173 : vector<16xf32>
        %min3A_1178 = arith.minimumf %min3A_1122, %mul3A_1175 : vector<16xf32>
        %max3A_1179 = arith.maximumf %max3A_1123, %mul3A_1175 : vector<16xf32>
        %min3A_1180 = arith.minimumf %min3A_1124, %mul3A_1177 : vector<16xf32>
        %max3A_1181 = arith.maximumf %max3A_1125, %mul3A_1177 : vector<16xf32>
        %get3A_1182 = arith.index_cast %add3A_1153 : i32 to index
        %get3A_1183 = arith.constant 32 : index
        %get3A_1184 = tpu.vector_load %arg5[%get3A_1182, %get3A_1183] {strides = array<i32>} : memref<512x128xf32, #tpu.memory_space<vmem>>, vector<1x16xf32>,
        %get3A_1185 = vector.shape_cast %get3A_1184 : vector<1x16xf32> to vector<16xf32>
        %mul3A_1186 = vector.broadcast %squeeze3A_1155 : f32 to vector<16xf32>
        %mul3A_1187 = arith.mulf %mul3A_1186, %get3A_1185 : vector<16xf32>
        %mul3A_1188 = vector.broadcast %squeeze3A_1157 : f32 to vector<16xf32>
        %mul3A_1189 = arith.mulf %mul3A_1188, %get3A_1185 : vector<16xf32>
        %min3A_1190 = arith.minimumf %min3A_1134, %mul3A_1187 : vector<16xf32>
        %max3A_1191 = arith.maximumf %max3A_1135, %mul3A_1187 : vector<16xf32>
        %min3A_1192 = arith.minimumf %min3A_1136, %mul3A_1189 : vector<16xf32>
        %max3A_1193 = arith.maximumf %max3A_1137, %mul3A_1189 : vector<16xf32>
        %get3A_1194 = arith.index_cast %add3A_1153 : i32 to index
        %get3A_1195 = arith.constant 48 : index
        %get3A_1196 = tpu.vector_load %arg5[%get3A_1194, %get3A_1195] {strides = array<i32>} : memref<512x128xf32, #tpu.memory_space<vmem>>, vector<1x16xf32>,
        %get3A_1197 = vector.shape_cast %get3A_1196 : vector<1x16xf32> to vector<16xf32>
        %mul3A_1198 = vector.broadcast %squeeze3A_1155 : f32 to vector<16xf32>
        %mul3A_1199 = arith.mulf %mul3A_1198, %get3A_1197 : vector<16xf32>
        %mul3A_1200 = vector.broadcast %squeeze3A_1157 : f32 to vector<16xf32>
        %mul3A_1201 = arith.mulf %mul3A_1200, %get3A_1197 : vector<16xf32>
        %min3A_1202 = arith.minimumf %min3A_1146, %mul3A_1199 : vector<16xf32>
        %max3A_1203 = arith.maximumf %max3A_1147, %mul3A_1199 : vector<16xf32>
        %min3A_1204 = arith.minimumf %min3A_1148, %mul3A_1201 : vector<16xf32>
        %max3A_1205 = arith.maximumf %max3A_1149, %mul3A_1201 : vector<16xf32>
        %mul3A_1206 = arith.constant 16 : i32
        %mul3A_1207 = arith.muli %scan3A_615, %mul3A_1206 : i32
        %add3A_1208 = arith.constant 10 : i32
        %add3A_1209 = arith.addi %mul3A_1207, %add3A_1208 : i32
        %slice3A_1210 = vector.extract_strided_slice %get3A_639 {offsets = [10], sizes = [1], strides = [1]} : vector<16xf32> to vector<1xf32>
        %squeeze3A_1211 = vector.extract %slice3A_1210[0] : f32 from vector<1xf32>
        %slice3A_1212 = vector.extract_strided_slice %get3A_649 {offsets = [10], sizes = [1], strides = [1]} : vector<16xf32> to vector<1xf32>
        %squeeze3A_1213 = vector.extract %slice3A_1212[0] : f32 from vector<1xf32>
        %get3A_1214 = arith.index_cast %add3A_1209 : i32 to index
        %get3A_1215 = arith.constant 0 : index
        %get3A_1216 = tpu.vector_load %arg5[%get3A_1214, %get3A_1215] {strides = array<i32>} : memref<512x128xf32, #tpu.memory_space<vmem>>, vector<1x16xf32>,
        %get3A_1217 = vector.shape_cast %get3A_1216 : vector<1x16xf32> to vector<16xf32>
        %mul3A_1218 = vector.broadcast %squeeze3A_1211 : f32 to vector<16xf32>
        %mul3A_1219 = arith.mulf %mul3A_1218, %get3A_1217 : vector<16xf32>
        %mul3A_1220 = vector.broadcast %squeeze3A_1213 : f32 to vector<16xf32>
        %mul3A_1221 = arith.mulf %mul3A_1220, %get3A_1217 : vector<16xf32>
        %min3A_1222 = arith.minimumf %min3A_1166, %mul3A_1219 : vector<16xf32>
        %max3A_1223 = arith.maximumf %max3A_1167, %mul3A_1219 : vector<16xf32>
        %min3A_1224 = arith.minimumf %min3A_1168, %mul3A_1221 : vector<16xf32>
        %max3A_1225 = arith.maximumf %max3A_1169, %mul3A_1221 : vector<16xf32>
        %get3A_1226 = arith.index_cast %add3A_1209 : i32 to index
        %get3A_1227 = arith.constant 16 : index
        %get3A_1228 = tpu.vector_load %arg5[%get3A_1226, %get3A_1227] {strides = array<i32>} : memref<512x128xf32, #tpu.memory_space<vmem>>, vector<1x16xf32>,
        %get3A_1229 = vector.shape_cast %get3A_1228 : vector<1x16xf32> to vector<16xf32>
        %mul3A_1230 = vector.broadcast %squeeze3A_1211 : f32 to vector<16xf32>
        %mul3A_1231 = arith.mulf %mul3A_1230, %get3A_1229 : vector<16xf32>
        %mul3A_1232 = vector.broadcast %squeeze3A_1213 : f32 to vector<16xf32>
        %mul3A_1233 = arith.mulf %mul3A_1232, %get3A_1229 : vector<16xf32>
        %min3A_1234 = arith.minimumf %min3A_1178, %mul3A_1231 : vector<16xf32>
        %max3A_1235 = arith.maximumf %max3A_1179, %mul3A_1231 : vector<16xf32>
        %min3A_1236 = arith.minimumf %min3A_1180, %mul3A_1233 : vector<16xf32>
        %max3A_1237 = arith.maximumf %max3A_1181, %mul3A_1233 : vector<16xf32>
        %get3A_1238 = arith.index_cast %add3A_1209 : i32 to index
        %get3A_1239 = arith.constant 32 : index
        %get3A_1240 = tpu.vector_load %arg5[%get3A_1238, %get3A_1239] {strides = array<i32>} : memref<512x128xf32, #tpu.memory_space<vmem>>, vector<1x16xf32>,
        %get3A_1241 = vector.shape_cast %get3A_1240 : vector<1x16xf32> to vector<16xf32>
        %mul3A_1242 = vector.broadcast %squeeze3A_1211 : f32 to vector<16xf32>
        %mul3A_1243 = arith.mulf %mul3A_1242, %get3A_1241 : vector<16xf32>
        %mul3A_1244 = vector.broadcast %squeeze3A_1213 : f32 to vector<16xf32>
        %mul3A_1245 = arith.mulf %mul3A_1244, %get3A_1241 : vector<16xf32>
        %min3A_1246 = arith.minimumf %min3A_1190, %mul3A_1243 : vector<16xf32>
        %max3A_1247 = arith.maximumf %max3A_1191, %mul3A_1243 : vector<16xf32>
        %min3A_1248 = arith.minimumf %min3A_1192, %mul3A_1245 : vector<16xf32>
        %max3A_1249 = arith.maximumf %max3A_1193, %mul3A_1245 : vector<16xf32>
        %get3A_1250 = arith.index_cast %add3A_1209 : i32 to index
        %get3A_1251 = arith.constant 48 : index
        %get3A_1252 = tpu.vector_load %arg5[%get3A_1250, %get3A_1251] {strides = array<i32>} : memref<512x128xf32, #tpu.memory_space<vmem>>, vector<1x16xf32>,
        %get3A_1253 = vector.shape_cast %get3A_1252 : vector<1x16xf32> to vector<16xf32>
        %mul3A_1254 = vector.broadcast %squeeze3A_1211 : f32 to vector<16xf32>
        %mul3A_1255 = arith.mulf %mul3A_1254, %get3A_1253 : vector<16xf32>
        %mul3A_1256 = vector.broadcast %squeeze3A_1213 : f32 to vector<16xf32>
        %mul3A_1257 = arith.mulf %mul3A_1256, %get3A_1253 : vector<16xf32>
        %min3A_1258 = arith.minimumf %min3A_1202, %mul3A_1255 : vector<16xf32>
        %max3A_1259 = arith.maximumf %max3A_1203, %mul3A_1255 : vector<16xf32>
        %min3A_1260 = arith.minimumf %min3A_1204, %mul3A_1257 : vector<16xf32>
        %max3A_1261 = arith.maximumf %max3A_1205, %mul3A_1257 : vector<16xf32>
        %mul3A_1262 = arith.constant 16 : i32
        %mul3A_1263 = arith.muli %scan3A_615, %mul3A_1262 : i32
        %add3A_1264 = arith.constant 11 : i32
        %add3A_1265 = arith.addi %mul3A_1263, %add3A_1264 : i32
        %slice3A_1266 = vector.extract_strided_slice %get3A_639 {offsets = [11], sizes = [1], strides = [1]} : vector<16xf32> to vector<1xf32>
        %squeeze3A_1267 = vector.extract %slice3A_1266[0] : f32 from vector<1xf32>
        %slice3A_1268 = vector.extract_strided_slice %get3A_649 {offsets = [11], sizes = [1], strides = [1]} : vector<16xf32> to vector<1xf32>
        %squeeze3A_1269 = vector.extract %slice3A_1268[0] : f32 from vector<1xf32>
        %get3A_1270 = arith.index_cast %add3A_1265 : i32 to index
        %get3A_1271 = arith.constant 0 : index
        %get3A_1272 = tpu.vector_load %arg5[%get3A_1270, %get3A_1271] {strides = array<i32>} : memref<512x128xf32, #tpu.memory_space<vmem>>, vector<1x16xf32>,
        %get3A_1273 = vector.shape_cast %get3A_1272 : vector<1x16xf32> to vector<16xf32>
        %mul3A_1274 = vector.broadcast %squeeze3A_1267 : f32 to vector<16xf32>
        %mul3A_1275 = arith.mulf %mul3A_1274, %get3A_1273 : vector<16xf32>
        %mul3A_1276 = vector.broadcast %squeeze3A_1269 : f32 to vector<16xf32>
        %mul3A_1277 = arith.mulf %mul3A_1276, %get3A_1273 : vector<16xf32>
        %min3A_1278 = arith.minimumf %min3A_1222, %mul3A_1275 : vector<16xf32>
        %max3A_1279 = arith.maximumf %max3A_1223, %mul3A_1275 : vector<16xf32>
        %min3A_1280 = arith.minimumf %min3A_1224, %mul3A_1277 : vector<16xf32>
        %max3A_1281 = arith.maximumf %max3A_1225, %mul3A_1277 : vector<16xf32>
        %get3A_1282 = arith.index_cast %add3A_1265 : i32 to index
        %get3A_1283 = arith.constant 16 : index
        %get3A_1284 = tpu.vector_load %arg5[%get3A_1282, %get3A_1283] {strides = array<i32>} : memref<512x128xf32, #tpu.memory_space<vmem>>, vector<1x16xf32>,
        %get3A_1285 = vector.shape_cast %get3A_1284 : vector<1x16xf32> to vector<16xf32>
        %mul3A_1286 = vector.broadcast %squeeze3A_1267 : f32 to vector<16xf32>
        %mul3A_1287 = arith.mulf %mul3A_1286, %get3A_1285 : vector<16xf32>
        %mul3A_1288 = vector.broadcast %squeeze3A_1269 : f32 to vector<16xf32>
        %mul3A_1289 = arith.mulf %mul3A_1288, %get3A_1285 : vector<16xf32>
        %min3A_1290 = arith.minimumf %min3A_1234, %mul3A_1287 : vector<16xf32>
        %max3A_1291 = arith.maximumf %max3A_1235, %mul3A_1287 : vector<16xf32>
        %min3A_1292 = arith.minimumf %min3A_1236, %mul3A_1289 : vector<16xf32>
        %max3A_1293 = arith.maximumf %max3A_1237, %mul3A_1289 : vector<16xf32>
        %get3A_1294 = arith.index_cast %add3A_1265 : i32 to index
        %get3A_1295 = arith.constant 32 : index
        %get3A_1296 = tpu.vector_load %arg5[%get3A_1294, %get3A_1295] {strides = array<i32>} : memref<512x128xf32, #tpu.memory_space<vmem>>, vector<1x16xf32>,
        %get3A_1297 = vector.shape_cast %get3A_1296 : vector<1x16xf32> to vector<16xf32>
        %mul3A_1298 = vector.broadcast %squeeze3A_1267 : f32 to vector<16xf32>
        %mul3A_1299 = arith.mulf %mul3A_1298, %get3A_1297 : vector<16xf32>
        %mul3A_1300 = vector.broadcast %squeeze3A_1269 : f32 to vector<16xf32>
        %mul3A_1301 = arith.mulf %mul3A_1300, %get3A_1297 : vector<16xf32>
        %min3A_1302 = arith.minimumf %min3A_1246, %mul3A_1299 : vector<16xf32>
        %max3A_1303 = arith.maximumf %max3A_1247, %mul3A_1299 : vector<16xf32>
        %min3A_1304 = arith.minimumf %min3A_1248, %mul3A_1301 : vector<16xf32>
        %max3A_1305 = arith.maximumf %max3A_1249, %mul3A_1301 : vector<16xf32>
        %get3A_1306 = arith.index_cast %add3A_1265 : i32 to index
        %get3A_1307 = arith.constant 48 : index
        %get3A_1308 = tpu.vector_load %arg5[%get3A_1306, %get3A_1307] {strides = array<i32>} : memref<512x128xf32, #tpu.memory_space<vmem>>, vector<1x16xf32>,
        %get3A_1309 = vector.shape_cast %get3A_1308 : vector<1x16xf32> to vector<16xf32>
        %mul3A_1310 = vector.broadcast %squeeze3A_1267 : f32 to vector<16xf32>
        %mul3A_1311 = arith.mulf %mul3A_1310, %get3A_1309 : vector<16xf32>
        %mul3A_1312 = vector.broadcast %squeeze3A_1269 : f32 to vector<16xf32>
        %mul3A_1313 = arith.mulf %mul3A_1312, %get3A_1309 : vector<16xf32>
        %min3A_1314 = arith.minimumf %min3A_1258, %mul3A_1311 : vector<16xf32>
        %max3A_1315 = arith.maximumf %max3A_1259, %mul3A_1311 : vector<16xf32>
        %min3A_1316 = arith.minimumf %min3A_1260, %mul3A_1313 : vector<16xf32>
        %max3A_1317 = arith.maximumf %max3A_1261, %mul3A_1313 : vector<16xf32>
        %mul3A_1318 = arith.constant 16 : i32
        %mul3A_1319 = arith.muli %scan3A_615, %mul3A_1318 : i32
        %add3A_1320 = arith.constant 12 : i32
        %add3A_1321 = arith.addi %mul3A_1319, %add3A_1320 : i32
        %slice3A_1322 = vector.extract_strided_slice %get3A_639 {offsets = [12], sizes = [1], strides = [1]} : vector<16xf32> to vector<1xf32>
        %squeeze3A_1323 = vector.extract %slice3A_1322[0] : f32 from vector<1xf32>
        %slice3A_1324 = vector.extract_strided_slice %get3A_649 {offsets = [12], sizes = [1], strides = [1]} : vector<16xf32> to vector<1xf32>
        %squeeze3A_1325 = vector.extract %slice3A_1324[0] : f32 from vector<1xf32>
        %get3A_1326 = arith.index_cast %add3A_1321 : i32 to index
        %get3A_1327 = arith.constant 0 : index
        %get3A_1328 = tpu.vector_load %arg5[%get3A_1326, %get3A_1327] {strides = array<i32>} : memref<512x128xf32, #tpu.memory_space<vmem>>, vector<1x16xf32>,
        %get3A_1329 = vector.shape_cast %get3A_1328 : vector<1x16xf32> to vector<16xf32>
        %mul3A_1330 = vector.broadcast %squeeze3A_1323 : f32 to vector<16xf32>
        %mul3A_1331 = arith.mulf %mul3A_1330, %get3A_1329 : vector<16xf32>
        %mul3A_1332 = vector.broadcast %squeeze3A_1325 : f32 to vector<16xf32>
        %mul3A_1333 = arith.mulf %mul3A_1332, %get3A_1329 : vector<16xf32>
        %min3A_1334 = arith.minimumf %min3A_1278, %mul3A_1331 : vector<16xf32>
        %max3A_1335 = arith.maximumf %max3A_1279, %mul3A_1331 : vector<16xf32>
        %min3A_1336 = arith.minimumf %min3A_1280, %mul3A_1333 : vector<16xf32>
        %max3A_1337 = arith.maximumf %max3A_1281, %mul3A_1333 : vector<16xf32>
        %get3A_1338 = arith.index_cast %add3A_1321 : i32 to index
        %get3A_1339 = arith.constant 16 : index
        %get3A_1340 = tpu.vector_load %arg5[%get3A_1338, %get3A_1339] {strides = array<i32>} : memref<512x128xf32, #tpu.memory_space<vmem>>, vector<1x16xf32>,
        %get3A_1341 = vector.shape_cast %get3A_1340 : vector<1x16xf32> to vector<16xf32>
        %mul3A_1342 = vector.broadcast %squeeze3A_1323 : f32 to vector<16xf32>
        %mul3A_1343 = arith.mulf %mul3A_1342, %get3A_1341 : vector<16xf32>
        %mul3A_1344 = vector.broadcast %squeeze3A_1325 : f32 to vector<16xf32>
        %mul3A_1345 = arith.mulf %mul3A_1344, %get3A_1341 : vector<16xf32>
        %min3A_1346 = arith.minimumf %min3A_1290, %mul3A_1343 : vector<16xf32>
        %max3A_1347 = arith.maximumf %max3A_1291, %mul3A_1343 : vector<16xf32>
        %min3A_1348 = arith.minimumf %min3A_1292, %mul3A_1345 : vector<16xf32>
        %max3A_1349 = arith.maximumf %max3A_1293, %mul3A_1345 : vector<16xf32>
        %get3A_1350 = arith.index_cast %add3A_1321 : i32 to index
        %get3A_1351 = arith.constant 32 : index
        %get3A_1352 = tpu.vector_load %arg5[%get3A_1350, %get3A_1351] {strides = array<i32>} : memref<512x128xf32, #tpu.memory_space<vmem>>, vector<1x16xf32>,
        %get3A_1353 = vector.shape_cast %get3A_1352 : vector<1x16xf32> to vector<16xf32>
        %mul3A_1354 = vector.broadcast %squeeze3A_1323 : f32 to vector<16xf32>
        %mul3A_1355 = arith.mulf %mul3A_1354, %get3A_1353 : vector<16xf32>
        %mul3A_1356 = vector.broadcast %squeeze3A_1325 : f32 to vector<16xf32>
        %mul3A_1357 = arith.mulf %mul3A_1356, %get3A_1353 : vector<16xf32>
        %min3A_1358 = arith.minimumf %min3A_1302, %mul3A_1355 : vector<16xf32>
        %max3A_1359 = arith.maximumf %max3A_1303, %mul3A_1355 : vector<16xf32>
        %min3A_1360 = arith.minimumf %min3A_1304, %mul3A_1357 : vector<16xf32>
        %max3A_1361 = arith.maximumf %max3A_1305, %mul3A_1357 : vector<16xf32>
        %get3A_1362 = arith.index_cast %add3A_1321 : i32 to index
        %get3A_1363 = arith.constant 48 : index
        %get3A_1364 = tpu.vector_load %arg5[%get3A_1362, %get3A_1363] {strides = array<i32>} : memref<512x128xf32, #tpu.memory_space<vmem>>, vector<1x16xf32>,
        %get3A_1365 = vector.shape_cast %get3A_1364 : vector<1x16xf32> to vector<16xf32>
        %mul3A_1366 = vector.broadcast %squeeze3A_1323 : f32 to vector<16xf32>
        %mul3A_1367 = arith.mulf %mul3A_1366, %get3A_1365 : vector<16xf32>
        %mul3A_1368 = vector.broadcast %squeeze3A_1325 : f32 to vector<16xf32>
        %mul3A_1369 = arith.mulf %mul3A_1368, %get3A_1365 : vector<16xf32>
        %min3A_1370 = arith.minimumf %min3A_1314, %mul3A_1367 : vector<16xf32>
        %max3A_1371 = arith.maximumf %max3A_1315, %mul3A_1367 : vector<16xf32>
        %min3A_1372 = arith.minimumf %min3A_1316, %mul3A_1369 : vector<16xf32>
        %max3A_1373 = arith.maximumf %max3A_1317, %mul3A_1369 : vector<16xf32>
        %mul3A_1374 = arith.constant 16 : i32
        %mul3A_1375 = arith.muli %scan3A_615, %mul3A_1374 : i32
        %add3A_1376 = arith.constant 13 : i32
        %add3A_1377 = arith.addi %mul3A_1375, %add3A_1376 : i32
        %slice3A_1378 = vector.extract_strided_slice %get3A_639 {offsets = [13], sizes = [1], strides = [1]} : vector<16xf32> to vector<1xf32>
        %squeeze3A_1379 = vector.extract %slice3A_1378[0] : f32 from vector<1xf32>
        %slice3A_1380 = vector.extract_strided_slice %get3A_649 {offsets = [13], sizes = [1], strides = [1]} : vector<16xf32> to vector<1xf32>
        %squeeze3A_1381 = vector.extract %slice3A_1380[0] : f32 from vector<1xf32>
        %get3A_1382 = arith.index_cast %add3A_1377 : i32 to index
        %get3A_1383 = arith.constant 0 : index
        %get3A_1384 = tpu.vector_load %arg5[%get3A_1382, %get3A_1383] {strides = array<i32>} : memref<512x128xf32, #tpu.memory_space<vmem>>, vector<1x16xf32>,
        %get3A_1385 = vector.shape_cast %get3A_1384 : vector<1x16xf32> to vector<16xf32>
        %mul3A_1386 = vector.broadcast %squeeze3A_1379 : f32 to vector<16xf32>
        %mul3A_1387 = arith.mulf %mul3A_1386, %get3A_1385 : vector<16xf32>
        %mul3A_1388 = vector.broadcast %squeeze3A_1381 : f32 to vector<16xf32>
        %mul3A_1389 = arith.mulf %mul3A_1388, %get3A_1385 : vector<16xf32>
        %min3A_1390 = arith.minimumf %min3A_1334, %mul3A_1387 : vector<16xf32>
        %max3A_1391 = arith.maximumf %max3A_1335, %mul3A_1387 : vector<16xf32>
        %min3A_1392 = arith.minimumf %min3A_1336, %mul3A_1389 : vector<16xf32>
        %max3A_1393 = arith.maximumf %max3A_1337, %mul3A_1389 : vector<16xf32>
        %get3A_1394 = arith.index_cast %add3A_1377 : i32 to index
        %get3A_1395 = arith.constant 16 : index
        %get3A_1396 = tpu.vector_load %arg5[%get3A_1394, %get3A_1395] {strides = array<i32>} : memref<512x128xf32, #tpu.memory_space<vmem>>, vector<1x16xf32>,
        %get3A_1397 = vector.shape_cast %get3A_1396 : vector<1x16xf32> to vector<16xf32>
        %mul3A_1398 = vector.broadcast %squeeze3A_1379 : f32 to vector<16xf32>
        %mul3A_1399 = arith.mulf %mul3A_1398, %get3A_1397 : vector<16xf32>
        %mul3A_1400 = vector.broadcast %squeeze3A_1381 : f32 to vector<16xf32>
        %mul3A_1401 = arith.mulf %mul3A_1400, %get3A_1397 : vector<16xf32>
        %min3A_1402 = arith.minimumf %min3A_1346, %mul3A_1399 : vector<16xf32>
        %max3A_1403 = arith.maximumf %max3A_1347, %mul3A_1399 : vector<16xf32>
        %min3A_1404 = arith.minimumf %min3A_1348, %mul3A_1401 : vector<16xf32>
        %max3A_1405 = arith.maximumf %max3A_1349, %mul3A_1401 : vector<16xf32>
        %get3A_1406 = arith.index_cast %add3A_1377 : i32 to index
        %get3A_1407 = arith.constant 32 : index
        %get3A_1408 = tpu.vector_load %arg5[%get3A_1406, %get3A_1407] {strides = array<i32>} : memref<512x128xf32, #tpu.memory_space<vmem>>, vector<1x16xf32>,
        %get3A_1409 = vector.shape_cast %get3A_1408 : vector<1x16xf32> to vector<16xf32>
        %mul3A_1410 = vector.broadcast %squeeze3A_1379 : f32 to vector<16xf32>
        %mul3A_1411 = arith.mulf %mul3A_1410, %get3A_1409 : vector<16xf32>
        %mul3A_1412 = vector.broadcast %squeeze3A_1381 : f32 to vector<16xf32>
        %mul3A_1413 = arith.mulf %mul3A_1412, %get3A_1409 : vector<16xf32>
        %min3A_1414 = arith.minimumf %min3A_1358, %mul3A_1411 : vector<16xf32>
        %max3A_1415 = arith.maximumf %max3A_1359, %mul3A_1411 : vector<16xf32>
        %min3A_1416 = arith.minimumf %min3A_1360, %mul3A_1413 : vector<16xf32>
        %max3A_1417 = arith.maximumf %max3A_1361, %mul3A_1413 : vector<16xf32>
        %get3A_1418 = arith.index_cast %add3A_1377 : i32 to index
        %get3A_1419 = arith.constant 48 : index
        %get3A_1420 = tpu.vector_load %arg5[%get3A_1418, %get3A_1419] {strides = array<i32>} : memref<512x128xf32, #tpu.memory_space<vmem>>, vector<1x16xf32>,
        %get3A_1421 = vector.shape_cast %get3A_1420 : vector<1x16xf32> to vector<16xf32>
        %mul3A_1422 = vector.broadcast %squeeze3A_1379 : f32 to vector<16xf32>
        %mul3A_1423 = arith.mulf %mul3A_1422, %get3A_1421 : vector<16xf32>
        %mul3A_1424 = vector.broadcast %squeeze3A_1381 : f32 to vector<16xf32>
        %mul3A_1425 = arith.mulf %mul3A_1424, %get3A_1421 : vector<16xf32>
        %min3A_1426 = arith.minimumf %min3A_1370, %mul3A_1423 : vector<16xf32>
        %max3A_1427 = arith.maximumf %max3A_1371, %mul3A_1423 : vector<16xf32>
        %min3A_1428 = arith.minimumf %min3A_1372, %mul3A_1425 : vector<16xf32>
        %max3A_1429 = arith.maximumf %max3A_1373, %mul3A_1425 : vector<16xf32>
        %mul3A_1430 = arith.constant 16 : i32
        %mul3A_1431 = arith.muli %scan3A_615, %mul3A_1430 : i32
        %add3A_1432 = arith.constant 14 : i32
        %add3A_1433 = arith.addi %mul3A_1431, %add3A_1432 : i32
        %slice3A_1434 = vector.extract_strided_slice %get3A_639 {offsets = [14], sizes = [1], strides = [1]} : vector<16xf32> to vector<1xf32>
        %squeeze3A_1435 = vector.extract %slice3A_1434[0] : f32 from vector<1xf32>
        %slice3A_1436 = vector.extract_strided_slice %get3A_649 {offsets = [14], sizes = [1], strides = [1]} : vector<16xf32> to vector<1xf32>
        %squeeze3A_1437 = vector.extract %slice3A_1436[0] : f32 from vector<1xf32>
        %get3A_1438 = arith.index_cast %add3A_1433 : i32 to index
        %get3A_1439 = arith.constant 0 : index
        %get3A_1440 = tpu.vector_load %arg5[%get3A_1438, %get3A_1439] {strides = array<i32>} : memref<512x128xf32, #tpu.memory_space<vmem>>, vector<1x16xf32>,
        %get3A_1441 = vector.shape_cast %get3A_1440 : vector<1x16xf32> to vector<16xf32>
        %mul3A_1442 = vector.broadcast %squeeze3A_1435 : f32 to vector<16xf32>
        %mul3A_1443 = arith.mulf %mul3A_1442, %get3A_1441 : vector<16xf32>
        %mul3A_1444 = vector.broadcast %squeeze3A_1437 : f32 to vector<16xf32>
        %mul3A_1445 = arith.mulf %mul3A_1444, %get3A_1441 : vector<16xf32>
        %min3A_1446 = arith.minimumf %min3A_1390, %mul3A_1443 : vector<16xf32>
        %max3A_1447 = arith.maximumf %max3A_1391, %mul3A_1443 : vector<16xf32>
        %min3A_1448 = arith.minimumf %min3A_1392, %mul3A_1445 : vector<16xf32>
        %max3A_1449 = arith.maximumf %max3A_1393, %mul3A_1445 : vector<16xf32>
        %get3A_1450 = arith.index_cast %add3A_1433 : i32 to index
        %get3A_1451 = arith.constant 16 : index
        %get3A_1452 = tpu.vector_load %arg5[%get3A_1450, %get3A_1451] {strides = array<i32>} : memref<512x128xf32, #tpu.memory_space<vmem>>, vector<1x16xf32>,
        %get3A_1453 = vector.shape_cast %get3A_1452 : vector<1x16xf32> to vector<16xf32>
        %mul3A_1454 = vector.broadcast %squeeze3A_1435 : f32 to vector<16xf32>
        %mul3A_1455 = arith.mulf %mul3A_1454, %get3A_1453 : vector<16xf32>
        %mul3A_1456 = vector.broadcast %squeeze3A_1437 : f32 to vector<16xf32>
        %mul3A_1457 = arith.mulf %mul3A_1456, %get3A_1453 : vector<16xf32>
        %min3A_1458 = arith.minimumf %min3A_1402, %mul3A_1455 : vector<16xf32>
        %max3A_1459 = arith.maximumf %max3A_1403, %mul3A_1455 : vector<16xf32>
        %min3A_1460 = arith.minimumf %min3A_1404, %mul3A_1457 : vector<16xf32>
        %max3A_1461 = arith.maximumf %max3A_1405, %mul3A_1457 : vector<16xf32>
        %get3A_1462 = arith.index_cast %add3A_1433 : i32 to index
        %get3A_1463 = arith.constant 32 : index
        %get3A_1464 = tpu.vector_load %arg5[%get3A_1462, %get3A_1463] {strides = array<i32>} : memref<512x128xf32, #tpu.memory_space<vmem>>, vector<1x16xf32>,
        %get3A_1465 = vector.shape_cast %get3A_1464 : vector<1x16xf32> to vector<16xf32>
        %mul3A_1466 = vector.broadcast %squeeze3A_1435 : f32 to vector<16xf32>
        %mul3A_1467 = arith.mulf %mul3A_1466, %get3A_1465 : vector<16xf32>
        %mul3A_1468 = vector.broadcast %squeeze3A_1437 : f32 to vector<16xf32>
        %mul3A_1469 = arith.mulf %mul3A_1468, %get3A_1465 : vector<16xf32>
        %min3A_1470 = arith.minimumf %min3A_1414, %mul3A_1467 : vector<16xf32>
        %max3A_1471 = arith.maximumf %max3A_1415, %mul3A_1467 : vector<16xf32>
        %min3A_1472 = arith.minimumf %min3A_1416, %mul3A_1469 : vector<16xf32>
        %max3A_1473 = arith.maximumf %max3A_1417, %mul3A_1469 : vector<16xf32>
        %get3A_1474 = arith.index_cast %add3A_1433 : i32 to index
        %get3A_1475 = arith.constant 48 : index
        %get3A_1476 = tpu.vector_load %arg5[%get3A_1474, %get3A_1475] {strides = array<i32>} : memref<512x128xf32, #tpu.memory_space<vmem>>, vector<1x16xf32>,
        %get3A_1477 = vector.shape_cast %get3A_1476 : vector<1x16xf32> to vector<16xf32>
        %mul3A_1478 = vector.broadcast %squeeze3A_1435 : f32 to vector<16xf32>
        %mul3A_1479 = arith.mulf %mul3A_1478, %get3A_1477 : vector<16xf32>
        %mul3A_1480 = vector.broadcast %squeeze3A_1437 : f32 to vector<16xf32>
        %mul3A_1481 = arith.mulf %mul3A_1480, %get3A_1477 : vector<16xf32>
        %min3A_1482 = arith.minimumf %min3A_1426, %mul3A_1479 : vector<16xf32>
        %max3A_1483 = arith.maximumf %max3A_1427, %mul3A_1479 : vector<16xf32>
        %min3A_1484 = arith.minimumf %min3A_1428, %mul3A_1481 : vector<16xf32>
        %max3A_1485 = arith.maximumf %max3A_1429, %mul3A_1481 : vector<16xf32>
        %mul3A_1486 = arith.constant 16 : i32
        %mul3A_1487 = arith.muli %scan3A_615, %mul3A_1486 : i32
        %add3A_1488 = arith.constant 15 : i32
        %add3A_1489 = arith.addi %mul3A_1487, %add3A_1488 : i32
        %slice3A_1490 = vector.extract_strided_slice %get3A_639 {offsets = [15], sizes = [1], strides = [1]} : vector<16xf32> to vector<1xf32>
        %squeeze3A_1491 = vector.extract %slice3A_1490[0] : f32 from vector<1xf32>
        %slice3A_1492 = vector.extract_strided_slice %get3A_649 {offsets = [15], sizes = [1], strides = [1]} : vector<16xf32> to vector<1xf32>
        %squeeze3A_1493 = vector.extract %slice3A_1492[0] : f32 from vector<1xf32>
        %get3A_1494 = arith.index_cast %add3A_1489 : i32 to index
        %get3A_1495 = arith.constant 0 : index
        %get3A_1496 = tpu.vector_load %arg5[%get3A_1494, %get3A_1495] {strides = array<i32>} : memref<512x128xf32, #tpu.memory_space<vmem>>, vector<1x16xf32>,
        %get3A_1497 = vector.shape_cast %get3A_1496 : vector<1x16xf32> to vector<16xf32>
        %mul3A_1498 = vector.broadcast %squeeze3A_1491 : f32 to vector<16xf32>
        %mul3A_1499 = arith.mulf %mul3A_1498, %get3A_1497 : vector<16xf32>
        %mul3A_1500 = vector.broadcast %squeeze3A_1493 : f32 to vector<16xf32>
        %mul3A_1501 = arith.mulf %mul3A_1500, %get3A_1497 : vector<16xf32>
        %min3A_1502 = arith.minimumf %min3A_1446, %mul3A_1499 : vector<16xf32>
        %max3A_1503 = arith.maximumf %max3A_1447, %mul3A_1499 : vector<16xf32>
        %min3A_1504 = arith.minimumf %min3A_1448, %mul3A_1501 : vector<16xf32>
        %max3A_1505 = arith.maximumf %max3A_1449, %mul3A_1501 : vector<16xf32>
        %get3A_1506 = arith.index_cast %add3A_1489 : i32 to index
        %get3A_1507 = arith.constant 16 : index
        %get3A_1508 = tpu.vector_load %arg5[%get3A_1506, %get3A_1507] {strides = array<i32>} : memref<512x128xf32, #tpu.memory_space<vmem>>, vector<1x16xf32>,
        %get3A_1509 = vector.shape_cast %get3A_1508 : vector<1x16xf32> to vector<16xf32>
        %mul3A_1510 = vector.broadcast %squeeze3A_1491 : f32 to vector<16xf32>
        %mul3A_1511 = arith.mulf %mul3A_1510, %get3A_1509 : vector<16xf32>
        %mul3A_1512 = vector.broadcast %squeeze3A_1493 : f32 to vector<16xf32>
        %mul3A_1513 = arith.mulf %mul3A_1512, %get3A_1509 : vector<16xf32>
        %min3A_1514 = arith.minimumf %min3A_1458, %mul3A_1511 : vector<16xf32>
        %max3A_1515 = arith.maximumf %max3A_1459, %mul3A_1511 : vector<16xf32>
        %min3A_1516 = arith.minimumf %min3A_1460, %mul3A_1513 : vector<16xf32>
        %max3A_1517 = arith.maximumf %max3A_1461, %mul3A_1513 : vector<16xf32>
        %get3A_1518 = arith.index_cast %add3A_1489 : i32 to index
        %get3A_1519 = arith.constant 32 : index
        %get3A_1520 = tpu.vector_load %arg5[%get3A_1518, %get3A_1519] {strides = array<i32>} : memref<512x128xf32, #tpu.memory_space<vmem>>, vector<1x16xf32>,
        %get3A_1521 = vector.shape_cast %get3A_1520 : vector<1x16xf32> to vector<16xf32>
        %mul3A_1522 = vector.broadcast %squeeze3A_1491 : f32 to vector<16xf32>
        %mul3A_1523 = arith.mulf %mul3A_1522, %get3A_1521 : vector<16xf32>
        %mul3A_1524 = vector.broadcast %squeeze3A_1493 : f32 to vector<16xf32>
        %mul3A_1525 = arith.mulf %mul3A_1524, %get3A_1521 : vector<16xf32>
        %min3A_1526 = arith.minimumf %min3A_1470, %mul3A_1523 : vector<16xf32>
        %max3A_1527 = arith.maximumf %max3A_1471, %mul3A_1523 : vector<16xf32>
        %min3A_1528 = arith.minimumf %min3A_1472, %mul3A_1525 : vector<16xf32>
        %max3A_1529 = arith.maximumf %max3A_1473, %mul3A_1525 : vector<16xf32>
        %get3A_1530 = arith.index_cast %add3A_1489 : i32 to index
        %get3A_1531 = arith.constant 48 : index
        %get3A_1532 = tpu.vector_load %arg5[%get3A_1530, %get3A_1531] {strides = array<i32>} : memref<512x128xf32, #tpu.memory_space<vmem>>, vector<1x16xf32>,
        %get3A_1533 = vector.shape_cast %get3A_1532 : vector<1x16xf32> to vector<16xf32>
        %mul3A_1534 = vector.broadcast %squeeze3A_1491 : f32 to vector<16xf32>
        %mul3A_1535 = arith.mulf %mul3A_1534, %get3A_1533 : vector<16xf32>
        %mul3A_1536 = vector.broadcast %squeeze3A_1493 : f32 to vector<16xf32>
        %mul3A_1537 = arith.mulf %mul3A_1536, %get3A_1533 : vector<16xf32>
        %min3A_1538 = arith.minimumf %min3A_1482, %mul3A_1535 : vector<16xf32>
        %max3A_1539 = arith.maximumf %max3A_1483, %mul3A_1535 : vector<16xf32>
        %min3A_1540 = arith.minimumf %min3A_1484, %mul3A_1537 : vector<16xf32>
        %max3A_1541 = arith.maximumf %max3A_1485, %mul3A_1537 : vector<16xf32>
        scf.yield %min3A_1502, %min3A_1514, %min3A_1526, %min3A_1538, %max3A_1503, %max3A_1515, %max3A_1527, %max3A_1539, %min3A_1504, %min3A_1516, %min3A_1528, %min3A_1540, %max3A_1505, %max3A_1517, %max3A_1529, %max3A_1541 : vector<16xf32>, vector<16xf32>, vector<16xf32>, vector<16xf32>, vector<16xf32>, vector<16xf32>, vector<16xf32>, vector<16xf32>, vector<16xf32>, vector<16xf32>, vector<16xf32>, vector<16xf32>, vector<16xf32>, vector<16xf32>, vector<16xf32>, vector<16xf32>
      }
      %scan3A_81 = arith.constant 32 : i32
      %mul3A_82 = arith.constant 2 : i32
      %mul3A_83 = arith.muli %mul3A_82, %scan3A_59 : i32
      %add3A_84 = arith.addi %add3A_34, %mul3A_83 : i32
      %get3A = arith.index_cast %add3A_84 : i32 to index
      %get3A_85 = arith.constant 0 : index
      %get3A_86 = tpu.vector_load %arg5[%get3A, %get3A_85] {strides = array<i32>} : memref<512x128xf32, #tpu.memory_space<vmem>>, vector<1x16xf32>,
      %get3A_87 = vector.shape_cast %get3A_86 : vector<1x16xf32> to vector<16xf32>
      %mul3A_88 = arith.constant 2 : i32
      %mul3A_89 = arith.muli %mul3A_88, %scan3A_59 : i32
      %swap3A = arith.index_cast %mul3A_89 : i32 to index
      %swap3A_90 = arith.constant 0 : index
      %swap3A_91 = tpu.vector_load %arg7[%swap3A, %swap3A_90] {strides = array<i32>} : memref<32x384xf32, #tpu.memory_space<vmem>>, vector<1x16xf32>,
      %swap3A_92 = vector.shape_cast %swap3A_91 : vector<1x16xf32> to vector<16xf32>
      %swap3A_93 = vector.shape_cast %get3A_87 : vector<16xf32> to vector<1x16xf32>
      tpu.vector_store %arg7[%swap3A, %swap3A_90], %swap3A_93 {strides = array<i32>} : memref<32x384xf32, #tpu.memory_space<vmem>>, vector<1x16xf32>,
      %mul3A_94 = arith.constant 2 : i32
      %mul3A_95 = arith.muli %mul3A_94, %scan3A_59 : i32
      %add3A_96 = arith.addi %add3A_34, %mul3A_95 : i32
      %add3A_97 = arith.constant 1 : i32
      %add3A_98 = arith.addi %add3A_96, %add3A_97 : i32
      %get3A_99 = arith.index_cast %add3A_98 : i32 to index
      %get3A_100 = arith.constant 0 : index
      %get3A_101 = tpu.vector_load %arg5[%get3A_99, %get3A_100] {strides = array<i32>} : memref<512x128xf32, #tpu.memory_space<vmem>>, vector<1x16xf32>,
      %get3A_102 = vector.shape_cast %get3A_101 : vector<1x16xf32> to vector<16xf32>
      %mul3A_103 = arith.constant 2 : i32
      %mul3A_104 = arith.muli %mul3A_103, %scan3A_59 : i32
      %add3A_105 = arith.constant 1 : i32
      %add3A_106 = arith.addi %mul3A_104, %add3A_105 : i32
      %swap3A_107 = arith.index_cast %add3A_106 : i32 to index
      %swap3A_108 = arith.constant 0 : index
      %swap3A_109 = tpu.vector_load %arg7[%swap3A_107, %swap3A_108] {strides = array<i32>} : memref<32x384xf32, #tpu.memory_space<vmem>>, vector<1x16xf32>,
      %swap3A_110 = vector.shape_cast %swap3A_109 : vector<1x16xf32> to vector<16xf32>
      %swap3A_111 = vector.shape_cast %get3A_102 : vector<16xf32> to vector<1x16xf32>
      tpu.vector_store %arg7[%swap3A_107, %swap3A_108], %swap3A_111 {strides = array<i32>} : memref<32x384xf32, #tpu.memory_space<vmem>>, vector<1x16xf32>,
      %mul3A_112 = arith.constant 2 : i32
      %mul3A_113 = arith.muli %mul3A_112, %scan3A_59 : i32
      %swap3A_114 = arith.index_cast %mul3A_113 : i32 to index
      %swap3A_115 = arith.constant 128 : index
      %swap3A_116 = tpu.vector_load %arg7[%swap3A_114, %swap3A_115] {strides = array<i32>} : memref<32x384xf32, #tpu.memory_space<vmem>>, vector<1x16xf32>,
      %swap3A_117 = vector.shape_cast %swap3A_116 : vector<1x16xf32> to vector<16xf32>
      %swap3A_118 = vector.shape_cast %scan3A_80#0 : vector<16xf32> to vector<1x16xf32>
      tpu.vector_store %arg7[%swap3A_114, %swap3A_115], %swap3A_118 {strides = array<i32>} : memref<32x384xf32, #tpu.memory_space<vmem>>, vector<1x16xf32>,
      %mul3A_119 = arith.constant 2 : i32
      %mul3A_120 = arith.muli %mul3A_119, %scan3A_59 : i32
      %swap3A_121 = arith.index_cast %mul3A_120 : i32 to index
      %swap3A_122 = arith.constant 256 : index
      %swap3A_123 = tpu.vector_load %arg7[%swap3A_121, %swap3A_122] {strides = array<i32>} : memref<32x384xf32, #tpu.memory_space<vmem>>, vector<1x16xf32>,
      %swap3A_124 = vector.shape_cast %swap3A_123 : vector<1x16xf32> to vector<16xf32>
      %swap3A_125 = vector.shape_cast %scan3A_80#4 : vector<16xf32> to vector<1x16xf32>
      tpu.vector_store %arg7[%swap3A_121, %swap3A_122], %swap3A_125 {strides = array<i32>} : memref<32x384xf32, #tpu.memory_space<vmem>>, vector<1x16xf32>,
      %mul3A_126 = arith.constant 2 : i32
      %mul3A_127 = arith.muli %mul3A_126, %scan3A_59 : i32
      %add3A_128 = arith.constant 1 : i32
      %add3A_129 = arith.addi %mul3A_127, %add3A_128 : i32
      %swap3A_130 = arith.index_cast %add3A_129 : i32 to index
      %swap3A_131 = arith.constant 128 : index
      %swap3A_132 = tpu.vector_load %arg7[%swap3A_130, %swap3A_131] {strides = array<i32>} : memref<32x384xf32, #tpu.memory_space<vmem>>, vector<1x16xf32>,
      %swap3A_133 = vector.shape_cast %swap3A_132 : vector<1x16xf32> to vector<16xf32>
      %swap3A_134 = vector.shape_cast %scan3A_80#8 : vector<16xf32> to vector<1x16xf32>
      tpu.vector_store %arg7[%swap3A_130, %swap3A_131], %swap3A_134 {strides = array<i32>} : memref<32x384xf32, #tpu.memory_space<vmem>>, vector<1x16xf32>,
      %mul3A_135 = arith.constant 2 : i32
      %mul3A_136 = arith.muli %mul3A_135, %scan3A_59 : i32
      %add3A_137 = arith.constant 1 : i32
      %add3A_138 = arith.addi %mul3A_136, %add3A_137 : i32
      %swap3A_139 = arith.index_cast %add3A_138 : i32 to index
      %swap3A_140 = arith.constant 256 : index
      %swap3A_141 = tpu.vector_load %arg7[%swap3A_139, %swap3A_140] {strides = array<i32>} : memref<32x384xf32, #tpu.memory_space<vmem>>, vector<1x16xf32>,
      %swap3A_142 = vector.shape_cast %swap3A_141 : vector<1x16xf32> to vector<16xf32>
      %swap3A_143 = vector.shape_cast %scan3A_80#12 : vector<16xf32> to vector<1x16xf32>
      tpu.vector_store %arg7[%swap3A_139, %swap3A_140], %swap3A_143 {strides = array<i32>} : memref<32x384xf32, #tpu.memory_space<vmem>>, vector<1x16xf32>,
      %mul3A_144 = arith.constant 2 : i32
      %mul3A_145 = arith.muli %mul3A_144, %scan3A_59 : i32
      %add3A_146 = arith.addi %add3A_34, %mul3A_145 : i32
      %get3A_147 = arith.index_cast %add3A_146 : i32 to index
      %get3A_148 = arith.constant 16 : index
      %get3A_149 = tpu.vector_load %arg5[%get3A_147, %get3A_148] {strides = array<i32>} : memref<512x128xf32, #tpu.memory_space<vmem>>, vector<1x16xf32>,
      %get3A_150 = vector.shape_cast %get3A_149 : vector<1x16xf32> to vector<16xf32>
      %mul3A_151 = arith.constant 2 : i32
      %mul3A_152 = arith.muli %mul3A_151, %scan3A_59 : i32
      %swap3A_153 = arith.index_cast %mul3A_152 : i32 to index
      %swap3A_154 = arith.constant 16 : index
      %swap3A_155 = tpu.vector_load %arg7[%swap3A_153, %swap3A_154] {strides = array<i32>} : memref<32x384xf32, #tpu.memory_space<vmem>>, vector<1x16xf32>,
      %swap3A_156 = vector.shape_cast %swap3A_155 : vector<1x16xf32> to vector<16xf32>
      %swap3A_157 = vector.shape_cast %get3A_150 : vector<16xf32> to vector<1x16xf32>
      tpu.vector_store %arg7[%swap3A_153, %swap3A_154], %swap3A_157 {strides = array<i32>} : memref<32x384xf32, #tpu.memory_space<vmem>>, vector<1x16xf32>,
      %mul3A_158 = arith.constant 2 : i32
      %mul3A_159 = arith.muli %mul3A_158, %scan3A_59 : i32
      %add3A_160 = arith.addi %add3A_34, %mul3A_159 : i32
      %add3A_161 = arith.constant 1 : i32
      %add3A_162 = arith.addi %add3A_160, %add3A_161 : i32
      %get3A_163 = arith.index_cast %add3A_162 : i32 to index
      %get3A_164 = arith.constant 16 : index
      %get3A_165 = tpu.vector_load %arg5[%get3A_163, %get3A_164] {strides = array<i32>} : memref<512x128xf32, #tpu.memory_space<vmem>>, vector<1x16xf32>,
      %get3A_166 = vector.shape_cast %get3A_165 : vector<1x16xf32> to vector<16xf32>
      %mul3A_167 = arith.constant 2 : i32
      %mul3A_168 = arith.muli %mul3A_167, %scan3A_59 : i32
      %add3A_169 = arith.constant 1 : i32
      %add3A_170 = arith.addi %mul3A_168, %add3A_169 : i32
      %swap3A_171 = arith.index_cast %add3A_170 : i32 to index
      %swap3A_172 = arith.constant 16 : index
      %swap3A_173 = tpu.vector_load %arg7[%swap3A_171, %swap3A_172] {strides = array<i32>} : memref<32x384xf32, #tpu.memory_space<vmem>>, vector<1x16xf32>,
      %swap3A_174 = vector.shape_cast %swap3A_173 : vector<1x16xf32> to vector<16xf32>
      %swap3A_175 = vector.shape_cast %get3A_166 : vector<16xf32> to vector<1x16xf32>
      tpu.vector_store %arg7[%swap3A_171, %swap3A_172], %swap3A_175 {strides = array<i32>} : memref<32x384xf32, #tpu.memory_space<vmem>>, vector<1x16xf32>,
      %mul3A_176 = arith.constant 2 : i32
      %mul3A_177 = arith.muli %mul3A_176, %scan3A_59 : i32
      %swap3A_178 = arith.index_cast %mul3A_177 : i32 to index
      %swap3A_179 = arith.constant 144 : index
      %swap3A_180 = tpu.vector_load %arg7[%swap3A_178, %swap3A_179] {strides = array<i32>} : memref<32x384xf32, #tpu.memory_space<vmem>>, vector<1x16xf32>,
      %swap3A_181 = vector.shape_cast %swap3A_180 : vector<1x16xf32> to vector<16xf32>
      %swap3A_182 = vector.shape_cast %scan3A_80#1 : vector<16xf32> to vector<1x16xf32>
      tpu.vector_store %arg7[%swap3A_178, %swap3A_179], %swap3A_182 {strides = array<i32>} : memref<32x384xf32, #tpu.memory_space<vmem>>, vector<1x16xf32>,
      %mul3A_183 = arith.constant 2 : i32
      %mul3A_184 = arith.muli %mul3A_183, %scan3A_59 : i32
      %swap3A_185 = arith.index_cast %mul3A_184 : i32 to index
      %swap3A_186 = arith.constant 272 : index
      %swap3A_187 = tpu.vector_load %arg7[%swap3A_185, %swap3A_186] {strides = array<i32>} : memref<32x384xf32, #tpu.memory_space<vmem>>, vector<1x16xf32>,
      %swap3A_188 = vector.shape_cast %swap3A_187 : vector<1x16xf32> to vector<16xf32>
      %swap3A_189 = vector.shape_cast %scan3A_80#5 : vector<16xf32> to vector<1x16xf32>
      tpu.vector_store %arg7[%swap3A_185, %swap3A_186], %swap3A_189 {strides = array<i32>} : memref<32x384xf32, #tpu.memory_space<vmem>>, vector<1x16xf32>,
      %mul3A_190 = arith.constant 2 : i32
      %mul3A_191 = arith.muli %mul3A_190, %scan3A_59 : i32
      %add3A_192 = arith.constant 1 : i32
      %add3A_193 = arith.addi %mul3A_191, %add3A_192 : i32
      %swap3A_194 = arith.index_cast %add3A_193 : i32 to index
      %swap3A_195 = arith.constant 144 : index
      %swap3A_196 = tpu.vector_load %arg7[%swap3A_194, %swap3A_195] {strides = array<i32>} : memref<32x384xf32, #tpu.memory_space<vmem>>, vector<1x16xf32>,
      %swap3A_197 = vector.shape_cast %swap3A_196 : vector<1x16xf32> to vector<16xf32>
      %swap3A_198 = vector.shape_cast %scan3A_80#9 : vector<16xf32> to vector<1x16xf32>
      tpu.vector_store %arg7[%swap3A_194, %swap3A_195], %swap3A_198 {strides = array<i32>} : memref<32x384xf32, #tpu.memory_space<vmem>>, vector<1x16xf32>,
      %mul3A_199 = arith.constant 2 : i32
      %mul3A_200 = arith.muli %mul3A_199, %scan3A_59 : i32
      %add3A_201 = arith.constant 1 : i32
      %add3A_202 = arith.addi %mul3A_200, %add3A_201 : i32
      %swap3A_203 = arith.index_cast %add3A_202 : i32 to index
      %swap3A_204 = arith.constant 272 : index
      %swap3A_205 = tpu.vector_load %arg7[%swap3A_203, %swap3A_204] {strides = array<i32>} : memref<32x384xf32, #tpu.memory_space<vmem>>, vector<1x16xf32>,
      %swap3A_206 = vector.shape_cast %swap3A_205 : vector<1x16xf32> to vector<16xf32>
      %swap3A_207 = vector.shape_cast %scan3A_80#13 : vector<16xf32> to vector<1x16xf32>
      tpu.vector_store %arg7[%swap3A_203, %swap3A_204], %swap3A_207 {strides = array<i32>} : memref<32x384xf32, #tpu.memory_space<vmem>>, vector<1x16xf32>,
      %mul3A_208 = arith.constant 2 : i32
      %mul3A_209 = arith.muli %mul3A_208, %scan3A_59 : i32
      %add3A_210 = arith.addi %add3A_34, %mul3A_209 : i32
      %get3A_211 = arith.index_cast %add3A_210 : i32 to index
      %get3A_212 = arith.constant 32 : index
      %get3A_213 = tpu.vector_load %arg5[%get3A_211, %get3A_212] {strides = array<i32>} : memref<512x128xf32, #tpu.memory_space<vmem>>, vector<1x16xf32>,
      %get3A_214 = vector.shape_cast %get3A_213 : vector<1x16xf32> to vector<16xf32>
      %mul3A_215 = arith.constant 2 : i32
      %mul3A_216 = arith.muli %mul3A_215, %scan3A_59 : i32
      %swap3A_217 = arith.index_cast %mul3A_216 : i32 to index
      %swap3A_218 = arith.constant 32 : index
      %swap3A_219 = tpu.vector_load %arg7[%swap3A_217, %swap3A_218] {strides = array<i32>} : memref<32x384xf32, #tpu.memory_space<vmem>>, vector<1x16xf32>,
      %swap3A_220 = vector.shape_cast %swap3A_219 : vector<1x16xf32> to vector<16xf32>
      %swap3A_221 = vector.shape_cast %get3A_214 : vector<16xf32> to vector<1x16xf32>
      tpu.vector_store %arg7[%swap3A_217, %swap3A_218], %swap3A_221 {strides = array<i32>} : memref<32x384xf32, #tpu.memory_space<vmem>>, vector<1x16xf32>,
      %mul3A_222 = arith.constant 2 : i32
      %mul3A_223 = arith.muli %mul3A_222, %scan3A_59 : i32
      %add3A_224 = arith.addi %add3A_34, %mul3A_223 : i32
      %add3A_225 = arith.constant 1 : i32
      %add3A_226 = arith.addi %add3A_224, %add3A_225 : i32
      %get3A_227 = arith.index_cast %add3A_226 : i32 to index
      %get3A_228 = arith.constant 32 : index
      %get3A_229 = tpu.vector_load %arg5[%get3A_227, %get3A_228] {strides = array<i32>} : memref<512x128xf32, #tpu.memory_space<vmem>>, vector<1x16xf32>,
      %get3A_230 = vector.shape_cast %get3A_229 : vector<1x16xf32> to vector<16xf32>
      %mul3A_231 = arith.constant 2 : i32
      %mul3A_232 = arith.muli %mul3A_231, %scan3A_59 : i32
      %add3A_233 = arith.constant 1 : i32
      %add3A_234 = arith.addi %mul3A_232, %add3A_233 : i32
      %swap3A_235 = arith.index_cast %add3A_234 : i32 to index
      %swap3A_236 = arith.constant 32 : index
      %swap3A_237 = tpu.vector_load %arg7[%swap3A_235, %swap3A_236] {strides = array<i32>} : memref<32x384xf32, #tpu.memory_space<vmem>>, vector<1x16xf32>,
      %swap3A_238 = vector.shape_cast %swap3A_237 : vector<1x16xf32> to vector<16xf32>
      %swap3A_239 = vector.shape_cast %get3A_230 : vector<16xf32> to vector<1x16xf32>
      tpu.vector_store %arg7[%swap3A_235, %swap3A_236], %swap3A_239 {strides = array<i32>} : memref<32x384xf32, #tpu.memory_space<vmem>>, vector<1x16xf32>,
      %mul3A_240 = arith.constant 2 : i32
      %mul3A_241 = arith.muli %mul3A_240, %scan3A_59 : i32
      %swap3A_242 = arith.index_cast %mul3A_241 : i32 to index
      %swap3A_243 = arith.constant 160 : index
      %swap3A_244 = tpu.vector_load %arg7[%swap3A_242, %swap3A_243] {strides = array<i32>} : memref<32x384xf32, #tpu.memory_space<vmem>>, vector<1x16xf32>,
      %swap3A_245 = vector.shape_cast %swap3A_244 : vector<1x16xf32> to vector<16xf32>
      %swap3A_246 = vector.shape_cast %scan3A_80#2 : vector<16xf32> to vector<1x16xf32>
      tpu.vector_store %arg7[%swap3A_242, %swap3A_243], %swap3A_246 {strides = array<i32>} : memref<32x384xf32, #tpu.memory_space<vmem>>, vector<1x16xf32>,
      %mul3A_247 = arith.constant 2 : i32
      %mul3A_248 = arith.muli %mul3A_247, %scan3A_59 : i32
      %swap3A_249 = arith.index_cast %mul3A_248 : i32 to index
      %swap3A_250 = arith.constant 288 : index
      %swap3A_251 = tpu.vector_load %arg7[%swap3A_249, %swap3A_250] {strides = array<i32>} : memref<32x384xf32, #tpu.memory_space<vmem>>, vector<1x16xf32>,
      %swap3A_252 = vector.shape_cast %swap3A_251 : vector<1x16xf32> to vector<16xf32>
      %swap3A_253 = vector.shape_cast %scan3A_80#6 : vector<16xf32> to vector<1x16xf32>
      tpu.vector_store %arg7[%swap3A_249, %swap3A_250], %swap3A_253 {strides = array<i32>} : memref<32x384xf32, #tpu.memory_space<vmem>>, vector<1x16xf32>,
      %mul3A_254 = arith.constant 2 : i32
      %mul3A_255 = arith.muli %mul3A_254, %scan3A_59 : i32
      %add3A_256 = arith.constant 1 : i32
      %add3A_257 = arith.addi %mul3A_255, %add3A_256 : i32
      %swap3A_258 = arith.index_cast %add3A_257 : i32 to index
      %swap3A_259 = arith.constant 160 : index
      %swap3A_260 = tpu.vector_load %arg7[%swap3A_258, %swap3A_259] {strides = array<i32>} : memref<32x384xf32, #tpu.memory_space<vmem>>, vector<1x16xf32>,
      %swap3A_261 = vector.shape_cast %swap3A_260 : vector<1x16xf32> to vector<16xf32>
      %swap3A_262 = vector.shape_cast %scan3A_80#10 : vector<16xf32> to vector<1x16xf32>
      tpu.vector_store %arg7[%swap3A_258, %swap3A_259], %swap3A_262 {strides = array<i32>} : memref<32x384xf32, #tpu.memory_space<vmem>>, vector<1x16xf32>,
      %mul3A_263 = arith.constant 2 : i32
      %mul3A_264 = arith.muli %mul3A_263, %scan3A_59 : i32
      %add3A_265 = arith.constant 1 : i32
      %add3A_266 = arith.addi %mul3A_264, %add3A_265 : i32
      %swap3A_267 = arith.index_cast %add3A_266 : i32 to index
      %swap3A_268 = arith.constant 288 : index
      %swap3A_269 = tpu.vector_load %arg7[%swap3A_267, %swap3A_268] {strides = array<i32>} : memref<32x384xf32, #tpu.memory_space<vmem>>, vector<1x16xf32>,
      %swap3A_270 = vector.shape_cast %swap3A_269 : vector<1x16xf32> to vector<16xf32>
      %swap3A_271 = vector.shape_cast %scan3A_80#14 : vector<16xf32> to vector<1x16xf32>
      tpu.vector_store %arg7[%swap3A_267, %swap3A_268], %swap3A_271 {strides = array<i32>} : memref<32x384xf32, #tpu.memory_space<vmem>>, vector<1x16xf32>,
      %mul3A_272 = arith.constant 2 : i32
      %mul3A_273 = arith.muli %mul3A_272, %scan3A_59 : i32
      %add3A_274 = arith.addi %add3A_34, %mul3A_273 : i32
      %get3A_275 = arith.index_cast %add3A_274 : i32 to index
      %get3A_276 = arith.constant 48 : index
      %get3A_277 = tpu.vector_load %arg5[%get3A_275, %get3A_276] {strides = array<i32>} : memref<512x128xf32, #tpu.memory_space<vmem>>, vector<1x16xf32>,
      %get3A_278 = vector.shape_cast %get3A_277 : vector<1x16xf32> to vector<16xf32>
      %mul3A_279 = arith.constant 2 : i32
      %mul3A_280 = arith.muli %mul3A_279, %scan3A_59 : i32
      %swap3A_281 = arith.index_cast %mul3A_280 : i32 to index
      %swap3A_282 = arith.constant 48 : index
      %swap3A_283 = tpu.vector_load %arg7[%swap3A_281, %swap3A_282] {strides = array<i32>} : memref<32x384xf32, #tpu.memory_space<vmem>>, vector<1x16xf32>,
      %swap3A_284 = vector.shape_cast %swap3A_283 : vector<1x16xf32> to vector<16xf32>
      %swap3A_285 = vector.shape_cast %get3A_278 : vector<16xf32> to vector<1x16xf32>
      tpu.vector_store %arg7[%swap3A_281, %swap3A_282], %swap3A_285 {strides = array<i32>} : memref<32x384xf32, #tpu.memory_space<vmem>>, vector<1x16xf32>,
      %mul3A_286 = arith.constant 2 : i32
      %mul3A_287 = arith.muli %mul3A_286, %scan3A_59 : i32
      %add3A_288 = arith.addi %add3A_34, %mul3A_287 : i32
      %add3A_289 = arith.constant 1 : i32
      %add3A_290 = arith.addi %add3A_288, %add3A_289 : i32
      %get3A_291 = arith.index_cast %add3A_290 : i32 to index
      %get3A_292 = arith.constant 48 : index
      %get3A_293 = tpu.vector_load %arg5[%get3A_291, %get3A_292] {strides = array<i32>} : memref<512x128xf32, #tpu.memory_space<vmem>>, vector<1x16xf32>,
      %get3A_294 = vector.shape_cast %get3A_293 : vector<1x16xf32> to vector<16xf32>
      %mul3A_295 = arith.constant 2 : i32
      %mul3A_296 = arith.muli %mul3A_295, %scan3A_59 : i32
      %add3A_297 = arith.constant 1 : i32
      %add3A_298 = arith.addi %mul3A_296, %add3A_297 : i32
      %swap3A_299 = arith.index_cast %add3A_298 : i32 to index
      %swap3A_300 = arith.constant 48 : index
      %swap3A_301 = tpu.vector_load %arg7[%swap3A_299, %swap3A_300] {strides = array<i32>} : memref<32x384xf32, #tpu.memory_space<vmem>>, vector<1x16xf32>,
      %swap3A_302 = vector.shape_cast %swap3A_301 : vector<1x16xf32> to vector<16xf32>
      %swap3A_303 = vector.shape_cast %get3A_294 : vector<16xf32> to vector<1x16xf32>
      tpu.vector_store %arg7[%swap3A_299, %swap3A_300], %swap3A_303 {strides = array<i32>} : memref<32x384xf32, #tpu.memory_space<vmem>>, vector<1x16xf32>,
      %mul3A_304 = arith.constant 2 : i32
      %mul3A_305 = arith.muli %mul3A_304, %scan3A_59 : i32
      %swap3A_306 = arith.index_cast %mul3A_305 : i32 to index
      %swap3A_307 = arith.constant 176 : index
      %swap3A_308 = tpu.vector_load %arg7[%swap3A_306, %swap3A_307] {strides = array<i32>} : memref<32x384xf32, #tpu.memory_space<vmem>>, vector<1x16xf32>,
      %swap3A_309 = vector.shape_cast %swap3A_308 : vector<1x16xf32> to vector<16xf32>
      %swap3A_310 = vector.shape_cast %scan3A_80#3 : vector<16xf32> to vector<1x16xf32>
      tpu.vector_store %arg7[%swap3A_306, %swap3A_307], %swap3A_310 {strides = array<i32>} : memref<32x384xf32, #tpu.memory_space<vmem>>, vector<1x16xf32>,
      %mul3A_311 = arith.constant 2 : i32
      %mul3A_312 = arith.muli %mul3A_311, %scan3A_59 : i32
      %swap3A_313 = arith.index_cast %mul3A_312 : i32 to index
      %swap3A_314 = arith.constant 304 : index
      %swap3A_315 = tpu.vector_load %arg7[%swap3A_313, %swap3A_314] {strides = array<i32>} : memref<32x384xf32, #tpu.memory_space<vmem>>, vector<1x16xf32>,
      %swap3A_316 = vector.shape_cast %swap3A_315 : vector<1x16xf32> to vector<16xf32>
      %swap3A_317 = vector.shape_cast %scan3A_80#7 : vector<16xf32> to vector<1x16xf32>
      tpu.vector_store %arg7[%swap3A_313, %swap3A_314], %swap3A_317 {strides = array<i32>} : memref<32x384xf32, #tpu.memory_space<vmem>>, vector<1x16xf32>,
      %mul3A_318 = arith.constant 2 : i32
      %mul3A_319 = arith.muli %mul3A_318, %scan3A_59 : i32
      %add3A_320 = arith.constant 1 : i32
      %add3A_321 = arith.addi %mul3A_319, %add3A_320 : i32
      %swap3A_322 = arith.index_cast %add3A_321 : i32 to index
      %swap3A_323 = arith.constant 176 : index
      %swap3A_324 = tpu.vector_load %arg7[%swap3A_322, %swap3A_323] {strides = array<i32>} : memref<32x384xf32, #tpu.memory_space<vmem>>, vector<1x16xf32>,
      %swap3A_325 = vector.shape_cast %swap3A_324 : vector<1x16xf32> to vector<16xf32>
      %swap3A_326 = vector.shape_cast %scan3A_80#11 : vector<16xf32> to vector<1x16xf32>
      tpu.vector_store %arg7[%swap3A_322, %swap3A_323], %swap3A_326 {strides = array<i32>} : memref<32x384xf32, #tpu.memory_space<vmem>>, vector<1x16xf32>,
      %mul3A_327 = arith.constant 2 : i32
      %mul3A_328 = arith.muli %mul3A_327, %scan3A_59 : i32
      %add3A_329 = arith.constant 1 : i32
      %add3A_330 = arith.addi %mul3A_328, %add3A_329 : i32
      %swap3A_331 = arith.index_cast %add3A_330 : i32 to index
      %swap3A_332 = arith.constant 304 : index
      %swap3A_333 = tpu.vector_load %arg7[%swap3A_331, %swap3A_332] {strides = array<i32>} : memref<32x384xf32, #tpu.memory_space<vmem>>, vector<1x16xf32>,
      %swap3A_334 = vector.shape_cast %swap3A_333 : vector<1x16xf32> to vector<16xf32>
      %swap3A_335 = vector.shape_cast %scan3A_80#15 : vector<16xf32> to vector<1x16xf32>
      tpu.vector_store %arg7[%swap3A_331, %swap3A_332], %swap3A_335 {strides = array<i32>} : memref<32x384xf32, #tpu.memory_space<vmem>>, vector<1x16xf32>,
      %broadcast_in_dim3A_336 = arith.constant 0x7F800000 : f32
      %broadcast_in_dim3A_337 = vector.broadcast %broadcast_in_dim3A_336 : f32 to vector<16xf32>
      %broadcast_in_dim3A_338 = arith.constant 0x7F800000 : f32
      %broadcast_in_dim3A_339 = vector.broadcast %broadcast_in_dim3A_338 : f32 to vector<16xf32>
      %broadcast_in_dim3A_340 = arith.constant 0x7F800000 : f32
      %broadcast_in_dim3A_341 = vector.broadcast %broadcast_in_dim3A_340 : f32 to vector<16xf32>
      %broadcast_in_dim3A_342 = arith.constant 0x7F800000 : f32
      %broadcast_in_dim3A_343 = vector.broadcast %broadcast_in_dim3A_342 : f32 to vector<16xf32>
      %broadcast_in_dim3A_344 = arith.constant 0xFF800000 : f32
      %broadcast_in_dim3A_345 = vector.broadcast %broadcast_in_dim3A_344 : f32 to vector<16xf32>
      %broadcast_in_dim3A_346 = arith.constant 0xFF800000 : f32
      %broadcast_in_dim3A_347 = vector.broadcast %broadcast_in_dim3A_346 : f32 to vector<16xf32>
      %broadcast_in_dim3A_348 = arith.constant 0xFF800000 : f32
      %broadcast_in_dim3A_349 = vector.broadcast %broadcast_in_dim3A_348 : f32 to vector<16xf32>
      %broadcast_in_dim3A_350 = arith.constant 0xFF800000 : f32
      %broadcast_in_dim3A_351 = vector.broadcast %broadcast_in_dim3A_350 : f32 to vector<16xf32>
      %scan3A_352 = arith.constant 0 : i32
      %scan3A_353 = arith.constant 32 : i32
      %scan3A_354 = arith.addi %scan3A_352, %scan3A_353 : i32
      %scan3A_355 = arith.constant 1 : i32
      %scan3A_356:16 = scf.for %scan3A_615 = %scan3A_352 to %scan3A_354 step %scan3A_355 iter_args(%scan3A_616 = %broadcast_in_dim3A_337, %scan3A_617 = %broadcast_in_dim3A_339, %scan3A_618 = %broadcast_in_dim3A_341, %scan3A_619 = %broadcast_in_dim3A_343, %scan3A_620 = %broadcast_in_dim3A_345, %scan3A_621 = %broadcast_in_dim3A_347, %scan3A_622 = %broadcast_in_dim3A_349, %scan3A_623 = %broadcast_in_dim3A_351, %scan3A_624 = %broadcast_in_dim3A_337, %scan3A_625 = %broadcast_in_dim3A_339, %scan3A_626 = %broadcast_in_dim3A_341, %scan3A_627 = %broadcast_in_dim3A_343, %scan3A_628 = %broadcast_in_dim3A_345, %scan3A_629 = %broadcast_in_dim3A_347, %scan3A_630 = %broadcast_in_dim3A_349, %scan3A_631 = %broadcast_in_dim3A_351) -> (vector<16xf32>, vector<16xf32>, vector<16xf32>, vector<16xf32>, vector<16xf32>, vector<16xf32>, vector<16xf32>, vector<16xf32>, vector<16xf32>, vector<16xf32>, vector<16xf32>, vector<16xf32>, vector<16xf32>, vector<16xf32>, vector<16xf32>, vector<16xf32>)  : i32 {
        %mul3A_632 = arith.constant 2 : i32
        %mul3A_633 = arith.muli %mul3A_632, %scan3A_59 : i32
        %mul3A_634 = arith.constant 16 : i32
        %mul3A_635 = arith.muli %scan3A_615, %mul3A_634 : i32
        %get3A_636 = arith.index_cast %mul3A_633 : i32 to index
        %get3A_637 = arith.index_cast %mul3A_635 : i32 to index
        %get3A_638 = tpu.vector_load %arg6[%get3A_636, %get3A_637] {strides = array<i32>} : memref<32x512xf32, #tpu.memory_space<vmem>>, vector<1x16xf32>,
        %get3A_639 = vector.shape_cast %get3A_638 : vector<1x16xf32> to vector<16xf32>
        %mul3A_640 = arith.constant 2 : i32
        %mul3A_641 = arith.muli %mul3A_640, %scan3A_59 : i32
        %add3A_642 = arith.constant 1 : i32
        %add3A_643 = arith.addi %mul3A_641, %add3A_642 : i32
        %mul3A_644 = arith.constant 16 : i32
        %mul3A_645 = arith.muli %scan3A_615, %mul3A_644 : i32
        %get3A_646 = arith.index_cast %add3A_643 : i32 to index
        %get3A_647 = arith.index_cast %mul3A_645 : i32 to index
        %get3A_648 = tpu.vector_load %arg6[%get3A_646, %get3A_647] {strides = array<i32>} : memref<32x512xf32, #tpu.memory_space<vmem>>, vector<1x16xf32>,
        %get3A_649 = vector.shape_cast %get3A_648 : vector<1x16xf32> to vector<16xf32>
        %mul3A_650 = arith.constant 16 : i32
        %mul3A_651 = arith.muli %scan3A_615, %mul3A_650 : i32
        %add3A_652 = arith.constant 0 : i32
        %add3A_653 = arith.addi %mul3A_651, %add3A_652 : i32
        %slice3A = vector.extract_strided_slice %get3A_639 {offsets = [0], sizes = [1], strides = [1]} : vector<16xf32> to vector<1xf32>
        %squeeze3A = vector.extract %slice3A[0] : f32 from vector<1xf32>
        %slice3A_654 = vector.extract_strided_slice %get3A_649 {offsets = [0], sizes = [1], strides = [1]} : vector<16xf32> to vector<1xf32>
        %squeeze3A_655 = vector.extract %slice3A_654[0] : f32 from vector<1xf32>
        %get3A_656 = arith.index_cast %add3A_653 : i32 to index
        %get3A_657 = arith.constant 64 : index
        %get3A_658 = tpu.vector_load %arg5[%get3A_656, %get3A_657] {strides = array<i32>} : memref<512x128xf32, #tpu.memory_space<vmem>>, vector<1x16xf32>,
        %get3A_659 = vector.shape_cast %get3A_658 : vector<1x16xf32> to vector<16xf32>
        %mul3A_660 = vector.broadcast %squeeze3A : f32 to vector<16xf32>
        %mul3A_661 = arith.mulf %mul3A_660, %get3A_659 : vector<16xf32>
        %mul3A_662 = vector.broadcast %squeeze3A_655 : f32 to vector<16xf32>
        %mul3A_663 = arith.mulf %mul3A_662, %get3A_659 : vector<16xf32>
        %min3A = arith.minimumf %scan3A_616, %mul3A_661 : vector<16xf32>
        %max3A = arith.maximumf %scan3A_620, %mul3A_661 : vector<16xf32>
        %min3A_664 = arith.minimumf %scan3A_624, %mul3A_663 : vector<16xf32>
        %max3A_665 = arith.maximumf %scan3A_628, %mul3A_663 : vector<16xf32>
        %get3A_666 = arith.index_cast %add3A_653 : i32 to index
        %get3A_667 = arith.constant 80 : index
        %get3A_668 = tpu.vector_load %arg5[%get3A_666, %get3A_667] {strides = array<i32>} : memref<512x128xf32, #tpu.memory_space<vmem>>, vector<1x16xf32>,
        %get3A_669 = vector.shape_cast %get3A_668 : vector<1x16xf32> to vector<16xf32>
        %mul3A_670 = vector.broadcast %squeeze3A : f32 to vector<16xf32>
        %mul3A_671 = arith.mulf %mul3A_670, %get3A_669 : vector<16xf32>
        %mul3A_672 = vector.broadcast %squeeze3A_655 : f32 to vector<16xf32>
        %mul3A_673 = arith.mulf %mul3A_672, %get3A_669 : vector<16xf32>
        %min3A_674 = arith.minimumf %scan3A_617, %mul3A_671 : vector<16xf32>
        %max3A_675 = arith.maximumf %scan3A_621, %mul3A_671 : vector<16xf32>
        %min3A_676 = arith.minimumf %scan3A_625, %mul3A_673 : vector<16xf32>
        %max3A_677 = arith.maximumf %scan3A_629, %mul3A_673 : vector<16xf32>
        %get3A_678 = arith.index_cast %add3A_653 : i32 to index
        %get3A_679 = arith.constant 96 : index
        %get3A_680 = tpu.vector_load %arg5[%get3A_678, %get3A_679] {strides = array<i32>} : memref<512x128xf32, #tpu.memory_space<vmem>>, vector<1x16xf32>,
        %get3A_681 = vector.shape_cast %get3A_680 : vector<1x16xf32> to vector<16xf32>
        %mul3A_682 = vector.broadcast %squeeze3A : f32 to vector<16xf32>
        %mul3A_683 = arith.mulf %mul3A_682, %get3A_681 : vector<16xf32>
        %mul3A_684 = vector.broadcast %squeeze3A_655 : f32 to vector<16xf32>
        %mul3A_685 = arith.mulf %mul3A_684, %get3A_681 : vector<16xf32>
        %min3A_686 = arith.minimumf %scan3A_618, %mul3A_683 : vector<16xf32>
        %max3A_687 = arith.maximumf %scan3A_622, %mul3A_683 : vector<16xf32>
        %min3A_688 = arith.minimumf %scan3A_626, %mul3A_685 : vector<16xf32>
        %max3A_689 = arith.maximumf %scan3A_630, %mul3A_685 : vector<16xf32>
        %get3A_690 = arith.index_cast %add3A_653 : i32 to index
        %get3A_691 = arith.constant 112 : index
        %get3A_692 = tpu.vector_load %arg5[%get3A_690, %get3A_691] {strides = array<i32>} : memref<512x128xf32, #tpu.memory_space<vmem>>, vector<1x16xf32>,
        %get3A_693 = vector.shape_cast %get3A_692 : vector<1x16xf32> to vector<16xf32>
        %mul3A_694 = vector.broadcast %squeeze3A : f32 to vector<16xf32>
        %mul3A_695 = arith.mulf %mul3A_694, %get3A_693 : vector<16xf32>
        %mul3A_696 = vector.broadcast %squeeze3A_655 : f32 to vector<16xf32>
        %mul3A_697 = arith.mulf %mul3A_696, %get3A_693 : vector<16xf32>
        %min3A_698 = arith.minimumf %scan3A_619, %mul3A_695 : vector<16xf32>
        %max3A_699 = arith.maximumf %scan3A_623, %mul3A_695 : vector<16xf32>
        %min3A_700 = arith.minimumf %scan3A_627, %mul3A_697 : vector<16xf32>
        %max3A_701 = arith.maximumf %scan3A_631, %mul3A_697 : vector<16xf32>
        %mul3A_702 = arith.constant 16 : i32
        %mul3A_703 = arith.muli %scan3A_615, %mul3A_702 : i32
        %add3A_704 = arith.constant 1 : i32
        %add3A_705 = arith.addi %mul3A_703, %add3A_704 : i32
        %slice3A_706 = vector.extract_strided_slice %get3A_639 {offsets = [1], sizes = [1], strides = [1]} : vector<16xf32> to vector<1xf32>
        %squeeze3A_707 = vector.extract %slice3A_706[0] : f32 from vector<1xf32>
        %slice3A_708 = vector.extract_strided_slice %get3A_649 {offsets = [1], sizes = [1], strides = [1]} : vector<16xf32> to vector<1xf32>
        %squeeze3A_709 = vector.extract %slice3A_708[0] : f32 from vector<1xf32>
        %get3A_710 = arith.index_cast %add3A_705 : i32 to index
        %get3A_711 = arith.constant 64 : index
        %get3A_712 = tpu.vector_load %arg5[%get3A_710, %get3A_711] {strides = array<i32>} : memref<512x128xf32, #tpu.memory_space<vmem>>, vector<1x16xf32>,
        %get3A_713 = vector.shape_cast %get3A_712 : vector<1x16xf32> to vector<16xf32>
        %mul3A_714 = vector.broadcast %squeeze3A_707 : f32 to vector<16xf32>
        %mul3A_715 = arith.mulf %mul3A_714, %get3A_713 : vector<16xf32>
        %mul3A_716 = vector.broadcast %squeeze3A_709 : f32 to vector<16xf32>
        %mul3A_717 = arith.mulf %mul3A_716, %get3A_713 : vector<16xf32>
        %min3A_718 = arith.minimumf %min3A, %mul3A_715 : vector<16xf32>
        %max3A_719 = arith.maximumf %max3A, %mul3A_715 : vector<16xf32>
        %min3A_720 = arith.minimumf %min3A_664, %mul3A_717 : vector<16xf32>
        %max3A_721 = arith.maximumf %max3A_665, %mul3A_717 : vector<16xf32>
        %get3A_722 = arith.index_cast %add3A_705 : i32 to index
        %get3A_723 = arith.constant 80 : index
        %get3A_724 = tpu.vector_load %arg5[%get3A_722, %get3A_723] {strides = array<i32>} : memref<512x128xf32, #tpu.memory_space<vmem>>, vector<1x16xf32>,
        %get3A_725 = vector.shape_cast %get3A_724 : vector<1x16xf32> to vector<16xf32>
        %mul3A_726 = vector.broadcast %squeeze3A_707 : f32 to vector<16xf32>
        %mul3A_727 = arith.mulf %mul3A_726, %get3A_725 : vector<16xf32>
        %mul3A_728 = vector.broadcast %squeeze3A_709 : f32 to vector<16xf32>
        %mul3A_729 = arith.mulf %mul3A_728, %get3A_725 : vector<16xf32>
        %min3A_730 = arith.minimumf %min3A_674, %mul3A_727 : vector<16xf32>
        %max3A_731 = arith.maximumf %max3A_675, %mul3A_727 : vector<16xf32>
        %min3A_732 = arith.minimumf %min3A_676, %mul3A_729 : vector<16xf32>
        %max3A_733 = arith.maximumf %max3A_677, %mul3A_729 : vector<16xf32>
        %get3A_734 = arith.index_cast %add3A_705 : i32 to index
        %get3A_735 = arith.constant 96 : index
        %get3A_736 = tpu.vector_load %arg5[%get3A_734, %get3A_735] {strides = array<i32>} : memref<512x128xf32, #tpu.memory_space<vmem>>, vector<1x16xf32>,
        %get3A_737 = vector.shape_cast %get3A_736 : vector<1x16xf32> to vector<16xf32>
        %mul3A_738 = vector.broadcast %squeeze3A_707 : f32 to vector<16xf32>
        %mul3A_739 = arith.mulf %mul3A_738, %get3A_737 : vector<16xf32>
        %mul3A_740 = vector.broadcast %squeeze3A_709 : f32 to vector<16xf32>
        %mul3A_741 = arith.mulf %mul3A_740, %get3A_737 : vector<16xf32>
        %min3A_742 = arith.minimumf %min3A_686, %mul3A_739 : vector<16xf32>
        %max3A_743 = arith.maximumf %max3A_687, %mul3A_739 : vector<16xf32>
        %min3A_744 = arith.minimumf %min3A_688, %mul3A_741 : vector<16xf32>
        %max3A_745 = arith.maximumf %max3A_689, %mul3A_741 : vector<16xf32>
        %get3A_746 = arith.index_cast %add3A_705 : i32 to index
        %get3A_747 = arith.constant 112 : index
        %get3A_748 = tpu.vector_load %arg5[%get3A_746, %get3A_747] {strides = array<i32>} : memref<512x128xf32, #tpu.memory_space<vmem>>, vector<1x16xf32>,
        %get3A_749 = vector.shape_cast %get3A_748 : vector<1x16xf32> to vector<16xf32>
        %mul3A_750 = vector.broadcast %squeeze3A_707 : f32 to vector<16xf32>
        %mul3A_751 = arith.mulf %mul3A_750, %get3A_749 : vector<16xf32>
        %mul3A_752 = vector.broadcast %squeeze3A_709 : f32 to vector<16xf32>
        %mul3A_753 = arith.mulf %mul3A_752, %get3A_749 : vector<16xf32>
        %min3A_754 = arith.minimumf %min3A_698, %mul3A_751 : vector<16xf32>
        %max3A_755 = arith.maximumf %max3A_699, %mul3A_751 : vector<16xf32>
        %min3A_756 = arith.minimumf %min3A_700, %mul3A_753 : vector<16xf32>
        %max3A_757 = arith.maximumf %max3A_701, %mul3A_753 : vector<16xf32>
        %mul3A_758 = arith.constant 16 : i32
        %mul3A_759 = arith.muli %scan3A_615, %mul3A_758 : i32
        %add3A_760 = arith.constant 2 : i32
        %add3A_761 = arith.addi %mul3A_759, %add3A_760 : i32
        %slice3A_762 = vector.extract_strided_slice %get3A_639 {offsets = [2], sizes = [1], strides = [1]} : vector<16xf32> to vector<1xf32>
        %squeeze3A_763 = vector.extract %slice3A_762[0] : f32 from vector<1xf32>
        %slice3A_764 = vector.extract_strided_slice %get3A_649 {offsets = [2], sizes = [1], strides = [1]} : vector<16xf32> to vector<1xf32>
        %squeeze3A_765 = vector.extract %slice3A_764[0] : f32 from vector<1xf32>
        %get3A_766 = arith.index_cast %add3A_761 : i32 to index
        %get3A_767 = arith.constant 64 : index
        %get3A_768 = tpu.vector_load %arg5[%get3A_766, %get3A_767] {strides = array<i32>} : memref<512x128xf32, #tpu.memory_space<vmem>>, vector<1x16xf32>,
        %get3A_769 = vector.shape_cast %get3A_768 : vector<1x16xf32> to vector<16xf32>
        %mul3A_770 = vector.broadcast %squeeze3A_763 : f32 to vector<16xf32>
        %mul3A_771 = arith.mulf %mul3A_770, %get3A_769 : vector<16xf32>
        %mul3A_772 = vector.broadcast %squeeze3A_765 : f32 to vector<16xf32>
        %mul3A_773 = arith.mulf %mul3A_772, %get3A_769 : vector<16xf32>
        %min3A_774 = arith.minimumf %min3A_718, %mul3A_771 : vector<16xf32>
        %max3A_775 = arith.maximumf %max3A_719, %mul3A_771 : vector<16xf32>
        %min3A_776 = arith.minimumf %min3A_720, %mul3A_773 : vector<16xf32>
        %max3A_777 = arith.maximumf %max3A_721, %mul3A_773 : vector<16xf32>
        %get3A_778 = arith.index_cast %add3A_761 : i32 to index
        %get3A_779 = arith.constant 80 : index
        %get3A_780 = tpu.vector_load %arg5[%get3A_778, %get3A_779] {strides = array<i32>} : memref<512x128xf32, #tpu.memory_space<vmem>>, vector<1x16xf32>,
        %get3A_781 = vector.shape_cast %get3A_780 : vector<1x16xf32> to vector<16xf32>
        %mul3A_782 = vector.broadcast %squeeze3A_763 : f32 to vector<16xf32>
        %mul3A_783 = arith.mulf %mul3A_782, %get3A_781 : vector<16xf32>
        %mul3A_784 = vector.broadcast %squeeze3A_765 : f32 to vector<16xf32>
        %mul3A_785 = arith.mulf %mul3A_784, %get3A_781 : vector<16xf32>
        %min3A_786 = arith.minimumf %min3A_730, %mul3A_783 : vector<16xf32>
        %max3A_787 = arith.maximumf %max3A_731, %mul3A_783 : vector<16xf32>
        %min3A_788 = arith.minimumf %min3A_732, %mul3A_785 : vector<16xf32>
        %max3A_789 = arith.maximumf %max3A_733, %mul3A_785 : vector<16xf32>
        %get3A_790 = arith.index_cast %add3A_761 : i32 to index
        %get3A_791 = arith.constant 96 : index
        %get3A_792 = tpu.vector_load %arg5[%get3A_790, %get3A_791] {strides = array<i32>} : memref<512x128xf32, #tpu.memory_space<vmem>>, vector<1x16xf32>,
        %get3A_793 = vector.shape_cast %get3A_792 : vector<1x16xf32> to vector<16xf32>
        %mul3A_794 = vector.broadcast %squeeze3A_763 : f32 to vector<16xf32>
        %mul3A_795 = arith.mulf %mul3A_794, %get3A_793 : vector<16xf32>
        %mul3A_796 = vector.broadcast %squeeze3A_765 : f32 to vector<16xf32>
        %mul3A_797 = arith.mulf %mul3A_796, %get3A_793 : vector<16xf32>
        %min3A_798 = arith.minimumf %min3A_742, %mul3A_795 : vector<16xf32>
        %max3A_799 = arith.maximumf %max3A_743, %mul3A_795 : vector<16xf32>
        %min3A_800 = arith.minimumf %min3A_744, %mul3A_797 : vector<16xf32>
        %max3A_801 = arith.maximumf %max3A_745, %mul3A_797 : vector<16xf32>
        %get3A_802 = arith.index_cast %add3A_761 : i32 to index
        %get3A_803 = arith.constant 112 : index
        %get3A_804 = tpu.vector_load %arg5[%get3A_802, %get3A_803] {strides = array<i32>} : memref<512x128xf32, #tpu.memory_space<vmem>>, vector<1x16xf32>,
        %get3A_805 = vector.shape_cast %get3A_804 : vector<1x16xf32> to vector<16xf32>
        %mul3A_806 = vector.broadcast %squeeze3A_763 : f32 to vector<16xf32>
        %mul3A_807 = arith.mulf %mul3A_806, %get3A_805 : vector<16xf32>
        %mul3A_808 = vector.broadcast %squeeze3A_765 : f32 to vector<16xf32>
        %mul3A_809 = arith.mulf %mul3A_808, %get3A_805 : vector<16xf32>
        %min3A_810 = arith.minimumf %min3A_754, %mul3A_807 : vector<16xf32>
        %max3A_811 = arith.maximumf %max3A_755, %mul3A_807 : vector<16xf32>
        %min3A_812 = arith.minimumf %min3A_756, %mul3A_809 : vector<16xf32>
        %max3A_813 = arith.maximumf %max3A_757, %mul3A_809 : vector<16xf32>
        %mul3A_814 = arith.constant 16 : i32
        %mul3A_815 = arith.muli %scan3A_615, %mul3A_814 : i32
        %add3A_816 = arith.constant 3 : i32
        %add3A_817 = arith.addi %mul3A_815, %add3A_816 : i32
        %slice3A_818 = vector.extract_strided_slice %get3A_639 {offsets = [3], sizes = [1], strides = [1]} : vector<16xf32> to vector<1xf32>
        %squeeze3A_819 = vector.extract %slice3A_818[0] : f32 from vector<1xf32>
        %slice3A_820 = vector.extract_strided_slice %get3A_649 {offsets = [3], sizes = [1], strides = [1]} : vector<16xf32> to vector<1xf32>
        %squeeze3A_821 = vector.extract %slice3A_820[0] : f32 from vector<1xf32>
        %get3A_822 = arith.index_cast %add3A_817 : i32 to index
        %get3A_823 = arith.constant 64 : index
        %get3A_824 = tpu.vector_load %arg5[%get3A_822, %get3A_823] {strides = array<i32>} : memref<512x128xf32, #tpu.memory_space<vmem>>, vector<1x16xf32>,
        %get3A_825 = vector.shape_cast %get3A_824 : vector<1x16xf32> to vector<16xf32>
        %mul3A_826 = vector.broadcast %squeeze3A_819 : f32 to vector<16xf32>
        %mul3A_827 = arith.mulf %mul3A_826, %get3A_825 : vector<16xf32>
        %mul3A_828 = vector.broadcast %squeeze3A_821 : f32 to vector<16xf32>
        %mul3A_829 = arith.mulf %mul3A_828, %get3A_825 : vector<16xf32>
        %min3A_830 = arith.minimumf %min3A_774, %mul3A_827 : vector<16xf32>
        %max3A_831 = arith.maximumf %max3A_775, %mul3A_827 : vector<16xf32>
        %min3A_832 = arith.minimumf %min3A_776, %mul3A_829 : vector<16xf32>
        %max3A_833 = arith.maximumf %max3A_777, %mul3A_829 : vector<16xf32>
        %get3A_834 = arith.index_cast %add3A_817 : i32 to index
        %get3A_835 = arith.constant 80 : index
        %get3A_836 = tpu.vector_load %arg5[%get3A_834, %get3A_835] {strides = array<i32>} : memref<512x128xf32, #tpu.memory_space<vmem>>, vector<1x16xf32>,
        %get3A_837 = vector.shape_cast %get3A_836 : vector<1x16xf32> to vector<16xf32>
        %mul3A_838 = vector.broadcast %squeeze3A_819 : f32 to vector<16xf32>
        %mul3A_839 = arith.mulf %mul3A_838, %get3A_837 : vector<16xf32>
        %mul3A_840 = vector.broadcast %squeeze3A_821 : f32 to vector<16xf32>
        %mul3A_841 = arith.mulf %mul3A_840, %get3A_837 : vector<16xf32>
        %min3A_842 = arith.minimumf %min3A_786, %mul3A_839 : vector<16xf32>
        %max3A_843 = arith.maximumf %max3A_787, %mul3A_839 : vector<16xf32>
        %min3A_844 = arith.minimumf %min3A_788, %mul3A_841 : vector<16xf32>
        %max3A_845 = arith.maximumf %max3A_789, %mul3A_841 : vector<16xf32>
        %get3A_846 = arith.index_cast %add3A_817 : i32 to index
        %get3A_847 = arith.constant 96 : index
        %get3A_848 = tpu.vector_load %arg5[%get3A_846, %get3A_847] {strides = array<i32>} : memref<512x128xf32, #tpu.memory_space<vmem>>, vector<1x16xf32>,
        %get3A_849 = vector.shape_cast %get3A_848 : vector<1x16xf32> to vector<16xf32>
        %mul3A_850 = vector.broadcast %squeeze3A_819 : f32 to vector<16xf32>
        %mul3A_851 = arith.mulf %mul3A_850, %get3A_849 : vector<16xf32>
        %mul3A_852 = vector.broadcast %squeeze3A_821 : f32 to vector<16xf32>
        %mul3A_853 = arith.mulf %mul3A_852, %get3A_849 : vector<16xf32>
        %min3A_854 = arith.minimumf %min3A_798, %mul3A_851 : vector<16xf32>
        %max3A_855 = arith.maximumf %max3A_799, %mul3A_851 : vector<16xf32>
        %min3A_856 = arith.minimumf %min3A_800, %mul3A_853 : vector<16xf32>
        %max3A_857 = arith.maximumf %max3A_801, %mul3A_853 : vector<16xf32>
        %get3A_858 = arith.index_cast %add3A_817 : i32 to index
        %get3A_859 = arith.constant 112 : index
        %get3A_860 = tpu.vector_load %arg5[%get3A_858, %get3A_859] {strides = array<i32>} : memref<512x128xf32, #tpu.memory_space<vmem>>, vector<1x16xf32>,
        %get3A_861 = vector.shape_cast %get3A_860 : vector<1x16xf32> to vector<16xf32>
        %mul3A_862 = vector.broadcast %squeeze3A_819 : f32 to vector<16xf32>
        %mul3A_863 = arith.mulf %mul3A_862, %get3A_861 : vector<16xf32>
        %mul3A_864 = vector.broadcast %squeeze3A_821 : f32 to vector<16xf32>
        %mul3A_865 = arith.mulf %mul3A_864, %get3A_861 : vector<16xf32>
        %min3A_866 = arith.minimumf %min3A_810, %mul3A_863 : vector<16xf32>
        %max3A_867 = arith.maximumf %max3A_811, %mul3A_863 : vector<16xf32>
        %min3A_868 = arith.minimumf %min3A_812, %mul3A_865 : vector<16xf32>
        %max3A_869 = arith.maximumf %max3A_813, %mul3A_865 : vector<16xf32>
        %mul3A_870 = arith.constant 16 : i32
        %mul3A_871 = arith.muli %scan3A_615, %mul3A_870 : i32
        %add3A_872 = arith.constant 4 : i32
        %add3A_873 = arith.addi %mul3A_871, %add3A_872 : i32
        %slice3A_874 = vector.extract_strided_slice %get3A_639 {offsets = [4], sizes = [1], strides = [1]} : vector<16xf32> to vector<1xf32>
        %squeeze3A_875 = vector.extract %slice3A_874[0] : f32 from vector<1xf32>
        %slice3A_876 = vector.extract_strided_slice %get3A_649 {offsets = [4], sizes = [1], strides = [1]} : vector<16xf32> to vector<1xf32>
        %squeeze3A_877 = vector.extract %slice3A_876[0] : f32 from vector<1xf32>
        %get3A_878 = arith.index_cast %add3A_873 : i32 to index
        %get3A_879 = arith.constant 64 : index
        %get3A_880 = tpu.vector_load %arg5[%get3A_878, %get3A_879] {strides = array<i32>} : memref<512x128xf32, #tpu.memory_space<vmem>>, vector<1x16xf32>,
        %get3A_881 = vector.shape_cast %get3A_880 : vector<1x16xf32> to vector<16xf32>
        %mul3A_882 = vector.broadcast %squeeze3A_875 : f32 to vector<16xf32>
        %mul3A_883 = arith.mulf %mul3A_882, %get3A_881 : vector<16xf32>
        %mul3A_884 = vector.broadcast %squeeze3A_877 : f32 to vector<16xf32>
        %mul3A_885 = arith.mulf %mul3A_884, %get3A_881 : vector<16xf32>
        %min3A_886 = arith.minimumf %min3A_830, %mul3A_883 : vector<16xf32>
        %max3A_887 = arith.maximumf %max3A_831, %mul3A_883 : vector<16xf32>
        %min3A_888 = arith.minimumf %min3A_832, %mul3A_885 : vector<16xf32>
        %max3A_889 = arith.maximumf %max3A_833, %mul3A_885 : vector<16xf32>
        %get3A_890 = arith.index_cast %add3A_873 : i32 to index
        %get3A_891 = arith.constant 80 : index
        %get3A_892 = tpu.vector_load %arg5[%get3A_890, %get3A_891] {strides = array<i32>} : memref<512x128xf32, #tpu.memory_space<vmem>>, vector<1x16xf32>,
        %get3A_893 = vector.shape_cast %get3A_892 : vector<1x16xf32> to vector<16xf32>
        %mul3A_894 = vector.broadcast %squeeze3A_875 : f32 to vector<16xf32>
        %mul3A_895 = arith.mulf %mul3A_894, %get3A_893 : vector<16xf32>
        %mul3A_896 = vector.broadcast %squeeze3A_877 : f32 to vector<16xf32>
        %mul3A_897 = arith.mulf %mul3A_896, %get3A_893 : vector<16xf32>
        %min3A_898 = arith.minimumf %min3A_842, %mul3A_895 : vector<16xf32>
        %max3A_899 = arith.maximumf %max3A_843, %mul3A_895 : vector<16xf32>
        %min3A_900 = arith.minimumf %min3A_844, %mul3A_897 : vector<16xf32>
        %max3A_901 = arith.maximumf %max3A_845, %mul3A_897 : vector<16xf32>
        %get3A_902 = arith.index_cast %add3A_873 : i32 to index
        %get3A_903 = arith.constant 96 : index
        %get3A_904 = tpu.vector_load %arg5[%get3A_902, %get3A_903] {strides = array<i32>} : memref<512x128xf32, #tpu.memory_space<vmem>>, vector<1x16xf32>,
        %get3A_905 = vector.shape_cast %get3A_904 : vector<1x16xf32> to vector<16xf32>
        %mul3A_906 = vector.broadcast %squeeze3A_875 : f32 to vector<16xf32>
        %mul3A_907 = arith.mulf %mul3A_906, %get3A_905 : vector<16xf32>
        %mul3A_908 = vector.broadcast %squeeze3A_877 : f32 to vector<16xf32>
        %mul3A_909 = arith.mulf %mul3A_908, %get3A_905 : vector<16xf32>
        %min3A_910 = arith.minimumf %min3A_854, %mul3A_907 : vector<16xf32>
        %max3A_911 = arith.maximumf %max3A_855, %mul3A_907 : vector<16xf32>
        %min3A_912 = arith.minimumf %min3A_856, %mul3A_909 : vector<16xf32>
        %max3A_913 = arith.maximumf %max3A_857, %mul3A_909 : vector<16xf32>
        %get3A_914 = arith.index_cast %add3A_873 : i32 to index
        %get3A_915 = arith.constant 112 : index
        %get3A_916 = tpu.vector_load %arg5[%get3A_914, %get3A_915] {strides = array<i32>} : memref<512x128xf32, #tpu.memory_space<vmem>>, vector<1x16xf32>,
        %get3A_917 = vector.shape_cast %get3A_916 : vector<1x16xf32> to vector<16xf32>
        %mul3A_918 = vector.broadcast %squeeze3A_875 : f32 to vector<16xf32>
        %mul3A_919 = arith.mulf %mul3A_918, %get3A_917 : vector<16xf32>
        %mul3A_920 = vector.broadcast %squeeze3A_877 : f32 to vector<16xf32>
        %mul3A_921 = arith.mulf %mul3A_920, %get3A_917 : vector<16xf32>
        %min3A_922 = arith.minimumf %min3A_866, %mul3A_919 : vector<16xf32>
        %max3A_923 = arith.maximumf %max3A_867, %mul3A_919 : vector<16xf32>
        %min3A_924 = arith.minimumf %min3A_868, %mul3A_921 : vector<16xf32>
        %max3A_925 = arith.maximumf %max3A_869, %mul3A_921 : vector<16xf32>
        %mul3A_926 = arith.constant 16 : i32
        %mul3A_927 = arith.muli %scan3A_615, %mul3A_926 : i32
        %add3A_928 = arith.constant 5 : i32
        %add3A_929 = arith.addi %mul3A_927, %add3A_928 : i32
        %slice3A_930 = vector.extract_strided_slice %get3A_639 {offsets = [5], sizes = [1], strides = [1]} : vector<16xf32> to vector<1xf32>
        %squeeze3A_931 = vector.extract %slice3A_930[0] : f32 from vector<1xf32>
        %slice3A_932 = vector.extract_strided_slice %get3A_649 {offsets = [5], sizes = [1], strides = [1]} : vector<16xf32> to vector<1xf32>
        %squeeze3A_933 = vector.extract %slice3A_932[0] : f32 from vector<1xf32>
        %get3A_934 = arith.index_cast %add3A_929 : i32 to index
        %get3A_935 = arith.constant 64 : index
        %get3A_936 = tpu.vector_load %arg5[%get3A_934, %get3A_935] {strides = array<i32>} : memref<512x128xf32, #tpu.memory_space<vmem>>, vector<1x16xf32>,
        %get3A_937 = vector.shape_cast %get3A_936 : vector<1x16xf32> to vector<16xf32>
        %mul3A_938 = vector.broadcast %squeeze3A_931 : f32 to vector<16xf32>
        %mul3A_939 = arith.mulf %mul3A_938, %get3A_937 : vector<16xf32>
        %mul3A_940 = vector.broadcast %squeeze3A_933 : f32 to vector<16xf32>
        %mul3A_941 = arith.mulf %mul3A_940, %get3A_937 : vector<16xf32>
        %min3A_942 = arith.minimumf %min3A_886, %mul3A_939 : vector<16xf32>
        %max3A_943 = arith.maximumf %max3A_887, %mul3A_939 : vector<16xf32>
        %min3A_944 = arith.minimumf %min3A_888, %mul3A_941 : vector<16xf32>
        %max3A_945 = arith.maximumf %max3A_889, %mul3A_941 : vector<16xf32>
        %get3A_946 = arith.index_cast %add3A_929 : i32 to index
        %get3A_947 = arith.constant 80 : index
        %get3A_948 = tpu.vector_load %arg5[%get3A_946, %get3A_947] {strides = array<i32>} : memref<512x128xf32, #tpu.memory_space<vmem>>, vector<1x16xf32>,
        %get3A_949 = vector.shape_cast %get3A_948 : vector<1x16xf32> to vector<16xf32>
        %mul3A_950 = vector.broadcast %squeeze3A_931 : f32 to vector<16xf32>
        %mul3A_951 = arith.mulf %mul3A_950, %get3A_949 : vector<16xf32>
        %mul3A_952 = vector.broadcast %squeeze3A_933 : f32 to vector<16xf32>
        %mul3A_953 = arith.mulf %mul3A_952, %get3A_949 : vector<16xf32>
        %min3A_954 = arith.minimumf %min3A_898, %mul3A_951 : vector<16xf32>
        %max3A_955 = arith.maximumf %max3A_899, %mul3A_951 : vector<16xf32>
        %min3A_956 = arith.minimumf %min3A_900, %mul3A_953 : vector<16xf32>
        %max3A_957 = arith.maximumf %max3A_901, %mul3A_953 : vector<16xf32>
        %get3A_958 = arith.index_cast %add3A_929 : i32 to index
        %get3A_959 = arith.constant 96 : index
        %get3A_960 = tpu.vector_load %arg5[%get3A_958, %get3A_959] {strides = array<i32>} : memref<512x128xf32, #tpu.memory_space<vmem>>, vector<1x16xf32>,
        %get3A_961 = vector.shape_cast %get3A_960 : vector<1x16xf32> to vector<16xf32>
        %mul3A_962 = vector.broadcast %squeeze3A_931 : f32 to vector<16xf32>
        %mul3A_963 = arith.mulf %mul3A_962, %get3A_961 : vector<16xf32>
        %mul3A_964 = vector.broadcast %squeeze3A_933 : f32 to vector<16xf32>
        %mul3A_965 = arith.mulf %mul3A_964, %get3A_961 : vector<16xf32>
        %min3A_966 = arith.minimumf %min3A_910, %mul3A_963 : vector<16xf32>
        %max3A_967 = arith.maximumf %max3A_911, %mul3A_963 : vector<16xf32>
        %min3A_968 = arith.minimumf %min3A_912, %mul3A_965 : vector<16xf32>
        %max3A_969 = arith.maximumf %max3A_913, %mul3A_965 : vector<16xf32>
        %get3A_970 = arith.index_cast %add3A_929 : i32 to index
        %get3A_971 = arith.constant 112 : index
        %get3A_972 = tpu.vector_load %arg5[%get3A_970, %get3A_971] {strides = array<i32>} : memref<512x128xf32, #tpu.memory_space<vmem>>, vector<1x16xf32>,
        %get3A_973 = vector.shape_cast %get3A_972 : vector<1x16xf32> to vector<16xf32>
        %mul3A_974 = vector.broadcast %squeeze3A_931 : f32 to vector<16xf32>
        %mul3A_975 = arith.mulf %mul3A_974, %get3A_973 : vector<16xf32>
        %mul3A_976 = vector.broadcast %squeeze3A_933 : f32 to vector<16xf32>
        %mul3A_977 = arith.mulf %mul3A_976, %get3A_973 : vector<16xf32>
        %min3A_978 = arith.minimumf %min3A_922, %mul3A_975 : vector<16xf32>
        %max3A_979 = arith.maximumf %max3A_923, %mul3A_975 : vector<16xf32>
        %min3A_980 = arith.minimumf %min3A_924, %mul3A_977 : vector<16xf32>
        %max3A_981 = arith.maximumf %max3A_925, %mul3A_977 : vector<16xf32>
        %mul3A_982 = arith.constant 16 : i32
        %mul3A_983 = arith.muli %scan3A_615, %mul3A_982 : i32
        %add3A_984 = arith.constant 6 : i32
        %add3A_985 = arith.addi %mul3A_983, %add3A_984 : i32
        %slice3A_986 = vector.extract_strided_slice %get3A_639 {offsets = [6], sizes = [1], strides = [1]} : vector<16xf32> to vector<1xf32>
        %squeeze3A_987 = vector.extract %slice3A_986[0] : f32 from vector<1xf32>
        %slice3A_988 = vector.extract_strided_slice %get3A_649 {offsets = [6], sizes = [1], strides = [1]} : vector<16xf32> to vector<1xf32>
        %squeeze3A_989 = vector.extract %slice3A_988[0] : f32 from vector<1xf32>
        %get3A_990 = arith.index_cast %add3A_985 : i32 to index
        %get3A_991 = arith.constant 64 : index
        %get3A_992 = tpu.vector_load %arg5[%get3A_990, %get3A_991] {strides = array<i32>} : memref<512x128xf32, #tpu.memory_space<vmem>>, vector<1x16xf32>,
        %get3A_993 = vector.shape_cast %get3A_992 : vector<1x16xf32> to vector<16xf32>
        %mul3A_994 = vector.broadcast %squeeze3A_987 : f32 to vector<16xf32>
        %mul3A_995 = arith.mulf %mul3A_994, %get3A_993 : vector<16xf32>
        %mul3A_996 = vector.broadcast %squeeze3A_989 : f32 to vector<16xf32>
        %mul3A_997 = arith.mulf %mul3A_996, %get3A_993 : vector<16xf32>
        %min3A_998 = arith.minimumf %min3A_942, %mul3A_995 : vector<16xf32>
        %max3A_999 = arith.maximumf %max3A_943, %mul3A_995 : vector<16xf32>
        %min3A_1000 = arith.minimumf %min3A_944, %mul3A_997 : vector<16xf32>
        %max3A_1001 = arith.maximumf %max3A_945, %mul3A_997 : vector<16xf32>
        %get3A_1002 = arith.index_cast %add3A_985 : i32 to index
        %get3A_1003 = arith.constant 80 : index
        %get3A_1004 = tpu.vector_load %arg5[%get3A_1002, %get3A_1003] {strides = array<i32>} : memref<512x128xf32, #tpu.memory_space<vmem>>, vector<1x16xf32>,
        %get3A_1005 = vector.shape_cast %get3A_1004 : vector<1x16xf32> to vector<16xf32>
        %mul3A_1006 = vector.broadcast %squeeze3A_987 : f32 to vector<16xf32>
        %mul3A_1007 = arith.mulf %mul3A_1006, %get3A_1005 : vector<16xf32>
        %mul3A_1008 = vector.broadcast %squeeze3A_989 : f32 to vector<16xf32>
        %mul3A_1009 = arith.mulf %mul3A_1008, %get3A_1005 : vector<16xf32>
        %min3A_1010 = arith.minimumf %min3A_954, %mul3A_1007 : vector<16xf32>
        %max3A_1011 = arith.maximumf %max3A_955, %mul3A_1007 : vector<16xf32>
        %min3A_1012 = arith.minimumf %min3A_956, %mul3A_1009 : vector<16xf32>
        %max3A_1013 = arith.maximumf %max3A_957, %mul3A_1009 : vector<16xf32>
        %get3A_1014 = arith.index_cast %add3A_985 : i32 to index
        %get3A_1015 = arith.constant 96 : index
        %get3A_1016 = tpu.vector_load %arg5[%get3A_1014, %get3A_1015] {strides = array<i32>} : memref<512x128xf32, #tpu.memory_space<vmem>>, vector<1x16xf32>,
        %get3A_1017 = vector.shape_cast %get3A_1016 : vector<1x16xf32> to vector<16xf32>
        %mul3A_1018 = vector.broadcast %squeeze3A_987 : f32 to vector<16xf32>
        %mul3A_1019 = arith.mulf %mul3A_1018, %get3A_1017 : vector<16xf32>
        %mul3A_1020 = vector.broadcast %squeeze3A_989 : f32 to vector<16xf32>
        %mul3A_1021 = arith.mulf %mul3A_1020, %get3A_1017 : vector<16xf32>
        %min3A_1022 = arith.minimumf %min3A_966, %mul3A_1019 : vector<16xf32>
        %max3A_1023 = arith.maximumf %max3A_967, %mul3A_1019 : vector<16xf32>
        %min3A_1024 = arith.minimumf %min3A_968, %mul3A_1021 : vector<16xf32>
        %max3A_1025 = arith.maximumf %max3A_969, %mul3A_1021 : vector<16xf32>
        %get3A_1026 = arith.index_cast %add3A_985 : i32 to index
        %get3A_1027 = arith.constant 112 : index
        %get3A_1028 = tpu.vector_load %arg5[%get3A_1026, %get3A_1027] {strides = array<i32>} : memref<512x128xf32, #tpu.memory_space<vmem>>, vector<1x16xf32>,
        %get3A_1029 = vector.shape_cast %get3A_1028 : vector<1x16xf32> to vector<16xf32>
        %mul3A_1030 = vector.broadcast %squeeze3A_987 : f32 to vector<16xf32>
        %mul3A_1031 = arith.mulf %mul3A_1030, %get3A_1029 : vector<16xf32>
        %mul3A_1032 = vector.broadcast %squeeze3A_989 : f32 to vector<16xf32>
        %mul3A_1033 = arith.mulf %mul3A_1032, %get3A_1029 : vector<16xf32>
        %min3A_1034 = arith.minimumf %min3A_978, %mul3A_1031 : vector<16xf32>
        %max3A_1035 = arith.maximumf %max3A_979, %mul3A_1031 : vector<16xf32>
        %min3A_1036 = arith.minimumf %min3A_980, %mul3A_1033 : vector<16xf32>
        %max3A_1037 = arith.maximumf %max3A_981, %mul3A_1033 : vector<16xf32>
        %mul3A_1038 = arith.constant 16 : i32
        %mul3A_1039 = arith.muli %scan3A_615, %mul3A_1038 : i32
        %add3A_1040 = arith.constant 7 : i32
        %add3A_1041 = arith.addi %mul3A_1039, %add3A_1040 : i32
        %slice3A_1042 = vector.extract_strided_slice %get3A_639 {offsets = [7], sizes = [1], strides = [1]} : vector<16xf32> to vector<1xf32>
        %squeeze3A_1043 = vector.extract %slice3A_1042[0] : f32 from vector<1xf32>
        %slice3A_1044 = vector.extract_strided_slice %get3A_649 {offsets = [7], sizes = [1], strides = [1]} : vector<16xf32> to vector<1xf32>
        %squeeze3A_1045 = vector.extract %slice3A_1044[0] : f32 from vector<1xf32>
        %get3A_1046 = arith.index_cast %add3A_1041 : i32 to index
        %get3A_1047 = arith.constant 64 : index
        %get3A_1048 = tpu.vector_load %arg5[%get3A_1046, %get3A_1047] {strides = array<i32>} : memref<512x128xf32, #tpu.memory_space<vmem>>, vector<1x16xf32>,
        %get3A_1049 = vector.shape_cast %get3A_1048 : vector<1x16xf32> to vector<16xf32>
        %mul3A_1050 = vector.broadcast %squeeze3A_1043 : f32 to vector<16xf32>
        %mul3A_1051 = arith.mulf %mul3A_1050, %get3A_1049 : vector<16xf32>
        %mul3A_1052 = vector.broadcast %squeeze3A_1045 : f32 to vector<16xf32>
        %mul3A_1053 = arith.mulf %mul3A_1052, %get3A_1049 : vector<16xf32>
        %min3A_1054 = arith.minimumf %min3A_998, %mul3A_1051 : vector<16xf32>
        %max3A_1055 = arith.maximumf %max3A_999, %mul3A_1051 : vector<16xf32>
        %min3A_1056 = arith.minimumf %min3A_1000, %mul3A_1053 : vector<16xf32>
        %max3A_1057 = arith.maximumf %max3A_1001, %mul3A_1053 : vector<16xf32>
        %get3A_1058 = arith.index_cast %add3A_1041 : i32 to index
        %get3A_1059 = arith.constant 80 : index
        %get3A_1060 = tpu.vector_load %arg5[%get3A_1058, %get3A_1059] {strides = array<i32>} : memref<512x128xf32, #tpu.memory_space<vmem>>, vector<1x16xf32>,
        %get3A_1061 = vector.shape_cast %get3A_1060 : vector<1x16xf32> to vector<16xf32>
        %mul3A_1062 = vector.broadcast %squeeze3A_1043 : f32 to vector<16xf32>
        %mul3A_1063 = arith.mulf %mul3A_1062, %get3A_1061 : vector<16xf32>
        %mul3A_1064 = vector.broadcast %squeeze3A_1045 : f32 to vector<16xf32>
        %mul3A_1065 = arith.mulf %mul3A_1064, %get3A_1061 : vector<16xf32>
        %min3A_1066 = arith.minimumf %min3A_1010, %mul3A_1063 : vector<16xf32>
        %max3A_1067 = arith.maximumf %max3A_1011, %mul3A_1063 : vector<16xf32>
        %min3A_1068 = arith.minimumf %min3A_1012, %mul3A_1065 : vector<16xf32>
        %max3A_1069 = arith.maximumf %max3A_1013, %mul3A_1065 : vector<16xf32>
        %get3A_1070 = arith.index_cast %add3A_1041 : i32 to index
        %get3A_1071 = arith.constant 96 : index
        %get3A_1072 = tpu.vector_load %arg5[%get3A_1070, %get3A_1071] {strides = array<i32>} : memref<512x128xf32, #tpu.memory_space<vmem>>, vector<1x16xf32>,
        %get3A_1073 = vector.shape_cast %get3A_1072 : vector<1x16xf32> to vector<16xf32>
        %mul3A_1074 = vector.broadcast %squeeze3A_1043 : f32 to vector<16xf32>
        %mul3A_1075 = arith.mulf %mul3A_1074, %get3A_1073 : vector<16xf32>
        %mul3A_1076 = vector.broadcast %squeeze3A_1045 : f32 to vector<16xf32>
        %mul3A_1077 = arith.mulf %mul3A_1076, %get3A_1073 : vector<16xf32>
        %min3A_1078 = arith.minimumf %min3A_1022, %mul3A_1075 : vector<16xf32>
        %max3A_1079 = arith.maximumf %max3A_1023, %mul3A_1075 : vector<16xf32>
        %min3A_1080 = arith.minimumf %min3A_1024, %mul3A_1077 : vector<16xf32>
        %max3A_1081 = arith.maximumf %max3A_1025, %mul3A_1077 : vector<16xf32>
        %get3A_1082 = arith.index_cast %add3A_1041 : i32 to index
        %get3A_1083 = arith.constant 112 : index
        %get3A_1084 = tpu.vector_load %arg5[%get3A_1082, %get3A_1083] {strides = array<i32>} : memref<512x128xf32, #tpu.memory_space<vmem>>, vector<1x16xf32>,
        %get3A_1085 = vector.shape_cast %get3A_1084 : vector<1x16xf32> to vector<16xf32>
        %mul3A_1086 = vector.broadcast %squeeze3A_1043 : f32 to vector<16xf32>
        %mul3A_1087 = arith.mulf %mul3A_1086, %get3A_1085 : vector<16xf32>
        %mul3A_1088 = vector.broadcast %squeeze3A_1045 : f32 to vector<16xf32>
        %mul3A_1089 = arith.mulf %mul3A_1088, %get3A_1085 : vector<16xf32>
        %min3A_1090 = arith.minimumf %min3A_1034, %mul3A_1087 : vector<16xf32>
        %max3A_1091 = arith.maximumf %max3A_1035, %mul3A_1087 : vector<16xf32>
        %min3A_1092 = arith.minimumf %min3A_1036, %mul3A_1089 : vector<16xf32>
        %max3A_1093 = arith.maximumf %max3A_1037, %mul3A_1089 : vector<16xf32>
        %mul3A_1094 = arith.constant 16 : i32
        %mul3A_1095 = arith.muli %scan3A_615, %mul3A_1094 : i32
        %add3A_1096 = arith.constant 8 : i32
        %add3A_1097 = arith.addi %mul3A_1095, %add3A_1096 : i32
        %slice3A_1098 = vector.extract_strided_slice %get3A_639 {offsets = [8], sizes = [1], strides = [1]} : vector<16xf32> to vector<1xf32>
        %squeeze3A_1099 = vector.extract %slice3A_1098[0] : f32 from vector<1xf32>
        %slice3A_1100 = vector.extract_strided_slice %get3A_649 {offsets = [8], sizes = [1], strides = [1]} : vector<16xf32> to vector<1xf32>
        %squeeze3A_1101 = vector.extract %slice3A_1100[0] : f32 from vector<1xf32>
        %get3A_1102 = arith.index_cast %add3A_1097 : i32 to index
        %get3A_1103 = arith.constant 64 : index
        %get3A_1104 = tpu.vector_load %arg5[%get3A_1102, %get3A_1103] {strides = array<i32>} : memref<512x128xf32, #tpu.memory_space<vmem>>, vector<1x16xf32>,
        %get3A_1105 = vector.shape_cast %get3A_1104 : vector<1x16xf32> to vector<16xf32>
        %mul3A_1106 = vector.broadcast %squeeze3A_1099 : f32 to vector<16xf32>
        %mul3A_1107 = arith.mulf %mul3A_1106, %get3A_1105 : vector<16xf32>
        %mul3A_1108 = vector.broadcast %squeeze3A_1101 : f32 to vector<16xf32>
        %mul3A_1109 = arith.mulf %mul3A_1108, %get3A_1105 : vector<16xf32>
        %min3A_1110 = arith.minimumf %min3A_1054, %mul3A_1107 : vector<16xf32>
        %max3A_1111 = arith.maximumf %max3A_1055, %mul3A_1107 : vector<16xf32>
        %min3A_1112 = arith.minimumf %min3A_1056, %mul3A_1109 : vector<16xf32>
        %max3A_1113 = arith.maximumf %max3A_1057, %mul3A_1109 : vector<16xf32>
        %get3A_1114 = arith.index_cast %add3A_1097 : i32 to index
        %get3A_1115 = arith.constant 80 : index
        %get3A_1116 = tpu.vector_load %arg5[%get3A_1114, %get3A_1115] {strides = array<i32>} : memref<512x128xf32, #tpu.memory_space<vmem>>, vector<1x16xf32>,
        %get3A_1117 = vector.shape_cast %get3A_1116 : vector<1x16xf32> to vector<16xf32>
        %mul3A_1118 = vector.broadcast %squeeze3A_1099 : f32 to vector<16xf32>
        %mul3A_1119 = arith.mulf %mul3A_1118, %get3A_1117 : vector<16xf32>
        %mul3A_1120 = vector.broadcast %squeeze3A_1101 : f32 to vector<16xf32>
        %mul3A_1121 = arith.mulf %mul3A_1120, %get3A_1117 : vector<16xf32>
        %min3A_1122 = arith.minimumf %min3A_1066, %mul3A_1119 : vector<16xf32>
        %max3A_1123 = arith.maximumf %max3A_1067, %mul3A_1119 : vector<16xf32>
        %min3A_1124 = arith.minimumf %min3A_1068, %mul3A_1121 : vector<16xf32>
        %max3A_1125 = arith.maximumf %max3A_1069, %mul3A_1121 : vector<16xf32>
        %get3A_1126 = arith.index_cast %add3A_1097 : i32 to index
        %get3A_1127 = arith.constant 96 : index
        %get3A_1128 = tpu.vector_load %arg5[%get3A_1126, %get3A_1127] {strides = array<i32>} : memref<512x128xf32, #tpu.memory_space<vmem>>, vector<1x16xf32>,
        %get3A_1129 = vector.shape_cast %get3A_1128 : vector<1x16xf32> to vector<16xf32>
        %mul3A_1130 = vector.broadcast %squeeze3A_1099 : f32 to vector<16xf32>
        %mul3A_1131 = arith.mulf %mul3A_1130, %get3A_1129 : vector<16xf32>
        %mul3A_1132 = vector.broadcast %squeeze3A_1101 : f32 to vector<16xf32>
        %mul3A_1133 = arith.mulf %mul3A_1132, %get3A_1129 : vector<16xf32>
        %min3A_1134 = arith.minimumf %min3A_1078, %mul3A_1131 : vector<16xf32>
        %max3A_1135 = arith.maximumf %max3A_1079, %mul3A_1131 : vector<16xf32>
        %min3A_1136 = arith.minimumf %min3A_1080, %mul3A_1133 : vector<16xf32>
        %max3A_1137 = arith.maximumf %max3A_1081, %mul3A_1133 : vector<16xf32>
        %get3A_1138 = arith.index_cast %add3A_1097 : i32 to index
        %get3A_1139 = arith.constant 112 : index
        %get3A_1140 = tpu.vector_load %arg5[%get3A_1138, %get3A_1139] {strides = array<i32>} : memref<512x128xf32, #tpu.memory_space<vmem>>, vector<1x16xf32>,
        %get3A_1141 = vector.shape_cast %get3A_1140 : vector<1x16xf32> to vector<16xf32>
        %mul3A_1142 = vector.broadcast %squeeze3A_1099 : f32 to vector<16xf32>
        %mul3A_1143 = arith.mulf %mul3A_1142, %get3A_1141 : vector<16xf32>
        %mul3A_1144 = vector.broadcast %squeeze3A_1101 : f32 to vector<16xf32>
        %mul3A_1145 = arith.mulf %mul3A_1144, %get3A_1141 : vector<16xf32>
        %min3A_1146 = arith.minimumf %min3A_1090, %mul3A_1143 : vector<16xf32>
        %max3A_1147 = arith.maximumf %max3A_1091, %mul3A_1143 : vector<16xf32>
        %min3A_1148 = arith.minimumf %min3A_1092, %mul3A_1145 : vector<16xf32>
        %max3A_1149 = arith.maximumf %max3A_1093, %mul3A_1145 : vector<16xf32>
        %mul3A_1150 = arith.constant 16 : i32
        %mul3A_1151 = arith.muli %scan3A_615, %mul3A_1150 : i32
        %add3A_1152 = arith.constant 9 : i32
        %add3A_1153 = arith.addi %mul3A_1151, %add3A_1152 : i32
        %slice3A_1154 = vector.extract_strided_slice %get3A_639 {offsets = [9], sizes = [1], strides = [1]} : vector<16xf32> to vector<1xf32>
        %squeeze3A_1155 = vector.extract %slice3A_1154[0] : f32 from vector<1xf32>
        %slice3A_1156 = vector.extract_strided_slice %get3A_649 {offsets = [9], sizes = [1], strides = [1]} : vector<16xf32> to vector<1xf32>
        %squeeze3A_1157 = vector.extract %slice3A_1156[0] : f32 from vector<1xf32>
        %get3A_1158 = arith.index_cast %add3A_1153 : i32 to index
        %get3A_1159 = arith.constant 64 : index
        %get3A_1160 = tpu.vector_load %arg5[%get3A_1158, %get3A_1159] {strides = array<i32>} : memref<512x128xf32, #tpu.memory_space<vmem>>, vector<1x16xf32>,
        %get3A_1161 = vector.shape_cast %get3A_1160 : vector<1x16xf32> to vector<16xf32>
        %mul3A_1162 = vector.broadcast %squeeze3A_1155 : f32 to vector<16xf32>
        %mul3A_1163 = arith.mulf %mul3A_1162, %get3A_1161 : vector<16xf32>
        %mul3A_1164 = vector.broadcast %squeeze3A_1157 : f32 to vector<16xf32>
        %mul3A_1165 = arith.mulf %mul3A_1164, %get3A_1161 : vector<16xf32>
        %min3A_1166 = arith.minimumf %min3A_1110, %mul3A_1163 : vector<16xf32>
        %max3A_1167 = arith.maximumf %max3A_1111, %mul3A_1163 : vector<16xf32>
        %min3A_1168 = arith.minimumf %min3A_1112, %mul3A_1165 : vector<16xf32>
        %max3A_1169 = arith.maximumf %max3A_1113, %mul3A_1165 : vector<16xf32>
        %get3A_1170 = arith.index_cast %add3A_1153 : i32 to index
        %get3A_1171 = arith.constant 80 : index
        %get3A_1172 = tpu.vector_load %arg5[%get3A_1170, %get3A_1171] {strides = array<i32>} : memref<512x128xf32, #tpu.memory_space<vmem>>, vector<1x16xf32>,
        %get3A_1173 = vector.shape_cast %get3A_1172 : vector<1x16xf32> to vector<16xf32>
        %mul3A_1174 = vector.broadcast %squeeze3A_1155 : f32 to vector<16xf32>
        %mul3A_1175 = arith.mulf %mul3A_1174, %get3A_1173 : vector<16xf32>
        %mul3A_1176 = vector.broadcast %squeeze3A_1157 : f32 to vector<16xf32>
        %mul3A_1177 = arith.mulf %mul3A_1176, %get3A_1173 : vector<16xf32>
        %min3A_1178 = arith.minimumf %min3A_1122, %mul3A_1175 : vector<16xf32>
        %max3A_1179 = arith.maximumf %max3A_1123, %mul3A_1175 : vector<16xf32>
        %min3A_1180 = arith.minimumf %min3A_1124, %mul3A_1177 : vector<16xf32>
        %max3A_1181 = arith.maximumf %max3A_1125, %mul3A_1177 : vector<16xf32>
        %get3A_1182 = arith.index_cast %add3A_1153 : i32 to index
        %get3A_1183 = arith.constant 96 : index
        %get3A_1184 = tpu.vector_load %arg5[%get3A_1182, %get3A_1183] {strides = array<i32>} : memref<512x128xf32, #tpu.memory_space<vmem>>, vector<1x16xf32>,
        %get3A_1185 = vector.shape_cast %get3A_1184 : vector<1x16xf32> to vector<16xf32>
        %mul3A_1186 = vector.broadcast %squeeze3A_1155 : f32 to vector<16xf32>
        %mul3A_1187 = arith.mulf %mul3A_1186, %get3A_1185 : vector<16xf32>
        %mul3A_1188 = vector.broadcast %squeeze3A_1157 : f32 to vector<16xf32>
        %mul3A_1189 = arith.mulf %mul3A_1188, %get3A_1185 : vector<16xf32>
        %min3A_1190 = arith.minimumf %min3A_1134, %mul3A_1187 : vector<16xf32>
        %max3A_1191 = arith.maximumf %max3A_1135, %mul3A_1187 : vector<16xf32>
        %min3A_1192 = arith.minimumf %min3A_1136, %mul3A_1189 : vector<16xf32>
        %max3A_1193 = arith.maximumf %max3A_1137, %mul3A_1189 : vector<16xf32>
        %get3A_1194 = arith.index_cast %add3A_1153 : i32 to index
        %get3A_1195 = arith.constant 112 : index
        %get3A_1196 = tpu.vector_load %arg5[%get3A_1194, %get3A_1195] {strides = array<i32>} : memref<512x128xf32, #tpu.memory_space<vmem>>, vector<1x16xf32>,
        %get3A_1197 = vector.shape_cast %get3A_1196 : vector<1x16xf32> to vector<16xf32>
        %mul3A_1198 = vector.broadcast %squeeze3A_1155 : f32 to vector<16xf32>
        %mul3A_1199 = arith.mulf %mul3A_1198, %get3A_1197 : vector<16xf32>
        %mul3A_1200 = vector.broadcast %squeeze3A_1157 : f32 to vector<16xf32>
        %mul3A_1201 = arith.mulf %mul3A_1200, %get3A_1197 : vector<16xf32>
        %min3A_1202 = arith.minimumf %min3A_1146, %mul3A_1199 : vector<16xf32>
        %max3A_1203 = arith.maximumf %max3A_1147, %mul3A_1199 : vector<16xf32>
        %min3A_1204 = arith.minimumf %min3A_1148, %mul3A_1201 : vector<16xf32>
        %max3A_1205 = arith.maximumf %max3A_1149, %mul3A_1201 : vector<16xf32>
        %mul3A_1206 = arith.constant 16 : i32
        %mul3A_1207 = arith.muli %scan3A_615, %mul3A_1206 : i32
        %add3A_1208 = arith.constant 10 : i32
        %add3A_1209 = arith.addi %mul3A_1207, %add3A_1208 : i32
        %slice3A_1210 = vector.extract_strided_slice %get3A_639 {offsets = [10], sizes = [1], strides = [1]} : vector<16xf32> to vector<1xf32>
        %squeeze3A_1211 = vector.extract %slice3A_1210[0] : f32 from vector<1xf32>
        %slice3A_1212 = vector.extract_strided_slice %get3A_649 {offsets = [10], sizes = [1], strides = [1]} : vector<16xf32> to vector<1xf32>
        %squeeze3A_1213 = vector.extract %slice3A_1212[0] : f32 from vector<1xf32>
        %get3A_1214 = arith.index_cast %add3A_1209 : i32 to index
        %get3A_1215 = arith.constant 64 : index
        %get3A_1216 = tpu.vector_load %arg5[%get3A_1214, %get3A_1215] {strides = array<i32>} : memref<512x128xf32, #tpu.memory_space<vmem>>, vector<1x16xf32>,
        %get3A_1217 = vector.shape_cast %get3A_1216 : vector<1x16xf32> to vector<16xf32>
        %mul3A_1218 = vector.broadcast %squeeze3A_1211 : f32 to vector<16xf32>
        %mul3A_1219 = arith.mulf %mul3A_1218, %get3A_1217 : vector<16xf32>
        %mul3A_1220 = vector.broadcast %squeeze3A_1213 : f32 to vector<16xf32>
        %mul3A_1221 = arith.mulf %mul3A_1220, %get3A_1217 : vector<16xf32>
        %min3A_1222 = arith.minimumf %min3A_1166, %mul3A_1219 : vector<16xf32>
        %max3A_1223 = arith.maximumf %max3A_1167, %mul3A_1219 : vector<16xf32>
        %min3A_1224 = arith.minimumf %min3A_1168, %mul3A_1221 : vector<16xf32>
        %max3A_1225 = arith.maximumf %max3A_1169, %mul3A_1221 : vector<16xf32>
        %get3A_1226 = arith.index_cast %add3A_1209 : i32 to index
        %get3A_1227 = arith.constant 80 : index
        %get3A_1228 = tpu.vector_load %arg5[%get3A_1226, %get3A_1227] {strides = array<i32>} : memref<512x128xf32, #tpu.memory_space<vmem>>, vector<1x16xf32>,
        %get3A_1229 = vector.shape_cast %get3A_1228 : vector<1x16xf32> to vector<16xf32>
        %mul3A_1230 = vector.broadcast %squeeze3A_1211 : f32 to vector<16xf32>
        %mul3A_1231 = arith.mulf %mul3A_1230, %get3A_1229 : vector<16xf32>
        %mul3A_1232 = vector.broadcast %squeeze3A_1213 : f32 to vector<16xf32>
        %mul3A_1233 = arith.mulf %mul3A_1232, %get3A_1229 : vector<16xf32>
        %min3A_1234 = arith.minimumf %min3A_1178, %mul3A_1231 : vector<16xf32>
        %max3A_1235 = arith.maximumf %max3A_1179, %mul3A_1231 : vector<16xf32>
        %min3A_1236 = arith.minimumf %min3A_1180, %mul3A_1233 : vector<16xf32>
        %max3A_1237 = arith.maximumf %max3A_1181, %mul3A_1233 : vector<16xf32>
        %get3A_1238 = arith.index_cast %add3A_1209 : i32 to index
        %get3A_1239 = arith.constant 96 : index
        %get3A_1240 = tpu.vector_load %arg5[%get3A_1238, %get3A_1239] {strides = array<i32>} : memref<512x128xf32, #tpu.memory_space<vmem>>, vector<1x16xf32>,
        %get3A_1241 = vector.shape_cast %get3A_1240 : vector<1x16xf32> to vector<16xf32>
        %mul3A_1242 = vector.broadcast %squeeze3A_1211 : f32 to vector<16xf32>
        %mul3A_1243 = arith.mulf %mul3A_1242, %get3A_1241 : vector<16xf32>
        %mul3A_1244 = vector.broadcast %squeeze3A_1213 : f32 to vector<16xf32>
        %mul3A_1245 = arith.mulf %mul3A_1244, %get3A_1241 : vector<16xf32>
        %min3A_1246 = arith.minimumf %min3A_1190, %mul3A_1243 : vector<16xf32>
        %max3A_1247 = arith.maximumf %max3A_1191, %mul3A_1243 : vector<16xf32>
        %min3A_1248 = arith.minimumf %min3A_1192, %mul3A_1245 : vector<16xf32>
        %max3A_1249 = arith.maximumf %max3A_1193, %mul3A_1245 : vector<16xf32>
        %get3A_1250 = arith.index_cast %add3A_1209 : i32 to index
        %get3A_1251 = arith.constant 112 : index
        %get3A_1252 = tpu.vector_load %arg5[%get3A_1250, %get3A_1251] {strides = array<i32>} : memref<512x128xf32, #tpu.memory_space<vmem>>, vector<1x16xf32>,
        %get3A_1253 = vector.shape_cast %get3A_1252 : vector<1x16xf32> to vector<16xf32>
        %mul3A_1254 = vector.broadcast %squeeze3A_1211 : f32 to vector<16xf32>
        %mul3A_1255 = arith.mulf %mul3A_1254, %get3A_1253 : vector<16xf32>
        %mul3A_1256 = vector.broadcast %squeeze3A_1213 : f32 to vector<16xf32>
        %mul3A_1257 = arith.mulf %mul3A_1256, %get3A_1253 : vector<16xf32>
        %min3A_1258 = arith.minimumf %min3A_1202, %mul3A_1255 : vector<16xf32>
        %max3A_1259 = arith.maximumf %max3A_1203, %mul3A_1255 : vector<16xf32>
        %min3A_1260 = arith.minimumf %min3A_1204, %mul3A_1257 : vector<16xf32>
        %max3A_1261 = arith.maximumf %max3A_1205, %mul3A_1257 : vector<16xf32>
        %mul3A_1262 = arith.constant 16 : i32
        %mul3A_1263 = arith.muli %scan3A_615, %mul3A_1262 : i32
        %add3A_1264 = arith.constant 11 : i32
        %add3A_1265 = arith.addi %mul3A_1263, %add3A_1264 : i32
        %slice3A_1266 = vector.extract_strided_slice %get3A_639 {offsets = [11], sizes = [1], strides = [1]} : vector<16xf32> to vector<1xf32>
        %squeeze3A_1267 = vector.extract %slice3A_1266[0] : f32 from vector<1xf32>
        %slice3A_1268 = vector.extract_strided_slice %get3A_649 {offsets = [11], sizes = [1], strides = [1]} : vector<16xf32> to vector<1xf32>
        %squeeze3A_1269 = vector.extract %slice3A_1268[0] : f32 from vector<1xf32>
        %get3A_1270 = arith.index_cast %add3A_1265 : i32 to index
        %get3A_1271 = arith.constant 64 : index
        %get3A_1272 = tpu.vector_load %arg5[%get3A_1270, %get3A_1271] {strides = array<i32>} : memref<512x128xf32, #tpu.memory_space<vmem>>, vector<1x16xf32>,
        %get3A_1273 = vector.shape_cast %get3A_1272 : vector<1x16xf32> to vector<16xf32>
        %mul3A_1274 = vector.broadcast %squeeze3A_1267 : f32 to vector<16xf32>
        %mul3A_1275 = arith.mulf %mul3A_1274, %get3A_1273 : vector<16xf32>
        %mul3A_1276 = vector.broadcast %squeeze3A_1269 : f32 to vector<16xf32>
        %mul3A_1277 = arith.mulf %mul3A_1276, %get3A_1273 : vector<16xf32>
        %min3A_1278 = arith.minimumf %min3A_1222, %mul3A_1275 : vector<16xf32>
        %max3A_1279 = arith.maximumf %max3A_1223, %mul3A_1275 : vector<16xf32>
        %min3A_1280 = arith.minimumf %min3A_1224, %mul3A_1277 : vector<16xf32>
        %max3A_1281 = arith.maximumf %max3A_1225, %mul3A_1277 : vector<16xf32>
        %get3A_1282 = arith.index_cast %add3A_1265 : i32 to index
        %get3A_1283 = arith.constant 80 : index
        %get3A_1284 = tpu.vector_load %arg5[%get3A_1282, %get3A_1283] {strides = array<i32>} : memref<512x128xf32, #tpu.memory_space<vmem>>, vector<1x16xf32>,
        %get3A_1285 = vector.shape_cast %get3A_1284 : vector<1x16xf32> to vector<16xf32>
        %mul3A_1286 = vector.broadcast %squeeze3A_1267 : f32 to vector<16xf32>
        %mul3A_1287 = arith.mulf %mul3A_1286, %get3A_1285 : vector<16xf32>
        %mul3A_1288 = vector.broadcast %squeeze3A_1269 : f32 to vector<16xf32>
        %mul3A_1289 = arith.mulf %mul3A_1288, %get3A_1285 : vector<16xf32>
        %min3A_1290 = arith.minimumf %min3A_1234, %mul3A_1287 : vector<16xf32>
        %max3A_1291 = arith.maximumf %max3A_1235, %mul3A_1287 : vector<16xf32>
        %min3A_1292 = arith.minimumf %min3A_1236, %mul3A_1289 : vector<16xf32>
        %max3A_1293 = arith.maximumf %max3A_1237, %mul3A_1289 : vector<16xf32>
        %get3A_1294 = arith.index_cast %add3A_1265 : i32 to index
        %get3A_1295 = arith.constant 96 : index
        %get3A_1296 = tpu.vector_load %arg5[%get3A_1294, %get3A_1295] {strides = array<i32>} : memref<512x128xf32, #tpu.memory_space<vmem>>, vector<1x16xf32>,
        %get3A_1297 = vector.shape_cast %get3A_1296 : vector<1x16xf32> to vector<16xf32>
        %mul3A_1298 = vector.broadcast %squeeze3A_1267 : f32 to vector<16xf32>
        %mul3A_1299 = arith.mulf %mul3A_1298, %get3A_1297 : vector<16xf32>
        %mul3A_1300 = vector.broadcast %squeeze3A_1269 : f32 to vector<16xf32>
        %mul3A_1301 = arith.mulf %mul3A_1300, %get3A_1297 : vector<16xf32>
        %min3A_1302 = arith.minimumf %min3A_1246, %mul3A_1299 : vector<16xf32>
        %max3A_1303 = arith.maximumf %max3A_1247, %mul3A_1299 : vector<16xf32>
        %min3A_1304 = arith.minimumf %min3A_1248, %mul3A_1301 : vector<16xf32>
        %max3A_1305 = arith.maximumf %max3A_1249, %mul3A_1301 : vector<16xf32>
        %get3A_1306 = arith.index_cast %add3A_1265 : i32 to index
        %get3A_1307 = arith.constant 112 : index
        %get3A_1308 = tpu.vector_load %arg5[%get3A_1306, %get3A_1307] {strides = array<i32>} : memref<512x128xf32, #tpu.memory_space<vmem>>, vector<1x16xf32>,
        %get3A_1309 = vector.shape_cast %get3A_1308 : vector<1x16xf32> to vector<16xf32>
        %mul3A_1310 = vector.broadcast %squeeze3A_1267 : f32 to vector<16xf32>
        %mul3A_1311 = arith.mulf %mul3A_1310, %get3A_1309 : vector<16xf32>
        %mul3A_1312 = vector.broadcast %squeeze3A_1269 : f32 to vector<16xf32>
        %mul3A_1313 = arith.mulf %mul3A_1312, %get3A_1309 : vector<16xf32>
        %min3A_1314 = arith.minimumf %min3A_1258, %mul3A_1311 : vector<16xf32>
        %max3A_1315 = arith.maximumf %max3A_1259, %mul3A_1311 : vector<16xf32>
        %min3A_1316 = arith.minimumf %min3A_1260, %mul3A_1313 : vector<16xf32>
        %max3A_1317 = arith.maximumf %max3A_1261, %mul3A_1313 : vector<16xf32>
        %mul3A_1318 = arith.constant 16 : i32
        %mul3A_1319 = arith.muli %scan3A_615, %mul3A_1318 : i32
        %add3A_1320 = arith.constant 12 : i32
        %add3A_1321 = arith.addi %mul3A_1319, %add3A_1320 : i32
        %slice3A_1322 = vector.extract_strided_slice %get3A_639 {offsets = [12], sizes = [1], strides = [1]} : vector<16xf32> to vector<1xf32>
        %squeeze3A_1323 = vector.extract %slice3A_1322[0] : f32 from vector<1xf32>
        %slice3A_1324 = vector.extract_strided_slice %get3A_649 {offsets = [12], sizes = [1], strides = [1]} : vector<16xf32> to vector<1xf32>
        %squeeze3A_1325 = vector.extract %slice3A_1324[0] : f32 from vector<1xf32>
        %get3A_1326 = arith.index_cast %add3A_1321 : i32 to index
        %get3A_1327 = arith.constant 64 : index
        %get3A_1328 = tpu.vector_load %arg5[%get3A_1326, %get3A_1327] {strides = array<i32>} : memref<512x128xf32, #tpu.memory_space<vmem>>, vector<1x16xf32>,
        %get3A_1329 = vector.shape_cast %get3A_1328 : vector<1x16xf32> to vector<16xf32>
        %mul3A_1330 = vector.broadcast %squeeze3A_1323 : f32 to vector<16xf32>
        %mul3A_1331 = arith.mulf %mul3A_1330, %get3A_1329 : vector<16xf32>
        %mul3A_1332 = vector.broadcast %squeeze3A_1325 : f32 to vector<16xf32>
        %mul3A_1333 = arith.mulf %mul3A_1332, %get3A_1329 : vector<16xf32>
        %min3A_1334 = arith.minimumf %min3A_1278, %mul3A_1331 : vector<16xf32>
        %max3A_1335 = arith.maximumf %max3A_1279, %mul3A_1331 : vector<16xf32>
        %min3A_1336 = arith.minimumf %min3A_1280, %mul3A_1333 : vector<16xf32>
        %max3A_1337 = arith.maximumf %max3A_1281, %mul3A_1333 : vector<16xf32>
        %get3A_1338 = arith.index_cast %add3A_1321 : i32 to index
        %get3A_1339 = arith.constant 80 : index
        %get3A_1340 = tpu.vector_load %arg5[%get3A_1338, %get3A_1339] {strides = array<i32>} : memref<512x128xf32, #tpu.memory_space<vmem>>, vector<1x16xf32>,
        %get3A_1341 = vector.shape_cast %get3A_1340 : vector<1x16xf32> to vector<16xf32>
        %mul3A_1342 = vector.broadcast %squeeze3A_1323 : f32 to vector<16xf32>
        %mul3A_1343 = arith.mulf %mul3A_1342, %get3A_1341 : vector<16xf32>
        %mul3A_1344 = vector.broadcast %squeeze3A_1325 : f32 to vector<16xf32>
        %mul3A_1345 = arith.mulf %mul3A_1344, %get3A_1341 : vector<16xf32>
        %min3A_1346 = arith.minimumf %min3A_1290, %mul3A_1343 : vector<16xf32>
        %max3A_1347 = arith.maximumf %max3A_1291, %mul3A_1343 : vector<16xf32>
        %min3A_1348 = arith.minimumf %min3A_1292, %mul3A_1345 : vector<16xf32>
        %max3A_1349 = arith.maximumf %max3A_1293, %mul3A_1345 : vector<16xf32>
        %get3A_1350 = arith.index_cast %add3A_1321 : i32 to index
        %get3A_1351 = arith.constant 96 : index
        %get3A_1352 = tpu.vector_load %arg5[%get3A_1350, %get3A_1351] {strides = array<i32>} : memref<512x128xf32, #tpu.memory_space<vmem>>, vector<1x16xf32>,
        %get3A_1353 = vector.shape_cast %get3A_1352 : vector<1x16xf32> to vector<16xf32>
        %mul3A_1354 = vector.broadcast %squeeze3A_1323 : f32 to vector<16xf32>
        %mul3A_1355 = arith.mulf %mul3A_1354, %get3A_1353 : vector<16xf32>
        %mul3A_1356 = vector.broadcast %squeeze3A_1325 : f32 to vector<16xf32>
        %mul3A_1357 = arith.mulf %mul3A_1356, %get3A_1353 : vector<16xf32>
        %min3A_1358 = arith.minimumf %min3A_1302, %mul3A_1355 : vector<16xf32>
        %max3A_1359 = arith.maximumf %max3A_1303, %mul3A_1355 : vector<16xf32>
        %min3A_1360 = arith.minimumf %min3A_1304, %mul3A_1357 : vector<16xf32>
        %max3A_1361 = arith.maximumf %max3A_1305, %mul3A_1357 : vector<16xf32>
        %get3A_1362 = arith.index_cast %add3A_1321 : i32 to index
        %get3A_1363 = arith.constant 112 : index
        %get3A_1364 = tpu.vector_load %arg5[%get3A_1362, %get3A_1363] {strides = array<i32>} : memref<512x128xf32, #tpu.memory_space<vmem>>, vector<1x16xf32>,
        %get3A_1365 = vector.shape_cast %get3A_1364 : vector<1x16xf32> to vector<16xf32>
        %mul3A_1366 = vector.broadcast %squeeze3A_1323 : f32 to vector<16xf32>
        %mul3A_1367 = arith.mulf %mul3A_1366, %get3A_1365 : vector<16xf32>
        %mul3A_1368 = vector.broadcast %squeeze3A_1325 : f32 to vector<16xf32>
        %mul3A_1369 = arith.mulf %mul3A_1368, %get3A_1365 : vector<16xf32>
        %min3A_1370 = arith.minimumf %min3A_1314, %mul3A_1367 : vector<16xf32>
        %max3A_1371 = arith.maximumf %max3A_1315, %mul3A_1367 : vector<16xf32>
        %min3A_1372 = arith.minimumf %min3A_1316, %mul3A_1369 : vector<16xf32>
        %max3A_1373 = arith.maximumf %max3A_1317, %mul3A_1369 : vector<16xf32>
        %mul3A_1374 = arith.constant 16 : i32
        %mul3A_1375 = arith.muli %scan3A_615, %mul3A_1374 : i32
        %add3A_1376 = arith.constant 13 : i32
        %add3A_1377 = arith.addi %mul3A_1375, %add3A_1376 : i32
        %slice3A_1378 = vector.extract_strided_slice %get3A_639 {offsets = [13], sizes = [1], strides = [1]} : vector<16xf32> to vector<1xf32>
        %squeeze3A_1379 = vector.extract %slice3A_1378[0] : f32 from vector<1xf32>
        %slice3A_1380 = vector.extract_strided_slice %get3A_649 {offsets = [13], sizes = [1], strides = [1]} : vector<16xf32> to vector<1xf32>
        %squeeze3A_1381 = vector.extract %slice3A_1380[0] : f32 from vector<1xf32>
        %get3A_1382 = arith.index_cast %add3A_1377 : i32 to index
        %get3A_1383 = arith.constant 64 : index
        %get3A_1384 = tpu.vector_load %arg5[%get3A_1382, %get3A_1383] {strides = array<i32>} : memref<512x128xf32, #tpu.memory_space<vmem>>, vector<1x16xf32>,
        %get3A_1385 = vector.shape_cast %get3A_1384 : vector<1x16xf32> to vector<16xf32>
        %mul3A_1386 = vector.broadcast %squeeze3A_1379 : f32 to vector<16xf32>
        %mul3A_1387 = arith.mulf %mul3A_1386, %get3A_1385 : vector<16xf32>
        %mul3A_1388 = vector.broadcast %squeeze3A_1381 : f32 to vector<16xf32>
        %mul3A_1389 = arith.mulf %mul3A_1388, %get3A_1385 : vector<16xf32>
        %min3A_1390 = arith.minimumf %min3A_1334, %mul3A_1387 : vector<16xf32>
        %max3A_1391 = arith.maximumf %max3A_1335, %mul3A_1387 : vector<16xf32>
        %min3A_1392 = arith.minimumf %min3A_1336, %mul3A_1389 : vector<16xf32>
        %max3A_1393 = arith.maximumf %max3A_1337, %mul3A_1389 : vector<16xf32>
        %get3A_1394 = arith.index_cast %add3A_1377 : i32 to index
        %get3A_1395 = arith.constant 80 : index
        %get3A_1396 = tpu.vector_load %arg5[%get3A_1394, %get3A_1395] {strides = array<i32>} : memref<512x128xf32, #tpu.memory_space<vmem>>, vector<1x16xf32>,
        %get3A_1397 = vector.shape_cast %get3A_1396 : vector<1x16xf32> to vector<16xf32>
        %mul3A_1398 = vector.broadcast %squeeze3A_1379 : f32 to vector<16xf32>
        %mul3A_1399 = arith.mulf %mul3A_1398, %get3A_1397 : vector<16xf32>
        %mul3A_1400 = vector.broadcast %squeeze3A_1381 : f32 to vector<16xf32>
        %mul3A_1401 = arith.mulf %mul3A_1400, %get3A_1397 : vector<16xf32>
        %min3A_1402 = arith.minimumf %min3A_1346, %mul3A_1399 : vector<16xf32>
        %max3A_1403 = arith.maximumf %max3A_1347, %mul3A_1399 : vector<16xf32>
        %min3A_1404 = arith.minimumf %min3A_1348, %mul3A_1401 : vector<16xf32>
        %max3A_1405 = arith.maximumf %max3A_1349, %mul3A_1401 : vector<16xf32>
        %get3A_1406 = arith.index_cast %add3A_1377 : i32 to index
        %get3A_1407 = arith.constant 96 : index
        %get3A_1408 = tpu.vector_load %arg5[%get3A_1406, %get3A_1407] {strides = array<i32>} : memref<512x128xf32, #tpu.memory_space<vmem>>, vector<1x16xf32>,
        %get3A_1409 = vector.shape_cast %get3A_1408 : vector<1x16xf32> to vector<16xf32>
        %mul3A_1410 = vector.broadcast %squeeze3A_1379 : f32 to vector<16xf32>
        %mul3A_1411 = arith.mulf %mul3A_1410, %get3A_1409 : vector<16xf32>
        %mul3A_1412 = vector.broadcast %squeeze3A_1381 : f32 to vector<16xf32>
        %mul3A_1413 = arith.mulf %mul3A_1412, %get3A_1409 : vector<16xf32>
        %min3A_1414 = arith.minimumf %min3A_1358, %mul3A_1411 : vector<16xf32>
        %max3A_1415 = arith.maximumf %max3A_1359, %mul3A_1411 : vector<16xf32>
        %min3A_1416 = arith.minimumf %min3A_1360, %mul3A_1413 : vector<16xf32>
        %max3A_1417 = arith.maximumf %max3A_1361, %mul3A_1413 : vector<16xf32>
        %get3A_1418 = arith.index_cast %add3A_1377 : i32 to index
        %get3A_1419 = arith.constant 112 : index
        %get3A_1420 = tpu.vector_load %arg5[%get3A_1418, %get3A_1419] {strides = array<i32>} : memref<512x128xf32, #tpu.memory_space<vmem>>, vector<1x16xf32>,
        %get3A_1421 = vector.shape_cast %get3A_1420 : vector<1x16xf32> to vector<16xf32>
        %mul3A_1422 = vector.broadcast %squeeze3A_1379 : f32 to vector<16xf32>
        %mul3A_1423 = arith.mulf %mul3A_1422, %get3A_1421 : vector<16xf32>
        %mul3A_1424 = vector.broadcast %squeeze3A_1381 : f32 to vector<16xf32>
        %mul3A_1425 = arith.mulf %mul3A_1424, %get3A_1421 : vector<16xf32>
        %min3A_1426 = arith.minimumf %min3A_1370, %mul3A_1423 : vector<16xf32>
        %max3A_1427 = arith.maximumf %max3A_1371, %mul3A_1423 : vector<16xf32>
        %min3A_1428 = arith.minimumf %min3A_1372, %mul3A_1425 : vector<16xf32>
        %max3A_1429 = arith.maximumf %max3A_1373, %mul3A_1425 : vector<16xf32>
        %mul3A_1430 = arith.constant 16 : i32
        %mul3A_1431 = arith.muli %scan3A_615, %mul3A_1430 : i32
        %add3A_1432 = arith.constant 14 : i32
        %add3A_1433 = arith.addi %mul3A_1431, %add3A_1432 : i32
        %slice3A_1434 = vector.extract_strided_slice %get3A_639 {offsets = [14], sizes = [1], strides = [1]} : vector<16xf32> to vector<1xf32>
        %squeeze3A_1435 = vector.extract %slice3A_1434[0] : f32 from vector<1xf32>
        %slice3A_1436 = vector.extract_strided_slice %get3A_649 {offsets = [14], sizes = [1], strides = [1]} : vector<16xf32> to vector<1xf32>
        %squeeze3A_1437 = vector.extract %slice3A_1436[0] : f32 from vector<1xf32>
        %get3A_1438 = arith.index_cast %add3A_1433 : i32 to index
        %get3A_1439 = arith.constant 64 : index
        %get3A_1440 = tpu.vector_load %arg5[%get3A_1438, %get3A_1439] {strides = array<i32>} : memref<512x128xf32, #tpu.memory_space<vmem>>, vector<1x16xf32>,
        %get3A_1441 = vector.shape_cast %get3A_1440 : vector<1x16xf32> to vector<16xf32>
        %mul3A_1442 = vector.broadcast %squeeze3A_1435 : f32 to vector<16xf32>
        %mul3A_1443 = arith.mulf %mul3A_1442, %get3A_1441 : vector<16xf32>
        %mul3A_1444 = vector.broadcast %squeeze3A_1437 : f32 to vector<16xf32>
        %mul3A_1445 = arith.mulf %mul3A_1444, %get3A_1441 : vector<16xf32>
        %min3A_1446 = arith.minimumf %min3A_1390, %mul3A_1443 : vector<16xf32>
        %max3A_1447 = arith.maximumf %max3A_1391, %mul3A_1443 : vector<16xf32>
        %min3A_1448 = arith.minimumf %min3A_1392, %mul3A_1445 : vector<16xf32>
        %max3A_1449 = arith.maximumf %max3A_1393, %mul3A_1445 : vector<16xf32>
        %get3A_1450 = arith.index_cast %add3A_1433 : i32 to index
        %get3A_1451 = arith.constant 80 : index
        %get3A_1452 = tpu.vector_load %arg5[%get3A_1450, %get3A_1451] {strides = array<i32>} : memref<512x128xf32, #tpu.memory_space<vmem>>, vector<1x16xf32>,
        %get3A_1453 = vector.shape_cast %get3A_1452 : vector<1x16xf32> to vector<16xf32>
        %mul3A_1454 = vector.broadcast %squeeze3A_1435 : f32 to vector<16xf32>
        %mul3A_1455 = arith.mulf %mul3A_1454, %get3A_1453 : vector<16xf32>
        %mul3A_1456 = vector.broadcast %squeeze3A_1437 : f32 to vector<16xf32>
        %mul3A_1457 = arith.mulf %mul3A_1456, %get3A_1453 : vector<16xf32>
        %min3A_1458 = arith.minimumf %min3A_1402, %mul3A_1455 : vector<16xf32>
        %max3A_1459 = arith.maximumf %max3A_1403, %mul3A_1455 : vector<16xf32>
        %min3A_1460 = arith.minimumf %min3A_1404, %mul3A_1457 : vector<16xf32>
        %max3A_1461 = arith.maximumf %max3A_1405, %mul3A_1457 : vector<16xf32>
        %get3A_1462 = arith.index_cast %add3A_1433 : i32 to index
        %get3A_1463 = arith.constant 96 : index
        %get3A_1464 = tpu.vector_load %arg5[%get3A_1462, %get3A_1463] {strides = array<i32>} : memref<512x128xf32, #tpu.memory_space<vmem>>, vector<1x16xf32>,
        %get3A_1465 = vector.shape_cast %get3A_1464 : vector<1x16xf32> to vector<16xf32>
        %mul3A_1466 = vector.broadcast %squeeze3A_1435 : f32 to vector<16xf32>
        %mul3A_1467 = arith.mulf %mul3A_1466, %get3A_1465 : vector<16xf32>
        %mul3A_1468 = vector.broadcast %squeeze3A_1437 : f32 to vector<16xf32>
        %mul3A_1469 = arith.mulf %mul3A_1468, %get3A_1465 : vector<16xf32>
        %min3A_1470 = arith.minimumf %min3A_1414, %mul3A_1467 : vector<16xf32>
        %max3A_1471 = arith.maximumf %max3A_1415, %mul3A_1467 : vector<16xf32>
        %min3A_1472 = arith.minimumf %min3A_1416, %mul3A_1469 : vector<16xf32>
        %max3A_1473 = arith.maximumf %max3A_1417, %mul3A_1469 : vector<16xf32>
        %get3A_1474 = arith.index_cast %add3A_1433 : i32 to index
        %get3A_1475 = arith.constant 112 : index
        %get3A_1476 = tpu.vector_load %arg5[%get3A_1474, %get3A_1475] {strides = array<i32>} : memref<512x128xf32, #tpu.memory_space<vmem>>, vector<1x16xf32>,
        %get3A_1477 = vector.shape_cast %get3A_1476 : vector<1x16xf32> to vector<16xf32>
        %mul3A_1478 = vector.broadcast %squeeze3A_1435 : f32 to vector<16xf32>
        %mul3A_1479 = arith.mulf %mul3A_1478, %get3A_1477 : vector<16xf32>
        %mul3A_1480 = vector.broadcast %squeeze3A_1437 : f32 to vector<16xf32>
        %mul3A_1481 = arith.mulf %mul3A_1480, %get3A_1477 : vector<16xf32>
        %min3A_1482 = arith.minimumf %min3A_1426, %mul3A_1479 : vector<16xf32>
        %max3A_1483 = arith.maximumf %max3A_1427, %mul3A_1479 : vector<16xf32>
        %min3A_1484 = arith.minimumf %min3A_1428, %mul3A_1481 : vector<16xf32>
        %max3A_1485 = arith.maximumf %max3A_1429, %mul3A_1481 : vector<16xf32>
        %mul3A_1486 = arith.constant 16 : i32
        %mul3A_1487 = arith.muli %scan3A_615, %mul3A_1486 : i32
        %add3A_1488 = arith.constant 15 : i32
        %add3A_1489 = arith.addi %mul3A_1487, %add3A_1488 : i32
        %slice3A_1490 = vector.extract_strided_slice %get3A_639 {offsets = [15], sizes = [1], strides = [1]} : vector<16xf32> to vector<1xf32>
        %squeeze3A_1491 = vector.extract %slice3A_1490[0] : f32 from vector<1xf32>
        %slice3A_1492 = vector.extract_strided_slice %get3A_649 {offsets = [15], sizes = [1], strides = [1]} : vector<16xf32> to vector<1xf32>
        %squeeze3A_1493 = vector.extract %slice3A_1492[0] : f32 from vector<1xf32>
        %get3A_1494 = arith.index_cast %add3A_1489 : i32 to index
        %get3A_1495 = arith.constant 64 : index
        %get3A_1496 = tpu.vector_load %arg5[%get3A_1494, %get3A_1495] {strides = array<i32>} : memref<512x128xf32, #tpu.memory_space<vmem>>, vector<1x16xf32>,
        %get3A_1497 = vector.shape_cast %get3A_1496 : vector<1x16xf32> to vector<16xf32>
        %mul3A_1498 = vector.broadcast %squeeze3A_1491 : f32 to vector<16xf32>
        %mul3A_1499 = arith.mulf %mul3A_1498, %get3A_1497 : vector<16xf32>
        %mul3A_1500 = vector.broadcast %squeeze3A_1493 : f32 to vector<16xf32>
        %mul3A_1501 = arith.mulf %mul3A_1500, %get3A_1497 : vector<16xf32>
        %min3A_1502 = arith.minimumf %min3A_1446, %mul3A_1499 : vector<16xf32>
        %max3A_1503 = arith.maximumf %max3A_1447, %mul3A_1499 : vector<16xf32>
        %min3A_1504 = arith.minimumf %min3A_1448, %mul3A_1501 : vector<16xf32>
        %max3A_1505 = arith.maximumf %max3A_1449, %mul3A_1501 : vector<16xf32>
        %get3A_1506 = arith.index_cast %add3A_1489 : i32 to index
        %get3A_1507 = arith.constant 80 : index
        %get3A_1508 = tpu.vector_load %arg5[%get3A_1506, %get3A_1507] {strides = array<i32>} : memref<512x128xf32, #tpu.memory_space<vmem>>, vector<1x16xf32>,
        %get3A_1509 = vector.shape_cast %get3A_1508 : vector<1x16xf32> to vector<16xf32>
        %mul3A_1510 = vector.broadcast %squeeze3A_1491 : f32 to vector<16xf32>
        %mul3A_1511 = arith.mulf %mul3A_1510, %get3A_1509 : vector<16xf32>
        %mul3A_1512 = vector.broadcast %squeeze3A_1493 : f32 to vector<16xf32>
        %mul3A_1513 = arith.mulf %mul3A_1512, %get3A_1509 : vector<16xf32>
        %min3A_1514 = arith.minimumf %min3A_1458, %mul3A_1511 : vector<16xf32>
        %max3A_1515 = arith.maximumf %max3A_1459, %mul3A_1511 : vector<16xf32>
        %min3A_1516 = arith.minimumf %min3A_1460, %mul3A_1513 : vector<16xf32>
        %max3A_1517 = arith.maximumf %max3A_1461, %mul3A_1513 : vector<16xf32>
        %get3A_1518 = arith.index_cast %add3A_1489 : i32 to index
        %get3A_1519 = arith.constant 96 : index
        %get3A_1520 = tpu.vector_load %arg5[%get3A_1518, %get3A_1519] {strides = array<i32>} : memref<512x128xf32, #tpu.memory_space<vmem>>, vector<1x16xf32>,
        %get3A_1521 = vector.shape_cast %get3A_1520 : vector<1x16xf32> to vector<16xf32>
        %mul3A_1522 = vector.broadcast %squeeze3A_1491 : f32 to vector<16xf32>
        %mul3A_1523 = arith.mulf %mul3A_1522, %get3A_1521 : vector<16xf32>
        %mul3A_1524 = vector.broadcast %squeeze3A_1493 : f32 to vector<16xf32>
        %mul3A_1525 = arith.mulf %mul3A_1524, %get3A_1521 : vector<16xf32>
        %min3A_1526 = arith.minimumf %min3A_1470, %mul3A_1523 : vector<16xf32>
        %max3A_1527 = arith.maximumf %max3A_1471, %mul3A_1523 : vector<16xf32>
        %min3A_1528 = arith.minimumf %min3A_1472, %mul3A_1525 : vector<16xf32>
        %max3A_1529 = arith.maximumf %max3A_1473, %mul3A_1525 : vector<16xf32>
        %get3A_1530 = arith.index_cast %add3A_1489 : i32 to index
        %get3A_1531 = arith.constant 112 : index
        %get3A_1532 = tpu.vector_load %arg5[%get3A_1530, %get3A_1531] {strides = array<i32>} : memref<512x128xf32, #tpu.memory_space<vmem>>, vector<1x16xf32>,
        %get3A_1533 = vector.shape_cast %get3A_1532 : vector<1x16xf32> to vector<16xf32>
        %mul3A_1534 = vector.broadcast %squeeze3A_1491 : f32 to vector<16xf32>
        %mul3A_1535 = arith.mulf %mul3A_1534, %get3A_1533 : vector<16xf32>
        %mul3A_1536 = vector.broadcast %squeeze3A_1493 : f32 to vector<16xf32>
        %mul3A_1537 = arith.mulf %mul3A_1536, %get3A_1533 : vector<16xf32>
        %min3A_1538 = arith.minimumf %min3A_1482, %mul3A_1535 : vector<16xf32>
        %max3A_1539 = arith.maximumf %max3A_1483, %mul3A_1535 : vector<16xf32>
        %min3A_1540 = arith.minimumf %min3A_1484, %mul3A_1537 : vector<16xf32>
        %max3A_1541 = arith.maximumf %max3A_1485, %mul3A_1537 : vector<16xf32>
        scf.yield %min3A_1502, %min3A_1514, %min3A_1526, %min3A_1538, %max3A_1503, %max3A_1515, %max3A_1527, %max3A_1539, %min3A_1504, %min3A_1516, %min3A_1528, %min3A_1540, %max3A_1505, %max3A_1517, %max3A_1529, %max3A_1541 : vector<16xf32>, vector<16xf32>, vector<16xf32>, vector<16xf32>, vector<16xf32>, vector<16xf32>, vector<16xf32>, vector<16xf32>, vector<16xf32>, vector<16xf32>, vector<16xf32>, vector<16xf32>, vector<16xf32>, vector<16xf32>, vector<16xf32>, vector<16xf32>
      }
      %scan3A_357 = arith.constant 32 : i32
      %mul3A_358 = arith.constant 2 : i32
      %mul3A_359 = arith.muli %mul3A_358, %scan3A_59 : i32
      %add3A_360 = arith.addi %add3A_34, %mul3A_359 : i32
      %get3A_361 = arith.index_cast %add3A_360 : i32 to index
      %get3A_362 = arith.constant 64 : index
      %get3A_363 = tpu.vector_load %arg5[%get3A_361, %get3A_362] {strides = array<i32>} : memref<512x128xf32, #tpu.memory_space<vmem>>, vector<1x16xf32>,
      %get3A_364 = vector.shape_cast %get3A_363 : vector<1x16xf32> to vector<16xf32>
      %mul3A_365 = arith.constant 2 : i32
      %mul3A_366 = arith.muli %mul3A_365, %scan3A_59 : i32
      %swap3A_367 = arith.index_cast %mul3A_366 : i32 to index
      %swap3A_368 = arith.constant 64 : index
      %swap3A_369 = tpu.vector_load %arg7[%swap3A_367, %swap3A_368] {strides = array<i32>} : memref<32x384xf32, #tpu.memory_space<vmem>>, vector<1x16xf32>,
      %swap3A_370 = vector.shape_cast %swap3A_369 : vector<1x16xf32> to vector<16xf32>
      %swap3A_371 = vector.shape_cast %get3A_364 : vector<16xf32> to vector<1x16xf32>
      tpu.vector_store %arg7[%swap3A_367, %swap3A_368], %swap3A_371 {strides = array<i32>} : memref<32x384xf32, #tpu.memory_space<vmem>>, vector<1x16xf32>,
      %mul3A_372 = arith.constant 2 : i32
      %mul3A_373 = arith.muli %mul3A_372, %scan3A_59 : i32
      %add3A_374 = arith.addi %add3A_34, %mul3A_373 : i32
      %add3A_375 = arith.constant 1 : i32
      %add3A_376 = arith.addi %add3A_374, %add3A_375 : i32
      %get3A_377 = arith.index_cast %add3A_376 : i32 to index
      %get3A_378 = arith.constant 64 : index
      %get3A_379 = tpu.vector_load %arg5[%get3A_377, %get3A_378] {strides = array<i32>} : memref<512x128xf32, #tpu.memory_space<vmem>>, vector<1x16xf32>,
      %get3A_380 = vector.shape_cast %get3A_379 : vector<1x16xf32> to vector<16xf32>
      %mul3A_381 = arith.constant 2 : i32
      %mul3A_382 = arith.muli %mul3A_381, %scan3A_59 : i32
      %add3A_383 = arith.constant 1 : i32
      %add3A_384 = arith.addi %mul3A_382, %add3A_383 : i32
      %swap3A_385 = arith.index_cast %add3A_384 : i32 to index
      %swap3A_386 = arith.constant 64 : index
      %swap3A_387 = tpu.vector_load %arg7[%swap3A_385, %swap3A_386] {strides = array<i32>} : memref<32x384xf32, #tpu.memory_space<vmem>>, vector<1x16xf32>,
      %swap3A_388 = vector.shape_cast %swap3A_387 : vector<1x16xf32> to vector<16xf32>
      %swap3A_389 = vector.shape_cast %get3A_380 : vector<16xf32> to vector<1x16xf32>
      tpu.vector_store %arg7[%swap3A_385, %swap3A_386], %swap3A_389 {strides = array<i32>} : memref<32x384xf32, #tpu.memory_space<vmem>>, vector<1x16xf32>,
      %mul3A_390 = arith.constant 2 : i32
      %mul3A_391 = arith.muli %mul3A_390, %scan3A_59 : i32
      %swap3A_392 = arith.index_cast %mul3A_391 : i32 to index
      %swap3A_393 = arith.constant 192 : index
      %swap3A_394 = tpu.vector_load %arg7[%swap3A_392, %swap3A_393] {strides = array<i32>} : memref<32x384xf32, #tpu.memory_space<vmem>>, vector<1x16xf32>,
      %swap3A_395 = vector.shape_cast %swap3A_394 : vector<1x16xf32> to vector<16xf32>
      %swap3A_396 = vector.shape_cast %scan3A_356#0 : vector<16xf32> to vector<1x16xf32>
      tpu.vector_store %arg7[%swap3A_392, %swap3A_393], %swap3A_396 {strides = array<i32>} : memref<32x384xf32, #tpu.memory_space<vmem>>, vector<1x16xf32>,
      %mul3A_397 = arith.constant 2 : i32
      %mul3A_398 = arith.muli %mul3A_397, %scan3A_59 : i32
      %swap3A_399 = arith.index_cast %mul3A_398 : i32 to index
      %swap3A_400 = arith.constant 320 : index
      %swap3A_401 = tpu.vector_load %arg7[%swap3A_399, %swap3A_400] {strides = array<i32>} : memref<32x384xf32, #tpu.memory_space<vmem>>, vector<1x16xf32>,
      %swap3A_402 = vector.shape_cast %swap3A_401 : vector<1x16xf32> to vector<16xf32>
      %swap3A_403 = vector.shape_cast %scan3A_356#4 : vector<16xf32> to vector<1x16xf32>
      tpu.vector_store %arg7[%swap3A_399, %swap3A_400], %swap3A_403 {strides = array<i32>} : memref<32x384xf32, #tpu.memory_space<vmem>>, vector<1x16xf32>,
      %mul3A_404 = arith.constant 2 : i32
      %mul3A_405 = arith.muli %mul3A_404, %scan3A_59 : i32
      %add3A_406 = arith.constant 1 : i32
      %add3A_407 = arith.addi %mul3A_405, %add3A_406 : i32
      %swap3A_408 = arith.index_cast %add3A_407 : i32 to index
      %swap3A_409 = arith.constant 192 : index
      %swap3A_410 = tpu.vector_load %arg7[%swap3A_408, %swap3A_409] {strides = array<i32>} : memref<32x384xf32, #tpu.memory_space<vmem>>, vector<1x16xf32>,
      %swap3A_411 = vector.shape_cast %swap3A_410 : vector<1x16xf32> to vector<16xf32>
      %swap3A_412 = vector.shape_cast %scan3A_356#8 : vector<16xf32> to vector<1x16xf32>
      tpu.vector_store %arg7[%swap3A_408, %swap3A_409], %swap3A_412 {strides = array<i32>} : memref<32x384xf32, #tpu.memory_space<vmem>>, vector<1x16xf32>,
      %mul3A_413 = arith.constant 2 : i32
      %mul3A_414 = arith.muli %mul3A_413, %scan3A_59 : i32
      %add3A_415 = arith.constant 1 : i32
      %add3A_416 = arith.addi %mul3A_414, %add3A_415 : i32
      %swap3A_417 = arith.index_cast %add3A_416 : i32 to index
      %swap3A_418 = arith.constant 320 : index
      %swap3A_419 = tpu.vector_load %arg7[%swap3A_417, %swap3A_418] {strides = array<i32>} : memref<32x384xf32, #tpu.memory_space<vmem>>, vector<1x16xf32>,
      %swap3A_420 = vector.shape_cast %swap3A_419 : vector<1x16xf32> to vector<16xf32>
      %swap3A_421 = vector.shape_cast %scan3A_356#12 : vector<16xf32> to vector<1x16xf32>
      tpu.vector_store %arg7[%swap3A_417, %swap3A_418], %swap3A_421 {strides = array<i32>} : memref<32x384xf32, #tpu.memory_space<vmem>>, vector<1x16xf32>,
      %mul3A_422 = arith.constant 2 : i32
      %mul3A_423 = arith.muli %mul3A_422, %scan3A_59 : i32
      %add3A_424 = arith.addi %add3A_34, %mul3A_423 : i32
      %get3A_425 = arith.index_cast %add3A_424 : i32 to index
      %get3A_426 = arith.constant 80 : index
      %get3A_427 = tpu.vector_load %arg5[%get3A_425, %get3A_426] {strides = array<i32>} : memref<512x128xf32, #tpu.memory_space<vmem>>, vector<1x16xf32>,
      %get3A_428 = vector.shape_cast %get3A_427 : vector<1x16xf32> to vector<16xf32>
      %mul3A_429 = arith.constant 2 : i32
      %mul3A_430 = arith.muli %mul3A_429, %scan3A_59 : i32
      %swap3A_431 = arith.index_cast %mul3A_430 : i32 to index
      %swap3A_432 = arith.constant 80 : index
      %swap3A_433 = tpu.vector_load %arg7[%swap3A_431, %swap3A_432] {strides = array<i32>} : memref<32x384xf32, #tpu.memory_space<vmem>>, vector<1x16xf32>,
      %swap3A_434 = vector.shape_cast %swap3A_433 : vector<1x16xf32> to vector<16xf32>
      %swap3A_435 = vector.shape_cast %get3A_428 : vector<16xf32> to vector<1x16xf32>
      tpu.vector_store %arg7[%swap3A_431, %swap3A_432], %swap3A_435 {strides = array<i32>} : memref<32x384xf32, #tpu.memory_space<vmem>>, vector<1x16xf32>,
      %mul3A_436 = arith.constant 2 : i32
      %mul3A_437 = arith.muli %mul3A_436, %scan3A_59 : i32
      %add3A_438 = arith.addi %add3A_34, %mul3A_437 : i32
      %add3A_439 = arith.constant 1 : i32
      %add3A_440 = arith.addi %add3A_438, %add3A_439 : i32
      %get3A_441 = arith.index_cast %add3A_440 : i32 to index
      %get3A_442 = arith.constant 80 : index
      %get3A_443 = tpu.vector_load %arg5[%get3A_441, %get3A_442] {strides = array<i32>} : memref<512x128xf32, #tpu.memory_space<vmem>>, vector<1x16xf32>,
      %get3A_444 = vector.shape_cast %get3A_443 : vector<1x16xf32> to vector<16xf32>
      %mul3A_445 = arith.constant 2 : i32
      %mul3A_446 = arith.muli %mul3A_445, %scan3A_59 : i32
      %add3A_447 = arith.constant 1 : i32
      %add3A_448 = arith.addi %mul3A_446, %add3A_447 : i32
      %swap3A_449 = arith.index_cast %add3A_448 : i32 to index
      %swap3A_450 = arith.constant 80 : index
      %swap3A_451 = tpu.vector_load %arg7[%swap3A_449, %swap3A_450] {strides = array<i32>} : memref<32x384xf32, #tpu.memory_space<vmem>>, vector<1x16xf32>,
      %swap3A_452 = vector.shape_cast %swap3A_451 : vector<1x16xf32> to vector<16xf32>
      %swap3A_453 = vector.shape_cast %get3A_444 : vector<16xf32> to vector<1x16xf32>
      tpu.vector_store %arg7[%swap3A_449, %swap3A_450], %swap3A_453 {strides = array<i32>} : memref<32x384xf32, #tpu.memory_space<vmem>>, vector<1x16xf32>,
      %mul3A_454 = arith.constant 2 : i32
      %mul3A_455 = arith.muli %mul3A_454, %scan3A_59 : i32
      %swap3A_456 = arith.index_cast %mul3A_455 : i32 to index
      %swap3A_457 = arith.constant 208 : index
      %swap3A_458 = tpu.vector_load %arg7[%swap3A_456, %swap3A_457] {strides = array<i32>} : memref<32x384xf32, #tpu.memory_space<vmem>>, vector<1x16xf32>,
      %swap3A_459 = vector.shape_cast %swap3A_458 : vector<1x16xf32> to vector<16xf32>
      %swap3A_460 = vector.shape_cast %scan3A_356#1 : vector<16xf32> to vector<1x16xf32>
      tpu.vector_store %arg7[%swap3A_456, %swap3A_457], %swap3A_460 {strides = array<i32>} : memref<32x384xf32, #tpu.memory_space<vmem>>, vector<1x16xf32>,
      %mul3A_461 = arith.constant 2 : i32
      %mul3A_462 = arith.muli %mul3A_461, %scan3A_59 : i32
      %swap3A_463 = arith.index_cast %mul3A_462 : i32 to index
      %swap3A_464 = arith.constant 336 : index
      %swap3A_465 = tpu.vector_load %arg7[%swap3A_463, %swap3A_464] {strides = array<i32>} : memref<32x384xf32, #tpu.memory_space<vmem>>, vector<1x16xf32>,
      %swap3A_466 = vector.shape_cast %swap3A_465 : vector<1x16xf32> to vector<16xf32>
      %swap3A_467 = vector.shape_cast %scan3A_356#5 : vector<16xf32> to vector<1x16xf32>
      tpu.vector_store %arg7[%swap3A_463, %swap3A_464], %swap3A_467 {strides = array<i32>} : memref<32x384xf32, #tpu.memory_space<vmem>>, vector<1x16xf32>,
      %mul3A_468 = arith.constant 2 : i32
      %mul3A_469 = arith.muli %mul3A_468, %scan3A_59 : i32
      %add3A_470 = arith.constant 1 : i32
      %add3A_471 = arith.addi %mul3A_469, %add3A_470 : i32
      %swap3A_472 = arith.index_cast %add3A_471 : i32 to index
      %swap3A_473 = arith.constant 208 : index
      %swap3A_474 = tpu.vector_load %arg7[%swap3A_472, %swap3A_473] {strides = array<i32>} : memref<32x384xf32, #tpu.memory_space<vmem>>, vector<1x16xf32>,
      %swap3A_475 = vector.shape_cast %swap3A_474 : vector<1x16xf32> to vector<16xf32>
      %swap3A_476 = vector.shape_cast %scan3A_356#9 : vector<16xf32> to vector<1x16xf32>
      tpu.vector_store %arg7[%swap3A_472, %swap3A_473], %swap3A_476 {strides = array<i32>} : memref<32x384xf32, #tpu.memory_space<vmem>>, vector<1x16xf32>,
      %mul3A_477 = arith.constant 2 : i32
      %mul3A_478 = arith.muli %mul3A_477, %scan3A_59 : i32
      %add3A_479 = arith.constant 1 : i32
      %add3A_480 = arith.addi %mul3A_478, %add3A_479 : i32
      %swap3A_481 = arith.index_cast %add3A_480 : i32 to index
      %swap3A_482 = arith.constant 336 : index
      %swap3A_483 = tpu.vector_load %arg7[%swap3A_481, %swap3A_482] {strides = array<i32>} : memref<32x384xf32, #tpu.memory_space<vmem>>, vector<1x16xf32>,
      %swap3A_484 = vector.shape_cast %swap3A_483 : vector<1x16xf32> to vector<16xf32>
      %swap3A_485 = vector.shape_cast %scan3A_356#13 : vector<16xf32> to vector<1x16xf32>
      tpu.vector_store %arg7[%swap3A_481, %swap3A_482], %swap3A_485 {strides = array<i32>} : memref<32x384xf32, #tpu.memory_space<vmem>>, vector<1x16xf32>,
      %mul3A_486 = arith.constant 2 : i32
      %mul3A_487 = arith.muli %mul3A_486, %scan3A_59 : i32
      %add3A_488 = arith.addi %add3A_34, %mul3A_487 : i32
      %get3A_489 = arith.index_cast %add3A_488 : i32 to index
      %get3A_490 = arith.constant 96 : index
      %get3A_491 = tpu.vector_load %arg5[%get3A_489, %get3A_490] {strides = array<i32>} : memref<512x128xf32, #tpu.memory_space<vmem>>, vector<1x16xf32>,
      %get3A_492 = vector.shape_cast %get3A_491 : vector<1x16xf32> to vector<16xf32>
      %mul3A_493 = arith.constant 2 : i32
      %mul3A_494 = arith.muli %mul3A_493, %scan3A_59 : i32
      %swap3A_495 = arith.index_cast %mul3A_494 : i32 to index
      %swap3A_496 = arith.constant 96 : index
      %swap3A_497 = tpu.vector_load %arg7[%swap3A_495, %swap3A_496] {strides = array<i32>} : memref<32x384xf32, #tpu.memory_space<vmem>>, vector<1x16xf32>,
      %swap3A_498 = vector.shape_cast %swap3A_497 : vector<1x16xf32> to vector<16xf32>
      %swap3A_499 = vector.shape_cast %get3A_492 : vector<16xf32> to vector<1x16xf32>
      tpu.vector_store %arg7[%swap3A_495, %swap3A_496], %swap3A_499 {strides = array<i32>} : memref<32x384xf32, #tpu.memory_space<vmem>>, vector<1x16xf32>,
      %mul3A_500 = arith.constant 2 : i32
      %mul3A_501 = arith.muli %mul3A_500, %scan3A_59 : i32
      %add3A_502 = arith.addi %add3A_34, %mul3A_501 : i32
      %add3A_503 = arith.constant 1 : i32
      %add3A_504 = arith.addi %add3A_502, %add3A_503 : i32
      %get3A_505 = arith.index_cast %add3A_504 : i32 to index
      %get3A_506 = arith.constant 96 : index
      %get3A_507 = tpu.vector_load %arg5[%get3A_505, %get3A_506] {strides = array<i32>} : memref<512x128xf32, #tpu.memory_space<vmem>>, vector<1x16xf32>,
      %get3A_508 = vector.shape_cast %get3A_507 : vector<1x16xf32> to vector<16xf32>
      %mul3A_509 = arith.constant 2 : i32
      %mul3A_510 = arith.muli %mul3A_509, %scan3A_59 : i32
      %add3A_511 = arith.constant 1 : i32
      %add3A_512 = arith.addi %mul3A_510, %add3A_511 : i32
      %swap3A_513 = arith.index_cast %add3A_512 : i32 to index
      %swap3A_514 = arith.constant 96 : index
      %swap3A_515 = tpu.vector_load %arg7[%swap3A_513, %swap3A_514] {strides = array<i32>} : memref<32x384xf32, #tpu.memory_space<vmem>>, vector<1x16xf32>,
      %swap3A_516 = vector.shape_cast %swap3A_515 : vector<1x16xf32> to vector<16xf32>
      %swap3A_517 = vector.shape_cast %get3A_508 : vector<16xf32> to vector<1x16xf32>
      tpu.vector_store %arg7[%swap3A_513, %swap3A_514], %swap3A_517 {strides = array<i32>} : memref<32x384xf32, #tpu.memory_space<vmem>>, vector<1x16xf32>,
      %mul3A_518 = arith.constant 2 : i32
      %mul3A_519 = arith.muli %mul3A_518, %scan3A_59 : i32
      %swap3A_520 = arith.index_cast %mul3A_519 : i32 to index
      %swap3A_521 = arith.constant 224 : index
      %swap3A_522 = tpu.vector_load %arg7[%swap3A_520, %swap3A_521] {strides = array<i32>} : memref<32x384xf32, #tpu.memory_space<vmem>>, vector<1x16xf32>,
      %swap3A_523 = vector.shape_cast %swap3A_522 : vector<1x16xf32> to vector<16xf32>
      %swap3A_524 = vector.shape_cast %scan3A_356#2 : vector<16xf32> to vector<1x16xf32>
      tpu.vector_store %arg7[%swap3A_520, %swap3A_521], %swap3A_524 {strides = array<i32>} : memref<32x384xf32, #tpu.memory_space<vmem>>, vector<1x16xf32>,
      %mul3A_525 = arith.constant 2 : i32
      %mul3A_526 = arith.muli %mul3A_525, %scan3A_59 : i32
      %swap3A_527 = arith.index_cast %mul3A_526 : i32 to index
      %swap3A_528 = arith.constant 352 : index
      %swap3A_529 = tpu.vector_load %arg7[%swap3A_527, %swap3A_528] {strides = array<i32>} : memref<32x384xf32, #tpu.memory_space<vmem>>, vector<1x16xf32>,
      %swap3A_530 = vector.shape_cast %swap3A_529 : vector<1x16xf32> to vector<16xf32>
      %swap3A_531 = vector.shape_cast %scan3A_356#6 : vector<16xf32> to vector<1x16xf32>
      tpu.vector_store %arg7[%swap3A_527, %swap3A_528], %swap3A_531 {strides = array<i32>} : memref<32x384xf32, #tpu.memory_space<vmem>>, vector<1x16xf32>,
      %mul3A_532 = arith.constant 2 : i32
      %mul3A_533 = arith.muli %mul3A_532, %scan3A_59 : i32
      %add3A_534 = arith.constant 1 : i32
      %add3A_535 = arith.addi %mul3A_533, %add3A_534 : i32
      %swap3A_536 = arith.index_cast %add3A_535 : i32 to index
      %swap3A_537 = arith.constant 224 : index
      %swap3A_538 = tpu.vector_load %arg7[%swap3A_536, %swap3A_537] {strides = array<i32>} : memref<32x384xf32, #tpu.memory_space<vmem>>, vector<1x16xf32>,
      %swap3A_539 = vector.shape_cast %swap3A_538 : vector<1x16xf32> to vector<16xf32>
      %swap3A_540 = vector.shape_cast %scan3A_356#10 : vector<16xf32> to vector<1x16xf32>
      tpu.vector_store %arg7[%swap3A_536, %swap3A_537], %swap3A_540 {strides = array<i32>} : memref<32x384xf32, #tpu.memory_space<vmem>>, vector<1x16xf32>,
      %mul3A_541 = arith.constant 2 : i32
      %mul3A_542 = arith.muli %mul3A_541, %scan3A_59 : i32
      %add3A_543 = arith.constant 1 : i32
      %add3A_544 = arith.addi %mul3A_542, %add3A_543 : i32
      %swap3A_545 = arith.index_cast %add3A_544 : i32 to index
      %swap3A_546 = arith.constant 352 : index
      %swap3A_547 = tpu.vector_load %arg7[%swap3A_545, %swap3A_546] {strides = array<i32>} : memref<32x384xf32, #tpu.memory_space<vmem>>, vector<1x16xf32>,
      %swap3A_548 = vector.shape_cast %swap3A_547 : vector<1x16xf32> to vector<16xf32>
      %swap3A_549 = vector.shape_cast %scan3A_356#14 : vector<16xf32> to vector<1x16xf32>
      tpu.vector_store %arg7[%swap3A_545, %swap3A_546], %swap3A_549 {strides = array<i32>} : memref<32x384xf32, #tpu.memory_space<vmem>>, vector<1x16xf32>,
      %mul3A_550 = arith.constant 2 : i32
      %mul3A_551 = arith.muli %mul3A_550, %scan3A_59 : i32
      %add3A_552 = arith.addi %add3A_34, %mul3A_551 : i32
      %get3A_553 = arith.index_cast %add3A_552 : i32 to index
      %get3A_554 = arith.constant 112 : index
      %get3A_555 = tpu.vector_load %arg5[%get3A_553, %get3A_554] {strides = array<i32>} : memref<512x128xf32, #tpu.memory_space<vmem>>, vector<1x16xf32>,
      %get3A_556 = vector.shape_cast %get3A_555 : vector<1x16xf32> to vector<16xf32>
      %mul3A_557 = arith.constant 2 : i32
      %mul3A_558 = arith.muli %mul3A_557, %scan3A_59 : i32
      %swap3A_559 = arith.index_cast %mul3A_558 : i32 to index
      %swap3A_560 = arith.constant 112 : index
      %swap3A_561 = tpu.vector_load %arg7[%swap3A_559, %swap3A_560] {strides = array<i32>} : memref<32x384xf32, #tpu.memory_space<vmem>>, vector<1x16xf32>,
      %swap3A_562 = vector.shape_cast %swap3A_561 : vector<1x16xf32> to vector<16xf32>
      %swap3A_563 = vector.shape_cast %get3A_556 : vector<16xf32> to vector<1x16xf32>
      tpu.vector_store %arg7[%swap3A_559, %swap3A_560], %swap3A_563 {strides = array<i32>} : memref<32x384xf32, #tpu.memory_space<vmem>>, vector<1x16xf32>,
      %mul3A_564 = arith.constant 2 : i32
      %mul3A_565 = arith.muli %mul3A_564, %scan3A_59 : i32
      %add3A_566 = arith.addi %add3A_34, %mul3A_565 : i32
      %add3A_567 = arith.constant 1 : i32
      %add3A_568 = arith.addi %add3A_566, %add3A_567 : i32
      %get3A_569 = arith.index_cast %add3A_568 : i32 to index
      %get3A_570 = arith.constant 112 : index
      %get3A_571 = tpu.vector_load %arg5[%get3A_569, %get3A_570] {strides = array<i32>} : memref<512x128xf32, #tpu.memory_space<vmem>>, vector<1x16xf32>,
      %get3A_572 = vector.shape_cast %get3A_571 : vector<1x16xf32> to vector<16xf32>
      %mul3A_573 = arith.constant 2 : i32
      %mul3A_574 = arith.muli %mul3A_573, %scan3A_59 : i32
      %add3A_575 = arith.constant 1 : i32
      %add3A_576 = arith.addi %mul3A_574, %add3A_575 : i32
      %swap3A_577 = arith.index_cast %add3A_576 : i32 to index
      %swap3A_578 = arith.constant 112 : index
      %swap3A_579 = tpu.vector_load %arg7[%swap3A_577, %swap3A_578] {strides = array<i32>} : memref<32x384xf32, #tpu.memory_space<vmem>>, vector<1x16xf32>,
      %swap3A_580 = vector.shape_cast %swap3A_579 : vector<1x16xf32> to vector<16xf32>
      %swap3A_581 = vector.shape_cast %get3A_572 : vector<16xf32> to vector<1x16xf32>
      tpu.vector_store %arg7[%swap3A_577, %swap3A_578], %swap3A_581 {strides = array<i32>} : memref<32x384xf32, #tpu.memory_space<vmem>>, vector<1x16xf32>,
      %mul3A_582 = arith.constant 2 : i32
      %mul3A_583 = arith.muli %mul3A_582, %scan3A_59 : i32
      %swap3A_584 = arith.index_cast %mul3A_583 : i32 to index
      %swap3A_585 = arith.constant 240 : index
      %swap3A_586 = tpu.vector_load %arg7[%swap3A_584, %swap3A_585] {strides = array<i32>} : memref<32x384xf32, #tpu.memory_space<vmem>>, vector<1x16xf32>,
      %swap3A_587 = vector.shape_cast %swap3A_586 : vector<1x16xf32> to vector<16xf32>
      %swap3A_588 = vector.shape_cast %scan3A_356#3 : vector<16xf32> to vector<1x16xf32>
      tpu.vector_store %arg7[%swap3A_584, %swap3A_585], %swap3A_588 {strides = array<i32>} : memref<32x384xf32, #tpu.memory_space<vmem>>, vector<1x16xf32>,
      %mul3A_589 = arith.constant 2 : i32
      %mul3A_590 = arith.muli %mul3A_589, %scan3A_59 : i32
      %swap3A_591 = arith.index_cast %mul3A_590 : i32 to index
      %swap3A_592 = arith.constant 368 : index
      %swap3A_593 = tpu.vector_load %arg7[%swap3A_591, %swap3A_592] {strides = array<i32>} : memref<32x384xf32, #tpu.memory_space<vmem>>, vector<1x16xf32>,
      %swap3A_594 = vector.shape_cast %swap3A_593 : vector<1x16xf32> to vector<16xf32>
      %swap3A_595 = vector.shape_cast %scan3A_356#7 : vector<16xf32> to vector<1x16xf32>
      tpu.vector_store %arg7[%swap3A_591, %swap3A_592], %swap3A_595 {strides = array<i32>} : memref<32x384xf32, #tpu.memory_space<vmem>>, vector<1x16xf32>,
      %mul3A_596 = arith.constant 2 : i32
      %mul3A_597 = arith.muli %mul3A_596, %scan3A_59 : i32
      %add3A_598 = arith.constant 1 : i32
      %add3A_599 = arith.addi %mul3A_597, %add3A_598 : i32
      %swap3A_600 = arith.index_cast %add3A_599 : i32 to index
      %swap3A_601 = arith.constant 240 : index
      %swap3A_602 = tpu.vector_load %arg7[%swap3A_600, %swap3A_601] {strides = array<i32>} : memref<32x384xf32, #tpu.memory_space<vmem>>, vector<1x16xf32>,
      %swap3A_603 = vector.shape_cast %swap3A_602 : vector<1x16xf32> to vector<16xf32>
      %swap3A_604 = vector.shape_cast %scan3A_356#11 : vector<16xf32> to vector<1x16xf32>
      tpu.vector_store %arg7[%swap3A_600, %swap3A_601], %swap3A_604 {strides = array<i32>} : memref<32x384xf32, #tpu.memory_space<vmem>>, vector<1x16xf32>,
      %mul3A_605 = arith.constant 2 : i32
      %mul3A_606 = arith.muli %mul3A_605, %scan3A_59 : i32
      %add3A_607 = arith.constant 1 : i32
      %add3A_608 = arith.addi %mul3A_606, %add3A_607 : i32
      %swap3A_609 = arith.index_cast %add3A_608 : i32 to index
      %swap3A_610 = arith.constant 368 : index
      %swap3A_611 = tpu.vector_load %arg7[%swap3A_609, %swap3A_610] {strides = array<i32>} : memref<32x384xf32, #tpu.memory_space<vmem>>, vector<1x16xf32>,
      %swap3A_612 = vector.shape_cast %swap3A_611 : vector<1x16xf32> to vector<16xf32>
      %swap3A_613 = vector.shape_cast %scan3A_356#15 : vector<16xf32> to vector<1x16xf32>
      tpu.vector_store %arg7[%swap3A_609, %swap3A_610], %swap3A_613 {strides = array<i32>} : memref<32x384xf32, #tpu.memory_space<vmem>>, vector<1x16xf32>,
      %scan3A_614 = arith.constant 0 : i32
      scf.yield %scan3A_614 : i32
    }
    %scan3A_58 = arith.constant 16 : i32
    "tpu.region"() ({
      %run_scoped3A = tpu.sem_alloc : memref<!tpu.dma_semaphore, #tpu.memory_space<semaphore_mem>>
      %dma_start3A = arith.constant 0 : i32
      %dma_start3A_59 = tpu.memref_slice %arg4[%select_n3A, %mul3A_52, %dma_start3A] : memref<2x512x384xf32, #tpu.memory_space<hbm>> -> memref<1x32x384xf32, #tpu.memory_space<hbm>>
      %dma_start3A_60 = tpu.memref_squeeze %dma_start3A_59 : memref<1x32x384xf32, #tpu.memory_space<hbm>> -> memref<32x384xf32, #tpu.memory_space<hbm>>
      %dma_start3A_61 = arith.constant 0 : i32
      %dma_start3A_62 = tpu.memref_slice %arg4[%select_n3A, %mul3A_52, %dma_start3A_61] : memref<2x512x384xf32, #tpu.memory_space<hbm>> -> memref<1x32x384xf32, #tpu.memory_space<hbm>>
      %dma_start3A_63 = tpu.memref_squeeze %dma_start3A_62 : memref<1x32x384xf32, #tpu.memory_space<hbm>> -> memref<32x384xf32, #tpu.memory_space<hbm>>
      tpu.enqueue_dma source(%arg7 : memref<32x384xf32, #tpu.memory_space<vmem>>) target(%dma_start3A_63 : memref<32x384xf32, #tpu.memory_space<hbm>>) target_semaphore(%run_scoped3A : memref<!tpu.dma_semaphore, #tpu.memory_space<semaphore_mem>>)
      %dma_wait3A = arith.constant 0 : i32
      %dma_wait3A_64 = tpu.memref_slice %arg4[%select_n3A, %mul3A_52, %dma_wait3A] : memref<2x512x384xf32, #tpu.memory_space<hbm>> -> memref<1x32x384xf32, #tpu.memory_space<hbm>>
      %dma_wait3A_65 = tpu.memref_squeeze %dma_wait3A_64 : memref<1x32x384xf32, #tpu.memory_space<hbm>> -> memref<32x384xf32, #tpu.memory_space<hbm>>
      %dma_wait3A_66 = arith.constant 0 : i32
      %dma_wait3A_67 = tpu.memref_slice %arg4[%select_n3A, %mul3A_52, %dma_wait3A_66] : memref<2x512x384xf32, #tpu.memory_space<hbm>> -> memref<1x32x384xf32, #tpu.memory_space<hbm>>
      %dma_wait3A_68 = tpu.memref_squeeze %dma_wait3A_67 : memref<1x32x384xf32, #tpu.memory_space<hbm>> -> memref<32x384xf32, #tpu.memory_space<hbm>>
      tpu.wait_dma2 semaphore(%run_scoped3A : memref<!tpu.dma_semaphore, #tpu.memory_space<semaphore_mem>>) src(%arg7 : memref<32x384xf32, #tpu.memory_space<vmem>>) dst(%dma_wait3A_68 : memref<32x384xf32, #tpu.memory_space<hbm>>)
      tpu.yield
    }) : () -> ()
    return
  }
}

</mosaic_0001>

<sc_bundles>
// kernel: kernel.3.cloned.1.call-start
scs
__scs_entry_jumppad:
0x0: {  	(pc) =	sbr.rel $0x88, $3  }
0x1: {  	(tag) =	ssettag $0x0;
	lr =	simm.s32 $0x1  }
0x2: {  	[smem:$0x3F9F] =	sst lr;
	_ =	strace $0xD0000000  }
0x3: {  	_ = 	snop  }
0x4: {  	_ = 	snop  }
0x5: {  	_ = 	snop  }
0x6: {  	_ = 	snop  }
0x7: {  	_ = 	snop  }
__scs_overlays_trampoline_lowered:
0x8: {  	[smem:$0x3FAE] =	sst s0  }
0x9: {  	[smem:$0x3FAF] =	sst s1  }
0xa: {  	[smem:$0x3FB0] =	sst s2  }
0xb: {  	[smem:$0x3FB1] =	sst s3  }
0xc: {  	[smem:$0x3FB2] =	sst s4  }
0xd: {  	[smem:$0x3FB3] =	sst s5  }
0xe: {  	[smem:$0x3FB4] =	sst s6  }
0xf: {  	[smem:$0x3FB5] =	sst s7  }
0x10: {  	[smem:$0x3FB6] =	sst s8  }
0x11: {  	[smem:$0x3FB7] =	sst s9;
	s0 =	simm.s32 @!p0 $0x0  }
0x12: {  	s1 =	sld [smem:$0x3F9D];
	s0 =	simm.s32 @p0 $0x1  }
0x13: {  	[smem:$0x3FB8] =	sst s0;
	s0 =	simm.s32 @!p1 $0x0  }
0x14: {  	s2 =	sld [smem:$0x3F9C];
	s0 =	simm.s32 @p1 $0x1  }
0x15: {  	[smem:$0x3FB9] =	sst s0;
	s0 =	simm.s32 @!p2 $0x0  }
0x16: {  	s3 =	sld [smem:$0x3FDB];
	s0 =	simm.s32 @p2 $0x1  }
0x17: {  	s4 =	simm.s32 $0x1BF5;
	[smem:$0x3FBB] =	sst s0  }
0x18: {  	s0 =	sld [smem:$0x3F9E];
	_ =	swait.ge [sflag:s4], $0x0  }
0x19: {  	s7 =	sld [smem:$0x3F9F]  }
0x1a: {  	s8 =	sadd.s32 $0xFFFFE003, lr  }
0x1b: {  	s9 =	sadd.s32 $0xFFFFFEF7, lr;
	s5 =	simm.s32 $0xFFFFFFFF;
	p2 =	slt.u32 s8, $0xFFFFF086  }
0x1c: {  	p1 =	slt.u32 s9, $0xF7A;
	s5 =	simm.s32 @!p2 $0x0  }
0x1d: {  	s5 =	simm.s32 @p1 $0x1;
	p0 =	seq.s32 s7, s2  }
0x1e: {  	s7 =	smul.u32 @!p0 $0xF7A, s2;
	p2 =	seq.s32 @!p0 s5, $0x0  }
0x1f: {  	s9 =	smul.u32 $0xF7A, s1;
	s8 =	simm.s32 @!p0 $0x1BF5;
	p2 =	por !p2, p0  }
0x20: {  	[sflag:s8] =	ssyncset.s32 @!p0 $0xFFFFF086;
	s6 =	sadd.s32 @!p0 s3, s7;
	s7 =	simm.s32 @!p0 $0x108  }
0x21: {  	s3 =	sadd.s32 s3, s9;
	s6 =	sadd.s32 @!p0 $0x88, s6;
	s7 =	simm.s32 @p2 $0x1082  }
0x22: {  	[simem:s7], [sflag:s8] =	dma.local @!p0 [hbm:s6], $0xF7A  }
0x23: {  	s9 =	sor.u32 $0xD0000000, s2;
	s6 =	simm.s32 $0x108;
	_ =	swait.ge @!p0 [sflag:s8], $0x0  }
0x24: {  	s3 =	sadd.s32 $0x88, s3;
	s6 =	simm.s32 @!p1 $0x1082;
	[sflag:s4] =	ssyncset.s32 $0xFFFFF086  }
0x25: {  	[simem:s6], [sflag:s4] =	dma.local [hbm:s3], $0xF7A  }
0x26: {  	[smem:$0x3F9F] =	sst s1;
	(tag) =	ssettag s2;
	_ =	strace s9  }
0x27: {  	s1 =	sld [smem:$0x3FAF]  }
0x28: {  	s2 =	sld [smem:$0x3FB0]  }
0x29: {  	s4 =	sld [smem:$0x3FB2]  }
0x2a: {  	p0 =	seq.s32 s5, $0x0;
	s5 =	sld [smem:$0x3FB3]  }
0x2b: {  	s6 =	sld [smem:$0x3FB4]  }
0x2c: {  	s7 =	sld [smem:$0x3FB5]  }
0x2d: {  	s3 =	simm.s32 $0x108;
	s8 =	sld [smem:$0x3FB6]  }
0x2e: {  	s3 =	simm.s32 @!p0 $0x1082;
	s9 =	sld [smem:$0x3FB7]  }
0x2f: {  	lr =	sadd.s32 s0, s3;
	s0 =	sld [smem:$0x3FAE]  }
0x30: {  	s3 =	sld [smem:$0x3FB1]  }
0x31: {  	[smem:$0x3FBA] =	sst s10  }
0x32: {  	s10 =	sld [smem:$0x3FB8];
	_ =	sdelay $0x3  }
0x33: {  	p0 =	seq.s32 s10, $0x1;
	s10 =	sld [smem:$0x3FBA];
	_ =	sdelay $0x3  }
0x34: {  	[smem:$0x3FBA] =	sst s10  }
0x35: {  	s10 =	sld [smem:$0x3FB9];
	_ =	sdelay $0x3  }
0x36: {  	p1 =	seq.s32 s10, $0x1;
	s10 =	sld [smem:$0x3FBA];
	_ =	sdelay $0x3  }
0x37: {  	[smem:$0x3FBA] =	sst s10  }
0x38: {  	s10 =	sld [smem:$0x3FBB]  }
0x39: {  	_ = 	snop;
	(pc) =	sbr.ind lr, $3  }
0x3a: {  	_ = 	snop  }
0x3b: {  	_ = 	snop  }
0x3c: {  	p2 =	seq.s32 s10, $0x1;
	s10 =	sld [smem:$0x3FBA]  }
0x3d: {  	_ =	shalt  }
0x3e: {  	_ =	shalt  }
0x3f: {  	_ =	shalt  }
0x40: {  	_ =	shalt  }
0x41: {  	_ =	shalt  }
0x42: {  	_ =	shalt  }
0x43: {  	_ =	shalt  }
0x44: {  	_ =	shalt  }
0x45: {  	_ =	shalt  }
0x46: {  	_ =	shalt  }
0x47: {  	_ =	shalt  }
0x48: {  	_ =	shalt  }
0x49: {  	_ =	shalt  }
0x4a: {  	_ =	shalt  }
0x4b: {  	_ =	shalt  }
0x4c: {  	_ =	shalt  }
0x4d: {  	_ =	shalt  }
0x4e: {  	_ =	shalt  }
0x4f: {  	_ =	shalt  }
0x50: {  	_ =	shalt  }
0x51: {  	_ =	shalt  }
0x52: {  	_ =	shalt  }
0x53: {  	_ =	shalt  }
0x54: {  	_ =	shalt  }
0x55: {  	_ =	shalt  }
0x56: {  	_ =	shalt  }
0x57: {  	_ =	shalt  }
0x58: {  	_ =	shalt  }
0x59: {  	_ =	shalt  }
0x5a: {  	_ =	shalt  }
0x5b: {  	_ =	shalt  }
0x5c: {  	_ =	shalt  }
0x5d: {  	_ =	shalt  }
0x5e: {  	_ =	shalt  }
0x5f: {  	_ =	shalt  }
0x60: {  	_ =	shalt  }
0x61: {  	_ =	shalt  }
0x62: {  	_ =	shalt  }
0x63: {  	_ =	shalt  }
0x64: {  	_ =	shalt  }
0x65: {  	_ =	shalt  }
0x66: {  	_ =	shalt  }
0x67: {  	_ =	shalt  }
0x68: {  	_ =	shalt  }
0x69: {  	_ =	shalt  }
0x6a: {  	_ =	shalt  }
0x6b: {  	_ =	shalt  }
0x6c: {  	_ =	shalt  }
0x6d: {  	_ =	shalt  }
0x6e: {  	_ =	shalt  }
0x6f: {  	_ =	shalt  }
0x70: {  	_ =	shalt  }
0x71: {  	_ =	shalt  }
0x72: {  	_ =	shalt  }
0x73: {  	_ =	shalt  }
0x74: {  	_ =	shalt  }
0x75: {  	_ =	shalt  }
0x76: {  	_ =	shalt  }
0x77: {  	_ =	shalt  }
0x78: {  	_ =	shalt  }
0x79: {  	_ =	shalt  }
0x7a: {  	_ =	shalt  }
0x7b: {  	_ =	shalt  }
0x7c: {  	_ =	shalt  }
0x7d: {  	_ =	shalt  }
0x7e: {  	_ =	shalt  }
0x7f: {  	_ =	shalt  }
0x80: {  	_ =	shalt  }
0x81: {  	_ =	shalt  }
0x82: {  	_ =	shalt  }
0x83: {  	_ =	shalt  }
0x84: {  	_ =	shalt  }
0x85: {  	_ =	shalt  }
0x86: {  	_ =	shalt  }
0x87: {  	_ =	shalt  }
.Lfunc_end0:
.L_simem_size_0:
called_computation_lowered:
.L_overlay_start_0:
0x88: {  	s2 =	sld [smem:$0x3FD9]  }
0x89: {  	s3 =	sld [smem:$0x3FFE];
	_ =	sdelay $0x1  }
0x8a: {  	s1 =	srdreg.scid  }
0x8b: {  	s0 =	sand.u32 $0x1, s1  }
0x8c: {  	s15 =	sshll.u32 s0, $0xA;
	s2 =	sadd.s32 s3, s2  }
0x8d: {  	s2 =	sadd.s32 s2, s15  }
0x8e: {  	[smem:$0x3FC6] =	sst s2  }
0x8f: {  	_ = 	snop  }
0x90: {  	s2 =	sld [smem:$0x3FD0];
	_ =	sdelay $0x1  }
0x91: {  	s16 =	sld [smem:$0x3FC9]  }
0x92: {  	s5 =	simm.s32 $0xA;
	s6 =	simm.s32 $0x10;
	s4 =	sld [smem:$0x3FC8]  }
0x93: {  	[smem:s6], [sflag:s5] =	dma.local [hbm:s2], $0x1  }
0x94: {  	_ =	swait.eq [sflag:s5], $0x1  }
0x95: {  	[sflag:s5] =	ssyncset.done $0x0  }
0x96: {  	[sflag:s5] =	ssyncadd.s32 $0xFFFFFFFF  }
0x97: {  	s17 =	sld [smem:$0x11];
	(tm) =	ssettm $0x1  }
0x98: {  	s18 =	sld [smem:$0x3FFB];
	_ =	sdelay $0x3  }
0x99: {  	_ =	strace s18  }
0x9a: {  	s5 =	sld [smem:$0x3FFC];
	_ =	sdelay $0x3  }
0x9b: {  	_ =	strace s5  }
0x9c: {  	s5 =	sld [smem:$0x3FFD];
	_ =	sdelay $0x3  }
0x9d: {  	_ =	strace s5  }
0x9e: {  	_ =	strace $0x8FFFFFFF  }
0x9f: {  	s19 =	sld [smem:$0x3FDB];
	_ =	sdelay $0x1  }
0xa0: {  	s20 =	simm.s32 $_scs_section_size  }
0xa1: {  	s7 =	simm.s32 $_size__tile_overlayer_lowered;
	s8 =	simm.s32 $_tile_overlayer_lowered  }
0xa2: {  	s23 =	simm.s32 $0x1BFF;
	s22 =	sshll.u32 s8, $0x1;
	s5 =	sadd.s32 s20, s19  }
0xa3: {  	s9 =	simm.s32 $0x0;
	s21 =	sshll.u32 s7, $0x1;
	s7 =	sadd.s32 s22, s5  }
0xa4: {  	[timem:s9], [sflag:s23] =	dma.local [hbm:s7], s21  }
0xa5: {  	_ =	swait.ge [sflag:s23], s21  }
0xa6: {  	s6 =	ssub.s32 $0x0, s21;
	[sflag:s23] =	ssyncset.done $0x0  }
0xa7: {  	[sflag:s23] =	ssyncadd.s32 s6;
	_ =	sdelay $0x1  }
0xa8: {  	s24 =	simm.s32 $0x1B8B  }
0xa9: {  	_ =	swait.ge [sflag:s24], $0x1  }
0xaa: {  	[sflag:s24] =	ssyncset.done $0x0  }
0xab: {  	s25 =	simm.s32 $0x1B8E;
	[sflag:s24] =	ssyncadd.s32 $0xFFFFFFFF  }
0xac: {  	s26 =	simm.s32 $execute0_lowered;
	[smem:$0x3FD2] =	sst s25  }
0xad: {  	s6 =	sshll.u32 s26, $0x1;
	_ =	strace $0x80000046;
	[dreg:$0x1] =	wrdreg $0xFFFFFFFF  }
0xae: {  	s28 =	simm.s32 $_size_execute0_lowered;
	s5 =	sadd.s32 s5, s6;
	[dreg:$0x0] =	wrdreg $0x0  }
0xaf: {  	s6 =	sshll.u32 s28, $0x1;
	[dreg:$0x2] =	wrdreg s5  }
0xb0: {  	[dreg:$0x3] =	wrdreg s6  }
0xb1: {  	[dreg:$0x4] =	wrdreg $0xC0  }
0xb2: {  	_ =	task [dreg:s9], $0x5FFFF  }
0xb3: {  	[dreg:$0x1] =	wrdreg $0xFFFFFFFF  }
0xb4: {  	[dreg:$0x0] =	wrdreg $0x60  }
0xb5: {  	[dreg:$0x2] =	wrdreg s16  }
0xb6: {  	[dreg:$0x3] =	wrdreg s4  }
0xb7: {  	[dreg:$0x4] =	wrdreg s17  }
0xb8: {  	[dreg:$0x5] =	wrdreg $0x9  }
0xb9: {  	_ =	task.clear_ibuf [dreg:s9], $0x6FFFF;
	_ =	strace $0x90000046  }
0xba: {  	s29 =	simm.s32 $0x9;
	_ =	strace $0x80000048  }
0xbb: {  	_ =	swait.ge [sflag:s29], $0x1  }
0xbc: {  	[sflag:s29] =	ssyncadd.s32 $0xFFFFFFFF  }
0xbd: {  	_ =	strace $0x90000048  }
0xbe: {  	_ =	sfence  }
0xbf: {  	s30 =	sld [smem:$0x0];
	_ =	sdelay $0x2  }
0xc0: {  	s31 =	sshll.u32 s1, $0xD;
	s1 =	sshrl.u32 s1, $0x2  }
0xc1: {  	s3 =	sand.u32 $0x4000, s31;
	s1 =	sadd.s32 s1, s30  }
0xc2: {  	s0 =	sor.u32 s3, s0;
	s1 =	sshll.u32 s1, $0x11  }
0xc3: {  	s0 =	sor.u32 s1, s0  }
0xc4: {  	s0 =	sadd.s32 $0x8F2B, s0  }
0xc5: {  	[sflag:s0] =	ssyncadd.remote.s32 $0x1  }
0xc6: {  	_ =	sfence.sel $0xFFFF  }
0xc7: {  	[dreg:$0x0] =	wrdreg $0xFFFFFFFF;
	(pc) =	sbr.abs _section_cstart, $3  }
0xc8: {  	[dreg:$0x1] =	wrdreg $0xFFFFFFFF  }
0xc9: {  	_ =	task.clear_ibuf [dreg:s9], $0x2FFFF;
	_ =	strace $0x9FFFFFFF  }
0xca: {  	(tm) =	ssettm $0x7FFFFFFF  }
0xcb: {  	_ =	shalt  }
tec
execute0_lowered:
.L_overlay_start_1:
0x0: {  	(tag) =	ssettag $0x1  }
0x1: {  	s4 =	rddreg [dreg:$0x0]  }
0x2: {  	s3 =	rddreg [dreg:$0x1]  }
0x3: {  	s6 =	rddreg [dreg:$0x2]  }
0x4: {  	s0 =	rddreg [dreg:$0x3]  }
0x5: {  	s2 =	simm.s32 $0x0;
	s5 =	srdreg.scid;
	s1 =	stileid.u32  }
0x6: {  	[smem:$0x7FF] =	sst s2;
	s5 =	sand.u32 $0x1, s5;
	s7 =	sshll.u32 s1, $0x1  }
0x7: {  	s9 =	sshrl.u32 s1, $0x3;
	s8 =	ssub.s32 $0x2, s5;
	s7 =	sand.u32 $0xE, s7  }
0x8: {  	s29 =	smul.u32 $0x30000, s9;
	s30 =	sshll.u32 s9, $0xD;
	_ =	strace $0x80000047  }
0x9: {  	s9 =	sshll.u32 s9, $0xF;
	s10 =	sshrl.u32 s8, $0x1;
	s5 =	sor.u32 s5, s7  }
0xa: {  	s3 =	sadd.s32 s3, s30;
	s4 =	sadd.s32 s4, s9;
	s11 =	smul.u32 $0x3000, s5  }
0xb: {  	s9 =	simm.s32 $0x10000;
	s8 =	ssub.s32 s8, s10;
	s31 =	sshll.u32 s5, $0xB  }
0xc: {  	s5 =	sshll.u32 s5, $0xC;
	s10 =	simm.s32 $0x14000;
	s7 =	sadd.s32 s29, s11  }
0xd: {  	s4 =	sadd.s32 s31, s4;
	v0 =	vmov s5;
	s11 =	simm.s32 $0x0;
	s7 =	sshrl.u32 s7, $0x3  }
0xe: {  	[tilespmem:$0x1FFF0] =	vst v0;
	s6 =	sadd.s32 s6, s7;
	s7 =	smax.u32 s8, $0x1;
	s8 =	simm.s32 $0x1  }
.LBB2_1:
0xf: {  	[tilespmem:s2], [sflag:$0x1] =	stream.linear.gather [hbm4b:s3+s2], $0x10000, $0x38;
	[tilespmem:$0x17000] =	vst v63  }
0x10: {  	_ =	swait.ge [sflag:s8], $0x10000  }
0x11: {  	[sflag:s8] =	ssyncset.done $0x0  }
0x12: {  	[sflag:s8] =	ssyncadd.s32 $0xFFFF0000  }
0x13: {  	[tilespmem:s9], [sflag:$0x1] =	stream.linear.gather [hbm4b:s4+s2], $0x4000, $0x38;
	[tilespmem:$0x17000] =	vst v63  }
0x14: {  	_ =	swait.ge [sflag:s8], $0x4000  }
0x15: {  	[sflag:s8] =	ssyncset.done $0x0  }
0x16: {  	s12 =	simm.s32 $0x0;
	[sflag:s8] =	ssyncadd.s32 $0xFFFFC000  }
.LBB2_2:
0x17: {  	s13 =	sshll.u32 s12, $0x8;
	s21 =	sshll.u32 s12, $0xA  }
0x18: {  	s14 =	sand.u32 $0x3000, s21;
	s13 =	sand.u32 $0x300, s13  }
0x19: {  	s15 =	sor.u32 s13, s14;
	s14 =	simm.s32 $0x0  }
0x1a: {  	s15 =	sor.u32 $0x10000, s15;
	s16 =	sand.u32 $0xC00, s14  }
0x1b: {  	s17 =	sand.u32 $0x70, s14;
	s16 =	sadd.s32 s16, s15  }
0x1c: {  	s16 =	sadd.s32 s17, s16  }
0x1d: {  	v30 =	vld [tilespmem:s16+$0x0]  }
0x1e: {  	v40 =	vld [tilespmem:s16+$0x80]  }
0x1f: {  	s16 =	simm.s32 $0x400  }
0x20: {  	v5 =	vld [tilespmem:s16+$0x380];
	_ =	sdelay $0x1  }
0x21: {  	v7 =	vld [tilespmem:s16+$0x390]  }
0x22: {  	v0 =	vbroadcast v30, $0xF;
	v1 =	vbroadcast v40, $0xF  }
0x23: {  	v13 =	vld [tilespmem:s16+$0x3A0]  }
0x24: {  	v16 =	vld [tilespmem:s16+$0x3B0];
	v8 =	vmul.f32 v5, v0;
	v5 =	vmul.f32 v5, v1  }
0x25: {  	v19 =	vld [tilespmem:s16+$0x300]  }
0x26: {  	[tilespmem:$0x1FE70] =	vst v5;
	v5 =	vmul.f32 v7, v0  }
0x27: {  	v21 =	vld [tilespmem:s16+$0x310];
	[tilespmem:$0x1FE30] =	vst v8;
	v7 =	vmul.f32 v7, v1  }
0x28: {  	v3 =	vbroadcast v40, $0xE;
	v8 =	vmul.f32 v13, v1;
	[tilespmem:$0x1FEA0] =	vst v5  }
0x29: {  	v1 =	vmul.f32 v16, v1;
	[tilespmem:$0x1FFC0] =	vst v7  }
0x2a: {  	v2 =	vbroadcast v30, $0xE;
	[tilespmem:$0x1FB90] =	vst v8;
	v8 =	vmul.f32 v19, v3  }
0x2b: {  	v24 =	vld [tilespmem:s16+$0x320];
	v7 =	vmul.f32 v13, v0;
	[tilespmem:$0x1FBB0] =	vst v1  }
0x2c: {  	v5 =	vld [tilespmem:s16+$0x330];
	[tilespmem:$0x1FE10] =	vst v8;
	v8 =	vmul.f32 v21, v2  }
0x2d: {  	v0 =	vmul.f32 v16, v0;
	[tilespmem:$0x1FFD0] =	vst v7  }
0x2e: {  	v7 =	vld [tilespmem:s16+$0x280];
	[tilespmem:$0x1FE90] =	vst v8;
	v8 =	vmul.f32 v21, v3  }
0x2f: {  	v1 =	vmul.f32 v19, v2;
	[tilespmem:$0x1FBA0] =	vst v0  }
0x30: {  	v4 =	vbroadcast v30, $0xD;
	v0 =	vld [tilespmem:s16+$0x290];
	[tilespmem:$0x1FFA0] =	vst v8;
	v8 =	vmul.f32 v24, v2  }
0x31: {  	v6 =	vbroadcast v40, $0xD;
	[tilespmem:$0x1FE00] =	vst v1;
	v2 =	vmul.f32 v5, v2  }
0x32: {  	v1 =	vld [tilespmem:s16+$0x2A0];
	[tilespmem:$0x1FFB0] =	vst v8;
	v8 =	vmul.f32 v24, v3;
	v3 =	vmul.f32 v5, v3  }
0x33: {  	[tilespmem:$0x1FBD0] =	vst v2;
	v5 =	vmul.f32 v7, v6  }
0x34: {  	v21 =	vld [tilespmem:s16+$0x200];
	[tilespmem:$0x1FBE0] =	vst v3;
	v3 =	vmul.f32 v7, v4  }
0x35: {  	v26 =	vld [tilespmem:s16+$0x2B0];
	[tilespmem:$0x1FDF0] =	vst v5;
	v5 =	vmul.f32 v0, v4;
	v0 =	vmul.f32 v0, v6  }
0x36: {  	[tilespmem:$0x1FDE0] =	vst v3  }
0x37: {  	v10 =	vbroadcast v40, $0xC;
	v2 =	vld [tilespmem:s16+$0x210];
	[tilespmem:$0x1FF80] =	vst v0;
	v0 =	vmul.f32 v1, v4  }
0x38: {  	[tilespmem:$0x1FE80] =	vst v5;
	v1 =	vmul.f32 v1, v6  }
0x39: {  	v32 =	vld [tilespmem:s16+$0x230];
	v5 =	vmul.f32 v21, v10;
	[tilespmem:$0x1FF90] =	vst v0  }
0x3a: {  	v9 =	vbroadcast v30, $0xC;
	v3 =	vld [tilespmem:s16+$0x220];
	[tilespmem:$0x1FBF0] =	vst v1;
	v1 =	vmul.f32 v26, v4  }
0x3b: {  	v0 =	vld [tilespmem:s16+$0x180];
	v4 =	vmul.f32 v26, v6;
	[tilespmem:$0x1FDD0] =	vst v5  }
0x3c: {  	v5 =	vmul.f32 v2, v9;
	[tilespmem:$0x1FC00] =	vst v1;
	v1 =	vld [tilespmem:s16+$0x190]  }
0x3d: {  	v14 =	vbroadcast v30, $0xB;
	v2 =	vmul.f32 v2, v10;
	[tilespmem:$0x1FC10] =	vst v4  }
0x3e: {  	v15 =	vbroadcast v40, $0xB;
	v4 =	vld [tilespmem:s16+$0x1A0];
	[tilespmem:$0x1FE60] =	vst v5;
	v5 =	vmul.f32 v32, v10  }
0x3f: {  	[tilespmem:$0x1FF60] =	vst v2;
	v2 =	vmul.f32 v3, v9;
	v3 =	vmul.f32 v3, v10  }
0x40: {  	v26 =	vld [tilespmem:s16+$0x1B0];
	[tilespmem:$0x1FC40] =	vst v5;
	v44 =	vmul.f32 v0, v14;
	v45 =	vmul.f32 v0, v15  }
0x41: {  	[tilespmem:$0x1FF70] =	vst v2;
	v0 =	vmul.f32 v1, v14;
	v1 =	vmul.f32 v1, v15  }
0x42: {  	[tilespmem:$0x1FC20] =	vst v3;
	v3 =	vmul.f32 v32, v9  }
0x43: {  	v49 =	vld [tilespmem:s16+$0x120];
	[tilespmem:$0x1FF40] =	vst v1;
	v1 =	vmul.f32 v4, v14;
	v4 =	vmul.f32 v4, v15  }
0x44: {  	v2 =	vld [tilespmem:s16+$0x100];
	[tilespmem:$0x1FC30] =	vst v3  }
0x45: {  	v3 =	vld [tilespmem:s16+$0x110];
	[tilespmem:$0x1FC50] =	vst v4;
	v4 =	vmul.f32 v26, v14  }
0x46: {  	[tilespmem:$0x1FF50] =	vst v1;
	v1 =	vld [tilespmem:s16+$0x80]  }
0x47: {  	v20 =	vbroadcast v40, $0xA;
	v5 =	vmul.f32 v26, v15;
	[tilespmem:$0x1FC60] =	vst v4;
	v4 =	vld [tilespmem:s16+$0x90]  }
0x48: {  	v18 =	vbroadcast v30, $0xA;
	v22 =	vbroadcast v30, $0x9  }
0x49: {  	v34 =	vld [tilespmem:s16+$0xA0];
	v23 =	vbroadcast v40, $0x9;
	[tilespmem:$0x1FC70] =	vst v5;
	v5 =	vmul.f32 v49, v20  }
0x4a: {  	[tilespmem:$0x1FE50] =	vst v0;
	v0 =	vld [tilespmem:s16+$0x130];
	v41 =	vmul.f32 v2, v18;
	v52 =	vmul.f32 v2, v20  }
0x4b: {  	v2 =	vmul.f32 v3, v18;
	v60 =	vmul.f32 v1, v22  }
0x4c: {  	[tilespmem:$0x1FC80] =	vst v5;
	v61 =	vmul.f32 v1, v23;
	v1 =	vmul.f32 v4, v23  }
0x4d: {  	v3 =	vmul.f32 v3, v20;
	[tilespmem:$0x1FE20] =	vst v2;
	v2 =	vld [tilespmem:s16+$0xB0]  }
0x4e: {  	[tilespmem:$0x1FF00] =	vst v1;
	v1 =	vmul.f32 v34, v22  }
0x4f: {  	[tilespmem:$0x1FF20] =	vst v3;
	v5 =	vmul.f32 v0, v18;
	v0 =	vmul.f32 v0, v20  }
0x50: {  	v35 =	vld [tilespmem:s16+$0x10];
	[tilespmem:$0x1FF10] =	vst v1;
	v1 =	vmul.f32 v34, v23  }
0x51: {  	v3 =	vmul.f32 v49, v18;
	[tilespmem:$0x1FCA0] =	vst v0  }
0x52: {  	v0 =	vld [tilespmem:s16+$0x20];
	[tilespmem:$0x1FCB0] =	vst v1;
	v1 =	vmul.f32 v2, v22  }
0x53: {  	v31 =	vbroadcast v40, $0x8;
	[tilespmem:$0x1FF30] =	vst v3;
	v3 =	vld [tilespmem:s16+$0x0];
	v2 =	vmul.f32 v2, v23  }
0x54: {  	[tilespmem:$0x1FCC0] =	vst v1;
	v1 =	vld [tilespmem:s16+$0x30]  }
0x55: {  	v29 =	vbroadcast v30, $0x8;
	[tilespmem:$0x1FCD0] =	vst v2;
	v2 =	vmul.f32 v35, v31;
	_ =	sdelay $0x1  }
0x56: {  	[tilespmem:$0x1FEE0] =	vst v2;
	v2 =	vmul.f32 v0, v29;
	v0 =	vmul.f32 v0, v31  }
0x57: {  	v32 =	vmul.f32 v3, v29;
	v33 =	vmul.f32 v3, v31;
	v3 =	vld [tilespmem:s16+$0xFFFFFF90]  }
0x58: {  	[tilespmem:$0x1FCE0] =	vst v0;
	v0 =	vmul.f32 v1, v29  }
0x59: {  	v55 =	vld [tilespmem:s16+$0xFFFFFFA0]  }
0x5a: {  	v56 =	vbroadcast v40, $0x7;
	[tilespmem:$0x1FCF0] =	vst v0;
	v0 =	vmul.f32 v1, v31;
	_ =	sdelay $0x1  }
0x5b: {  	v38 =	vld [tilespmem:s16+$0xFFFFFFB0];
	v37 =	vbroadcast v30, $0x7;
	[tilespmem:$0x1FD00] =	vst v0;
	v0 =	vmul.f32 v3, v56  }
0x5c: {  	v57 =	vld [tilespmem:s16+$0xFFFFFF10]  }
0x5d: {  	v59 =	vld [tilespmem:s16+$0xFFFFFE80];
	[tilespmem:$0x1FEC0] =	vst v0;
	v0 =	vmul.f32 v55, v37  }
0x5e: {  	v58 =	vbroadcast v30, $0x6;
	v42 =	vbroadcast v40, $0x6;
	v19 =	vld [tilespmem:s16+$0xFFFFFC90]  }
0x5f: {  	v63 =	vbroadcast v40, $0x5;
	v20 =	vld [tilespmem:s16+$0xFFFFFF80];
	[tilespmem:$0x1FED0] =	vst v0;
	v0 =	vmul.f32 v55, v56  }
0x60: {  	v48 =	vbroadcast v30, $0x1;
	v43 =	vmul.f32 v3, v37;
	v3 =	vld [tilespmem:s16+$0xFFFFFF20]  }
0x61: {  	v46 =	vld [tilespmem:s16+$0xFFFFFF30];
	v36 =	vmul.f32 v35, v29;
	[tilespmem:$0x1FD10] =	vst v0;
	v0 =	vmul.f32 v38, v37  }
0x62: {  	v54 =	vmul.f32 v57, v58;
	v17 =	vmul.f32 v59, v63;
	v1 =	vld [tilespmem:s16+$0xFFFFFF00]  }
0x63: {  	v12 =	vmul.f32 v19, v48;
	[tilespmem:$0x1FD20] =	vst v0;
	v0 =	vmul.f32 v38, v56  }
0x64: {  	v50 =	vmul.f32 v21, v9;
	v39 =	vmul.f32 v4, v22  }
0x65: {  	v47 =	vld [tilespmem:s16+$0xFFFFFE90];
	v25 =	vmul.f32 v20, v37;
	[tilespmem:$0x1FD30] =	vst v0;
	v0 =	vmul.f32 v3, v42  }
0x66: {  	v62 =	vld [tilespmem:s16+$0xFFFFFEA0];
	v26 =	vmul.f32 v20, v56;
	v31 =	vbroadcast v40, $0x3  }
0x67: {  	v22 =	vmul.f32 v1, v58;
	[tilespmem:$0x1FD40] =	vst v0;
	v0 =	vmul.f32 v46, v58  }
0x68: {  	v49 =	vld [tilespmem:s16+$0xFFFFFEB0];
	v38 =	vmul.f32 v3, v58;
	v3 =	vbroadcast v30, $0x5  }
0x69: {  	v23 =	vmul.f32 v1, v42;
	[tilespmem:$0x1FD50] =	vst v0;
	v0 =	vmul.f32 v46, v42  }
0x6a: {  	v35 =	vld [tilespmem:s16+$0xFFFFFE10];
	v37 =	vmul.f32 v57, v42;
	v16 =	vmul.f32 v59, v3  }
0x6b: {  	v55 =	vld [tilespmem:s16+$0xFFFFFE20];
	v28 =	vmul.f32 v47, v3;
	[tilespmem:$0x1FD60] =	vst v0;
	v0 =	vmul.f32 v62, v63  }
0x6c: {  	v51 =	vld [tilespmem:s16+$0xFFFFFE00];
	v59 =	vbroadcast v40, $0x2;
	v42 =	vmul.f32 v62, v3  }
0x6d: {  	v34 =	vld [tilespmem:s16+$0xFFFFFD90];
	v62 =	vbroadcast v30, $0x4;
	[tilespmem:$0x1FD70] =	vst v0;
	v0 =	vmul.f32 v49, v3  }
0x6e: {  	v56 =	vld [tilespmem:s16+$0xFFFFFE30];
	v46 =	vmul.f32 v47, v63;
	v3 =	vbroadcast v40, $0x4  }
0x6f: {  	v24 =	vmul.f32 v35, v62;
	[tilespmem:$0x1FD80] =	vst v0;
	v0 =	vmul.f32 v49, v63;
	v63 =	vld [tilespmem:s16+$0xFFFFFD80]  }
0x70: {  	v53 =	vmul.f32 v55, v62;
	v47 =	vmul.f32 v35, v3;
	v35 =	vld [tilespmem:s16+$0xFFFFFDA0]  }
0x71: {  	v57 =	vld [tilespmem:s16+$0xFFFFFDB0];
	[tilespmem:$0x1FD90] =	vst v0;
	v0 =	vmul.f32 v55, v3;
	v55 =	vbroadcast v30, $0x3  }
0x72: {  	v13 =	vmul.f32 v51, v62;
	v14 =	vmul.f32 v51, v3  }
0x73: {  	v51 =	vld [tilespmem:s16+$0xFFFFFD20];
	[tilespmem:$0x1FFE0] =	vst v0;
	v0 =	vmul.f32 v56, v62;
	v20 =	vmul.f32 v34, v55  }
0x74: {  	v49 =	vld [tilespmem:s16+$0xFFFFFD10];
	v62 =	vmul.f32 v34, v31;
	v10 =	vmul.f32 v63, v55  }
0x75: {  	v1 =	vld [tilespmem:s16+$0xFFFFFC10];
	v11 =	vmul.f32 v63, v31;
	v63 =	vmul.f32 v35, v55  }
0x76: {  	v58 =	vld [tilespmem:s16+$0xFFFFFD30];
	v35 =	vmul.f32 v35, v31;
	v55 =	vmul.f32 v57, v55  }
0x77: {  	[tilespmem:$0x1FEB0] =	vst v0;
	v0 =	vmul.f32 v56, v3;
	v3 =	vld [tilespmem:s16+$0xFFFFFD00];
	v56 =	vbroadcast v30, $0x2  }
0x78: {  	v34 =	vmul.f32 v51, v59;
	v30 =	vbroadcast v30, $0x0  }
0x79: {  	[tilespmem:$0x1FDA0] =	vst v0;
	v0 =	vmul.f32 v57, v31;
	v57 =	vld [tilespmem:s16+$0xFFFFFC80];
	v15 =	vmul.f32 v49, v56  }
0x7a: {  	[tilespmem:$0x1FBC0] =	vst v8;
	v49 =	vmul.f32 v49, v59;
	v27 =	vmul.f32 v51, v56;
	v51 =	vld [tilespmem:s16+$0xFFFFFCB0]  }
0x7b: {  	v29 =	vmul.f32 v58, v56;
	[tilespmem:$0x1FDB0] =	vst v0;
	v0 =	vmul.f32 v58, v59  }
0x7c: {  	[tilespmem:$0x1FC90] =	vst v5;
	v4 =	vld [tilespmem:s16+$0xFFFFFC30];
	v9 =	vmul.f32 v1, v30;
	v7 =	vmul.f32 v3, v56  }
0x7d: {  	v8 =	vmul.f32 v3, v59;
	v56 =	vld [tilespmem:s16+$0xFFFFFCA0];
	[tilespmem:$0x1FDC0] =	vst v0;
	v0 =	vbroadcast v40, $0x1  }
0x7e: {  	[tilespmem:$0x1FEF0] =	vst v2;
	v2 =	vld [tilespmem:s16+$0xFFFFFC00];
	v40 =	vbroadcast v40, $0x0;
	v5 =	vmul.f32 v57, v48  }
0x7f: {  	v3 =	vld [tilespmem:s16+$0xFFFFFC20];
	v31 =	vmul.f32 v51, v48;
	v6 =	vmul.f32 v57, v0  }
0x80: {  	v21 =	vmul.f32 v19, v0;
	v57 =	vmul.f32 v51, v0  }
0x81: {  	v1 =	vmul.f32 v1, v40;
	v58 =	vmul.f32 v4, v40  }
0x82: {  	v19 =	vmul.f32 v56, v48;
	v56 =	vmul.f32 v56, v0  }
0x83: {  	v51 =	vimm.f32 $+Inf;
	v0 =	vmul.f32 v2, v30;
	v2 =	vmul.f32 v2, v40  }
0x84: {  	v18 =	vmul.f32 v3, v30;
	v3 =	vmul.f32 v3, v40;
	v40 =	vimm.f32 $-Inf  }
0x85: {  	v48 =	vmul.f32 v4, v30;
	v30 =	vmin.f32 v51, v0;
	v0 =	vmax.f32 v40, v0  }
0x86: {  	v59 =	vmin.f32 v51, v2;
	v2 =	vmax.f32 v40, v2;
	v4 =	vmin.f32 v30, v5  }
0x87: {  	v0 =	vmax.f32 v0, v5;
	v5 =	vmin.f32 v59, v6;
	v2 =	vmax.f32 v2, v6  }
0x88: {  	v4 =	vmin.f32 v4, v7;
	v0 =	vmax.f32 v0, v7;
	v5 =	vmin.f32 v5, v8  }
0x89: {  	v2 =	vmax.f32 v2, v8;
	v4 =	vmin.f32 v4, v10;
	v0 =	vmax.f32 v0, v10  }
0x8a: {  	v5 =	vmin.f32 v5, v11;
	v2 =	vmax.f32 v2, v11;
	v4 =	vmin.f32 v4, v13  }
0x8b: {  	v0 =	vmax.f32 v0, v13;
	v5 =	vmin.f32 v5, v14;
	v2 =	vmax.f32 v2, v14  }
0x8c: {  	v4 =	vmin.f32 v4, v16;
	v5 =	vmin.f32 v5, v17;
	v2 =	vmax.f32 v2, v17  }
0x8d: {  	v0 =	vmax.f32 v0, v16;
	v5 =	vmin.f32 v5, v23;
	v2 =	vmax.f32 v2, v23  }
0x8e: {  	v8 =	vld [tilespmem:$0x1FDD0];
	v4 =	vmin.f32 v4, v22;
	v5 =	vmin.f32 v5, v26;
	v2 =	vmax.f32 v2, v26  }
0x8f: {  	v0 =	vmax.f32 v0, v22;
	v5 =	vmin.f32 v5, v33;
	v2 =	vmax.f32 v2, v33  }
0x90: {  	v4 =	vmin.f32 v4, v25;
	v5 =	vmin.f32 v5, v61;
	v2 =	vmax.f32 v2, v61  }
0x91: {  	v0 =	vmax.f32 v0, v25;
	v5 =	vmin.f32 v5, v52;
	v2 =	vmax.f32 v2, v52  }
0x92: {  	v4 =	vmin.f32 v4, v32;
	v5 =	vmin.f32 v5, v45;
	v2 =	vmax.f32 v2, v45  }
0x93: {  	v0 =	vmax.f32 v0, v32;
	v5 =	vmin.f32 v5, v8;
	v2 =	vmax.f32 v2, v8;
	v8 =	vld [tilespmem:$0x1FDE0]  }
0x94: {  	v4 =	vmin.f32 v4, v60;
	v0 =	vmax.f32 v0, v60  }
0x95: {  	v4 =	vmin.f32 v4, v41;
	v0 =	vmax.f32 v0, v41  }
0x96: {  	v4 =	vmin.f32 v4, v44;
	v0 =	vmax.f32 v0, v44  }
0x97: {  	v4 =	vmin.f32 v4, v50;
	v0 =	vmax.f32 v0, v50  }
0x98: {  	v4 =	vmin.f32 v4, v8;
	v0 =	vmax.f32 v0, v8;
	v8 =	vld [tilespmem:$0x1FDF0];
	_ =	sdelay $0x4  }
0x99: {  	v5 =	vmin.f32 v5, v8;
	v2 =	vmax.f32 v2, v8;
	v8 =	vld [tilespmem:$0x1FE00];
	_ =	sdelay $0x3  }
0x9a: {  	v6 =	vmin.f32 v51, v9;
	v7 =	vmax.f32 v40, v9  }
0x9b: {  	v6 =	vmin.f32 v6, v12;
	v4 =	vmin.f32 v4, v8;
	v0 =	vmax.f32 v0, v8;
	v8 =	vld [tilespmem:$0x1FE10]  }
0x9c: {  	v7 =	vmax.f32 v7, v12;
	v6 =	vmin.f32 v6, v15  }
0x9d: {  	v7 =	vmax.f32 v7, v15;
	v6 =	vmin.f32 v6, v20  }
0x9e: {  	v7 =	vmax.f32 v7, v20;
	v6 =	vmin.f32 v6, v24  }
0x9f: {  	v7 =	vmax.f32 v7, v24;
	v6 =	vmin.f32 v6, v28  }
0xa0: {  	v7 =	vmax.f32 v7, v28;
	v5 =	vmin.f32 v5, v8;
	v2 =	vmax.f32 v2, v8;
	v8 =	vld [tilespmem:$0x1FE20]  }
0xa1: {  	v6 =	vmin.f32 v6, v54;
	v7 =	vmax.f32 v7, v54  }
0xa2: {  	v6 =	vmin.f32 v6, v43;
	v7 =	vmax.f32 v7, v43  }
0xa3: {  	v6 =	vmin.f32 v6, v36;
	v7 =	vmax.f32 v7, v36  }
0xa4: {  	v6 =	vmin.f32 v6, v39;
	v7 =	vmax.f32 v7, v39  }
0xa5: {  	v6 =	vmin.f32 v6, v8;
	v7 =	vmax.f32 v7, v8;
	v8 =	vld [tilespmem:$0x1FE30];
	_ =	sdelay $0x4  }
0xa6: {  	v4 =	vmin.f32 v4, v8  }
0xa7: {  	[tilespmem:$0x1FE40] =	vst v4;
	v4 =	vld [tilespmem:$0x1FE50];
	_ =	sdelay $0x4  }
0xa8: {  	v8 =	vmax.f32 v0, v8;
	v0 =	vmin.f32 v6, v4;
	v6 =	vld [tilespmem:$0x1FE60];
	_ =	sdelay $0x3  }
0xa9: {  	v4 =	vmax.f32 v7, v4  }
0xaa: {  	v0 =	vmin.f32 v0, v6;
	v4 =	vmax.f32 v4, v6;
	v6 =	vld [tilespmem:$0x1FE70];
	_ =	sdelay $0x4  }
0xab: {  	v9 =	vmax.f32 v2, v6;
	v2 =	vld [tilespmem:$0x1FE80];
	_ =	sdelay $0x4  }
0xac: {  	v0 =	vmin.f32 v0, v2;
	v2 =	vmax.f32 v4, v2;
	v4 =	vld [tilespmem:$0x1FE90]  }
0xad: {  	v10 =	vmin.f32 v5, v6;
	v5 =	vld [tilespmem:$0x1FEA0];
	_ =	sdelay $0x3  }
0xae: {  	v0 =	vmin.f32 v0, v4;
	v2 =	vmax.f32 v2, v4  }
0xaf: {  	v4 =	vmin.f32 v51, v1;
	v1 =	vmax.f32 v40, v1;
	v7 =	vmin.f32 v0, v5  }
0xb0: {  	v11 =	vmax.f32 v2, v5;
	v0 =	vmin.f32 v4, v21;
	v1 =	vmax.f32 v1, v21  }
0xb1: {  	v2 =	vmin.f32 v51, v18;
	v5 =	vld [tilespmem:$0x1FEC0];
	v0 =	vmin.f32 v0, v49;
	v1 =	vmax.f32 v1, v49  }
0xb2: {  	v4 =	vmax.f32 v40, v18;
	v0 =	vmin.f32 v0, v62;
	v1 =	vmax.f32 v1, v62  }
0xb3: {  	v2 =	vmin.f32 v2, v19;
	v0 =	vmin.f32 v0, v47;
	v1 =	vmax.f32 v1, v47  }
0xb4: {  	v4 =	vmax.f32 v4, v19;
	v0 =	vmin.f32 v0, v46;
	v1 =	vmax.f32 v1, v46  }
0xb5: {  	v2 =	vmin.f32 v2, v27;
	v0 =	vmin.f32 v0, v37;
	v1 =	vmax.f32 v1, v37  }
0xb6: {  	v4 =	vmax.f32 v4, v27;
	v0 =	vmin.f32 v0, v5;
	v1 =	vmax.f32 v1, v5;
	v5 =	vld [tilespmem:$0x1FED0]  }
0xb7: {  	v2 =	vmin.f32 v2, v63;
	v4 =	vmax.f32 v4, v63  }
0xb8: {  	v2 =	vmin.f32 v2, v53;
	v4 =	vmax.f32 v4, v53  }
0xb9: {  	v2 =	vmin.f32 v2, v42;
	v4 =	vmax.f32 v4, v42  }
0xba: {  	v2 =	vmin.f32 v2, v38;
	v4 =	vmax.f32 v4, v38  }
0xbb: {  	v2 =	vmin.f32 v2, v5;
	v4 =	vmax.f32 v4, v5;
	v5 =	vld [tilespmem:$0x1FEE0];
	_ =	sdelay $0x4  }
0xbc: {  	v0 =	vmin.f32 v0, v5;
	v1 =	vmax.f32 v1, v5;
	v5 =	vld [tilespmem:$0x1FEF0];
	_ =	sdelay $0x4  }
0xbd: {  	v2 =	vmin.f32 v2, v5;
	v4 =	vmax.f32 v4, v5;
	v5 =	vld [tilespmem:$0x1FF00];
	_ =	sdelay $0x4  }
0xbe: {  	v0 =	vmin.f32 v0, v5;
	v1 =	vmax.f32 v1, v5;
	v5 =	vld [tilespmem:$0x1FF10];
	_ =	sdelay $0x4  }
0xbf: {  	v2 =	vmin.f32 v2, v5;
	v4 =	vmax.f32 v4, v5;
	v5 =	vld [tilespmem:$0x1FF20];
	_ =	sdelay $0x4  }
0xc0: {  	v0 =	vmin.f32 v0, v5;
	v1 =	vmax.f32 v1, v5;
	v5 =	vld [tilespmem:$0x1FF30];
	_ =	sdelay $0x4  }
0xc1: {  	v2 =	vmin.f32 v2, v5;
	v4 =	vmax.f32 v4, v5;
	v5 =	vld [tilespmem:$0x1FF40];
	_ =	sdelay $0x4  }
0xc2: {  	v0 =	vmin.f32 v0, v5;
	v1 =	vmax.f32 v1, v5;
	v5 =	vld [tilespmem:$0x1FF50];
	_ =	sdelay $0x4  }
0xc3: {  	v2 =	vmin.f32 v2, v5;
	v4 =	vmax.f32 v4, v5;
	v5 =	vld [tilespmem:$0x1FF60];
	_ =	sdelay $0x4  }
0xc4: {  	v0 =	vmin.f32 v0, v5;
	v1 =	vmax.f32 v1, v5;
	v5 =	vld [tilespmem:$0x1FF70];
	_ =	sdelay $0x4  }
0xc5: {  	v2 =	vmin.f32 v2, v5;
	v4 =	vmax.f32 v4, v5;
	v5 =	vld [tilespmem:$0x1FF80];
	_ =	sdelay $0x4  }
0xc6: {  	v0 =	vmin.f32 v0, v5;
	v1 =	vmax.f32 v1, v5;
	v5 =	vld [tilespmem:$0x1FF90];
	_ =	sdelay $0x4  }
0xc7: {  	v2 =	vmin.f32 v2, v5;
	v4 =	vmax.f32 v4, v5;
	v5 =	vld [tilespmem:$0x1FFA0];
	_ =	sdelay $0x4  }
0xc8: {  	v0 =	vmin.f32 v0, v5;
	v1 =	vmax.f32 v1, v5;
	v5 =	vld [tilespmem:$0x1FFB0];
	_ =	sdelay $0x4  }
0xc9: {  	v2 =	vmin.f32 v2, v5;
	v4 =	vmax.f32 v4, v5;
	v5 =	vld [tilespmem:$0x1FFC0];
	_ =	sdelay $0x4  }
0xca: {  	v12 =	vmin.f32 v0, v5;
	v0 =	vld [tilespmem:$0x1FFD0];
	_ =	sdelay $0x3  }
0xcb: {  	v24 =	vld [tilespmem:$0x1FEB0];
	v13 =	vmax.f32 v1, v5;
	v1 =	vmax.f32 v40, v3  }
0xcc: {  	v17 =	vmin.f32 v2, v0;
	v6 =	vmax.f32 v4, v0;
	v0 =	vmin.f32 v51, v3;
	v3 =	vld [tilespmem:$0x1FFE0]  }
0xcd: {  	v19 =	vimm.f32 $-Inf;
	v2 =	vmin.f32 v51, v48  }
0xce: {  	v1 =	vmax.f32 v1, v56;
	v0 =	vmin.f32 v0, v56;
	v2 =	vmin.f32 v2, v31  }
0xcf: {  	v1 =	vmax.f32 v1, v34;
	v0 =	vmin.f32 v0, v34;
	v2 =	vmin.f32 v2, v29  }
0xd0: {  	v20 =	vmovc v29;
	v1 =	vmax.f32 v1, v35;
	v0 =	vmin.f32 v0, v35;
	v2 =	vmin.f32 v2, v55  }
0xd1: {  	s17 =	simm.s32 $0x10;
	v18 =	vmovc v31;
	v2 =	vmin.f32 v2, v24;
	v0 =	vmin.f32 v0, v3;
	v1 =	vmax.f32 v1, v3  }
.LBB2_3:
0xd2: {  	v3 =	vld [tilespmem:$0x1FD70];
	_ =	sdelay $0x4  }
0xd3: {  	v0 =	vmin.f32 v0, v3;
	v1 =	vmax.f32 v1, v3;
	v3 =	vld [tilespmem:$0x1FD40];
	_ =	sdelay $0x4  }
0xd4: {  	v0 =	vmin.f32 v0, v3;
	v1 =	vmax.f32 v1, v3;
	v3 =	vld [tilespmem:$0x1FD10];
	_ =	sdelay $0x4  }
0xd5: {  	v0 =	vmin.f32 v0, v3;
	v1 =	vmax.f32 v1, v3;
	v3 =	vld [tilespmem:$0x1FCE0];
	_ =	sdelay $0x4  }
0xd6: {  	v0 =	vmin.f32 v0, v3;
	v1 =	vmax.f32 v1, v3;
	v3 =	vld [tilespmem:$0x1FCB0];
	_ =	sdelay $0x4  }
0xd7: {  	v0 =	vmin.f32 v0, v3;
	v1 =	vmax.f32 v1, v3;
	v3 =	vld [tilespmem:$0x1FC80];
	_ =	sdelay $0x4  }
0xd8: {  	v0 =	vmin.f32 v0, v3;
	v1 =	vmax.f32 v1, v3;
	v3 =	vld [tilespmem:$0x1FC50];
	_ =	sdelay $0x4  }
0xd9: {  	v0 =	vmin.f32 v0, v3;
	v1 =	vmax.f32 v1, v3;
	v3 =	vld [tilespmem:$0x1FC20];
	_ =	sdelay $0x4  }
0xda: {  	v0 =	vmin.f32 v0, v3;
	v1 =	vmax.f32 v1, v3;
	v3 =	vld [tilespmem:$0x1FBF0];
	_ =	sdelay $0x3  }
0xdb: {  	[tilespmem:$0x1FA80] =	vst v13;
	v13 =	vld [tilespmem:$0x1FD80]  }
0xdc: {  	v0 =	vmin.f32 v0, v3;
	v1 =	vmax.f32 v1, v3;
	v3 =	vld [tilespmem:$0x1FBC0]  }
0xdd: {  	[tilespmem:$0x1F960] =	vst v12;
	v12 =	vld [tilespmem:$0x1FD50]  }
0xde: {  	[tilespmem:$0x1F950] =	vst v11;
	v11 =	vld [tilespmem:$0x1FD20]  }
0xdf: {  	[tilespmem:$0x1F8C0] =	vst v10;
	v10 =	vld [tilespmem:$0x1FCF0]  }
0xe0: {  	v4 =	vld [tilespmem:$0x1FCC0]  }
0xe1: {  	v0 =	vmin.f32 v0, v3;
	v1 =	vmax.f32 v1, v3;
	v3 =	vld [tilespmem:$0x1FB90]  }
0xe2: {  	v5 =	vld [tilespmem:$0x1FC90];
	v2 =	vmin.f32 v2, v13  }
0xe3: {  	[tilespmem:$0x1F8D0] =	vst v9;
	v9 =	vld [tilespmem:$0x1FC60];
	v2 =	vmin.f32 v2, v12  }
0xe4: {  	[tilespmem:$0x1F8B0] =	vst v8;
	v8 =	vld [tilespmem:$0x1FC30];
	v2 =	vmin.f32 v2, v11  }
0xe5: {  	[tilespmem:$0x1F940] =	vst v7;
	v7 =	vld [tilespmem:$0x1FC00];
	v2 =	vmin.f32 v2, v10  }
0xe6: {  	[tilespmem:$0x1FAA0] =	vst v6;
	v6 =	vld [tilespmem:$0x1FBD0];
	v2 =	vmin.f32 v2, v4;
	v0 =	vmin.f32 v0, v3  }
0xe7: {  	v2 =	vmin.f32 v2, v5;
	[tilespmem:$0x1FB50] =	vst v0;
	v0 =	vmax.f32 v1, v3;
	v3 =	vld [tilespmem:$0x1FBA0]  }
0xe8: {  	v2 =	vmin.f32 v2, v9  }
0xe9: {  	v14 =	vld [tilespmem:$0x1FDC0];
	v2 =	vmin.f32 v2, v8  }
0xea: {  	v2 =	vmin.f32 v2, v7  }
0xeb: {  	v2 =	vmin.f32 v2, v6  }
0xec: {  	v1 =	vmin.f32 v51, v58;
	[tilespmem:$0x1FB60] =	vst v0;
	v0 =	vmin.f32 v2, v3;
	v2 =	vmax.f32 v19, v58  }
0xed: {  	v1 =	vmin.f32 v1, v57;
	[tilespmem:$0x1FB70] =	vst v0;
	v0 =	vmax.f32 v40, v48;
	v2 =	vmax.f32 v2, v57  }
0xee: {  	v1 =	vmin.f32 v1, v14;
	v0 =	vmax.f32 v0, v18;
	v2 =	vmax.f32 v2, v14;
	v14 =	vld [tilespmem:$0x1FDB0]  }
0xef: {  	v0 =	vmax.f32 v0, v20  }
0xf0: {  	v0 =	vmax.f32 v0, v55  }
0xf1: {  	v0 =	vmax.f32 v0, v24  }
0xf2: {  	v0 =	vmax.f32 v0, v13;
	v13 =	vld [tilespmem:$0x1FD90]  }
0xf3: {  	v1 =	vmin.f32 v1, v14;
	v2 =	vmax.f32 v2, v14;
	v14 =	vld [tilespmem:$0x1FDA0]  }
0xf4: {  	v0 =	vmax.f32 v0, v12;
	v12 =	vld [tilespmem:$0x1FD60]  }
0xf5: {  	v0 =	vmax.f32 v0, v11;
	v11 =	vld [tilespmem:$0x1FD30]  }
0xf6: {  	v0 =	vmax.f32 v0, v10;
	v10 =	vld [tilespmem:$0x1FD00]  }
0xf7: {  	v0 =	vmax.f32 v0, v4;
	v4 =	vld [tilespmem:$0x1FCD0]  }
0xf8: {  	v0 =	vmax.f32 v0, v5;
	v5 =	vld [tilespmem:$0x1FCA0];
	v1 =	vmin.f32 v1, v14;
	v2 =	vmax.f32 v2, v14  }
0xf9: {  	s14 =	sadd.s32 $0x80, s14;
	v0 =	vmax.f32 v0, v9;
	v9 =	vld [tilespmem:$0x1FC70];
	v1 =	vmin.f32 v1, v13;
	v2 =	vmax.f32 v2, v13  }
0xfa: {  	s18 =	sand.u32 $0xC00, s14;
	v0 =	vmax.f32 v0, v8;
	v8 =	vld [tilespmem:$0x1FC40];
	v1 =	vmin.f32 v1, v12;
	v2 =	vmax.f32 v2, v12  }
0xfb: {  	s19 =	sand.u32 $0x70, s17;
	s18 =	sadd.s32 s18, s15;
	v0 =	vmax.f32 v0, v7;
	v7 =	vld [tilespmem:$0x1FC10];
	v1 =	vmin.f32 v1, v11;
	v2 =	vmax.f32 v2, v11  }
0xfc: {  	s18 =	sadd.s32 s19, s18;
	v0 =	vmax.f32 v0, v6;
	v6 =	vld [tilespmem:$0x1FBE0];
	v1 =	vmin.f32 v1, v10;
	v2 =	vmax.f32 v2, v10  }
0xfd: {  	v0 =	vmax.f32 v0, v3;
	v1 =	vmin.f32 v1, v4;
	v2 =	vmax.f32 v2, v4;
	v4 =	vld [tilespmem:s18+$0x0]  }
0xfe: {  	[tilespmem:$0x1F9A0] =	vst v0;
	v0 =	vld [tilespmem:$0x1FBB0]  }
0xff: {  	s16 =	sadd.s32 $0x800, s16;
	v1 =	vmin.f32 v1, v5;
	v2 =	vmax.f32 v2, v5;
	v5 =	vld [tilespmem:s18+$0x80]  }
0x100: {  	v1 =	vmin.f32 v1, v9;
	v2 =	vmax.f32 v2, v9;
	v9 =	vld [tilespmem:s16+$0x380]  }
0x101: {  	v1 =	vmin.f32 v1, v8;
	v2 =	vmax.f32 v2, v8  }
0x102: {  	v1 =	vmin.f32 v1, v7;
	v2 =	vmax.f32 v2, v7  }
0x103: {  	v1 =	vmin.f32 v1, v6;
	v2 =	vmax.f32 v2, v6;
	v7 =	vbroadcast v4, $0xF  }
0x104: {  	v14 =	vld [tilespmem:s16+$0x390];
	v1 =	vmin.f32 v1, v0;
	v0 =	vmax.f32 v2, v0  }
0x105: {  	v8 =	vbroadcast v5, $0xF;
	[tilespmem:$0x1F8F0] =	vst v0;
	v0 =	vmul.f32 v9, v7;
	_ =	sdelay $0x1  }
0x106: {  	[tilespmem:$0x1F8A0] =	vst v0;
	v0 =	vmul.f32 v9, v8  }
0x107: {  	v30 =	vld [tilespmem:s16+$0x3A0]  }
0x108: {  	v12 =	vbroadcast v4, $0xE;
	[tilespmem:$0x1F930] =	vst v0;
	v0 =	vmul.f32 v14, v7  }
0x109: {  	v18 =	vbroadcast v4, $0xD;
	v20 =	vbroadcast v4, $0xC  }
0x10a: {  	v27 =	vbroadcast v4, $0xB;
	[tilespmem:$0x1FA60] =	vst v0;
	v0 =	vmul.f32 v14, v8  }
0x10b: {  	v31 =	vld [tilespmem:s16+$0x3B0];
	v3 =	vbroadcast v4, $0xA;
	v23 =	vbroadcast v4, $0x8  }
0x10c: {  	v16 =	vbroadcast v4, $0x7;
	[tilespmem:$0x1FA70] =	vst v0;
	v0 =	vmul.f32 v30, v7  }
0x10d: {  	v52 =	vbroadcast v4, $0x5;
	v29 =	vbroadcast v4, $0x4  }
0x10e: {  	v48 =	vbroadcast v4, $0x3;
	[tilespmem:$0x1FB40] =	vst v0;
	v0 =	vmul.f32 v30, v8  }
0x10f: {  	v32 =	vld [tilespmem:s16+$0x300];
	v51 =	vbroadcast v4, $0x2;
	v57 =	vbroadcast v4, $0x1  }
0x110: {  	v58 =	vbroadcast v4, $0x0;
	[tilespmem:$0x1FB90] =	vst v0;
	v0 =	vmul.f32 v31, v7  }
0x111: {  	v13 =	vbroadcast v5, $0xE;
	v19 =	vbroadcast v5, $0xD  }
0x112: {  	v24 =	vbroadcast v5, $0xC;
	[tilespmem:$0x1FBA0] =	vst v0;
	v0 =	vmul.f32 v31, v8  }
0x113: {  	v34 =	vld [tilespmem:s16+$0x310];
	v28 =	vbroadcast v5, $0xB;
	v6 =	vbroadcast v5, $0xA  }
0x114: {  	v2 =	vbroadcast v4, $0x9;
	[tilespmem:$0x1FBB0] =	vst v0;
	v0 =	vmul.f32 v32, v12  }
0x115: {  	[tilespmem:$0x1FA90] =	vst v17;
	v11 =	vbroadcast v5, $0x9;
	v26 =	vbroadcast v5, $0x8  }
0x116: {  	v17 =	vbroadcast v5, $0x7;
	[tilespmem:$0x1F890] =	vst v0;
	v0 =	vmul.f32 v32, v13  }
0x117: {  	v22 =	vbroadcast v5, $0x6;
	[tilespmem:$0x1F8E0] =	vst v1;
	v1 =	vbroadcast v4, $0x6;
	v4 =	vld [tilespmem:s16+$0x320]  }
0x118: {  	v15 =	vbroadcast v5, $0x5;
	[tilespmem:$0x1F920] =	vst v0;
	v0 =	vmul.f32 v34, v12  }
0x119: {  	v21 =	vbroadcast v5, $0x4;
	v25 =	vbroadcast v5, $0x3  }
0x11a: {  	v59 =	vbroadcast v5, $0x2;
	[tilespmem:$0x1FA40] =	vst v0;
	v0 =	vmul.f32 v34, v13  }
0x11b: {  	v56 =	vbroadcast v5, $0x1;
	v39 =	vbroadcast v5, $0x0;
	v5 =	vld [tilespmem:s16+$0x330]  }
0x11c: {  	[tilespmem:$0x1FA50] =	vst v0;
	v0 =	vmul.f32 v4, v12;
	_ =	sdelay $0x1  }
0x11d: {  	[tilespmem:$0x1FB30] =	vst v0;
	v0 =	vmul.f32 v4, v13  }
0x11e: {  	v35 =	vld [tilespmem:s16+$0x280]  }
0x11f: {  	[tilespmem:$0x1FBC0] =	vst v0;
	v0 =	vmul.f32 v5, v12;
	_ =	sdelay $0x1  }
0x120: {  	[tilespmem:$0x1FBD0] =	vst v0;
	v0 =	vmul.f32 v5, v13  }
0x121: {  	v36 =	vld [tilespmem:s16+$0x290]  }
0x122: {  	[tilespmem:$0x1FBE0] =	vst v0;
	v0 =	vmul.f32 v35, v18;
	_ =	sdelay $0x1  }
0x123: {  	[tilespmem:$0x1F880] =	vst v0;
	v0 =	vmul.f32 v35, v19  }
0x124: {  	v38 =	vld [tilespmem:s16+$0x2A0]  }
0x125: {  	[tilespmem:$0x1F910] =	vst v0;
	v0 =	vmul.f32 v36, v18;
	_ =	sdelay $0x1  }
0x126: {  	[tilespmem:$0x1FA20] =	vst v0;
	v0 =	vmul.f32 v36, v19  }
0x127: {  	v7 =	vld [tilespmem:s16+$0x2B0]  }
0x128: {  	[tilespmem:$0x1FA30] =	vst v0;
	v0 =	vmul.f32 v38, v18;
	_ =	sdelay $0x1  }
0x129: {  	[tilespmem:$0x1FB20] =	vst v0;
	v0 =	vmul.f32 v38, v19  }
0x12a: {  	v8 =	vld [tilespmem:s16+$0x200]  }
0x12b: {  	[tilespmem:$0x1FBF0] =	vst v0;
	v0 =	vmul.f32 v7, v18  }
0x12c: {  	v40 =	vld [tilespmem:s16+$0x210]  }
0x12d: {  	[tilespmem:$0x1FC00] =	vst v0;
	v0 =	vmul.f32 v7, v19;
	_ =	sdelay $0x1  }
0x12e: {  	[tilespmem:$0x1FC10] =	vst v0;
	v0 =	vmul.f32 v8, v24  }
0x12f: {  	v4 =	vld [tilespmem:s16+$0x220]  }
0x130: {  	[tilespmem:$0x1F900] =	vst v0;
	v0 =	vmul.f32 v40, v20;
	_ =	sdelay $0x1  }
0x131: {  	[tilespmem:$0x1FA00] =	vst v0;
	v0 =	vmul.f32 v40, v24  }
0x132: {  	v12 =	vld [tilespmem:s16+$0x230]  }
0x133: {  	[tilespmem:$0x1FA10] =	vst v0;
	v0 =	vmul.f32 v4, v20;
	_ =	sdelay $0x1  }
0x134: {  	[tilespmem:$0x1FB10] =	vst v0;
	v0 =	vmul.f32 v4, v24  }
0x135: {  	v41 =	vld [tilespmem:s16+$0x190]  }
0x136: {  	[tilespmem:$0x1FC20] =	vst v0;
	v0 =	vmul.f32 v12, v20;
	_ =	sdelay $0x1  }
0x137: {  	[tilespmem:$0x1FC30] =	vst v0;
	v0 =	vmul.f32 v12, v24  }
0x138: {  	v49 =	vld [tilespmem:s16+$0x1A0]  }
0x139: {  	[tilespmem:$0x1FC40] =	vst v0;
	v0 =	vmul.f32 v41, v27;
	_ =	sdelay $0x1  }
0x13a: {  	[tilespmem:$0x1F9E0] =	vst v0;
	v0 =	vmul.f32 v41, v28  }
0x13b: {  	v7 =	vld [tilespmem:s16+$0x1B0]  }
0x13c: {  	[tilespmem:$0x1F9F0] =	vst v0;
	v0 =	vmul.f32 v49, v27;
	_ =	sdelay $0x1  }
0x13d: {  	[tilespmem:$0x1FB00] =	vst v0;
	v0 =	vmul.f32 v49, v28  }
0x13e: {  	v50 =	vld [tilespmem:s16+$0x110]  }
0x13f: {  	[tilespmem:$0x1FC50] =	vst v0;
	v0 =	vmul.f32 v7, v27;
	_ =	sdelay $0x1  }
0x140: {  	[tilespmem:$0x1FC60] =	vst v0;
	v0 =	vmul.f32 v7, v28  }
0x141: {  	v53 =	vld [tilespmem:s16+$0x120]  }
0x142: {  	[tilespmem:$0x1FC70] =	vst v0;
	v0 =	vmul.f32 v50, v3;
	_ =	sdelay $0x1  }
0x143: {  	[tilespmem:$0x1F9C0] =	vst v0;
	v0 =	vmul.f32 v50, v6  }
0x144: {  	v12 =	vld [tilespmem:s16+$0x130]  }
0x145: {  	[tilespmem:$0x1F9D0] =	vst v0;
	v0 =	vmul.f32 v53, v3;
	_ =	sdelay $0x1  }
0x146: {  	[tilespmem:$0x1FAF0] =	vst v0;
	v0 =	vmul.f32 v53, v6  }
0x147: {  	v54 =	vld [tilespmem:s16+$0x90]  }
0x148: {  	v13 =	vld [tilespmem:s16+$0x180];
	[tilespmem:$0x1FC80] =	vst v0;
	v0 =	vmul.f32 v12, v3  }
0x149: {  	v55 =	vld [tilespmem:s16+$0xA0]  }
0x14a: {  	[tilespmem:$0x1FC90] =	vst v0;
	v0 =	vmul.f32 v12, v6;
	_ =	sdelay $0x1  }
0x14b: {  	[tilespmem:$0x1FCA0] =	vst v0;
	v0 =	vmul.f32 v54, v11  }
0x14c: {  	v35 =	vmul.f32 v13, v27;
	v27 =	vld [tilespmem:s16+$0xB0]  }
0x14d: {  	[tilespmem:$0x1F9B0] =	vst v0;
	v0 =	vmul.f32 v55, v2;
	_ =	sdelay $0x1  }
0x14e: {  	[tilespmem:$0x1FAE0] =	vst v0;
	v0 =	vmul.f32 v55, v11  }
0x14f: {  	v36 =	vld [tilespmem:s16+$0x10]  }
0x150: {  	v19 =	vld [tilespmem:s16+$0x100];
	[tilespmem:$0x1FCB0] =	vst v0;
	v0 =	vmul.f32 v27, v2  }
0x151: {  	v37 =	vld [tilespmem:s16+$0x20]  }
0x152: {  	[tilespmem:$0x1FCC0] =	vst v0;
	v0 =	vmul.f32 v27, v11;
	_ =	sdelay $0x1  }
0x153: {  	[tilespmem:$0x1FCD0] =	vst v0;
	v0 =	vmul.f32 v36, v26  }
0x154: {  	v46 =	vmul.f32 v13, v28;
	v28 =	vmul.f32 v19, v3;
	v3 =	vld [tilespmem:s16+$0x30]  }
0x155: {  	[tilespmem:$0x1F990] =	vst v0;
	v0 =	vmul.f32 v37, v23;
	_ =	sdelay $0x1  }
0x156: {  	[tilespmem:$0x1FAD0] =	vst v0;
	v0 =	vmul.f32 v37, v26  }
0x157: {  	v38 =	vld [tilespmem:s16+$0xFFFFFF90]  }
0x158: {  	v44 =	vmul.f32 v8, v20;
	v20 =	vld [tilespmem:s16+$0x80];
	[tilespmem:$0x1FCE0] =	vst v0;
	v0 =	vmul.f32 v3, v23  }
0x159: {  	v49 =	vld [tilespmem:s16+$0xFFFFFFA0]  }
0x15a: {  	[tilespmem:$0x1FCF0] =	vst v0;
	v0 =	vmul.f32 v3, v26;
	_ =	sdelay $0x1  }
0x15b: {  	[tilespmem:$0x1FD00] =	vst v0;
	v0 =	vmul.f32 v38, v17  }
0x15c: {  	v40 =	vmul.f32 v54, v2;
	v63 =	vmul.f32 v20, v2;
	v2 =	vld [tilespmem:s16+$0xFFFFFFB0]  }
0x15d: {  	[tilespmem:$0x1F980] =	vst v0;
	v0 =	vmul.f32 v49, v16;
	_ =	sdelay $0x1  }
0x15e: {  	[tilespmem:$0x1FAC0] =	vst v0;
	v0 =	vmul.f32 v49, v17  }
0x15f: {  	v27 =	vld [tilespmem:s16+$0xFFFFFF10]  }
0x160: {  	v61 =	vmul.f32 v19, v6;
	v19 =	vld [tilespmem:s16+$0x0];
	[tilespmem:$0x1FD10] =	vst v0;
	v0 =	vmul.f32 v2, v16  }
0x161: {  	v50 =	vld [tilespmem:s16+$0xFFFFFF20]  }
0x162: {  	[tilespmem:$0x1FD20] =	vst v0;
	v0 =	vmul.f32 v2, v17;
	_ =	sdelay $0x1  }
0x163: {  	[tilespmem:$0x1FD30] =	vst v0;
	v0 =	vmul.f32 v27, v22  }
0x164: {  	v45 =	vmul.f32 v36, v23;
	v42 =	vmul.f32 v19, v23;
	v23 =	vld [tilespmem:s16+$0xFFFFFF30]  }
0x165: {  	[tilespmem:$0x1F970] =	vst v0;
	v0 =	vmul.f32 v50, v1;
	_ =	sdelay $0x1  }
0x166: {  	[tilespmem:$0x1FAB0] =	vst v0;
	v0 =	vmul.f32 v50, v22  }
0x167: {  	v55 =	vld [tilespmem:s16+$0xFFFFFEA0]  }
0x168: {  	v62 =	vmul.f32 v20, v11;
	v20 =	vld [tilespmem:s16+$0xFFFFFF80];
	[tilespmem:$0x1FD40] =	vst v0;
	v0 =	vmul.f32 v23, v1  }
0x169: {  	v2 =	vld [tilespmem:s16+$0xFFFFFEB0]  }
0x16a: {  	v47 =	vld [tilespmem:s16+$0xFFFFFE30];
	[tilespmem:$0x1FD50] =	vst v0;
	v0 =	vmul.f32 v23, v22  }
0x16b: {  	v31 =	vld [tilespmem:s16+$0xFFFFFE20]  }
0x16c: {  	v5 =	vld [tilespmem:s16+$0xFFFFFD00];
	[tilespmem:$0x1FD60] =	vst v0;
	v0 =	vmul.f32 v55, v15  }
0x16d: {  	v41 =	vmul.f32 v19, v26;
	v19 =	vld [tilespmem:s16+$0xFFFFFF00];
	v53 =	vmul.f32 v20, v17  }
0x16e: {  	v54 =	vmul.f32 v20, v16;
	v20 =	vld [tilespmem:s16+$0xFFFFFE80];
	[tilespmem:$0x1FD70] =	vst v0;
	v0 =	vmul.f32 v2, v52  }
0x16f: {  	v26 =	vld [tilespmem:s16+$0xFFFFFE90]  }
0x170: {  	v3 =	vld [tilespmem:s16+$0xFFFFFDA0];
	[tilespmem:$0x1FD80] =	vst v0;
	v0 =	vmul.f32 v2, v15  }
0x171: {  	v60 =	vmul.f32 v38, v16;
	v24 =	vmul.f32 v47, v29;
	v49 =	vld [tilespmem:s16+$0xFFFFFC00]  }
0x172: {  	v30 =	vmul.f32 v27, v1;
	v27 =	vld [tilespmem:s16+$0xFFFFFE10];
	[tilespmem:$0x1FD90] =	vst v0;
	v0 =	vmul.f32 v31, v21  }
0x173: {  	v14 =	vmul.f32 v19, v1;
	v19 =	vmul.f32 v19, v22;
	v50 =	vld [tilespmem:s16+$0xFFFFFC80]  }
0x174: {  	v12 =	vmul.f32 v20, v52;
	v13 =	vmul.f32 v20, v15;
	[tilespmem:$0x1FB80] =	vst v0;
	v0 =	vld [tilespmem:$0x1FE40]  }
0x175: {  	v36 =	vmul.f32 v55, v52;
	v32 =	vmul.f32 v3, v48;
	v2 =	vld [tilespmem:s16+$0xFFFFFD80]  }
0x176: {  	v43 =	vld [tilespmem:s16+$0xFFFFFE00];
	v38 =	vmul.f32 v3, v25;
	v10 =	vmul.f32 v49, v58  }
0x177: {  	v33 =	vmul.f32 v27, v21;
	v1 =	vld [tilespmem:s16+$0xFFFFFD30];
	v22 =	vmul.f32 v26, v52  }
0x178: {  	v3 =	vld [tilespmem:s16+$0xFFFFFCA0];
	v9 =	vmul.f32 v50, v57;
	v52 =	vmul.f32 v27, v29  }
0x179: {  	v6 =	vld [tilespmem:s16+$0xFFFFFD90];
	v27 =	vmul.f32 v31, v29;
	v31 =	vmul.f32 v5, v51;
	v20 =	vmin.f32 v0, v10  }
0x17a: {  	v4 =	vld [tilespmem:s16+$0xFFFFFDB0];
	v8 =	vmul.f32 v2, v48;
	v0 =	vmul.f32 v47, v21;
	v20 =	vmin.f32 v20, v9  }
0x17b: {  	v11 =	vmul.f32 v43, v29;
	v43 =	vmul.f32 v43, v21;
	v21 =	vmin.f32 v20, v31  }
0x17c: {  	v17 =	vmul.f32 v1, v51;
	v1 =	vmul.f32 v1, v59;
	v47 =	vld [tilespmem:s16+$0xFFFFFD20];
	[tilespmem:$0x1FDA0] =	vst v0;
	v0 =	vmin.f32 v21, v8  }
0x17d: {  	v37 =	vmul.f32 v26, v15;
	v16 =	vmul.f32 v3, v57;
	v29 =	vld [tilespmem:s16+$0xFFFFFD10];
	v0 =	vmin.f32 v0, v11  }
0x17e: {  	v23 =	vmul.f32 v6, v25;
	v26 =	vmul.f32 v3, v56;
	[tilespmem:$0x1FDC0] =	vst v1;
	v1 =	vld [tilespmem:s16+$0xFFFFFC20];
	v0 =	vmin.f32 v0, v12  }
0x17f: {  	v55 =	vmul.f32 v4, v48;
	v7 =	vmul.f32 v2, v25;
	v2 =	vld [tilespmem:s16+$0xFFFFFC90];
	v0 =	vmin.f32 v0, v14  }
0x180: {  	v4 =	vmul.f32 v4, v25;
	v20 =	vmul.f32 v6, v48;
	v48 =	vld [tilespmem:s16+$0xFFFFFCB0];
	v0 =	vmin.f32 v0, v54  }
0x181: {  	v21 =	vmul.f32 v47, v51;
	v34 =	vmul.f32 v47, v59;
	v47 =	vld [tilespmem:s16+$0xFFFFFC10];
	v0 =	vmin.f32 v0, v42  }
0x182: {  	v6 =	vmul.f32 v29, v51;
	v51 =	vmul.f32 v50, v56;
	v50 =	vmin.f32 v0, v63;
	v0 =	vld [tilespmem:s16+$0xFFFFFC30]  }
0x183: {  	v5 =	vmul.f32 v5, v59;
	v25 =	vmul.f32 v1, v39  }
0x184: {  	v15 =	vmul.f32 v2, v56;
	v29 =	vmul.f32 v29, v59;
	v50 =	vmin.f32 v50, v28  }
0x185: {  	v3 =	vld [tilespmem:$0x1F880];
	v59 =	vmul.f32 v2, v57;
	v18 =	vmul.f32 v48, v57;
	v50 =	vmin.f32 v50, v35  }
0x186: {  	v2 =	vmul.f32 v48, v56;
	v48 =	vmin.f32 v50, v44;
	v50 =	vmul.f32 v1, v58;
	v1 =	vld [tilespmem:$0x1F890]  }
0x187: {  	[tilespmem:$0x1FDB0] =	vst v4;
	v56 =	vmul.f32 v47, v58;
	v4 =	vmul.f32 v0, v58;
	v58 =	vld [tilespmem:$0x1F8A0];
	_ =	sdelay $0x2  }
0x188: {  	v57 =	vmul.f32 v49, v39;
	v49 =	vmul.f32 v47, v39;
	v47 =	vmin.f32 v48, v3  }
0x189: {  	v47 =	vmin.f32 v47, v1  }
0x18a: {  	v48 =	vmul.f32 v0, v39;
	v0 =	vmin.f32 v47, v58  }
0x18b: {  	[tilespmem:$0x1FE40] =	vst v0;
	v0 =	vld [tilespmem:$0x1F8B0];
	_ =	sdelay $0x3  }
0x18c: {  	v47 =	vld [tilespmem:$0x1F8D0]  }
0x18d: {  	v0 =	vmax.f32 v0, v10;
	v10 =	vld [tilespmem:$0x1F8C0];
	_ =	sdelay $0x4  }
0x18e: {  	v39 =	vmax.f32 v47, v57;
	v10 =	vmin.f32 v10, v57  }
0x18f: {  	v0 =	vmax.f32 v0, v9;
	v9 =	vmin.f32 v10, v51;
	v10 =	vmax.f32 v39, v51  }
0x190: {  	v0 =	vmax.f32 v0, v31;
	v9 =	vmin.f32 v9, v5;
	v5 =	vmax.f32 v10, v5  }
0x191: {  	v0 =	vmax.f32 v0, v8;
	v8 =	vmin.f32 v9, v7;
	v5 =	vmax.f32 v5, v7  }
0x192: {  	v7 =	vmin.f32 v8, v43;
	v5 =	vmax.f32 v5, v43  }
0x193: {  	v7 =	vmin.f32 v7, v13;
	v5 =	vmax.f32 v5, v13  }
0x194: {  	v7 =	vmin.f32 v7, v19;
	v5 =	vmax.f32 v5, v19  }
0x195: {  	v0 =	vmax.f32 v0, v11;
	v57 =	vmovc v2;
	v2 =	vld [tilespmem:$0x1F900];
	v7 =	vmin.f32 v7, v53;
	v5 =	vmax.f32 v5, v53  }
0x196: {  	v0 =	vmax.f32 v0, v12;
	v7 =	vmin.f32 v7, v41;
	v5 =	vmax.f32 v5, v41  }
0x197: {  	v0 =	vmax.f32 v0, v14;
	v7 =	vmin.f32 v7, v62;
	v5 =	vmax.f32 v5, v62  }
0x198: {  	v0 =	vmax.f32 v0, v54;
	v7 =	vmin.f32 v7, v61;
	v5 =	vmax.f32 v5, v61  }
0x199: {  	v0 =	vmax.f32 v0, v42;
	v7 =	vmin.f32 v7, v46;
	v5 =	vmax.f32 v5, v46  }
0x19a: {  	v0 =	vmax.f32 v0, v63;
	v7 =	vmin.f32 v7, v2;
	v5 =	vmax.f32 v5, v2;
	v2 =	vld [tilespmem:$0x1F910]  }
0x19b: {  	v0 =	vmax.f32 v0, v28  }
0x19c: {  	v0 =	vmax.f32 v0, v35  }
0x19d: {  	v0 =	vmax.f32 v0, v44  }
0x19e: {  	v0 =	vmax.f32 v0, v3  }
0x19f: {  	v0 =	vmax.f32 v0, v1;
	v7 =	vmin.f32 v7, v2;
	v5 =	vmax.f32 v5, v2;
	v2 =	vld [tilespmem:$0x1F920]  }
0x1a0: {  	v8 =	vmax.f32 v0, v58;
	v0 =	vld [tilespmem:$0x1F930];
	_ =	sdelay $0x3  }
0x1a1: {  	v7 =	vmin.f32 v7, v2;
	v5 =	vmax.f32 v5, v2;
	v2 =	vld [tilespmem:$0x1F950]  }
0x1a2: {  	v10 =	vmin.f32 v7, v0;
	v9 =	vmax.f32 v5, v0;
	v0 =	vld [tilespmem:$0x1F940];
	_ =	sdelay $0x4  }
0x1a3: {  	v5 =	vmax.f32 v2, v56;
	v2 =	vld [tilespmem:$0x1F960];
	v0 =	vmin.f32 v0, v56  }
0x1a4: {  	v5 =	vmax.f32 v5, v59;
	v0 =	vmin.f32 v0, v59  }
0x1a5: {  	v58 =	vmovc v48;
	v48 =	vmov v4;
	v4 =	vmax.f32 v5, v6;
	v0 =	vmin.f32 v0, v6  }
0x1a6: {  	v4 =	vmax.f32 v4, v20;
	v0 =	vmin.f32 v0, v20  }
0x1a7: {  	v4 =	vmax.f32 v4, v52;
	v0 =	vmin.f32 v0, v52  }
0x1a8: {  	v7 =	vmin.f32 v2, v49;
	v4 =	vmax.f32 v4, v22;
	v2 =	vld [tilespmem:$0x1F9C0];
	v0 =	vmin.f32 v0, v22  }
0x1a9: {  	v4 =	vmax.f32 v4, v30;
	v0 =	vmin.f32 v0, v30  }
0x1aa: {  	v4 =	vmax.f32 v4, v60;
	v0 =	vmin.f32 v0, v60  }
0x1ab: {  	v4 =	vmax.f32 v4, v45;
	v0 =	vmin.f32 v0, v45  }
0x1ac: {  	v4 =	vmax.f32 v4, v40;
	v0 =	vmin.f32 v0, v40  }
0x1ad: {  	v4 =	vmax.f32 v4, v2;
	v0 =	vmin.f32 v0, v2;
	v2 =	vld [tilespmem:$0x1F9E0];
	_ =	sdelay $0x4  }
0x1ae: {  	v0 =	vmin.f32 v0, v2;
	v4 =	vmax.f32 v4, v2;
	v2 =	vld [tilespmem:$0x1FA00];
	_ =	sdelay $0x4  }
0x1af: {  	v0 =	vmin.f32 v0, v2;
	v4 =	vmax.f32 v4, v2;
	v2 =	vld [tilespmem:$0x1FA20];
	_ =	sdelay $0x4  }
0x1b0: {  	v0 =	vmin.f32 v0, v2;
	v4 =	vmax.f32 v4, v2;
	v2 =	vld [tilespmem:$0x1FA40];
	_ =	sdelay $0x1  }
0x1b1: {  	v14 =	vld [tilespmem:$0x1FA50]  }
0x1b2: {  	v63 =	vld [tilespmem:$0x1F9F0]  }
0x1b3: {  	v3 =	vld [tilespmem:$0x1F980]  }
0x1b4: {  	v0 =	vmin.f32 v0, v2;
	v4 =	vmax.f32 v4, v2;
	v2 =	vld [tilespmem:$0x1FA60]  }
0x1b5: {  	v6 =	vld [tilespmem:$0x1F970];
	v7 =	vmin.f32 v7, v15  }
0x1b6: {  	v1 =	vld [tilespmem:$0x1F990];
	v5 =	vmin.f32 v7, v29  }
0x1b7: {  	v62 =	vld [tilespmem:$0x1F9D0];
	v5 =	vmin.f32 v5, v23  }
0x1b8: {  	v61 =	vld [tilespmem:$0x1F9B0];
	v5 =	vmin.f32 v5, v33  }
0x1b9: {  	v5 =	vmin.f32 v5, v37;
	v7 =	vmin.f32 v0, v2;
	v11 =	vmax.f32 v4, v2;
	v2 =	vld [tilespmem:$0x1FA90]  }
0x1ba: {  	v22 =	vld [tilespmem:$0x1FA10];
	v5 =	vmin.f32 v5, v6  }
0x1bb: {  	v5 =	vmin.f32 v5, v3;
	v0 =	vld [tilespmem:$0x1FA80]  }
0x1bc: {  	v20 =	vmov v17;
	v17 =	vld [tilespmem:$0x1FA30];
	v5 =	vmin.f32 v5, v1  }
0x1bd: {  	v13 =	vld [tilespmem:$0x1FA70];
	v5 =	vmin.f32 v5, v61  }
0x1be: {  	v5 =	vmin.f32 v5, v62;
	v4 =	vmin.f32 v2, v50;
	v2 =	vld [tilespmem:$0x1FAA0]  }
0x1bf: {  	v5 =	vmin.f32 v5, v63  }
0x1c0: {  	v5 =	vmin.f32 v5, v22;
	v0 =	vmax.f32 v0, v49  }
0x1c1: {  	v5 =	vmin.f32 v5, v17;
	v0 =	vmax.f32 v0, v15  }
0x1c2: {  	v5 =	vmin.f32 v5, v14;
	v0 =	vmax.f32 v0, v29  }
0x1c3: {  	v12 =	vmin.f32 v5, v13;
	v0 =	vmax.f32 v0, v23;
	v5 =	vmax.f32 v2, v50  }
0x1c4: {  	v0 =	vmax.f32 v0, v33;
	v2 =	vmin.f32 v4, v16;
	v4 =	vmax.f32 v5, v16;
	v5 =	vld [tilespmem:$0x1FAB0]  }
0x1c5: {  	v0 =	vmax.f32 v0, v37;
	v2 =	vmin.f32 v2, v21;
	v4 =	vmax.f32 v4, v21  }
0x1c6: {  	v0 =	vmax.f32 v0, v6;
	v2 =	vmin.f32 v2, v32;
	v4 =	vmax.f32 v4, v32  }
0x1c7: {  	v0 =	vmax.f32 v0, v3;
	v3 =	vld [tilespmem:$0x1FAC0];
	v2 =	vmin.f32 v2, v27;
	v4 =	vmax.f32 v4, v27  }
0x1c8: {  	v0 =	vmax.f32 v0, v1;
	v1 =	vld [tilespmem:$0x1FAD0];
	v2 =	vmin.f32 v2, v36;
	v4 =	vmax.f32 v4, v36  }
0x1c9: {  	v2 =	vmin.f32 v2, v5;
	v4 =	vmax.f32 v4, v5;
	v5 =	vld [tilespmem:$0x1FAE0];
	_ =	sdelay $0x2  }
0x1ca: {  	v2 =	vmin.f32 v2, v3;
	v4 =	vmax.f32 v4, v3  }
0x1cb: {  	v2 =	vmin.f32 v2, v1;
	v4 =	vmax.f32 v4, v1  }
0x1cc: {  	v2 =	vmin.f32 v2, v5;
	v4 =	vmax.f32 v4, v5;
	v5 =	vld [tilespmem:$0x1FAF0];
	_ =	sdelay $0x4  }
0x1cd: {  	v2 =	vmin.f32 v2, v5;
	v4 =	vmax.f32 v4, v5;
	v5 =	vld [tilespmem:$0x1FB00];
	_ =	sdelay $0x4  }
0x1ce: {  	v2 =	vmin.f32 v2, v5;
	v4 =	vmax.f32 v4, v5;
	v5 =	vld [tilespmem:$0x1FB10];
	_ =	sdelay $0x4  }
0x1cf: {  	v0 =	vmax.f32 v0, v61;
	v2 =	vmin.f32 v2, v5;
	v4 =	vmax.f32 v4, v5;
	v5 =	vld [tilespmem:$0x1FB20]  }
0x1d0: {  	v0 =	vmax.f32 v0, v62  }
0x1d1: {  	v0 =	vmax.f32 v0, v63  }
0x1d2: {  	v0 =	vmax.f32 v0, v22  }
0x1d3: {  	v0 =	vmax.f32 v0, v17  }
0x1d4: {  	v0 =	vmax.f32 v0, v14;
	v2 =	vmin.f32 v2, v5;
	v4 =	vmax.f32 v4, v5;
	v5 =	vld [tilespmem:$0x1FB30]  }
0x1d5: {  	v13 =	vmax.f32 v0, v13;
	v0 =	vld [tilespmem:$0x1FB40];
	_ =	sdelay $0x3  }
0x1d6: {  	v2 =	vmin.f32 v2, v5  }
0x1d7: {  	v17 =	vmin.f32 v2, v0;
	v2 =	vld [tilespmem:$0x1FB60];
	_ =	sdelay $0x2  }
0x1d8: {  	v4 =	vmax.f32 v4, v5  }
0x1d9: {  	v6 =	vmax.f32 v4, v0;
	v0 =	vld [tilespmem:$0x1FB50]  }
0x1da: {  	v1 =	vmax.f32 v2, v25;
	v2 =	vld [tilespmem:$0x1FB70];
	_ =	sdelay $0x3  }
0x1db: {  	p0 =	sne.s32 s17, $0x1F0;
	v3 =	vld [tilespmem:$0x1FB80]  }
.Ltmp0:
0x1dc: {  	v0 =	vmin.f32 v0, v25;
	v2 =	vmin.f32 v2, v48;
	(pc) =	sbr.rel @p0 .LBB2_3-.Ltmp0, $4  }
0x1dd: {  	v0 =	vmin.f32 v0, v26;
	v1 =	vmax.f32 v1, v26;
	v2 =	vmin.f32 v2, v18  }
0x1de: {  	v51 =	vld [tilespmem:$0x1F8E0];
	v0 =	vmin.f32 v0, v34;
	v1 =	vmax.f32 v1, v34;
	v2 =	vmin.f32 v2, v20  }
0x1df: {  	v19 =	vld [tilespmem:$0x1F8F0];
	v0 =	vmin.f32 v0, v38;
	v1 =	vmax.f32 v1, v38;
	v2 =	vmin.f32 v2, v55  }
0x1e0: {  	s17 =	sadd.s32 $0x10, s17;
	v40 =	vld [tilespmem:$0x1F9A0];
	v0 =	vmin.f32 v0, v3;
	v1 =	vmax.f32 v1, v3;
	v2 =	vmin.f32 v2, v24  }
0x1e1: {  	v5 =	vld [tilespmem:$0x1FFF0];
	_ =	sdelay $0x6  }
0x1e2: {  	s24 =	sshrl.u32 s21, $0x2;
	s14 =	sshrl.u32 s12, $0x2  }
0x1e3: {  	s14 =	smul.u32 $0x3000, s14;
	v3 =	vld.idx.msk [tilespmem:v5+s24+$0x0 ss:$0x1], $0xffff;
	_ =	sdelay $0x1  }
0x1e4: {  	s14 =	sshra.s32 s14, $0x2  }
0x1e5: {  	s15 =	sadd.s32 $0x14000, s14  }
0x1e6: {  	s19 =	sor.u32 s13, s15  }
0x1e7: {  	[tilespmem:s19+$0x0] =	vst v3  }
0x1e8: {  	v3 =	vld.idx.msk [tilespmem:v5+s24+$0x80 ss:$0x1], $0xffff;
	_ =	sdelay $0x2  }
0x1e9: {  	s20 =	sor.u32 $0x80, s13  }
0x1ea: {  	s18 =	sor.u32 s20, s15  }
0x1eb: {  	[tilespmem:s18+$0x0] =	vst v3;
	v3 =	vld [tilespmem:$0x1FE40];
	_ =	sdelay $0x2  }
0x1ec: {  	s30 =	sadd.s32 $0x14400, s14  }
0x1ed: {  	s22 =	sadd.s32 $0x14800, s14;
	s16 =	sor.u32 s13, s30  }
0x1ee: {  	s17 =	sor.u32 s13, s22;
	[tilespmem:s16+$0x0] =	vst v3  }
0x1ef: {  	s14 =	sor.u32 s20, s30;
	[tilespmem:s17+$0x0] =	vst v8  }
0x1f0: {  	s15 =	sor.u32 s20, s22;
	[tilespmem:s14+$0x0] =	vst v10  }
0x1f1: {  	[tilespmem:s15+$0x0] =	vst v9  }
0x1f2: {  	v3 =	vld.idx.msk [tilespmem:v5+s24+$0x10 ss:$0x1], $0xffff;
	_ =	sdelay $0x4  }
0x1f3: {  	[tilespmem:s19+$0x10] =	vst v3  }
0x1f4: {  	v3 =	vld.idx.msk [tilespmem:v5+s24+$0x90 ss:$0x1], $0xffff  }
0x1f5: {  	v4 =	vld [tilespmem:$0x1FD70];
	_ =	sdelay $0x3  }
0x1f6: {  	[tilespmem:s18+$0x10] =	vst v3  }
0x1f7: {  	v0 =	vmin.f32 v0, v4;
	v1 =	vmax.f32 v1, v4;
	v4 =	vld [tilespmem:$0x1FD40];
	[tilespmem:s16+$0x10] =	vst v7  }
0x1f8: {  	[tilespmem:s17+$0x10] =	vst v11  }
0x1f9: {  	[tilespmem:s14+$0x10] =	vst v12  }
0x1fa: {  	[tilespmem:s15+$0x10] =	vst v13  }
0x1fb: {  	v3 =	vld.idx.msk [tilespmem:v5+s24+$0x20 ss:$0x1], $0xffff  }
0x1fc: {  	v0 =	vmin.f32 v0, v4;
	v1 =	vmax.f32 v1, v4;
	v4 =	vld [tilespmem:$0x1FD10];
	_ =	sdelay $0x3  }
0x1fd: {  	[tilespmem:s19+$0x20] =	vst v3;
	v3 =	vld [tilespmem:$0x1FCE0]  }
0x1fe: {  	v0 =	vmin.f32 v0, v4;
	v1 =	vmax.f32 v1, v4;
	v4 =	vld [tilespmem:$0x1FCB0];
	_ =	sdelay $0x3  }
0x1ff: {  	v0 =	vmin.f32 v0, v3;
	v1 =	vmax.f32 v1, v3  }
0x200: {  	v0 =	vmin.f32 v0, v4;
	v1 =	vmax.f32 v1, v4;
	v4 =	vld [tilespmem:$0x1FC80];
	_ =	sdelay $0x4  }
0x201: {  	v0 =	vmin.f32 v0, v4;
	v1 =	vmax.f32 v1, v4;
	v4 =	vld [tilespmem:$0x1FC50];
	_ =	sdelay $0x4  }
0x202: {  	v0 =	vmin.f32 v0, v4;
	v1 =	vmax.f32 v1, v4;
	v4 =	vld [tilespmem:$0x1FC20]  }
0x203: {  	v3 =	vld.idx.msk [tilespmem:v5+s24+$0xA0 ss:$0x1], $0xffff;
	_ =	sdelay $0x3  }
0x204: {  	v0 =	vmin.f32 v0, v4;
	v1 =	vmax.f32 v1, v4;
	v4 =	vld [tilespmem:$0x1FBF0]  }
0x205: {  	[tilespmem:s18+$0x20] =	vst v3;
	v3 =	vld [tilespmem:$0x1FBC0];
	_ =	sdelay $0x3  }
0x206: {  	v0 =	vmin.f32 v0, v4;
	v1 =	vmax.f32 v1, v4  }
0x207: {  	v0 =	vmin.f32 v0, v3;
	v1 =	vmax.f32 v1, v3;
	v3 =	vld [tilespmem:$0x1FB90];
	_ =	sdelay $0x2  }
0x208: {  	[tilespmem:s16+$0x20] =	vst v17;
	v17 =	vld [tilespmem:$0x1FDC0];
	_ =	sdelay $0x1  }
0x209: {  	[tilespmem:s17+$0x20] =	vst v6;
	v0 =	vmin.f32 v0, v3  }
0x20a: {  	v4 =	vmin.f32 v51, v58;
	[tilespmem:s14+$0x20] =	vst v0;
	v0 =	vmax.f32 v19, v58  }
0x20b: {  	v4 =	vmin.f32 v4, v57;
	v1 =	vmax.f32 v1, v3;
	v0 =	vmax.f32 v0, v57  }
0x20c: {  	[tilespmem:s15+$0x20] =	vst v1;
	v1 =	vmin.f32 v4, v17;
	v0 =	vmax.f32 v0, v17;
	v17 =	vld [tilespmem:$0x1FDB0]  }
0x20d: {  	v16 =	vld [tilespmem:$0x1FD80];
	v3 =	vmax.f32 v40, v48  }
0x20e: {  	v15 =	vld [tilespmem:$0x1FD50];
	v3 =	vmax.f32 v3, v18  }
0x20f: {  	v3 =	vmax.f32 v3, v20;
	v4 =	vld.idx.msk [tilespmem:v5+s24+$0x30 ss:$0x1], $0xffff  }
0x210: {  	v60 =	vld [tilespmem:$0x1FD30];
	v3 =	vmax.f32 v3, v55  }
0x211: {  	v3 =	vmax.f32 v3, v24;
	v1 =	vmin.f32 v1, v17;
	v0 =	vmax.f32 v0, v17;
	v17 =	vld [tilespmem:$0x1FDA0]  }
0x212: {  	v2 =	vmin.f32 v2, v16;
	v3 =	vmax.f32 v3, v16;
	v16 =	vld [tilespmem:$0x1FD90]  }
0x213: {  	v2 =	vmin.f32 v2, v15;
	v3 =	vmax.f32 v3, v15;
	v15 =	vld [tilespmem:$0x1FD60]  }
0x214: {  	v61 =	vld [tilespmem:$0x1FD00];
	[tilespmem:s19+$0x30] =	vst v4  }
0x215: {  	v4 =	vld.idx.msk [tilespmem:v5+s24+$0xB0 ss:$0x1], $0xffff  }
0x216: {  	v5 =	vld [tilespmem:$0x1FCD0];
	v1 =	vmin.f32 v1, v17;
	v0 =	vmax.f32 v0, v17  }
0x217: {  	v1 =	vmin.f32 v1, v16;
	v0 =	vmax.f32 v0, v16  }
0x218: {  	v1 =	vmin.f32 v1, v15;
	v0 =	vmax.f32 v0, v15  }
0x219: {  	v1 =	vmin.f32 v1, v60;
	v0 =	vmax.f32 v0, v60  }
0x21a: {  	v1 =	vmin.f32 v1, v61;
	v0 =	vmax.f32 v0, v61  }
0x21b: {  	v1 =	vmin.f32 v1, v5;
	v0 =	vmax.f32 v0, v5;
	v5 =	vld [tilespmem:$0x1FCA0]  }
0x21c: {  	v14 =	vld [tilespmem:$0x1FD20]  }
0x21d: {  	v56 =	vld [tilespmem:$0x1FCF0]  }
0x21e: {  	v59 =	vld [tilespmem:$0x1FCC0]  }
0x21f: {  	v11 =	vld [tilespmem:$0x1FC90]  }
0x220: {  	v1 =	vmin.f32 v1, v5;
	v0 =	vmax.f32 v0, v5;
	v5 =	vld [tilespmem:$0x1FC70]  }
0x221: {  	v10 =	vld [tilespmem:$0x1FC60]  }
0x222: {  	v2 =	vmin.f32 v2, v14;
	v9 =	vld [tilespmem:$0x1FC30]  }
0x223: {  	v2 =	vmin.f32 v2, v56;
	v8 =	vld [tilespmem:$0x1FC00]  }
0x224: {  	v2 =	vmin.f32 v2, v59;
	v7 =	vld [tilespmem:$0x1FBD0]  }
0x225: {  	v2 =	vmin.f32 v2, v11;
	v1 =	vmin.f32 v1, v5;
	v0 =	vmax.f32 v0, v5;
	v5 =	vld [tilespmem:$0x1FC40]  }
0x226: {  	v2 =	vmin.f32 v2, v10;
	v6 =	vld [tilespmem:$0x1FBA0]  }
0x227: {  	v2 =	vmin.f32 v2, v9  }
0x228: {  	v2 =	vmin.f32 v2, v8;
	v3 =	vmax.f32 v3, v14  }
0x229: {  	v2 =	vmin.f32 v2, v7;
	v3 =	vmax.f32 v3, v56  }
0x22a: {  	v3 =	vmax.f32 v3, v59;
	v1 =	vmin.f32 v1, v5;
	v0 =	vmax.f32 v0, v5;
	v5 =	vld [tilespmem:$0x1FC10]  }
0x22b: {  	v2 =	vmin.f32 v2, v6;
	v3 =	vmax.f32 v3, v11;
	[tilespmem:s18+$0x30] =	vst v4;
	v4 =	vld [tilespmem:$0x1FBE0]  }
0x22c: {  	v3 =	vmax.f32 v3, v10;
	[tilespmem:s16+$0x30] =	vst v2;
	v2 =	vld [tilespmem:$0x1FBB0]  }
0x22d: {  	v3 =	vmax.f32 v3, v9  }
0x22e: {  	v3 =	vmax.f32 v3, v8  }
0x22f: {  	s31 =	sand.u32 $0x3FFFF000, s21;
	s21 =	simm.s32 $0x0;
	v3 =	vmax.f32 v3, v7;
	v1 =	vmin.f32 v1, v5  }
0x230: {  	s23 =	sand.u32 $0xC00, s21;
	s22 =	sadd.s32 $0x10000, s31;
	v3 =	vmax.f32 v3, v6;
	v0 =	vmax.f32 v0, v5;
	v1 =	vmin.f32 v1, v4  }
0x231: {  	s23 =	sadd.s32 s23, s22;
	[tilespmem:s17+$0x30] =	vst v3;
	v0 =	vmax.f32 v0, v4;
	v1 =	vmin.f32 v1, v2  }
0x232: {  	s25 =	sand.u32 $0x70, s21;
	s26 =	sadd.s32 s13, s23;
	v0 =	vmax.f32 v0, v2;
	[tilespmem:s14+$0x30] =	vst v1  }
0x233: {  	s23 =	sadd.s32 s20, s23;
	s26 =	sadd.s32 s25, s26;
	[tilespmem:s15+$0x30] =	vst v0  }
0x234: {  	s23 =	sadd.s32 s25, s23;
	v30 =	vld [tilespmem:s26+$0x0]  }
0x235: {  	v39 =	vld [tilespmem:s23+$0x0];
	s23 =	simm.s32 $0x440  }
0x236: {  	v7 =	vld [tilespmem:s23+$0x380];
	_ =	sdelay $0x1  }
0x237: {  	v10 =	vld [tilespmem:s23+$0x390]  }
0x238: {  	v0 =	vbroadcast v30, $0xF  }
0x239: {  	v63 =	vld [tilespmem:s23+$0x3A0]  }
0x23a: {  	v1 =	vbroadcast v39, $0xF;
	v8 =	vmul.f32 v7, v0;
	_ =	sdelay $0x1  }
0x23b: {  	[tilespmem:$0x1F6E0] =	vst v8;
	v8 =	vmul.f32 v10, v1  }
0x23c: {  	v21 =	vld [tilespmem:s23+$0x300]  }
0x23d: {  	[tilespmem:$0x1F860] =	vst v8;
	v8 =	vmul.f32 v63, v0  }
0x23e: {  	v23 =	vld [tilespmem:s23+$0x310]  }
0x23f: {  	v16 =	vld [tilespmem:s23+$0x3B0];
	v3 =	vbroadcast v39, $0xE;
	[tilespmem:$0x1F870] =	vst v8;
	v8 =	vmul.f32 v63, v1  }
0x240: {  	v7 =	vmul.f32 v7, v1  }
0x241: {  	v2 =	vbroadcast v30, $0xE;
	[tilespmem:$0x1F420] =	vst v8;
	v8 =	vmul.f32 v21, v3  }
0x242: {  	v12 =	vld [tilespmem:s23+$0x320];
	[tilespmem:$0x1F720] =	vst v7;
	v7 =	vmul.f32 v10, v0  }
0x243: {  	[tilespmem:$0x1F6C0] =	vst v8;
	v8 =	vmul.f32 v23, v2  }
0x244: {  	[tilespmem:$0x1F750] =	vst v7;
	v7 =	vld [tilespmem:s23+$0x330];
	v0 =	vmul.f32 v16, v0  }
0x245: {  	v10 =	vld [tilespmem:s23+$0x280];
	[tilespmem:$0x1F740] =	vst v8;
	v8 =	vmul.f32 v23, v3  }
0x246: {  	v56 =	vmul.f32 v16, v1;
	[tilespmem:$0x1F430] =	vst v0;
	v1 =	vmul.f32 v21, v2  }
0x247: {  	v0 =	vld [tilespmem:s23+$0x290];
	[tilespmem:$0x1F840] =	vst v8;
	v8 =	vmul.f32 v12, v2  }
0x248: {  	v4 =	vbroadcast v30, $0xD;
	v5 =	vbroadcast v39, $0xD;
	[tilespmem:$0x1F6B0] =	vst v1  }
0x249: {  	v1 =	vld [tilespmem:s23+$0x2A0];
	v2 =	vmul.f32 v7, v2;
	[tilespmem:$0x1F850] =	vst v8;
	v8 =	vmul.f32 v12, v3  }
0x24a: {  	v3 =	vmul.f32 v7, v3;
	v7 =	vmul.f32 v10, v5  }
0x24b: {  	v21 =	vld [tilespmem:s23+$0x2B0];
	[tilespmem:$0x1F450] =	vst v2  }
0x24c: {  	[tilespmem:$0x1F6A0] =	vst v7;
	v7 =	vmul.f32 v0, v4;
	v0 =	vmul.f32 v0, v5  }
0x24d: {  	v23 =	vld [tilespmem:s23+$0x200];
	[tilespmem:$0x1F460] =	vst v3;
	v3 =	vmul.f32 v10, v4  }
0x24e: {  	[tilespmem:$0x1F820] =	vst v0;
	v0 =	vmul.f32 v1, v4;
	v1 =	vmul.f32 v1, v5  }
0x24f: {  	v2 =	vld [tilespmem:s23+$0x210];
	[tilespmem:$0x1F690] =	vst v3  }
0x250: {  	v9 =	vbroadcast v39, $0xC;
	[tilespmem:$0x1F470] =	vst v1;
	v1 =	vmul.f32 v21, v4  }
0x251: {  	v6 =	vbroadcast v30, $0xC;
	v3 =	vld [tilespmem:s23+$0x220];
	[tilespmem:$0x1F830] =	vst v0;
	v4 =	vmul.f32 v21, v5  }
0x252: {  	v0 =	vld [tilespmem:s23+$0x180];
	v5 =	vmul.f32 v23, v9;
	[tilespmem:$0x1F480] =	vst v1  }
0x253: {  	v10 =	vld [tilespmem:s23+$0x230];
	[tilespmem:$0x1F490] =	vst v4;
	v4 =	vmul.f32 v23, v6  }
0x254: {  	v1 =	vld [tilespmem:s23+$0x190];
	[tilespmem:$0x1F680] =	vst v5;
	v5 =	vmul.f32 v2, v6;
	v2 =	vmul.f32 v2, v9  }
0x255: {  	v62 =	vbroadcast v30, $0xB;
	v15 =	vbroadcast v39, $0xB;
	[tilespmem:$0x1F670] =	vst v4  }
0x256: {  	v4 =	vld [tilespmem:s23+$0x1A0];
	[tilespmem:$0x1F800] =	vst v2;
	v2 =	vmul.f32 v3, v6;
	v3 =	vmul.f32 v3, v9  }
0x257: {  	[tilespmem:$0x1F710] =	vst v5;
	v40 =	vmul.f32 v0, v62  }
0x258: {  	v5 =	vld [tilespmem:s23+$0x1B0];
	v43 =	vmul.f32 v0, v15;
	[tilespmem:$0x1F4A0] =	vst v3;
	v3 =	vmul.f32 v10, v6  }
0x259: {  	[tilespmem:$0x1F810] =	vst v2;
	v0 =	vmul.f32 v1, v62;
	v1 =	vmul.f32 v1, v15  }
0x25a: {  	v2 =	vld [tilespmem:s23+$0x100];
	v6 =	vmul.f32 v10, v9;
	[tilespmem:$0x1F4B0] =	vst v3  }
0x25b: {  	v3 =	vld [tilespmem:s23+$0x110];
	[tilespmem:$0x1F7E0] =	vst v1;
	v1 =	vmul.f32 v4, v62;
	v4 =	vmul.f32 v4, v15  }
0x25c: {  	v18 =	vbroadcast v30, $0xA;
	[tilespmem:$0x1F4C0] =	vst v6  }
0x25d: {  	v19 =	vbroadcast v39, $0xA;
	v6 =	vld [tilespmem:s23+$0x120];
	[tilespmem:$0x1F4D0] =	vst v4;
	v4 =	vmul.f32 v5, v62  }
0x25e: {  	[tilespmem:$0x1F7F0] =	vst v1;
	v1 =	vld [tilespmem:s23+$0x80];
	v5 =	vmul.f32 v5, v15  }
0x25f: {  	v41 =	vmul.f32 v2, v18;
	v50 =	vmul.f32 v2, v19;
	[tilespmem:$0x1F4E0] =	vst v4;
	v4 =	vld [tilespmem:s23+$0x90]  }
0x260: {  	[tilespmem:$0x1F700] =	vst v0;
	v0 =	vld [tilespmem:s23+$0x130];
	v2 =	vmul.f32 v3, v18;
	v3 =	vmul.f32 v3, v19  }
0x261: {  	v20 =	vbroadcast v30, $0x9;
	[tilespmem:$0x1F4F0] =	vst v5;
	v5 =	vld [tilespmem:s23+$0xA0]  }
0x262: {  	v22 =	vbroadcast v39, $0x9;
	[tilespmem:$0x1F7C0] =	vst v3;
	v3 =	vmul.f32 v6, v18  }
0x263: {  	v6 =	vmul.f32 v6, v19;
	v62 =	vmul.f32 v1, v20  }
0x264: {  	[tilespmem:$0x1F6D0] =	vst v2;
	v63 =	vmul.f32 v1, v22;
	v1 =	vmul.f32 v4, v22  }
0x265: {  	v2 =	vld [tilespmem:s23+$0xB0];
	[tilespmem:$0x1F500] =	vst v6;
	v6 =	vmul.f32 v0, v18  }
0x266: {  	[tilespmem:$0x1F7A0] =	vst v1;
	v1 =	vmul.f32 v5, v20  }
0x267: {  	v0 =	vmul.f32 v0, v19;
	[tilespmem:$0x1F510] =	vst v6  }
0x268: {  	v6 =	vld [tilespmem:s23+$0x10];
	[tilespmem:$0x1F7B0] =	vst v1;
	v1 =	vmul.f32 v5, v22  }
0x269: {  	[tilespmem:$0x1F520] =	vst v0  }
0x26a: {  	v0 =	vld [tilespmem:s23+$0x20];
	[tilespmem:$0x1F530] =	vst v1;
	v1 =	vmul.f32 v2, v20  }
0x26b: {  	v34 =	vbroadcast v39, $0x8;
	v2 =	vmul.f32 v2, v22  }
0x26c: {  	[tilespmem:$0x1F540] =	vst v1;
	v1 =	vld [tilespmem:s23+$0x30]  }
0x26d: {  	v29 =	vbroadcast v30, $0x8;
	[tilespmem:$0x1F550] =	vst v2;
	v2 =	vmul.f32 v6, v34;
	_ =	sdelay $0x1  }
0x26e: {  	[tilespmem:$0x1F780] =	vst v2;
	v2 =	vmul.f32 v0, v29;
	v0 =	vmul.f32 v0, v34  }
0x26f: {  	v5 =	vld [tilespmem:s23+$0xFFFFFF90]  }
0x270: {  	[tilespmem:$0x1F560] =	vst v0;
	v0 =	vmul.f32 v1, v29  }
0x271: {  	v44 =	vmul.f32 v4, v20;
	v20 =	vld [tilespmem:s23+$0xFFFFFFA0]  }
0x272: {  	v14 =	vbroadcast v39, $0x7;
	[tilespmem:$0x1F570] =	vst v0;
	v0 =	vmul.f32 v1, v34;
	_ =	sdelay $0x1  }
0x273: {  	v36 =	vbroadcast v30, $0x7;
	v4 =	vld [tilespmem:s23+$0xFFFFFF80];
	[tilespmem:$0x1F580] =	vst v0;
	v0 =	vmul.f32 v5, v14  }
0x274: {  	v37 =	vld [tilespmem:s23+$0xFFFFFFB0];
	[tilespmem:$0x1F7D0] =	vst v3  }
0x275: {  	v3 =	vld [tilespmem:s23+$0x0];
	[tilespmem:$0x1F760] =	vst v0;
	v0 =	vmul.f32 v20, v36  }
0x276: {  	v42 =	vld [tilespmem:s23+$0xFFFFFF00];
	v45 =	vbroadcast v39, $0x6  }
0x277: {  	v46 =	vld [tilespmem:s23+$0xFFFFFF30];
	v57 =	vbroadcast v30, $0x5;
	[tilespmem:$0x1F770] =	vst v0;
	v0 =	vmul.f32 v20, v14  }
0x278: {  	v27 =	vmul.f32 v4, v36;
	v35 =	vmul.f32 v5, v36;
	v5 =	vld [tilespmem:s23+$0xFFFFFF20]  }
0x279: {  	v28 =	vmul.f32 v4, v14;
	v4 =	vld [tilespmem:s23+$0xFFFFFF10];
	[tilespmem:$0x1F590] =	vst v0;
	v0 =	vmul.f32 v37, v36  }
0x27a: {  	v47 =	vld [tilespmem:s23+$0xFFFFFE90];
	v49 =	vbroadcast v39, $0x5;
	v33 =	vmul.f32 v3, v34  }
0x27b: {  	v34 =	vld [tilespmem:s23+$0xFFFFFE80];
	v20 =	vbroadcast v30, $0x6;
	[tilespmem:$0x1F5A0] =	vst v0;
	v0 =	vmul.f32 v37, v14  }
0x27c: {  	v48 =	vbroadcast v39, $0x4;
	v25 =	vmul.f32 v42, v45  }
0x27d: {  	v53 =	vld [tilespmem:s23+$0xFFFFFE00];
	v24 =	vmul.f32 v42, v20;
	[tilespmem:$0x1F5B0] =	vst v0;
	v0 =	vmul.f32 v5, v45  }
0x27e: {  	v42 =	vmul.f32 v4, v20;
	v36 =	vmul.f32 v4, v45;
	v4 =	vld [tilespmem:s23+$0xFFFFFEA0]  }
0x27f: {  	v60 =	vbroadcast v30, $0x3;
	[tilespmem:$0x1F5C0] =	vst v0;
	v0 =	vmul.f32 v46, v20  }
0x280: {  	v52 =	vld [tilespmem:s23+$0xFFFFFEB0];
	v31 =	vmul.f32 v47, v57;
	v17 =	vmul.f32 v34, v57  }
0x281: {  	v18 =	vmul.f32 v34, v49;
	v34 =	vld [tilespmem:s23+$0xFFFFFD90];
	[tilespmem:$0x1F5D0] =	vst v0;
	v0 =	vmul.f32 v46, v45  }
0x282: {  	v15 =	vmul.f32 v53, v48;
	v32 =	vmul.f32 v3, v29  }
0x283: {  	v58 =	vld [tilespmem:s23+$0xFFFFFE10];
	v38 =	vmul.f32 v6, v29;
	[tilespmem:$0x1F5E0] =	vst v0;
	v0 =	vmul.f32 v4, v49  }
0x284: {  	v59 =	vld [tilespmem:s23+$0xFFFFFE20];
	v37 =	vmul.f32 v5, v20;
	v46 =	vmul.f32 v4, v57  }
0x285: {  	v54 =	vld [tilespmem:s23+$0xFFFFFE30];
	v4 =	vbroadcast v30, $0x4;
	[tilespmem:$0x1F5F0] =	vst v0;
	v0 =	vmul.f32 v52, v57  }
0x286: {  	v29 =	vld [tilespmem:s23+$0xFFFFFDA0];
	v20 =	vmul.f32 v34, v60;
	v45 =	vmul.f32 v47, v49  }
0x287: {  	v14 =	vmul.f32 v53, v4;
	[tilespmem:$0x1F600] =	vst v0;
	v0 =	vmul.f32 v52, v49;
	v49 =	vld [tilespmem:s23+$0xFFFFFD80]  }
0x288: {  	v26 =	vmul.f32 v58, v4;
	v57 =	vbroadcast v39, $0x3  }
0x289: {  	v52 =	vmul.f32 v58, v48;
	v58 =	vld [tilespmem:s23+$0xFFFFFDB0];
	[tilespmem:$0x1F610] =	vst v0;
	v0 =	vmul.f32 v59, v48  }
0x28a: {  	v61 =	vmul.f32 v59, v4;
	v47 =	vmul.f32 v34, v57  }
0x28b: {  	v34 =	vmul.f32 v29, v60;
	v59 =	vld [tilespmem:s23+$0xFFFFFD30];
	[tilespmem:$0x1F620] =	vst v0;
	v0 =	vmul.f32 v54, v4  }
0x28c: {  	v10 =	vmul.f32 v49, v60;
	v12 =	vmul.f32 v49, v57;
	v49 =	vld [tilespmem:s23+$0xFFFFFD10]  }
0x28d: {  	v51 =	vmul.f32 v29, v57;
	[tilespmem:$0x1F630] =	vst v0;
	v0 =	vmul.f32 v54, v48  }
0x28e: {  	v29 =	vbroadcast v30, $0x2;
	v55 =	vmul.f32 v58, v60;
	v48 =	vld [tilespmem:s23+$0xFFFFFD00]  }
0x28f: {  	v53 =	vld [tilespmem:s23+$0xFFFFFD20];
	v60 =	vbroadcast v39, $0x2;
	[tilespmem:$0x1F640] =	vst v0;
	v0 =	vmul.f32 v58, v57  }
0x290: {  	v13 =	vld [tilespmem:s23+$0xFFFFFC80];
	v11 =	vmul.f32 v59, v29  }
0x291: {  	v22 =	vld [tilespmem:s23+$0xFFFFFCA0];
	[tilespmem:$0x1F650] =	vst v0;
	v16 =	vmul.f32 v49, v29;
	v0 =	vmul.f32 v59, v60  }
0x292: {  	v1 =	vld [tilespmem:s23+$0xFFFFFC10];
	v59 =	vbroadcast v30, $0x1;
	v30 =	vbroadcast v30, $0x0  }
0x293: {  	[tilespmem:$0x1F440] =	vst v8;
	v3 =	vld [tilespmem:s23+$0xFFFFFC20];
	v8 =	vmul.f32 v48, v29;
	v5 =	vmul.f32 v48, v60  }
0x294: {  	v58 =	vld [tilespmem:s23+$0xFFFFFC90];
	v48 =	vmul.f32 v49, v60;
	v49 =	vmul.f32 v53, v29  }
0x295: {  	v54 =	vld [tilespmem:s23+$0xFFFFFCB0];
	v53 =	vmul.f32 v53, v60;
	[tilespmem:$0x1F660] =	vst v0;
	v0 =	vbroadcast v39, $0x1  }
0x296: {  	[tilespmem:$0x1F790] =	vst v2;
	v2 =	vld [tilespmem:s23+$0xFFFFFC00];
	v39 =	vbroadcast v39, $0x0;
	v6 =	vmul.f32 v13, v59  }
0x297: {  	v23 =	vmul.f32 v22, v59;
	v9 =	vmul.f32 v1, v30  }
0x298: {  	[tilespmem:$0x1F730] =	vst v7;
	v4 =	vld [tilespmem:s23+$0xFFFFFC30];
	v19 =	vmul.f32 v3, v30;
	v7 =	vmul.f32 v13, v0  }
0x299: {  	v13 =	vmul.f32 v58, v59;
	v21 =	vmul.f32 v58, v0  }
0x29a: {  	v22 =	vmul.f32 v22, v0;
	v58 =	vmul.f32 v54, v59  }
0x29b: {  	v57 =	vmul.f32 v54, v0;
	v0 =	vmul.f32 v2, v30  }
0x29c: {  	v2 =	vmul.f32 v2, v39;
	v1 =	vmul.f32 v1, v39  }
0x29d: {  	v54 =	vimm.f32 $+Inf;
	v3 =	vmul.f32 v3, v39;
	v59 =	vmul.f32 v4, v30  }
0x29e: {  	v60 =	vmul.f32 v4, v39;
	v39 =	vimm.f32 $-Inf;
	v30 =	vmin.f32 v54, v0  }
0x29f: {  	v0 =	vmax.f32 v39, v0;
	v4 =	vmin.f32 v30, v6  }
0x2a0: {  	v30 =	vmin.f32 v54, v2;
	v2 =	vmax.f32 v39, v2;
	v0 =	vmax.f32 v0, v6  }
0x2a1: {  	v6 =	vmin.f32 v30, v7;
	v2 =	vmax.f32 v2, v7;
	v4 =	vmin.f32 v4, v8  }
0x2a2: {  	v0 =	vmax.f32 v0, v8;
	v6 =	vmin.f32 v6, v5;
	v2 =	vmax.f32 v2, v5  }
0x2a3: {  	v4 =	vmin.f32 v4, v10;
	v0 =	vmax.f32 v0, v10;
	v6 =	vmin.f32 v6, v12  }
0x2a4: {  	v2 =	vmax.f32 v2, v12;
	v4 =	vmin.f32 v4, v14;
	v0 =	vmax.f32 v0, v14  }
0x2a5: {  	v6 =	vmin.f32 v6, v15;
	v4 =	vmin.f32 v4, v17;
	v0 =	vmax.f32 v0, v17  }
0x2a6: {  	v2 =	vmax.f32 v2, v15;
	v4 =	vmin.f32 v4, v24;
	v0 =	vmax.f32 v0, v24  }
0x2a7: {  	v5 =	vld [tilespmem:$0x1F670];
	v6 =	vmin.f32 v6, v18;
	v4 =	vmin.f32 v4, v27;
	v0 =	vmax.f32 v0, v27  }
0x2a8: {  	v2 =	vmax.f32 v2, v18;
	v4 =	vmin.f32 v4, v32;
	v0 =	vmax.f32 v0, v32  }
0x2a9: {  	v6 =	vmin.f32 v6, v25;
	v4 =	vmin.f32 v4, v62;
	v0 =	vmax.f32 v0, v62  }
0x2aa: {  	v2 =	vmax.f32 v2, v25;
	v4 =	vmin.f32 v4, v41;
	v0 =	vmax.f32 v0, v41  }
0x2ab: {  	v6 =	vmin.f32 v6, v28;
	v4 =	vmin.f32 v4, v40;
	v0 =	vmax.f32 v0, v40  }
0x2ac: {  	v2 =	vmax.f32 v2, v28;
	v4 =	vmin.f32 v4, v5;
	v0 =	vmax.f32 v0, v5;
	v5 =	vld [tilespmem:$0x1F680]  }
0x2ad: {  	v6 =	vmin.f32 v6, v33;
	v2 =	vmax.f32 v2, v33  }
0x2ae: {  	v6 =	vmin.f32 v6, v63;
	v2 =	vmax.f32 v2, v63  }
0x2af: {  	v6 =	vmin.f32 v6, v50;
	v2 =	vmax.f32 v2, v50  }
0x2b0: {  	v6 =	vmin.f32 v6, v43;
	v2 =	vmax.f32 v2, v43  }
0x2b1: {  	v6 =	vmin.f32 v6, v5;
	v2 =	vmax.f32 v2, v5;
	v5 =	vld [tilespmem:$0x1F690];
	_ =	sdelay $0x4  }
0x2b2: {  	v4 =	vmin.f32 v4, v5;
	v0 =	vmax.f32 v0, v5;
	v5 =	vld [tilespmem:$0x1F6A0];
	_ =	sdelay $0x4  }
0x2b3: {  	v6 =	vmin.f32 v6, v5;
	v2 =	vmax.f32 v2, v5;
	v5 =	vld [tilespmem:$0x1F6B0];
	_ =	sdelay $0x3  }
0x2b4: {  	v7 =	vmin.f32 v54, v9;
	v8 =	vmax.f32 v39, v9  }
0x2b5: {  	v7 =	vmin.f32 v7, v13;
	v4 =	vmin.f32 v4, v5;
	v0 =	vmax.f32 v0, v5;
	v5 =	vld [tilespmem:$0x1F6C0]  }
0x2b6: {  	v8 =	vmax.f32 v8, v13;
	v7 =	vmin.f32 v7, v16  }
0x2b7: {  	v8 =	vmax.f32 v8, v16;
	v7 =	vmin.f32 v7, v20  }
0x2b8: {  	v8 =	vmax.f32 v8, v20;
	v7 =	vmin.f32 v7, v26  }
0x2b9: {  	v8 =	vmax.f32 v8, v26;
	v7 =	vmin.f32 v7, v31  }
0x2ba: {  	v8 =	vmax.f32 v8, v31;
	v6 =	vmin.f32 v6, v5;
	v2 =	vmax.f32 v2, v5;
	v5 =	vld [tilespmem:$0x1F6D0]  }
0x2bb: {  	v7 =	vmin.f32 v7, v42;
	v8 =	vmax.f32 v8, v42  }
0x2bc: {  	v7 =	vmin.f32 v7, v35;
	v8 =	vmax.f32 v8, v35  }
0x2bd: {  	v7 =	vmin.f32 v7, v38;
	v8 =	vmax.f32 v8, v38  }
0x2be: {  	v7 =	vmin.f32 v7, v44;
	v8 =	vmax.f32 v8, v44  }
0x2bf: {  	v7 =	vmin.f32 v7, v5;
	v8 =	vmax.f32 v8, v5;
	v5 =	vld [tilespmem:$0x1F6E0];
	_ =	sdelay $0x4  }
0x2c0: {  	v4 =	vmin.f32 v4, v5  }
0x2c1: {  	[tilespmem:$0x1F6F0] =	vst v4;
	v4 =	vld [tilespmem:$0x1F700];
	_ =	sdelay $0x4  }
0x2c2: {  	v5 =	vmax.f32 v0, v5;
	v0 =	vmin.f32 v7, v4;
	v7 =	vld [tilespmem:$0x1F710];
	_ =	sdelay $0x3  }
0x2c3: {  	v4 =	vmax.f32 v8, v4  }
0x2c4: {  	v0 =	vmin.f32 v0, v7;
	v4 =	vmax.f32 v4, v7;
	v7 =	vld [tilespmem:$0x1F720];
	_ =	sdelay $0x4  }
0x2c5: {  	v6 =	vmin.f32 v6, v7;
	v7 =	vmax.f32 v2, v7;
	v2 =	vld [tilespmem:$0x1F730];
	_ =	sdelay $0x4  }
0x2c6: {  	v0 =	vmin.f32 v0, v2;
	v2 =	vmax.f32 v4, v2;
	v4 =	vld [tilespmem:$0x1F740]  }
0x2c7: {  	v9 =	vld [tilespmem:$0x1F750];
	_ =	sdelay $0x3  }
0x2c8: {  	v0 =	vmin.f32 v0, v4;
	v2 =	vmax.f32 v2, v4  }
0x2c9: {  	v4 =	vmin.f32 v54, v1;
	v1 =	vmax.f32 v39, v1;
	v8 =	vmin.f32 v0, v9  }
0x2ca: {  	v9 =	vmax.f32 v2, v9;
	v0 =	vmin.f32 v4, v21;
	v1 =	vmax.f32 v1, v21  }
0x2cb: {  	v10 =	vld [tilespmem:$0x1F760];
	v2 =	vmin.f32 v54, v19;
	v0 =	vmin.f32 v0, v48;
	v1 =	vmax.f32 v1, v48  }
0x2cc: {  	v4 =	vmax.f32 v39, v19;
	v0 =	vmin.f32 v0, v47;
	v1 =	vmax.f32 v1, v47  }
0x2cd: {  	v2 =	vmin.f32 v2, v23;
	v0 =	vmin.f32 v0, v52;
	v1 =	vmax.f32 v1, v52  }
0x2ce: {  	v4 =	vmax.f32 v4, v23;
	v0 =	vmin.f32 v0, v45;
	v1 =	vmax.f32 v1, v45  }
0x2cf: {  	v2 =	vmin.f32 v2, v49;
	v0 =	vmin.f32 v0, v36;
	v1 =	vmax.f32 v1, v36  }
0x2d0: {  	v4 =	vmax.f32 v4, v49;
	v0 =	vmin.f32 v0, v10;
	v1 =	vmax.f32 v1, v10;
	v10 =	vld [tilespmem:$0x1F770]  }
0x2d1: {  	v2 =	vmin.f32 v2, v34;
	v4 =	vmax.f32 v4, v34  }
0x2d2: {  	v2 =	vmin.f32 v2, v61;
	v4 =	vmax.f32 v4, v61  }
0x2d3: {  	v2 =	vmin.f32 v2, v46;
	v4 =	vmax.f32 v4, v46  }
0x2d4: {  	v2 =	vmin.f32 v2, v37;
	v4 =	vmax.f32 v4, v37  }
0x2d5: {  	v2 =	vmin.f32 v2, v10;
	v4 =	vmax.f32 v4, v10;
	v10 =	vld [tilespmem:$0x1F780];
	_ =	sdelay $0x4  }
0x2d6: {  	v0 =	vmin.f32 v0, v10;
	v1 =	vmax.f32 v1, v10;
	v10 =	vld [tilespmem:$0x1F790];
	_ =	sdelay $0x4  }
0x2d7: {  	v2 =	vmin.f32 v2, v10;
	v4 =	vmax.f32 v4, v10;
	v10 =	vld [tilespmem:$0x1F7A0];
	_ =	sdelay $0x4  }
0x2d8: {  	v0 =	vmin.f32 v0, v10;
	v1 =	vmax.f32 v1, v10;
	v10 =	vld [tilespmem:$0x1F7B0];
	_ =	sdelay $0x4  }
0x2d9: {  	v2 =	vmin.f32 v2, v10;
	v4 =	vmax.f32 v4, v10;
	v10 =	vld [tilespmem:$0x1F7C0];
	_ =	sdelay $0x4  }
0x2da: {  	v0 =	vmin.f32 v0, v10;
	v1 =	vmax.f32 v1, v10;
	v10 =	vld [tilespmem:$0x1F7D0];
	_ =	sdelay $0x4  }
0x2db: {  	v2 =	vmin.f32 v2, v10;
	v4 =	vmax.f32 v4, v10;
	v10 =	vld [tilespmem:$0x1F7E0];
	_ =	sdelay $0x4  }
0x2dc: {  	v0 =	vmin.f32 v0, v10;
	v1 =	vmax.f32 v1, v10;
	v10 =	vld [tilespmem:$0x1F7F0];
	_ =	sdelay $0x4  }
0x2dd: {  	v2 =	vmin.f32 v2, v10;
	v4 =	vmax.f32 v4, v10;
	v10 =	vld [tilespmem:$0x1F800];
	_ =	sdelay $0x4  }
0x2de: {  	v0 =	vmin.f32 v0, v10;
	v1 =	vmax.f32 v1, v10;
	v10 =	vld [tilespmem:$0x1F810];
	_ =	sdelay $0x4  }
0x2df: {  	v2 =	vmin.f32 v2, v10;
	v4 =	vmax.f32 v4, v10;
	v10 =	vld [tilespmem:$0x1F820];
	_ =	sdelay $0x4  }
0x2e0: {  	v0 =	vmin.f32 v0, v10;
	v1 =	vmax.f32 v1, v10;
	v10 =	vld [tilespmem:$0x1F830];
	_ =	sdelay $0x4  }
0x2e1: {  	v2 =	vmin.f32 v2, v10;
	v4 =	vmax.f32 v4, v10;
	v10 =	vld [tilespmem:$0x1F840];
	_ =	sdelay $0x3  }
0x2e2: {  	v20 =	vmov v11;
	v11 =	vld [tilespmem:$0x1F860]  }
0x2e3: {  	v0 =	vmin.f32 v0, v10;
	v1 =	vmax.f32 v1, v10;
	v10 =	vld [tilespmem:$0x1F850];
	_ =	sdelay $0x4  }
0x2e4: {  	v2 =	vmin.f32 v2, v10;
	v4 =	vmax.f32 v4, v10;
	v10 =	vmin.f32 v0, v11;
	v0 =	vld [tilespmem:$0x1F870];
	_ =	sdelay $0x3  }
0x2e5: {  	v19 =	vimm.f32 $-Inf;
	v36 =	vimm.f32 $-Inf  }
0x2e6: {  	v11 =	vmax.f32 v1, v11;
	v1 =	vmax.f32 v39, v3;
	v18 =	vmin.f32 v2, v0  }
0x2e7: {  	v16 =	vmax.f32 v4, v0;
	v0 =	vmin.f32 v54, v3;
	v2 =	vmin.f32 v54, v59  }
0x2e8: {  	v1 =	vmax.f32 v1, v22;
	v0 =	vmin.f32 v0, v22;
	v2 =	vmin.f32 v2, v58  }
0x2e9: {  	v1 =	vmax.f32 v1, v53;
	v0 =	vmin.f32 v0, v53;
	v2 =	vmin.f32 v2, v20  }
0x2ea: {  	s25 =	simm.s32 $0x10;
	s24 =	sadd.s32 s24, s5;
	v1 =	vmax.f32 v1, v51;
	v0 =	vmin.f32 v0, v51;
	v2 =	vmin.f32 v2, v55  }
.LBB2_5:
0x2eb: {  	v3 =	vld [tilespmem:$0x1F620];
	_ =	sdelay $0x4  }
0x2ec: {  	v0 =	vmin.f32 v0, v3;
	v1 =	vmax.f32 v1, v3;
	v3 =	vld [tilespmem:$0x1F5F0];
	_ =	sdelay $0x4  }
0x2ed: {  	v0 =	vmin.f32 v0, v3;
	v1 =	vmax.f32 v1, v3;
	v3 =	vld [tilespmem:$0x1F5C0];
	_ =	sdelay $0x4  }
0x2ee: {  	v0 =	vmin.f32 v0, v3;
	v1 =	vmax.f32 v1, v3;
	v3 =	vld [tilespmem:$0x1F590];
	_ =	sdelay $0x4  }
0x2ef: {  	v0 =	vmin.f32 v0, v3;
	v1 =	vmax.f32 v1, v3;
	v3 =	vld [tilespmem:$0x1F560];
	_ =	sdelay $0x4  }
0x2f0: {  	v0 =	vmin.f32 v0, v3;
	v1 =	vmax.f32 v1, v3;
	v3 =	vld [tilespmem:$0x1F530];
	_ =	sdelay $0x4  }
0x2f1: {  	v0 =	vmin.f32 v0, v3;
	v1 =	vmax.f32 v1, v3;
	v3 =	vld [tilespmem:$0x1F500];
	_ =	sdelay $0x4  }
0x2f2: {  	v0 =	vmin.f32 v0, v3;
	v1 =	vmax.f32 v1, v3;
	v3 =	vld [tilespmem:$0x1F4D0];
	_ =	sdelay $0x4  }
0x2f3: {  	v0 =	vmin.f32 v0, v3;
	v1 =	vmax.f32 v1, v3;
	v3 =	vld [tilespmem:$0x1F4A0];
	_ =	sdelay $0x4  }
0x2f4: {  	v0 =	vmin.f32 v0, v3;
	v1 =	vmax.f32 v1, v3;
	v3 =	vld [tilespmem:$0x1F470];
	_ =	sdelay $0x2  }
0x2f5: {  	v14 =	vld [tilespmem:$0x1F630]  }
0x2f6: {  	v13 =	vld [tilespmem:$0x1F600]  }
0x2f7: {  	v0 =	vmin.f32 v0, v3;
	v1 =	vmax.f32 v1, v3;
	v3 =	vld [tilespmem:$0x1F440]  }
0x2f8: {  	v12 =	vld [tilespmem:$0x1F5D0]  }
0x2f9: {  	[tilespmem:$0x1F310] =	vst v11;
	v11 =	vld [tilespmem:$0x1F5A0]  }
0x2fa: {  	[tilespmem:$0x1F200] =	vst v10;
	v10 =	vld [tilespmem:$0x1F570]  }
0x2fb: {  	[tilespmem:$0x1F160] =	vst v6;
	v6 =	vld [tilespmem:$0x1F540]  }
0x2fc: {  	v2 =	vmin.f32 v2, v14;
	v0 =	vmin.f32 v0, v3;
	v1 =	vmax.f32 v1, v3;
	v3 =	vld [tilespmem:$0x1F420]  }
0x2fd: {  	[tilespmem:$0x1F170] =	vst v7;
	v7 =	vld [tilespmem:$0x1F510];
	v2 =	vmin.f32 v2, v13  }
0x2fe: {  	[tilespmem:$0x1F1F0] =	vst v9;
	v9 =	vld [tilespmem:$0x1F4E0];
	v2 =	vmin.f32 v2, v12  }
0x2ff: {  	[tilespmem:$0x1F1E0] =	vst v8;
	v8 =	vld [tilespmem:$0x1F4B0];
	v2 =	vmin.f32 v2, v11  }
0x300: {  	[tilespmem:$0x1F150] =	vst v5;
	v5 =	vld [tilespmem:$0x1F480];
	v2 =	vmin.f32 v2, v10  }
0x301: {  	v4 =	vld [tilespmem:$0x1F450];
	v2 =	vmin.f32 v2, v6;
	v0 =	vmin.f32 v0, v3  }
0x302: {  	v2 =	vmin.f32 v2, v7;
	[tilespmem:$0x1F3E0] =	vst v0;
	v0 =	vmax.f32 v1, v3;
	v3 =	vld [tilespmem:$0x1F430]  }
0x303: {  	v2 =	vmin.f32 v2, v9  }
0x304: {  	v2 =	vmin.f32 v2, v8  }
0x305: {  	v2 =	vmin.f32 v2, v5  }
0x306: {  	v15 =	vld [tilespmem:$0x1F660];
	v2 =	vmin.f32 v2, v4  }
0x307: {  	[tilespmem:$0x1F3F0] =	vst v0;
	v0 =	vmin.f32 v2, v3  }
0x308: {  	[tilespmem:$0x1F410] =	vst v0;
	v0 =	vmax.f32 v36, v59  }
0x309: {  	v1 =	vmin.f32 v54, v60;
	v2 =	vmax.f32 v19, v60;
	v0 =	vmax.f32 v0, v58  }
0x30a: {  	v1 =	vmin.f32 v1, v57;
	v2 =	vmax.f32 v2, v57;
	v0 =	vmax.f32 v0, v20  }
0x30b: {  	v1 =	vmin.f32 v1, v15;
	v2 =	vmax.f32 v2, v15;
	v15 =	vld [tilespmem:$0x1F650];
	v0 =	vmax.f32 v0, v55  }
0x30c: {  	v42 =	vld [tilespmem:$0x1F640];
	v0 =	vmax.f32 v0, v14  }
0x30d: {  	v43 =	vld [tilespmem:$0x1F610];
	v0 =	vmax.f32 v0, v13  }
0x30e: {  	v44 =	vld [tilespmem:$0x1F5E0];
	v0 =	vmax.f32 v0, v12  }
0x30f: {  	v0 =	vmax.f32 v0, v11;
	v11 =	vld [tilespmem:$0x1F5B0]  }
0x310: {  	v1 =	vmin.f32 v1, v15;
	v2 =	vmax.f32 v2, v15;
	v0 =	vmax.f32 v0, v10;
	v10 =	vld [tilespmem:$0x1F580]  }
0x311: {  	s21 =	sadd.s32 $0x80, s21;
	v1 =	vmin.f32 v1, v42;
	v2 =	vmax.f32 v2, v42;
	v0 =	vmax.f32 v0, v6;
	v6 =	vld [tilespmem:$0x1F550]  }
0x312: {  	s26 =	sand.u32 $0xC00, s21;
	v1 =	vmin.f32 v1, v43;
	v2 =	vmax.f32 v2, v43;
	v0 =	vmax.f32 v0, v7;
	v7 =	vld [tilespmem:$0x1F520]  }
0x313: {  	s26 =	sadd.s32 s26, s22;
	v1 =	vmin.f32 v1, v44;
	v2 =	vmax.f32 v2, v44;
	v0 =	vmax.f32 v0, v9;
	v9 =	vld [tilespmem:$0x1F4F0]  }
0x314: {  	s28 =	sand.u32 $0x70, s25;
	s29 =	sadd.s32 s13, s26;
	v1 =	vmin.f32 v1, v11;
	v2 =	vmax.f32 v2, v11;
	v0 =	vmax.f32 v0, v8;
	v8 =	vld [tilespmem:$0x1F4C0]  }
0x315: {  	s29 =	sadd.s32 s28, s29;
	v1 =	vmin.f32 v1, v10;
	v2 =	vmax.f32 v2, v10;
	v0 =	vmax.f32 v0, v5;
	v5 =	vld [tilespmem:$0x1F490]  }
0x316: {  	v1 =	vmin.f32 v1, v6;
	v2 =	vmax.f32 v2, v6;
	v6 =	vld [tilespmem:s29+$0x0];
	_ =	sdelay $0x1  }
0x317: {  	v0 =	vmax.f32 v0, v4;
	v4 =	vld [tilespmem:$0x1F460];
	v1 =	vmin.f32 v1, v7  }
0x318: {  	v2 =	vmax.f32 v2, v7;
	v1 =	vmin.f32 v1, v9  }
0x319: {  	s26 =	sadd.s32 s20, s26;
	v2 =	vmax.f32 v2, v9;
	v1 =	vmin.f32 v1, v8  }
0x31a: {  	s26 =	sadd.s32 s28, s26;
	v2 =	vmax.f32 v2, v8;
	v1 =	vmin.f32 v1, v5;
	v8 =	vbroadcast v6, $0xF  }
0x31b: {  	v7 =	vld [tilespmem:s26+$0x0];
	v2 =	vmax.f32 v2, v5;
	v45 =	vbroadcast v6, $0xE;
	v17 =	vbroadcast v6, $0xD  }
0x31c: {  	s23 =	sadd.s32 $0x800, s23;
	v1 =	vmin.f32 v1, v4;
	v19 =	vbroadcast v6, $0xC;
	v27 =	vbroadcast v6, $0xB  }
0x31d: {  	v10 =	vld [tilespmem:s23+$0x380];
	v2 =	vmax.f32 v2, v4;
	v4 =	vbroadcast v6, $0xA;
	v12 =	vbroadcast v6, $0x9  }
0x31e: {  	v0 =	vmax.f32 v0, v3;
	v3 =	vbroadcast v6, $0x8;
	v22 =	vbroadcast v6, $0x6  }
0x31f: {  	v24 =	vld [tilespmem:s23+$0x390];
	v29 =	vbroadcast v6, $0x4;
	v48 =	vbroadcast v6, $0x3  }
0x320: {  	v54 =	vbroadcast v6, $0x2;
	v9 =	vbroadcast v7, $0xF  }
0x321: {  	v58 =	vbroadcast v6, $0x1;
	v59 =	vbroadcast v6, $0x0  }
0x322: {  	[tilespmem:$0x1F320] =	vst v18;
	v11 =	vmul.f32 v10, v8;
	v10 =	vmul.f32 v10, v9  }
0x323: {  	[tilespmem:$0x1F330] =	vst v16;
	v30 =	vld [tilespmem:s23+$0x3A0];
	v16 =	vbroadcast v7, $0xE;
	v18 =	vbroadcast v7, $0xD  }
0x324: {  	v20 =	vbroadcast v7, $0xC;
	[tilespmem:$0x1F1D0] =	vst v10;
	v10 =	vmul.f32 v24, v8  }
0x325: {  	v28 =	vbroadcast v7, $0xB;
	v5 =	vbroadcast v7, $0xA  }
0x326: {  	v13 =	vbroadcast v7, $0x9;
	[tilespmem:$0x1F2F0] =	vst v10;
	v10 =	vmul.f32 v24, v9  }
0x327: {  	v35 =	vld [tilespmem:s23+$0x310];
	[tilespmem:$0x1F130] =	vst v0;
	v15 =	vbroadcast v7, $0x8;
	v23 =	vbroadcast v7, $0x6  }
0x328: {  	v0 =	vmin.f32 v1, v56;
	v1 =	vbroadcast v6, $0x5;
	[tilespmem:$0x1F300] =	vst v10;
	v10 =	vmul.f32 v30, v8  }
0x329: {  	v26 =	vbroadcast v7, $0x5;
	v21 =	vbroadcast v7, $0x4;
	[tilespmem:$0x1F180] =	vst v0  }
0x32a: {  	v25 =	vbroadcast v7, $0x3;
	v0 =	vmax.f32 v2, v56;
	[tilespmem:$0x1F3D0] =	vst v10;
	v10 =	vmul.f32 v30, v9  }
0x32b: {  	v60 =	vbroadcast v7, $0x2;
	[tilespmem:$0x1F400] =	vst v0;
	v0 =	vbroadcast v6, $0x7;
	v6 =	vld [tilespmem:s23+$0x320]  }
0x32c: {  	v57 =	vbroadcast v7, $0x1;
	[tilespmem:$0x1F420] =	vst v10;
	v10 =	vmul.f32 v35, v45  }
0x32d: {  	v39 =	vbroadcast v7, $0x0;
	v2 =	vbroadcast v7, $0x7;
	v7 =	vld [tilespmem:s23+$0x330]  }
0x32e: {  	[tilespmem:$0x1F2D0] =	vst v10;
	v10 =	vmul.f32 v35, v16;
	_ =	sdelay $0x1  }
0x32f: {  	[tilespmem:$0x1F2E0] =	vst v10;
	v10 =	vmul.f32 v6, v45;
	v6 =	vmul.f32 v6, v16  }
0x330: {  	v46 =	vld [tilespmem:s23+$0x280]  }
0x331: {  	v31 =	vld [tilespmem:s23+$0x3B0];
	[tilespmem:$0x1F440] =	vst v6;
	v6 =	vmul.f32 v7, v45  }
0x332: {  	v47 =	vld [tilespmem:s23+$0x290]  }
0x333: {  	[tilespmem:$0x1F450] =	vst v6;
	v6 =	vmul.f32 v7, v16;
	_ =	sdelay $0x1  }
0x334: {  	[tilespmem:$0x1F460] =	vst v6;
	v6 =	vmul.f32 v46, v18  }
0x335: {  	v49 =	vld [tilespmem:s23+$0x2A0];
	v8 =	vmul.f32 v31, v8  }
0x336: {  	v32 =	vld [tilespmem:s23+$0x300];
	[tilespmem:$0x1F1B0] =	vst v6;
	v6 =	vmul.f32 v47, v17  }
0x337: {  	[tilespmem:$0x1F430] =	vst v8;
	v8 =	vmul.f32 v31, v9  }
0x338: {  	[tilespmem:$0x1F2B0] =	vst v6;
	v6 =	vmul.f32 v47, v18  }
0x339: {  	[tilespmem:$0x1F190] =	vst v8;
	v8 =	vld [tilespmem:s23+$0x2B0]  }
0x33a: {  	[tilespmem:$0x1F2C0] =	vst v6;
	v6 =	vmul.f32 v49, v17  }
0x33b: {  	v9 =	vmul.f32 v32, v16  }
0x33c: {  	[tilespmem:$0x1F3B0] =	vst v6;
	v6 =	vmul.f32 v49, v18  }
0x33d: {  	[tilespmem:$0x1F1C0] =	vst v9;
	v9 =	vld [tilespmem:s23+$0x200]  }
0x33e: {  	[tilespmem:$0x1F470] =	vst v6;
	v6 =	vmul.f32 v8, v17  }
0x33f: {  	v50 =	vld [tilespmem:s23+$0x210]  }
0x340: {  	[tilespmem:$0x1F480] =	vst v6;
	v6 =	vmul.f32 v8, v18;
	_ =	sdelay $0x1  }
0x341: {  	[tilespmem:$0x1F490] =	vst v6;
	v6 =	vmul.f32 v9, v20  }
0x342: {  	v51 =	vld [tilespmem:s23+$0x220]  }
0x343: {  	[tilespmem:$0x1F1A0] =	vst v6;
	v6 =	vmul.f32 v50, v19;
	_ =	sdelay $0x1  }
0x344: {  	[tilespmem:$0x1F290] =	vst v6;
	v6 =	vmul.f32 v50, v20  }
0x345: {  	v7 =	vld [tilespmem:s23+$0x230]  }
0x346: {  	[tilespmem:$0x1F2A0] =	vst v6;
	v6 =	vmul.f32 v51, v19;
	_ =	sdelay $0x1  }
0x347: {  	[tilespmem:$0x1F3A0] =	vst v6;
	v6 =	vmul.f32 v51, v20  }
0x348: {  	v16 =	vld [tilespmem:s23+$0x190]  }
0x349: {  	[tilespmem:$0x1F4A0] =	vst v6;
	v6 =	vmul.f32 v7, v19;
	_ =	sdelay $0x1  }
0x34a: {  	[tilespmem:$0x1F4B0] =	vst v6;
	v6 =	vmul.f32 v7, v20  }
0x34b: {  	v53 =	vld [tilespmem:s23+$0x1A0]  }
0x34c: {  	[tilespmem:$0x1F4C0] =	vst v6;
	v6 =	vmul.f32 v16, v27;
	_ =	sdelay $0x1  }
0x34d: {  	[tilespmem:$0x1F270] =	vst v6;
	v6 =	vmul.f32 v16, v28  }
0x34e: {  	v8 =	vld [tilespmem:s23+$0x1B0]  }
0x34f: {  	[tilespmem:$0x1F280] =	vst v6;
	v6 =	vmul.f32 v53, v27;
	_ =	sdelay $0x1  }
0x350: {  	[tilespmem:$0x1F390] =	vst v6;
	v6 =	vmul.f32 v53, v28  }
0x351: {  	v55 =	vld [tilespmem:s23+$0x110]  }
0x352: {  	[tilespmem:$0x1F4D0] =	vst v6;
	v6 =	vmul.f32 v8, v27;
	_ =	sdelay $0x1  }
0x353: {  	[tilespmem:$0x1F4E0] =	vst v6;
	v6 =	vmul.f32 v8, v28  }
0x354: {  	v56 =	vld [tilespmem:s23+$0x120]  }
0x355: {  	[tilespmem:$0x1F4F0] =	vst v6;
	v6 =	vmul.f32 v55, v4;
	_ =	sdelay $0x1  }
0x356: {  	v52 =	vld [tilespmem:s23+$0x180];
	[tilespmem:$0x1F250] =	vst v6;
	v6 =	vmul.f32 v55, v5  }
0x357: {  	v16 =	vld [tilespmem:s23+$0x90]  }
0x358: {  	v37 =	vmul.f32 v46, v17;
	v17 =	vld [tilespmem:s23+$0x100];
	[tilespmem:$0x1F260] =	vst v6;
	v6 =	vmul.f32 v56, v4  }
0x359: {  	v20 =	vld [tilespmem:s23+$0xA0]  }
0x35a: {  	v7 =	vld [tilespmem:s23+$0x130];
	[tilespmem:$0x1F380] =	vst v6;
	v6 =	vmul.f32 v56, v5;
	_ =	sdelay $0x1  }
0x35b: {  	[tilespmem:$0x1F500] =	vst v6;
	v6 =	vmul.f32 v16, v13  }
0x35c: {  	v14 =	vld [tilespmem:s23+$0xB0]  }
0x35d: {  	v46 =	vmul.f32 v52, v28;
	[tilespmem:$0x1F240] =	vst v6;
	v6 =	vmul.f32 v20, v12  }
0x35e: {  	v24 =	vld [tilespmem:s23+$0x10];
	v28 =	vmul.f32 v17, v4;
	v4 =	vmul.f32 v7, v4  }
0x35f: {  	v43 =	vmul.f32 v9, v19;
	v19 =	vld [tilespmem:s23+$0x80];
	[tilespmem:$0x1F370] =	vst v6;
	v6 =	vmul.f32 v20, v13  }
0x360: {  	v36 =	vld [tilespmem:s23+$0x20];
	[tilespmem:$0x1F510] =	vst v4;
	v4 =	vmul.f32 v7, v5  }
0x361: {  	v62 =	vmul.f32 v17, v5;
	v17 =	vld [tilespmem:s23+$0x0];
	[tilespmem:$0x1F530] =	vst v6;
	v6 =	vmul.f32 v14, v12  }
0x362: {  	[tilespmem:$0x1F520] =	vst v4;
	v4 =	vld [tilespmem:s23+$0x30]  }
0x363: {  	v38 =	vmul.f32 v32, v45;
	[tilespmem:$0x1F540] =	vst v6;
	v6 =	vmul.f32 v14, v13  }
0x364: {  	v45 =	vmul.f32 v24, v3;
	v63 =	vmul.f32 v19, v12  }
0x365: {  	v30 =	vmul.f32 v19, v13;
	v19 =	vld [tilespmem:s23+$0xFFFFFFA0];
	[tilespmem:$0x1F550] =	vst v6;
	v6 =	vmul.f32 v24, v15  }
0x366: {  	v40 =	vmul.f32 v16, v12;
	v51 =	vmul.f32 v17, v3;
	v16 =	vld [tilespmem:s23+$0xFFFFFF90]  }
0x367: {  	v5 =	vld [tilespmem:s23+$0xFFFFFF80];
	[tilespmem:$0x1F230] =	vst v6;
	v6 =	vmul.f32 v36, v3;
	v3 =	vmul.f32 v4, v3  }
0x368: {  	v20 =	vld [tilespmem:s23+$0xFFFFFFB0]  }
0x369: {  	[tilespmem:$0x1F570] =	vst v3;
	v3 =	vmul.f32 v4, v15;
	_ =	sdelay $0x1  }
0x36a: {  	[tilespmem:$0x1F580] =	vst v3;
	v3 =	vmul.f32 v16, v2  }
0x36b: {  	v53 =	vld [tilespmem:s23+$0xFFFFFF10];
	v18 =	vmul.f32 v5, v0;
	v61 =	vmul.f32 v16, v0  }
0x36c: {  	[tilespmem:$0x1F220] =	vst v3;
	v3 =	vmul.f32 v19, v0;
	v0 =	vmul.f32 v20, v0  }
0x36d: {  	v55 =	vld [tilespmem:s23+$0xFFFFFF20]  }
0x36e: {  	[tilespmem:$0x1F5A0] =	vst v0;
	v0 =	vmul.f32 v20, v2;
	_ =	sdelay $0x1  }
0x36f: {  	[tilespmem:$0x1F5B0] =	vst v0;
	v0 =	vmul.f32 v53, v23  }
0x370: {  	v4 =	vld [tilespmem:s23+$0xFFFFFF30]  }
0x371: {  	[tilespmem:$0x1F210] =	vst v0;
	v0 =	vmul.f32 v55, v22  }
0x372: {  	v56 =	vld [tilespmem:s23+$0xFFFFFE90]  }
0x373: {  	v44 =	vmul.f32 v5, v2;
	v5 =	vld [tilespmem:s23+$0xFFFFFE80];
	[tilespmem:$0x1F340] =	vst v0;
	v0 =	vmul.f32 v55, v23  }
0x374: {  	[tilespmem:$0x1F350] =	vst v3;
	v3 =	vmul.f32 v19, v2;
	v19 =	vld [tilespmem:s23+$0xFFFFFEA0]  }
0x375: {  	v50 =	vmul.f32 v17, v15;
	v17 =	vld [tilespmem:s23+$0xFFFFFF00];
	[tilespmem:$0x1F5C0] =	vst v0;
	v0 =	vmul.f32 v4, v22  }
0x376: {  	v2 =	vld [tilespmem:s23+$0xFFFFFEB0]  }
0x377: {  	v42 =	vld [tilespmem:s23+$0xFFFFFE00];
	[tilespmem:$0x1F5D0] =	vst v0;
	v0 =	vmul.f32 v4, v23  }
0x378: {  	v31 =	vld [tilespmem:s23+$0xFFFFFD10];
	v41 =	vmul.f32 v56, v1  }
0x379: {  	v47 =	vld [tilespmem:s23+$0xFFFFFC80];
	v13 =	vmul.f32 v5, v1;
	[tilespmem:$0x1F5E0] =	vst v0;
	v0 =	vmul.f32 v19, v26  }
0x37a: {  	[tilespmem:$0x1F360] =	vst v6;
	v6 =	vmul.f32 v36, v15;
	v36 =	vld [tilespmem:s23+$0xFFFFFE20];
	v16 =	vmul.f32 v17, v23  }
0x37b: {  	v23 =	vmul.f32 v19, v1;
	[tilespmem:$0x1F5F0] =	vst v0;
	v0 =	vmul.f32 v2, v1;
	v1 =	vld [tilespmem:s23+$0xFFFFFD80]  }
0x37c: {  	v33 =	vmul.f32 v52, v27;
	v27 =	vld [tilespmem:s23+$0xFFFFFE10]  }
0x37d: {  	v24 =	vmul.f32 v53, v22;
	v53 =	vld [tilespmem:s23+$0xFFFFFC00];
	[tilespmem:$0x1F600] =	vst v0;
	v0 =	vmul.f32 v2, v26  }
0x37e: {  	[tilespmem:$0x1F140] =	vst v11;
	v11 =	vmul.f32 v47, v58;
	v9 =	vmul.f32 v42, v21;
	v4 =	vld [tilespmem:s23+$0xFFFFFE30]  }
0x37f: {  	v14 =	vmul.f32 v5, v26;
	v19 =	vld [tilespmem:s23+$0xFFFFFD00];
	[tilespmem:$0x1F610] =	vst v0;
	v0 =	vmul.f32 v36, v21  }
0x380: {  	[tilespmem:$0x1F560] =	vst v6;
	v6 =	vmul.f32 v1, v48;
	v5 =	vmul.f32 v1, v25;
	v1 =	vld [tilespmem:s23+$0xFFFFFD30]  }
0x381: {  	v8 =	vmul.f32 v31, v54;
	v49 =	vmul.f32 v17, v22;
	[tilespmem:$0x1F620] =	vst v0;
	v0 =	vld [tilespmem:$0x1F6F0]  }
0x382: {  	[tilespmem:$0x1F3C0] =	vst v10;
	v34 =	vmul.f32 v56, v26;
	v56 =	vmul.f32 v42, v29;
	v12 =	vld [tilespmem:s23+$0xFFFFFD90]  }
0x383: {  	v42 =	vmul.f32 v27, v29;
	[tilespmem:$0x1F590] =	vst v3;
	v3 =	vld [tilespmem:s23+$0xFFFFFDB0];
	v10 =	vmul.f32 v53, v59  }
0x384: {  	v52 =	vld [tilespmem:s23+$0xFFFFFDA0];
	v26 =	vmul.f32 v27, v21;
	v27 =	vmul.f32 v36, v29  }
0x385: {  	v20 =	vmul.f32 v1, v54;
	v1 =	vmul.f32 v1, v60  }
0x386: {  	v7 =	vmul.f32 v19, v54;
	v36 =	vld [tilespmem:s23+$0xFFFFFD20];
	v55 =	vmin.f32 v0, v10;
	v0 =	vmul.f32 v4, v29  }
0x387: {  	v32 =	vmul.f32 v12, v25;
	v15 =	vmul.f32 v12, v48;
	v35 =	vmin.f32 v55, v11;
	[tilespmem:$0x1F660] =	vst v1;
	v1 =	vld [tilespmem:s23+$0xFFFFFC30]  }
0x388: {  	v55 =	vmul.f32 v3, v48;
	[tilespmem:$0x1F630] =	vst v0;
	v0 =	vmul.f32 v4, v21;
	v21 =	vmin.f32 v35, v7;
	v4 =	vld [tilespmem:s23+$0xFFFFFC90]  }
0x389: {  	v35 =	vmul.f32 v52, v25;
	v2 =	vmin.f32 v21, v6;
	v21 =	vmul.f32 v52, v48;
	v48 =	vld [tilespmem:s23+$0xFFFFFCA0]  }
0x38a: {  	v52 =	vmul.f32 v19, v60;
	v19 =	vld [tilespmem:s23+$0xFFFFFCB0];
	[tilespmem:$0x1F640] =	vst v0;
	v2 =	vmin.f32 v2, v56;
	v0 =	vmul.f32 v3, v25  }
0x38b: {  	v17 =	vmul.f32 v36, v54;
	v25 =	vmul.f32 v36, v60;
	v36 =	vld [tilespmem:s23+$0xFFFFFC10];
	v2 =	vmin.f32 v2, v13  }
0x38c: {  	v31 =	vmul.f32 v31, v60;
	v54 =	vmul.f32 v47, v57;
	[tilespmem:$0x1F650] =	vst v0;
	v0 =	vmin.f32 v2, v49;
	v2 =	vld [tilespmem:s23+$0xFFFFFC20]  }
0x38d: {  	v29 =	vmul.f32 v1, v39;
	v60 =	vmul.f32 v4, v58  }
0x38e: {  	v0 =	vmin.f32 v0, v18;
	v12 =	vmul.f32 v4, v57;
	v47 =	vmul.f32 v48, v58  }
0x38f: {  	v0 =	vmin.f32 v0, v51;
	v22 =	vmul.f32 v48, v57;
	v3 =	vmul.f32 v19, v58  }
0x390: {  	v58 =	vmul.f32 v53, v39;
	v4 =	vmul.f32 v19, v57;
	v0 =	vmin.f32 v0, v63  }
0x391: {  	v48 =	vmul.f32 v36, v39;
	v0 =	vmin.f32 v0, v28;
	v19 =	vmul.f32 v2, v39;
	v39 =	vld [tilespmem:$0x1F140]  }
0x392: {  	v57 =	vmul.f32 v36, v59;
	v0 =	vmin.f32 v0, v33  }
0x393: {  	v53 =	vmul.f32 v2, v59;
	v59 =	vmul.f32 v1, v59;
	v1 =	vld [tilespmem:$0x1F160];
	v0 =	vmin.f32 v0, v43  }
0x394: {  	v2 =	vld [tilespmem:$0x1F170];
	v0 =	vmin.f32 v0, v37  }
0x395: {  	v0 =	vmin.f32 v0, v38  }
0x396: {  	v0 =	vmin.f32 v0, v39  }
0x397: {  	[tilespmem:$0x1F6F0] =	vst v0;
	v0 =	vld [tilespmem:$0x1F150];
	_ =	sdelay $0x1  }
0x398: {  	v1 =	vmin.f32 v1, v58;
	v2 =	vmax.f32 v2, v58  }
0x399: {  	v1 =	vmin.f32 v1, v54;
	v2 =	vmax.f32 v2, v54  }
0x39a: {  	v1 =	vmin.f32 v1, v52;
	v2 =	vmax.f32 v2, v52  }
0x39b: {  	v1 =	vmin.f32 v1, v5;
	v2 =	vmax.f32 v2, v5;
	v0 =	vmax.f32 v0, v10  }
0x39c: {  	v1 =	vmin.f32 v1, v9;
	v2 =	vmax.f32 v2, v9;
	v0 =	vmax.f32 v0, v11  }
0x39d: {  	v1 =	vmin.f32 v1, v14;
	v2 =	vmax.f32 v2, v14;
	v0 =	vmax.f32 v0, v7  }
0x39e: {  	v1 =	vmin.f32 v1, v16;
	v2 =	vmax.f32 v2, v16;
	v0 =	vmax.f32 v0, v6  }
0x39f: {  	v58 =	vmovc v3;
	v3 =	vld [tilespmem:$0x1F1A0];
	v1 =	vmin.f32 v1, v44;
	v2 =	vmax.f32 v2, v44;
	v0 =	vmax.f32 v0, v56  }
0x3a0: {  	v1 =	vmin.f32 v1, v50;
	v2 =	vmax.f32 v2, v50;
	v0 =	vmax.f32 v0, v13  }
0x3a1: {  	v1 =	vmin.f32 v1, v30;
	v2 =	vmax.f32 v2, v30;
	v0 =	vmax.f32 v0, v49  }
0x3a2: {  	v1 =	vmin.f32 v1, v62;
	v2 =	vmax.f32 v2, v62;
	v0 =	vmax.f32 v0, v18  }
0x3a3: {  	v1 =	vmin.f32 v1, v46;
	v2 =	vmax.f32 v2, v46;
	v0 =	vmax.f32 v0, v51  }
0x3a4: {  	v1 =	vmin.f32 v1, v3;
	v2 =	vmax.f32 v2, v3;
	v3 =	vld [tilespmem:$0x1F1B0];
	v0 =	vmax.f32 v0, v63  }
0x3a5: {  	v0 =	vmax.f32 v0, v28  }
0x3a6: {  	v0 =	vmax.f32 v0, v33  }
0x3a7: {  	v0 =	vmax.f32 v0, v43  }
0x3a8: {  	v0 =	vmax.f32 v0, v37  }
0x3a9: {  	v1 =	vmin.f32 v1, v3;
	v2 =	vmax.f32 v2, v3;
	v3 =	vld [tilespmem:$0x1F1C0];
	v0 =	vmax.f32 v0, v38  }
0x3aa: {  	v5 =	vmax.f32 v0, v39;
	v0 =	vld [tilespmem:$0x1F1D0];
	_ =	sdelay $0x3  }
0x3ab: {  	v1 =	vmin.f32 v1, v3;
	v2 =	vmax.f32 v2, v3  }
0x3ac: {  	v6 =	vmin.f32 v1, v0;
	v7 =	vmax.f32 v2, v0;
	v0 =	vld [tilespmem:$0x1F1E0]  }
0x3ad: {  	v1 =	vld [tilespmem:$0x1F1F0];
	_ =	sdelay $0x4  }
0x3ae: {  	v0 =	vmin.f32 v0, v57;
	v1 =	vmax.f32 v1, v57  }
0x3af: {  	v0 =	vmin.f32 v0, v60;
	v1 =	vmax.f32 v1, v60  }
0x3b0: {  	v0 =	vmin.f32 v0, v8;
	v1 =	vmax.f32 v1, v8  }
0x3b1: {  	v0 =	vmin.f32 v0, v15;
	v1 =	vmax.f32 v1, v15  }
0x3b2: {  	v0 =	vmin.f32 v0, v42;
	v1 =	vmax.f32 v1, v42  }
0x3b3: {  	v3 =	vld [tilespmem:$0x1F250];
	v0 =	vmin.f32 v0, v41;
	v1 =	vmax.f32 v1, v41  }
0x3b4: {  	v0 =	vmin.f32 v0, v24;
	v1 =	vmax.f32 v1, v24  }
0x3b5: {  	v0 =	vmin.f32 v0, v61;
	v1 =	vmax.f32 v1, v61  }
0x3b6: {  	v0 =	vmin.f32 v0, v45;
	v1 =	vmax.f32 v1, v45  }
0x3b7: {  	v0 =	vmin.f32 v0, v40;
	v1 =	vmax.f32 v1, v40  }
0x3b8: {  	v0 =	vmin.f32 v0, v3;
	v1 =	vmax.f32 v1, v3;
	v3 =	vld [tilespmem:$0x1F270];
	_ =	sdelay $0x4  }
0x3b9: {  	v0 =	vmin.f32 v0, v3;
	v1 =	vmax.f32 v1, v3;
	v3 =	vld [tilespmem:$0x1F290];
	_ =	sdelay $0x4  }
0x3ba: {  	v0 =	vmin.f32 v0, v3;
	v1 =	vmax.f32 v1, v3;
	v3 =	vld [tilespmem:$0x1F2B0]  }
0x3bb: {  	v2 =	vld [tilespmem:$0x1F200];
	_ =	sdelay $0x2  }
0x3bc: {  	v16 =	vld [tilespmem:$0x1F240]  }
0x3bd: {  	v0 =	vmin.f32 v0, v3;
	v1 =	vmax.f32 v1, v3;
	v3 =	vld [tilespmem:$0x1F2D0]  }
0x3be: {  	v44 =	vld [tilespmem:$0x1F220];
	v2 =	vmin.f32 v2, v48  }
0x3bf: {  	v43 =	vld [tilespmem:$0x1F210];
	v2 =	vmin.f32 v2, v12  }
0x3c0: {  	v11 =	vld [tilespmem:$0x1F2C0];
	v2 =	vmin.f32 v2, v31  }
0x3c1: {  	v18 =	vld [tilespmem:$0x1F230];
	v2 =	vmin.f32 v2, v32  }
0x3c2: {  	v2 =	vmin.f32 v2, v26;
	v0 =	vmin.f32 v0, v3;
	v1 =	vmax.f32 v1, v3;
	v3 =	vld [tilespmem:$0x1F2F0]  }
0x3c3: {  	v15 =	vld [tilespmem:$0x1F260];
	v2 =	vmin.f32 v2, v34  }
0x3c4: {  	v46 =	vld [tilespmem:$0x1F280];
	v2 =	vmin.f32 v2, v43  }
0x3c5: {  	v49 =	vld [tilespmem:$0x1F2A0];
	v2 =	vmin.f32 v2, v44  }
0x3c6: {  	v57 =	vmov v4;
	v4 =	vld [tilespmem:$0x1F2E0];
	v2 =	vmin.f32 v2, v18  }
0x3c7: {  	v2 =	vmin.f32 v2, v16;
	v8 =	vmin.f32 v0, v3;
	v9 =	vmax.f32 v1, v3;
	v3 =	vld [tilespmem:$0x1F300]  }
0x3c8: {  	v2 =	vmin.f32 v2, v15;
	v0 =	vld [tilespmem:$0x1F310]  }
0x3c9: {  	v2 =	vmin.f32 v2, v46  }
0x3ca: {  	v2 =	vmin.f32 v2, v49  }
0x3cb: {  	v2 =	vmin.f32 v2, v11  }
0x3cc: {  	v2 =	vmin.f32 v2, v4;
	v1 =	vld [tilespmem:$0x1F320]  }
0x3cd: {  	v10 =	vmin.f32 v2, v3;
	v0 =	vmax.f32 v0, v48;
	v2 =	vld [tilespmem:$0x1F330]  }
0x3ce: {  	v0 =	vmax.f32 v0, v12  }
0x3cf: {  	v0 =	vmax.f32 v0, v31  }
0x3d0: {  	v0 =	vmax.f32 v0, v32  }
0x3d1: {  	v0 =	vmax.f32 v0, v26  }
0x3d2: {  	v1 =	vmin.f32 v1, v53;
	v2 =	vmax.f32 v2, v53;
	v0 =	vmax.f32 v0, v34  }
0x3d3: {  	v50 =	vld [tilespmem:$0x1F340];
	v1 =	vmin.f32 v1, v47;
	v2 =	vmax.f32 v2, v47;
	v0 =	vmax.f32 v0, v43  }
0x3d4: {  	v51 =	vld [tilespmem:$0x1F350];
	v1 =	vmin.f32 v1, v17;
	v2 =	vmax.f32 v2, v17;
	v0 =	vmax.f32 v0, v44  }
0x3d5: {  	v52 =	vld [tilespmem:$0x1F360];
	v1 =	vmin.f32 v1, v21;
	v2 =	vmax.f32 v2, v21;
	v0 =	vmax.f32 v0, v18  }
0x3d6: {  	v1 =	vmin.f32 v1, v27;
	v53 =	vld [tilespmem:$0x1F370];
	v2 =	vmax.f32 v2, v27;
	v0 =	vmax.f32 v0, v16  }
0x3d7: {  	v61 =	vld [tilespmem:$0x1F380];
	v1 =	vmin.f32 v1, v23;
	v2 =	vmax.f32 v2, v23;
	v0 =	vmax.f32 v0, v15  }
0x3d8: {  	v62 =	vld [tilespmem:$0x1F390];
	v1 =	vmin.f32 v1, v50;
	v2 =	vmax.f32 v2, v50;
	v0 =	vmax.f32 v0, v46  }
0x3d9: {  	v63 =	vld [tilespmem:$0x1F3A0];
	v1 =	vmin.f32 v1, v51;
	v2 =	vmax.f32 v2, v51;
	v0 =	vmax.f32 v0, v49  }
0x3da: {  	v1 =	vmin.f32 v1, v52;
	v2 =	vmax.f32 v2, v52;
	v0 =	vmax.f32 v0, v11;
	v11 =	vld [tilespmem:$0x1F3B0]  }
0x3db: {  	v1 =	vmin.f32 v1, v53;
	v2 =	vmax.f32 v2, v53  }
0x3dc: {  	v1 =	vmin.f32 v1, v61;
	v2 =	vmax.f32 v2, v61  }
0x3dd: {  	v1 =	vmin.f32 v1, v62;
	v2 =	vmax.f32 v2, v62  }
0x3de: {  	v1 =	vmin.f32 v1, v63;
	v0 =	vmax.f32 v0, v4;
	v4 =	vld [tilespmem:$0x1F3C0];
	v2 =	vmax.f32 v2, v63  }
0x3df: {  	v1 =	vmin.f32 v1, v11;
	v2 =	vmax.f32 v2, v11;
	v11 =	vmax.f32 v0, v3;
	v0 =	vld [tilespmem:$0x1F3D0];
	_ =	sdelay $0x3  }
0x3e0: {  	v1 =	vmin.f32 v1, v4;
	v2 =	vmax.f32 v2, v4  }
0x3e1: {  	v18 =	vmin.f32 v1, v0;
	v16 =	vmax.f32 v2, v0;
	v0 =	vld [tilespmem:$0x1F3E0]  }
0x3e2: {  	v1 =	vld [tilespmem:$0x1F3F0]  }
0x3e3: {  	v2 =	vld [tilespmem:$0x1F410];
	_ =	sdelay $0x2  }
0x3e4: {  	p0 =	sne.s32 s25, $0x1F0  }
.Ltmp1:
0x3e5: {  	_ = 	snop;
	(pc) =	sbr.rel @p0 .LBB2_5-.Ltmp1, $4  }
0x3e6: {  	v36 =	vld [tilespmem:$0x1F130];
	v0 =	vmin.f32 v0, v19;
	v1 =	vmax.f32 v1, v19;
	v2 =	vmin.f32 v2, v59  }
0x3e7: {  	v54 =	vld [tilespmem:$0x1F180];
	v0 =	vmin.f32 v0, v22;
	v1 =	vmax.f32 v1, v22;
	v2 =	vmin.f32 v2, v58  }
0x3e8: {  	v56 =	vld [tilespmem:$0x1F190];
	v0 =	vmin.f32 v0, v25;
	v1 =	vmax.f32 v1, v25;
	v2 =	vmin.f32 v2, v20  }
0x3e9: {  	s25 =	sadd.s32 $0x10, s25;
	v60 =	vmovc v29;
	v19 =	vld [tilespmem:$0x1F400];
	v0 =	vmin.f32 v0, v35;
	v1 =	vmax.f32 v1, v35;
	v2 =	vmin.f32 v2, v55  }
0x3ea: {  	v3 =	vld [tilespmem:s24+$0x40];
	_ =	sdelay $0x4  }
0x3eb: {  	[tilespmem:s19+$0x40] =	vst v3  }
0x3ec: {  	v3 =	vld [tilespmem:s24+$0xC0]  }
0x3ed: {  	v24 =	vld [tilespmem:$0x1F6F0];
	_ =	sdelay $0x3  }
0x3ee: {  	[tilespmem:s18+$0x40] =	vst v3  }
0x3ef: {  	[tilespmem:s16+$0x40] =	vst v24  }
0x3f0: {  	v4 =	vld [tilespmem:$0x1F620];
	[tilespmem:s17+$0x40] =	vst v5  }
0x3f1: {  	v17 =	vld [tilespmem:$0x1F630];
	[tilespmem:s14+$0x40] =	vst v6  }
0x3f2: {  	v25 =	vld [tilespmem:$0x1F5F0];
	[tilespmem:s15+$0x40] =	vst v7  }
0x3f3: {  	v3 =	vld [tilespmem:s24+$0x50]  }
0x3f4: {  	v15 =	vld [tilespmem:$0x1F600]  }
0x3f5: {  	v26 =	vld [tilespmem:$0x1F5C0]  }
0x3f6: {  	v14 =	vld [tilespmem:$0x1F5D0]  }
0x3f7: {  	v27 =	vld [tilespmem:$0x1F590]  }
0x3f8: {  	v13 =	vld [tilespmem:$0x1F5A0];
	[tilespmem:s19+$0x50] =	vst v3  }
0x3f9: {  	v3 =	vld [tilespmem:s24+$0xD0]  }
0x3fa: {  	v28 =	vld [tilespmem:$0x1F560]  }
0x3fb: {  	v12 =	vld [tilespmem:$0x1F570]  }
0x3fc: {  	v30 =	vld [tilespmem:$0x1F530]  }
0x3fd: {  	v31 =	vld [tilespmem:$0x1F540]  }
0x3fe: {  	v32 =	vld [tilespmem:$0x1F500];
	[tilespmem:s18+$0x50] =	vst v3  }
0x3ff: {  	v33 =	vld [tilespmem:$0x1F510];
	[tilespmem:s16+$0x50] =	vst v8  }
0x400: {  	v34 =	vld [tilespmem:$0x1F4D0];
	[tilespmem:s17+$0x50] =	vst v9  }
0x401: {  	v35 =	vld [tilespmem:$0x1F4E0];
	[tilespmem:s14+$0x50] =	vst v10  }
0x402: {  	v37 =	vld [tilespmem:$0x1F4A0];
	[tilespmem:s15+$0x50] =	vst v11  }
0x403: {  	v3 =	vld [tilespmem:s24+$0x60]  }
0x404: {  	v38 =	vld [tilespmem:$0x1F4B0]  }
0x405: {  	v39 =	vld [tilespmem:$0x1F470];
	v44 =	vmax.f32 v36, v59;
	v46 =	vmin.f32 v54, v60;
	v0 =	vmin.f32 v0, v4  }
0x406: {  	v40 =	vld [tilespmem:$0x1F480];
	v47 =	vmax.f32 v19, v60;
	v1 =	vmax.f32 v1, v4;
	v0 =	vmin.f32 v0, v25  }
0x407: {  	v41 =	vld [tilespmem:$0x1F440];
	v2 =	vmin.f32 v2, v17;
	v1 =	vmax.f32 v1, v25;
	v0 =	vmin.f32 v0, v26  }
0x408: {  	v42 =	vld [tilespmem:$0x1F450];
	v2 =	vmin.f32 v2, v15;
	v1 =	vmax.f32 v1, v26;
	v0 =	vmin.f32 v0, v27;
	[tilespmem:s19+$0x60] =	vst v3  }
0x409: {  	v2 =	vmin.f32 v2, v14;
	v1 =	vmax.f32 v1, v27;
	v0 =	vmin.f32 v0, v28;
	v29 =	vld [tilespmem:s24+$0xE0]  }
0x40a: {  	v43 =	vld [tilespmem:$0x1F420];
	v2 =	vmin.f32 v2, v13;
	v1 =	vmax.f32 v1, v28;
	v0 =	vmin.f32 v0, v30  }
0x40b: {  	v45 =	vld [tilespmem:$0x1F430];
	v2 =	vmin.f32 v2, v12;
	v1 =	vmax.f32 v1, v30;
	v0 =	vmin.f32 v0, v32  }
0x40c: {  	v48 =	vld [tilespmem:$0x1F660];
	v2 =	vmin.f32 v2, v31;
	v1 =	vmax.f32 v1, v32;
	v0 =	vmin.f32 v0, v34  }
0x40d: {  	v51 =	vld [tilespmem:$0x1F650];
	v2 =	vmin.f32 v2, v33;
	v1 =	vmax.f32 v1, v34;
	v0 =	vmin.f32 v0, v37  }
0x40e: {  	v52 =	vld [tilespmem:$0x1F640];
	v2 =	vmin.f32 v2, v35;
	v1 =	vmax.f32 v1, v37;
	v0 =	vmin.f32 v0, v39;
	[tilespmem:s18+$0x60] =	vst v29  }
0x40f: {  	v53 =	vld [tilespmem:$0x1F610];
	v2 =	vmin.f32 v2, v38;
	v1 =	vmax.f32 v1, v39;
	v0 =	vmin.f32 v0, v41;
	[tilespmem:s16+$0x60] =	vst v18  }
0x410: {  	v61 =	vld [tilespmem:$0x1F4C0];
	v1 =	vmax.f32 v1, v41;
	v0 =	vmin.f32 v0, v43;
	v3 =	vmax.f32 v44, v58;
	[tilespmem:s17+$0x60] =	vst v16  }
0x411: {  	v54 =	vld [tilespmem:$0x1F5E0];
	v2 =	vmin.f32 v2, v40;
	v1 =	vmax.f32 v1, v43;
	v3 =	vmax.f32 v3, v20;
	[tilespmem:s14+$0x60] =	vst v0  }
0x412: {  	v4 =	vmin.f32 v46, v57;
	v2 =	vmin.f32 v2, v42;
	v3 =	vmax.f32 v3, v55;
	v55 =	vld [tilespmem:$0x1F5B0];
	[tilespmem:s15+$0x60] =	vst v1  }
0x413: {  	v49 =	vmin.f32 v4, v48;
	v2 =	vmin.f32 v2, v45;
	v0 =	vmax.f32 v47, v57;
	v50 =	vld [tilespmem:s24+$0x70]  }
0x414: {  	v3 =	vmax.f32 v3, v17;
	v57 =	vld [tilespmem:$0x1F580];
	v0 =	vmax.f32 v0, v48;
	v1 =	vmin.f32 v49, v51  }
0x415: {  	v58 =	vld [tilespmem:$0x1F550];
	v3 =	vmax.f32 v3, v15;
	v0 =	vmax.f32 v0, v51;
	v1 =	vmin.f32 v1, v52  }
0x416: {  	v59 =	vld [tilespmem:$0x1F520];
	v3 =	vmax.f32 v3, v14;
	v0 =	vmax.f32 v0, v52;
	v1 =	vmin.f32 v1, v53  }
0x417: {  	v60 =	vld [tilespmem:$0x1F4F0];
	v3 =	vmax.f32 v3, v13;
	v0 =	vmax.f32 v0, v53;
	v1 =	vmin.f32 v1, v54  }
0x418: {  	v62 =	vld [tilespmem:$0x1F490];
	v3 =	vmax.f32 v3, v12;
	v0 =	vmax.f32 v0, v54;
	v1 =	vmin.f32 v1, v55;
	[tilespmem:s19+$0x70] =	vst v50  }
0x419: {  	v3 =	vmax.f32 v3, v31;
	v0 =	vmax.f32 v0, v55;
	v1 =	vmin.f32 v1, v57;
	v4 =	vld [tilespmem:s24+$0xF0]  }
0x41a: {  	v63 =	vld [tilespmem:$0x1F460];
	v3 =	vmax.f32 v3, v33;
	v0 =	vmax.f32 v0, v57;
	v1 =	vmin.f32 v1, v58  }
0x41b: {  	v3 =	vmax.f32 v3, v35;
	v0 =	vmax.f32 v0, v58;
	v1 =	vmin.f32 v1, v59  }
0x41c: {  	s12 =	sadd.s32 $0x1, s12;
	v3 =	vmax.f32 v3, v38;
	v0 =	vmax.f32 v0, v59;
	v1 =	vmin.f32 v1, v60  }
0x41d: {  	p0 =	sne.s32 s12, $0x10;
	v3 =	vmax.f32 v3, v40;
	v0 =	vmax.f32 v0, v60;
	v1 =	vmin.f32 v1, v61  }
.Ltmp2:
0x41e: {  	v3 =	vmax.f32 v3, v42;
	v0 =	vmax.f32 v0, v61;
	v1 =	vmin.f32 v1, v62;
	[tilespmem:s18+$0x70] =	vst v4;
	(pc) =	sbr.rel @p0 .LBB2_2-.Ltmp2, $4  }
0x41f: {  	v3 =	vmax.f32 v3, v45;
	v0 =	vmax.f32 v0, v62;
	v1 =	vmin.f32 v1, v63;
	[tilespmem:s16+$0x70] =	vst v2  }
0x420: {  	v0 =	vmax.f32 v0, v63;
	v1 =	vmin.f32 v1, v56;
	[tilespmem:s17+$0x70] =	vst v3  }
0x421: {  	v0 =	vmax.f32 v0, v56;
	[tilespmem:s14+$0x70] =	vst v1  }
0x422: {  	[tilespmem:s15+$0x70] =	vst v0  }
0x423: {  	s11 =	sadd.s32 $0x1, s11  }
0x424: {  	p0 =	sne.s32 s11, s7  }
.Ltmp3:
0x425: {  	_ = 	snop;
	(pc) =	sbr.rel @p0 .LBB2_1-.Ltmp3, $4  }
0x426: {  	[hbm4b:s6+s2] =	stream.linear.scatter [tilespmem:s10], [sflag:$0x1], $0x3000, $0x38;
	[tilespmem:$0x17000] =	vst v63  }
0x427: {  	_ =	swait.ge [sflag:s8], $0x3000  }
0x428: {  	[sflag:s8] =	ssyncset.done $0x0  }
0x429: {  	[sflag:s8] =	ssyncadd.s32 $0xFFFFD000  }
0x42a: {  	_ =	sfence.sel $0x180000  }
0x42b: {  	[bflag:$0x0] =	sbarrier.arrive $0xFFFF  }
0x42c: {  	p0 =	sne.s32 s1, $0x0;
	_ =	strace $0x90000047  }
0x42d: {  	s0 =	sadd.s32 @!p0 $0x100000, s0;
	[bflag:$0x2] =	sbarrier.arrive $0xFFFF  }
0x42e: {  	[sflag:s0] =	ssyncadd.tile.s32 @!p0 $0x1;
	_ =	shalt  }
.Lfunc_end2:
_tile_overlayer_lowered:
.L_overlay_start_2:
0x42f: {  	(tag) =	ssettag $0x2  }
0x430: {  	s0 =	rddreg [dreg:$0x0];
	s2 =	stileid.u32  }
0x431: {  	s1 =	rddreg [dreg:$0x1];
	p0 =	sne.s32 s2, $0x0  }
0x432: {  	s3 =	rddreg [dreg:$0x2];
	[bflag:$0x3] =	sbarrier.arrive $0xFFFF;
	s2 =	simm.s32 @!p0 $0x1C01  }
0x433: {  	[timem:s3], [sflag:s2] =	dma.local @!p0 [hbm:s0], s1  }
0x434: {  	s0 =	simm.s32 @!p0 $0x1  }
0x435: {  	_ =	swait.ge @!p0 [sflag:s0], s1  }
0x436: {  	s1 =	ssub.s32 @!p0 $0x0, s1;
	[sflag:s0] =	ssyncset.done @!p0 $0x0  }
0x437: {  	[sflag:s0] =	ssyncadd.s32 @!p0 s1  }
0x438: {  	[bflag:$0x3] =	sbarrier.arrive $0xFFFF  }
0x439: {  	_ =	shalt  }

</sc_bundles>
